<compile_context>
chip_gen: v7x
topology: tpu7x:2x2x1
jax: 0.10.2.dev20260603
libtpu: 0.0.44.dev20260713+nightly
codegen_flags: <defaults>
</compile_context>

<pallas_src>
import functools
import math

import jax
import jax.numpy as jnp
from jax import lax
from jax.experimental import pallas as pl
from jax.experimental.pallas import tpu as pltpu
from jax.experimental.pallas import tpu_sc as plsc

D_MODEL = 64
D_PAD = 128
SCALE = math.sqrt(D_MODEL)

_info = plsc.get_sparse_core_info()
NC, NS, L = _info.num_cores, _info.num_subcores, _info.num_lanes
NW = NC * NS

GCHUNK = 40
NBUF = 4


def _emb_body(rows_per_w, seq, lut_hbm, x_hbm, out_hbm, idx_v, *bufs_and_sems):
    rbuf = bufs_and_sems[:NBUF]
    isem = bufs_and_sems[NBUF]
    gsem = bufs_and_sems[NBUF + 1:NBUF + 1 + NBUF]
    ssem = bufs_and_sems[NBUF + 1 + NBUF:]

    halves = seq // GCHUNK

    wid = lax.axis_index("s") * NC + lax.axis_index("c")
    row0 = wid * rows_per_w

    pltpu.async_copy(x_hbm.at[pl.ds(row0, rows_per_w)], idx_v, isem).wait()

    def start_gathers(b, r):
        for h in range(halves):
            pltpu.async_copy(
                lut_hbm.at[idx_v.at[r, pl.ds(h * GCHUNK, GCHUNK)]],
                rbuf[b].at[pl.ds(h * GCHUNK, GCHUNK)],
                gsem[b],
            )

    def wait_gathers(b, r):
        for h in range(halves):
            pltpu.make_async_copy(
                lut_hbm.at[idx_v.at[r, pl.ds(h * GCHUNK, GCHUNK)]],
                rbuf[b].at[pl.ds(h * GCHUNK, GCHUNK)],
                gsem[b],
            ).wait()

    def start_scatter(b, r):
        pltpu.async_copy(
            rbuf[b], out_hbm.at[row0 + r, :, pl.ds(0, D_MODEL)], ssem[b])

    def wait_scatter(b, r):
        pltpu.make_async_copy(
            rbuf[b], out_hbm.at[row0 + r, :, pl.ds(0, D_MODEL)], ssem[b]).wait()

    def scale(b):
        buf = rbuf[b]

        @plsc.parallel_loop(0, seq, 1, unroll=8)
        def _(r):
            for t in range(D_MODEL // L):
                sl = pl.ds(t * L, L)
                buf[r, sl] = buf[r, sl] * SCALE

    n_groups = rows_per_w // NBUF

    for b in range(NBUF - 1):
        start_gathers(b, b)

    for b in range(NBUF):
        wait_gathers(b, b)
        scale(b)
        start_scatter(b, b)
        bn = (b + NBUF - 1) % NBUF
        if b == 0:
            start_gathers(NBUF - 1, NBUF - 1)
        else:
            wait_scatter(bn, b - 1)
            start_gathers(bn, b + NBUF - 1)

    def group_body(g, _):
        for b in range(NBUF):
            r = g * NBUF + b
            wait_gathers(b, r)
            scale(b)
            start_scatter(b, r)
            bn = (b + NBUF - 1) % NBUF
            wait_scatter(bn, r - 1)
            start_gathers(bn, r + NBUF - 1)
        return 0

    lax.fori_loop(1, n_groups - 1, group_body, 0)

    for b in range(NBUF):
        r = (n_groups - 1) * NBUF + b
        wait_gathers(b, r)
        scale(b)
        start_scatter(b, r)
        if r + NBUF - 1 < rows_per_w:
            bn = (b + NBUF - 1) % NBUF
            wait_scatter(bn, r - 1)
            start_gathers(bn, r + NBUF - 1)

    for r in range(rows_per_w - NBUF, rows_per_w):
        wait_scatter(r % NBUF, r)


def kernel(x, lut):
    B, S = x.shape
    V, D = lut.shape
    assert B % NW == 0 and S % GCHUNK == 0 and D == D_MODEL
    rows_per_w = B // NW

    lut_view = jnp.pad(lut, ((0, 0), (0, D_PAD - D))).reshape(2 * V, D)
    x2 = x * 2

    scratch = [pltpu.VMEM((rows_per_w, S), jnp.int32)]
    scratch += [pltpu.VMEM((S, D), jnp.float32) for _ in range(NBUF)]
    scratch += [pltpu.SemaphoreType.DMA for _ in range(1 + 2 * NBUF)]

    mesh = plsc.VectorSubcoreMesh(core_axis_name="c", subcore_axis_name="s")
    k = functools.partial(
        pl.kernel,
        mesh=mesh,
        out_type=jax.ShapeDtypeStruct((B, S, D_PAD), jnp.float32),
        scratch_types=scratch,
        compiler_params=pltpu.CompilerParams(use_tc_tiling_on_sc=False),
    )(functools.partial(_emb_body, rows_per_w, S))

    out = k(lut_view, x2)
    return out[..., :D_MODEL]

# --- scband reference (transcript-rebuilt; emitter-appended) ---
"""Pipeline reference for scband-embeddings-283467841897 (READ-ONLY COPY).

The authoritative reference and input builder live on the scoring server;
editing this copy changes nothing except your own understanding.
"""

import jax, jax.numpy as jnp
import numpy as np
import math

D_MODEL = 64
VOCAB = 1000000

def setup_inputs(seed: int = 0) -> dict:
    key = jax.random.key(seed)
    k1, k2 = jax.random.split(key)
    x = jax.random.randint(k1, (4096, 200), 0, VOCAB, dtype=jnp.int64 if jax.config.jax_enable_x64 else jnp.int32)
    lut = jax.random.normal(k2, (VOCAB, D_MODEL), dtype=jnp.float32)
    return {"x": x, "lut": lut}

def reference(x, lut):
    # Embeddings.forward: self.lut(x) * sqrt(d_model)
    emb = jnp.take(lut, x, axis=0)
    return emb * math.sqrt(D_MODEL)

if __name__ == "__main__":
    import jax
    _d = setup_inputs()
    print(jax.jit(kernel)(*tuple(_d.values())))

</pallas_src>

<mosaic_0001>
#map = affine_map<(d0, d1) -> (0, 0)>
#map1 = affine_map<(d0, d1) -> (0, 0, 0)>
module attributes {stable_mosaic.version = 14 : i64} {
  func.func @_emb_body(%arg0: i32, %arg1: i32, %arg2: memref<2000000x64xf32, #tpu.memory_space<hbm>>, %arg3: memref<4096x200xi32, #tpu.memory_space<hbm>>, %arg4: memref<4096x200x128xf32, #tpu.memory_space<hbm>>, %arg5: memref<128x200xi32, #tpu.memory_space<vmem>>, %arg6: memref<200x64xf32, #tpu.memory_space<vmem>>, %arg7: memref<200x64xf32, #tpu.memory_space<vmem>>, %arg8: memref<200x64xf32, #tpu.memory_space<vmem>>, %arg9: memref<200x64xf32, #tpu.memory_space<vmem>>, %arg10: memref<!tpu.dma_semaphore, #tpu.memory_space<semaphore_mem>>, %arg11: memref<!tpu.dma_semaphore, #tpu.memory_space<semaphore_mem>>, %arg12: memref<!tpu.dma_semaphore, #tpu.memory_space<semaphore_mem>>, %arg13: memref<!tpu.dma_semaphore, #tpu.memory_space<semaphore_mem>>, %arg14: memref<!tpu.dma_semaphore, #tpu.memory_space<semaphore_mem>>, %arg15: memref<!tpu.dma_semaphore, #tpu.memory_space<semaphore_mem>>, %arg16: memref<!tpu.dma_semaphore, #tpu.memory_space<semaphore_mem>>, %arg17: memref<!tpu.dma_semaphore, #tpu.memory_space<semaphore_mem>>, %arg18: memref<!tpu.dma_semaphore, #tpu.memory_space<semaphore_mem>>) attributes {dimension_semantics = [#tpu.dimension_semantics<core_parallel>, #tpu.dimension_semantics<subcore_parallel>], iteration_bounds = array<i64: 2, 16>, scalar_prefetch = 0 : i64, scratch_operands = 14 : i64, tpu.core_type = #tpu.core_type<sc_vector_subcore>, window_params = [{transform_indices = #map}, {transform_indices = #map}, {transform_indices = #map1}]} {
    %mul3A = arith.constant 2 : i32
    %mul3A_0 = arith.muli %arg1, %mul3A : i32
    %add3A = arith.addi %mul3A_0, %arg0 : i32
    %mul3A_1 = arith.constant 128 : i32
    %mul3A_2 = arith.muli %add3A, %mul3A_1 : i32
    %dma_start3A = arith.constant 0 : i32
    %dma_start3A_3 = tpu.memref_slice %arg3[%mul3A_2, %dma_start3A] : memref<4096x200xi32, #tpu.memory_space<hbm>> -> memref<128x200xi32, #tpu.memory_space<hbm>>
    %dma_start3A_4 = arith.constant 0 : i32
    %dma_start3A_5 = tpu.memref_slice %arg3[%mul3A_2, %dma_start3A_4] : memref<4096x200xi32, #tpu.memory_space<hbm>> -> memref<128x200xi32, #tpu.memory_space<hbm>>
    tpu.enqueue_dma source(%dma_start3A_5 : memref<128x200xi32, #tpu.memory_space<hbm>>) target(%arg5 : memref<128x200xi32, #tpu.memory_space<vmem>>) target_semaphore(%arg10 : memref<!tpu.dma_semaphore, #tpu.memory_space<semaphore_mem>>)
    %dma_wait3A = arith.constant 0 : i32
    %dma_wait3A_6 = tpu.memref_slice %arg3[%mul3A_2, %dma_wait3A] : memref<4096x200xi32, #tpu.memory_space<hbm>> -> memref<128x200xi32, #tpu.memory_space<hbm>>
    %dma_wait3A_7 = arith.constant 0 : i32
    %dma_wait3A_8 = tpu.memref_slice %arg3[%mul3A_2, %dma_wait3A_7] : memref<4096x200xi32, #tpu.memory_space<hbm>> -> memref<128x200xi32, #tpu.memory_space<hbm>>
    tpu.wait_dma2 semaphore(%arg10 : memref<!tpu.dma_semaphore, #tpu.memory_space<semaphore_mem>>) src(%dma_wait3A_8 : memref<128x200xi32, #tpu.memory_space<hbm>>) dst(%arg5 : memref<128x200xi32, #tpu.memory_space<vmem>>)
    %dma_start3A_9 = arith.constant 0 : i32
    %dma_start3A_10 = arith.constant 0 : i32
    %dma_start3A_11 = arith.constant 0 : i32
    %dma_start3A_12 = tpu.memref_slice %arg6[%dma_start3A_10, %dma_start3A_11] : memref<200x64xf32, #tpu.memory_space<vmem>> -> memref<40x64xf32, #tpu.memory_space<vmem>>
    %dma_start3A_13 = arith.constant 0 : i32
    %dma_start3A_14 = tpu.memref_slice %arg5[%dma_start3A_9, %dma_start3A_13] : memref<128x200xi32, #tpu.memory_space<vmem>> -> memref<1x40xi32, #tpu.memory_space<vmem>>
    %dma_start3A_15 = tpu.memref_squeeze %dma_start3A_14 : memref<1x40xi32, #tpu.memory_space<vmem>> -> memref<40xi32, #tpu.memory_space<vmem>>
    %dma_start3A_16 = arith.constant 0 : i32
    %dma_start3A_17 = arith.constant 0 : i32
    %dma_start3A_18 = tpu.memref_slice %arg2[%dma_start3A_16, %dma_start3A_17] : memref<2000000x64xf32, #tpu.memory_space<hbm>> -> memref<2000000x64xf32, #tpu.memory_space<hbm>>
    tpu.enqueue_indirect_dma source(%dma_start3A_18 : memref<2000000x64xf32, #tpu.memory_space<hbm>>) target(%dma_start3A_12 : memref<40x64xf32, #tpu.memory_space<vmem>>) offsets(%dma_start3A_15 : memref<40xi32, #tpu.memory_space<vmem>>) semaphore(%arg11 : memref<!tpu.dma_semaphore, #tpu.memory_space<semaphore_mem>>)
    %dma_start3A_19 = arith.constant 0 : i32
    %dma_start3A_20 = arith.constant 40 : i32
    %dma_start3A_21 = arith.constant 0 : i32
    %dma_start3A_22 = tpu.memref_slice %arg6[%dma_start3A_20, %dma_start3A_21] : memref<200x64xf32, #tpu.memory_space<vmem>> -> memref<40x64xf32, #tpu.memory_space<vmem>>
    %dma_start3A_23 = arith.constant 40 : i32
    %dma_start3A_24 = tpu.memref_slice %arg5[%dma_start3A_19, %dma_start3A_23] : memref<128x200xi32, #tpu.memory_space<vmem>> -> memref<1x40xi32, #tpu.memory_space<vmem>>
    %dma_start3A_25 = tpu.memref_squeeze %dma_start3A_24 : memref<1x40xi32, #tpu.memory_space<vmem>> -> memref<40xi32, #tpu.memory_space<vmem>>
    %dma_start3A_26 = arith.constant 0 : i32
    %dma_start3A_27 = arith.constant 0 : i32
    %dma_start3A_28 = tpu.memref_slice %arg2[%dma_start3A_26, %dma_start3A_27] : memref<2000000x64xf32, #tpu.memory_space<hbm>> -> memref<2000000x64xf32, #tpu.memory_space<hbm>>
    tpu.enqueue_indirect_dma source(%dma_start3A_28 : memref<2000000x64xf32, #tpu.memory_space<hbm>>) target(%dma_start3A_22 : memref<40x64xf32, #tpu.memory_space<vmem>>) offsets(%dma_start3A_25 : memref<40xi32, #tpu.memory_space<vmem>>) semaphore(%arg11 : memref<!tpu.dma_semaphore, #tpu.memory_space<semaphore_mem>>)
    %dma_start3A_29 = arith.constant 0 : i32
    %dma_start3A_30 = arith.constant 80 : i32
    %dma_start3A_31 = arith.constant 0 : i32
    %dma_start3A_32 = tpu.memref_slice %arg6[%dma_start3A_30, %dma_start3A_31] : memref<200x64xf32, #tpu.memory_space<vmem>> -> memref<40x64xf32, #tpu.memory_space<vmem>>
    %dma_start3A_33 = arith.constant 80 : i32
    %dma_start3A_34 = tpu.memref_slice %arg5[%dma_start3A_29, %dma_start3A_33] : memref<128x200xi32, #tpu.memory_space<vmem>> -> memref<1x40xi32, #tpu.memory_space<vmem>>
    %dma_start3A_35 = tpu.memref_squeeze %dma_start3A_34 : memref<1x40xi32, #tpu.memory_space<vmem>> -> memref<40xi32, #tpu.memory_space<vmem>>
    %dma_start3A_36 = arith.constant 0 : i32
    %dma_start3A_37 = arith.constant 0 : i32
    %dma_start3A_38 = tpu.memref_slice %arg2[%dma_start3A_36, %dma_start3A_37] : memref<2000000x64xf32, #tpu.memory_space<hbm>> -> memref<2000000x64xf32, #tpu.memory_space<hbm>>
    tpu.enqueue_indirect_dma source(%dma_start3A_38 : memref<2000000x64xf32, #tpu.memory_space<hbm>>) target(%dma_start3A_32 : memref<40x64xf32, #tpu.memory_space<vmem>>) offsets(%dma_start3A_35 : memref<40xi32, #tpu.memory_space<vmem>>) semaphore(%arg11 : memref<!tpu.dma_semaphore, #tpu.memory_space<semaphore_mem>>)
    %dma_start3A_39 = arith.constant 0 : i32
    %dma_start3A_40 = arith.constant 120 : i32
    %dma_start3A_41 = arith.constant 0 : i32
    %dma_start3A_42 = tpu.memref_slice %arg6[%dma_start3A_40, %dma_start3A_41] : memref<200x64xf32, #tpu.memory_space<vmem>> -> memref<40x64xf32, #tpu.memory_space<vmem>>
    %dma_start3A_43 = arith.constant 120 : i32
    %dma_start3A_44 = tpu.memref_slice %arg5[%dma_start3A_39, %dma_start3A_43] : memref<128x200xi32, #tpu.memory_space<vmem>> -> memref<1x40xi32, #tpu.memory_space<vmem>>
    %dma_start3A_45 = tpu.memref_squeeze %dma_start3A_44 : memref<1x40xi32, #tpu.memory_space<vmem>> -> memref<40xi32, #tpu.memory_space<vmem>>
    %dma_start3A_46 = arith.constant 0 : i32
    %dma_start3A_47 = arith.constant 0 : i32
    %dma_start3A_48 = tpu.memref_slice %arg2[%dma_start3A_46, %dma_start3A_47] : memref<2000000x64xf32, #tpu.memory_space<hbm>> -> memref<2000000x64xf32, #tpu.memory_space<hbm>>
    tpu.enqueue_indirect_dma source(%dma_start3A_48 : memref<2000000x64xf32, #tpu.memory_space<hbm>>) target(%dma_start3A_42 : memref<40x64xf32, #tpu.memory_space<vmem>>) offsets(%dma_start3A_45 : memref<40xi32, #tpu.memory_space<vmem>>) semaphore(%arg11 : memref<!tpu.dma_semaphore, #tpu.memory_space<semaphore_mem>>)
    %dma_start3A_49 = arith.constant 0 : i32
    %dma_start3A_50 = arith.constant 160 : i32
    %dma_start3A_51 = arith.constant 0 : i32
    %dma_start3A_52 = tpu.memref_slice %arg6[%dma_start3A_50, %dma_start3A_51] : memref<200x64xf32, #tpu.memory_space<vmem>> -> memref<40x64xf32, #tpu.memory_space<vmem>>
    %dma_start3A_53 = arith.constant 160 : i32
    %dma_start3A_54 = tpu.memref_slice %arg5[%dma_start3A_49, %dma_start3A_53] : memref<128x200xi32, #tpu.memory_space<vmem>> -> memref<1x40xi32, #tpu.memory_space<vmem>>
    %dma_start3A_55 = tpu.memref_squeeze %dma_start3A_54 : memref<1x40xi32, #tpu.memory_space<vmem>> -> memref<40xi32, #tpu.memory_space<vmem>>
    %dma_start3A_56 = arith.constant 0 : i32
    %dma_start3A_57 = arith.constant 0 : i32
    %dma_start3A_58 = tpu.memref_slice %arg2[%dma_start3A_56, %dma_start3A_57] : memref<2000000x64xf32, #tpu.memory_space<hbm>> -> memref<2000000x64xf32, #tpu.memory_space<hbm>>
    tpu.enqueue_indirect_dma source(%dma_start3A_58 : memref<2000000x64xf32, #tpu.memory_space<hbm>>) target(%dma_start3A_52 : memref<40x64xf32, #tpu.memory_space<vmem>>) offsets(%dma_start3A_55 : memref<40xi32, #tpu.memory_space<vmem>>) semaphore(%arg11 : memref<!tpu.dma_semaphore, #tpu.memory_space<semaphore_mem>>)
    %dma_start3A_59 = arith.constant 1 : i32
    %dma_start3A_60 = arith.constant 0 : i32
    %dma_start3A_61 = arith.constant 0 : i32
    %dma_start3A_62 = tpu.memref_slice %arg7[%dma_start3A_60, %dma_start3A_61] : memref<200x64xf32, #tpu.memory_space<vmem>> -> memref<40x64xf32, #tpu.memory_space<vmem>>
    %dma_start3A_63 = arith.constant 0 : i32
    %dma_start3A_64 = tpu.memref_slice %arg5[%dma_start3A_59, %dma_start3A_63] : memref<128x200xi32, #tpu.memory_space<vmem>> -> memref<1x40xi32, #tpu.memory_space<vmem>>
    %dma_start3A_65 = tpu.memref_squeeze %dma_start3A_64 : memref<1x40xi32, #tpu.memory_space<vmem>> -> memref<40xi32, #tpu.memory_space<vmem>>
    %dma_start3A_66 = arith.constant 0 : i32
    %dma_start3A_67 = arith.constant 0 : i32
    %dma_start3A_68 = tpu.memref_slice %arg2[%dma_start3A_66, %dma_start3A_67] : memref<2000000x64xf32, #tpu.memory_space<hbm>> -> memref<2000000x64xf32, #tpu.memory_space<hbm>>
    tpu.enqueue_indirect_dma source(%dma_start3A_68 : memref<2000000x64xf32, #tpu.memory_space<hbm>>) target(%dma_start3A_62 : memref<40x64xf32, #tpu.memory_space<vmem>>) offsets(%dma_start3A_65 : memref<40xi32, #tpu.memory_space<vmem>>) semaphore(%arg12 : memref<!tpu.dma_semaphore, #tpu.memory_space<semaphore_mem>>)
    %dma_start3A_69 = arith.constant 1 : i32
    %dma_start3A_70 = arith.constant 40 : i32
    %dma_start3A_71 = arith.constant 0 : i32
    %dma_start3A_72 = tpu.memref_slice %arg7[%dma_start3A_70, %dma_start3A_71] : memref<200x64xf32, #tpu.memory_space<vmem>> -> memref<40x64xf32, #tpu.memory_space<vmem>>
    %dma_start3A_73 = arith.constant 40 : i32
    %dma_start3A_74 = tpu.memref_slice %arg5[%dma_start3A_69, %dma_start3A_73] : memref<128x200xi32, #tpu.memory_space<vmem>> -> memref<1x40xi32, #tpu.memory_space<vmem>>
    %dma_start3A_75 = tpu.memref_squeeze %dma_start3A_74 : memref<1x40xi32, #tpu.memory_space<vmem>> -> memref<40xi32, #tpu.memory_space<vmem>>
    %dma_start3A_76 = arith.constant 0 : i32
    %dma_start3A_77 = arith.constant 0 : i32
    %dma_start3A_78 = tpu.memref_slice %arg2[%dma_start3A_76, %dma_start3A_77] : memref<2000000x64xf32, #tpu.memory_space<hbm>> -> memref<2000000x64xf32, #tpu.memory_space<hbm>>
    tpu.enqueue_indirect_dma source(%dma_start3A_78 : memref<2000000x64xf32, #tpu.memory_space<hbm>>) target(%dma_start3A_72 : memref<40x64xf32, #tpu.memory_space<vmem>>) offsets(%dma_start3A_75 : memref<40xi32, #tpu.memory_space<vmem>>) semaphore(%arg12 : memref<!tpu.dma_semaphore, #tpu.memory_space<semaphore_mem>>)
    %dma_start3A_79 = arith.constant 1 : i32
    %dma_start3A_80 = arith.constant 80 : i32
    %dma_start3A_81 = arith.constant 0 : i32
    %dma_start3A_82 = tpu.memref_slice %arg7[%dma_start3A_80, %dma_start3A_81] : memref<200x64xf32, #tpu.memory_space<vmem>> -> memref<40x64xf32, #tpu.memory_space<vmem>>
    %dma_start3A_83 = arith.constant 80 : i32
    %dma_start3A_84 = tpu.memref_slice %arg5[%dma_start3A_79, %dma_start3A_83] : memref<128x200xi32, #tpu.memory_space<vmem>> -> memref<1x40xi32, #tpu.memory_space<vmem>>
    %dma_start3A_85 = tpu.memref_squeeze %dma_start3A_84 : memref<1x40xi32, #tpu.memory_space<vmem>> -> memref<40xi32, #tpu.memory_space<vmem>>
    %dma_start3A_86 = arith.constant 0 : i32
    %dma_start3A_87 = arith.constant 0 : i32
    %dma_start3A_88 = tpu.memref_slice %arg2[%dma_start3A_86, %dma_start3A_87] : memref<2000000x64xf32, #tpu.memory_space<hbm>> -> memref<2000000x64xf32, #tpu.memory_space<hbm>>
    tpu.enqueue_indirect_dma source(%dma_start3A_88 : memref<2000000x64xf32, #tpu.memory_space<hbm>>) target(%dma_start3A_82 : memref<40x64xf32, #tpu.memory_space<vmem>>) offsets(%dma_start3A_85 : memref<40xi32, #tpu.memory_space<vmem>>) semaphore(%arg12 : memref<!tpu.dma_semaphore, #tpu.memory_space<semaphore_mem>>)
    %dma_start3A_89 = arith.constant 1 : i32
    %dma_start3A_90 = arith.constant 120 : i32
    %dma_start3A_91 = arith.constant 0 : i32
    %dma_start3A_92 = tpu.memref_slice %arg7[%dma_start3A_90, %dma_start3A_91] : memref<200x64xf32, #tpu.memory_space<vmem>> -> memref<40x64xf32, #tpu.memory_space<vmem>>
    %dma_start3A_93 = arith.constant 120 : i32
    %dma_start3A_94 = tpu.memref_slice %arg5[%dma_start3A_89, %dma_start3A_93] : memref<128x200xi32, #tpu.memory_space<vmem>> -> memref<1x40xi32, #tpu.memory_space<vmem>>
    %dma_start3A_95 = tpu.memref_squeeze %dma_start3A_94 : memref<1x40xi32, #tpu.memory_space<vmem>> -> memref<40xi32, #tpu.memory_space<vmem>>
    %dma_start3A_96 = arith.constant 0 : i32
    %dma_start3A_97 = arith.constant 0 : i32
    %dma_start3A_98 = tpu.memref_slice %arg2[%dma_start3A_96, %dma_start3A_97] : memref<2000000x64xf32, #tpu.memory_space<hbm>> -> memref<2000000x64xf32, #tpu.memory_space<hbm>>
    tpu.enqueue_indirect_dma source(%dma_start3A_98 : memref<2000000x64xf32, #tpu.memory_space<hbm>>) target(%dma_start3A_92 : memref<40x64xf32, #tpu.memory_space<vmem>>) offsets(%dma_start3A_95 : memref<40xi32, #tpu.memory_space<vmem>>) semaphore(%arg12 : memref<!tpu.dma_semaphore, #tpu.memory_space<semaphore_mem>>)
    %dma_start3A_99 = arith.constant 1 : i32
    %dma_start3A_100 = arith.constant 160 : i32
    %dma_start3A_101 = arith.constant 0 : i32
    %dma_start3A_102 = tpu.memref_slice %arg7[%dma_start3A_100, %dma_start3A_101] : memref<200x64xf32, #tpu.memory_space<vmem>> -> memref<40x64xf32, #tpu.memory_space<vmem>>
    %dma_start3A_103 = arith.constant 160 : i32
    %dma_start3A_104 = tpu.memref_slice %arg5[%dma_start3A_99, %dma_start3A_103] : memref<128x200xi32, #tpu.memory_space<vmem>> -> memref<1x40xi32, #tpu.memory_space<vmem>>
    %dma_start3A_105 = tpu.memref_squeeze %dma_start3A_104 : memref<1x40xi32, #tpu.memory_space<vmem>> -> memref<40xi32, #tpu.memory_space<vmem>>
    %dma_start3A_106 = arith.constant 0 : i32
    %dma_start3A_107 = arith.constant 0 : i32
    %dma_start3A_108 = tpu.memref_slice %arg2[%dma_start3A_106, %dma_start3A_107] : memref<2000000x64xf32, #tpu.memory_space<hbm>> -> memref<2000000x64xf32, #tpu.memory_space<hbm>>
    tpu.enqueue_indirect_dma source(%dma_start3A_108 : memref<2000000x64xf32, #tpu.memory_space<hbm>>) target(%dma_start3A_102 : memref<40x64xf32, #tpu.memory_space<vmem>>) offsets(%dma_start3A_105 : memref<40xi32, #tpu.memory_space<vmem>>) semaphore(%arg12 : memref<!tpu.dma_semaphore, #tpu.memory_space<semaphore_mem>>)
    %dma_start3A_109 = arith.constant 2 : i32
    %dma_start3A_110 = arith.constant 0 : i32
    %dma_start3A_111 = arith.constant 0 : i32
    %dma_start3A_112 = tpu.memref_slice %arg8[%dma_start3A_110, %dma_start3A_111] : memref<200x64xf32, #tpu.memory_space<vmem>> -> memref<40x64xf32, #tpu.memory_space<vmem>>
    %dma_start3A_113 = arith.constant 0 : i32
    %dma_start3A_114 = tpu.memref_slice %arg5[%dma_start3A_109, %dma_start3A_113] : memref<128x200xi32, #tpu.memory_space<vmem>> -> memref<1x40xi32, #tpu.memory_space<vmem>>
    %dma_start3A_115 = tpu.memref_squeeze %dma_start3A_114 : memref<1x40xi32, #tpu.memory_space<vmem>> -> memref<40xi32, #tpu.memory_space<vmem>>
    %dma_start3A_116 = arith.constant 0 : i32
    %dma_start3A_117 = arith.constant 0 : i32
    %dma_start3A_118 = tpu.memref_slice %arg2[%dma_start3A_116, %dma_start3A_117] : memref<2000000x64xf32, #tpu.memory_space<hbm>> -> memref<2000000x64xf32, #tpu.memory_space<hbm>>
    tpu.enqueue_indirect_dma source(%dma_start3A_118 : memref<2000000x64xf32, #tpu.memory_space<hbm>>) target(%dma_start3A_112 : memref<40x64xf32, #tpu.memory_space<vmem>>) offsets(%dma_start3A_115 : memref<40xi32, #tpu.memory_space<vmem>>) semaphore(%arg13 : memref<!tpu.dma_semaphore, #tpu.memory_space<semaphore_mem>>)
    %dma_start3A_119 = arith.constant 2 : i32
    %dma_start3A_120 = arith.constant 40 : i32
    %dma_start3A_121 = arith.constant 0 : i32
    %dma_start3A_122 = tpu.memref_slice %arg8[%dma_start3A_120, %dma_start3A_121] : memref<200x64xf32, #tpu.memory_space<vmem>> -> memref<40x64xf32, #tpu.memory_space<vmem>>
    %dma_start3A_123 = arith.constant 40 : i32
    %dma_start3A_124 = tpu.memref_slice %arg5[%dma_start3A_119, %dma_start3A_123] : memref<128x200xi32, #tpu.memory_space<vmem>> -> memref<1x40xi32, #tpu.memory_space<vmem>>
    %dma_start3A_125 = tpu.memref_squeeze %dma_start3A_124 : memref<1x40xi32, #tpu.memory_space<vmem>> -> memref<40xi32, #tpu.memory_space<vmem>>
    %dma_start3A_126 = arith.constant 0 : i32
    %dma_start3A_127 = arith.constant 0 : i32
    %dma_start3A_128 = tpu.memref_slice %arg2[%dma_start3A_126, %dma_start3A_127] : memref<2000000x64xf32, #tpu.memory_space<hbm>> -> memref<2000000x64xf32, #tpu.memory_space<hbm>>
    tpu.enqueue_indirect_dma source(%dma_start3A_128 : memref<2000000x64xf32, #tpu.memory_space<hbm>>) target(%dma_start3A_122 : memref<40x64xf32, #tpu.memory_space<vmem>>) offsets(%dma_start3A_125 : memref<40xi32, #tpu.memory_space<vmem>>) semaphore(%arg13 : memref<!tpu.dma_semaphore, #tpu.memory_space<semaphore_mem>>)
    %dma_start3A_129 = arith.constant 2 : i32
    %dma_start3A_130 = arith.constant 80 : i32
    %dma_start3A_131 = arith.constant 0 : i32
    %dma_start3A_132 = tpu.memref_slice %arg8[%dma_start3A_130, %dma_start3A_131] : memref<200x64xf32, #tpu.memory_space<vmem>> -> memref<40x64xf32, #tpu.memory_space<vmem>>
    %dma_start3A_133 = arith.constant 80 : i32
    %dma_start3A_134 = tpu.memref_slice %arg5[%dma_start3A_129, %dma_start3A_133] : memref<128x200xi32, #tpu.memory_space<vmem>> -> memref<1x40xi32, #tpu.memory_space<vmem>>
    %dma_start3A_135 = tpu.memref_squeeze %dma_start3A_134 : memref<1x40xi32, #tpu.memory_space<vmem>> -> memref<40xi32, #tpu.memory_space<vmem>>
    %dma_start3A_136 = arith.constant 0 : i32
    %dma_start3A_137 = arith.constant 0 : i32
    %dma_start3A_138 = tpu.memref_slice %arg2[%dma_start3A_136, %dma_start3A_137] : memref<2000000x64xf32, #tpu.memory_space<hbm>> -> memref<2000000x64xf32, #tpu.memory_space<hbm>>
    tpu.enqueue_indirect_dma source(%dma_start3A_138 : memref<2000000x64xf32, #tpu.memory_space<hbm>>) target(%dma_start3A_132 : memref<40x64xf32, #tpu.memory_space<vmem>>) offsets(%dma_start3A_135 : memref<40xi32, #tpu.memory_space<vmem>>) semaphore(%arg13 : memref<!tpu.dma_semaphore, #tpu.memory_space<semaphore_mem>>)
    %dma_start3A_139 = arith.constant 2 : i32
    %dma_start3A_140 = arith.constant 120 : i32
    %dma_start3A_141 = arith.constant 0 : i32
    %dma_start3A_142 = tpu.memref_slice %arg8[%dma_start3A_140, %dma_start3A_141] : memref<200x64xf32, #tpu.memory_space<vmem>> -> memref<40x64xf32, #tpu.memory_space<vmem>>
    %dma_start3A_143 = arith.constant 120 : i32
    %dma_start3A_144 = tpu.memref_slice %arg5[%dma_start3A_139, %dma_start3A_143] : memref<128x200xi32, #tpu.memory_space<vmem>> -> memref<1x40xi32, #tpu.memory_space<vmem>>
    %dma_start3A_145 = tpu.memref_squeeze %dma_start3A_144 : memref<1x40xi32, #tpu.memory_space<vmem>> -> memref<40xi32, #tpu.memory_space<vmem>>
    %dma_start3A_146 = arith.constant 0 : i32
    %dma_start3A_147 = arith.constant 0 : i32
    %dma_start3A_148 = tpu.memref_slice %arg2[%dma_start3A_146, %dma_start3A_147] : memref<2000000x64xf32, #tpu.memory_space<hbm>> -> memref<2000000x64xf32, #tpu.memory_space<hbm>>
    tpu.enqueue_indirect_dma source(%dma_start3A_148 : memref<2000000x64xf32, #tpu.memory_space<hbm>>) target(%dma_start3A_142 : memref<40x64xf32, #tpu.memory_space<vmem>>) offsets(%dma_start3A_145 : memref<40xi32, #tpu.memory_space<vmem>>) semaphore(%arg13 : memref<!tpu.dma_semaphore, #tpu.memory_space<semaphore_mem>>)
    %dma_start3A_149 = arith.constant 2 : i32
    %dma_start3A_150 = arith.constant 160 : i32
    %dma_start3A_151 = arith.constant 0 : i32
    %dma_start3A_152 = tpu.memref_slice %arg8[%dma_start3A_150, %dma_start3A_151] : memref<200x64xf32, #tpu.memory_space<vmem>> -> memref<40x64xf32, #tpu.memory_space<vmem>>
    %dma_start3A_153 = arith.constant 160 : i32
    %dma_start3A_154 = tpu.memref_slice %arg5[%dma_start3A_149, %dma_start3A_153] : memref<128x200xi32, #tpu.memory_space<vmem>> -> memref<1x40xi32, #tpu.memory_space<vmem>>
    %dma_start3A_155 = tpu.memref_squeeze %dma_start3A_154 : memref<1x40xi32, #tpu.memory_space<vmem>> -> memref<40xi32, #tpu.memory_space<vmem>>
    %dma_start3A_156 = arith.constant 0 : i32
    %dma_start3A_157 = arith.constant 0 : i32
    %dma_start3A_158 = tpu.memref_slice %arg2[%dma_start3A_156, %dma_start3A_157] : memref<2000000x64xf32, #tpu.memory_space<hbm>> -> memref<2000000x64xf32, #tpu.memory_space<hbm>>
    tpu.enqueue_indirect_dma source(%dma_start3A_158 : memref<2000000x64xf32, #tpu.memory_space<hbm>>) target(%dma_start3A_152 : memref<40x64xf32, #tpu.memory_space<vmem>>) offsets(%dma_start3A_155 : memref<40xi32, #tpu.memory_space<vmem>>) semaphore(%arg13 : memref<!tpu.dma_semaphore, #tpu.memory_space<semaphore_mem>>)
    %dma_wait3A_159 = arith.constant 0 : i32
    %dma_wait3A_160 = arith.constant 0 : i32
    %dma_wait3A_161 = arith.constant 0 : i32
    %dma_wait3A_162 = tpu.memref_slice %arg6[%dma_wait3A_160, %dma_wait3A_161] : memref<200x64xf32, #tpu.memory_space<vmem>> -> memref<40x64xf32, #tpu.memory_space<vmem>>
    %dma_wait3A_163 = arith.constant 0 : i32
    %dma_wait3A_164 = tpu.memref_slice %arg5[%dma_wait3A_159, %dma_wait3A_163] : memref<128x200xi32, #tpu.memory_space<vmem>> -> memref<1x40xi32, #tpu.memory_space<vmem>>
    %dma_wait3A_165 = tpu.memref_squeeze %dma_wait3A_164 : memref<1x40xi32, #tpu.memory_space<vmem>> -> memref<40xi32, #tpu.memory_space<vmem>>
    %dma_wait3A_166 = arith.constant 0 : i32
    %dma_wait3A_167 = arith.constant 0 : i32
    %dma_wait3A_168 = tpu.memref_slice %arg2[%dma_wait3A_166, %dma_wait3A_167] : memref<2000000x64xf32, #tpu.memory_space<hbm>> -> memref<2000000x64xf32, #tpu.memory_space<hbm>>
    tpu.wait_indirect_dma semaphore(%arg11 : memref<!tpu.dma_semaphore, #tpu.memory_space<semaphore_mem>>) src(%dma_wait3A_168 : memref<2000000x64xf32, #tpu.memory_space<hbm>>) dst(%dma_wait3A_162 : memref<40x64xf32, #tpu.memory_space<vmem>>)
    %dma_wait3A_169 = arith.constant 0 : i32
    %dma_wait3A_170 = arith.constant 40 : i32
    %dma_wait3A_171 = arith.constant 0 : i32
    %dma_wait3A_172 = tpu.memref_slice %arg6[%dma_wait3A_170, %dma_wait3A_171] : memref<200x64xf32, #tpu.memory_space<vmem>> -> memref<40x64xf32, #tpu.memory_space<vmem>>
    %dma_wait3A_173 = arith.constant 40 : i32
    %dma_wait3A_174 = tpu.memref_slice %arg5[%dma_wait3A_169, %dma_wait3A_173] : memref<128x200xi32, #tpu.memory_space<vmem>> -> memref<1x40xi32, #tpu.memory_space<vmem>>
    %dma_wait3A_175 = tpu.memref_squeeze %dma_wait3A_174 : memref<1x40xi32, #tpu.memory_space<vmem>> -> memref<40xi32, #tpu.memory_space<vmem>>
    %dma_wait3A_176 = arith.constant 0 : i32
    %dma_wait3A_177 = arith.constant 0 : i32
    %dma_wait3A_178 = tpu.memref_slice %arg2[%dma_wait3A_176, %dma_wait3A_177] : memref<2000000x64xf32, #tpu.memory_space<hbm>> -> memref<2000000x64xf32, #tpu.memory_space<hbm>>
    tpu.wait_indirect_dma semaphore(%arg11 : memref<!tpu.dma_semaphore, #tpu.memory_space<semaphore_mem>>) src(%dma_wait3A_178 : memref<2000000x64xf32, #tpu.memory_space<hbm>>) dst(%dma_wait3A_172 : memref<40x64xf32, #tpu.memory_space<vmem>>)
    %dma_wait3A_179 = arith.constant 0 : i32
    %dma_wait3A_180 = arith.constant 80 : i32
    %dma_wait3A_181 = arith.constant 0 : i32
    %dma_wait3A_182 = tpu.memref_slice %arg6[%dma_wait3A_180, %dma_wait3A_181] : memref<200x64xf32, #tpu.memory_space<vmem>> -> memref<40x64xf32, #tpu.memory_space<vmem>>
    %dma_wait3A_183 = arith.constant 80 : i32
    %dma_wait3A_184 = tpu.memref_slice %arg5[%dma_wait3A_179, %dma_wait3A_183] : memref<128x200xi32, #tpu.memory_space<vmem>> -> memref<1x40xi32, #tpu.memory_space<vmem>>
    %dma_wait3A_185 = tpu.memref_squeeze %dma_wait3A_184 : memref<1x40xi32, #tpu.memory_space<vmem>> -> memref<40xi32, #tpu.memory_space<vmem>>
    %dma_wait3A_186 = arith.constant 0 : i32
    %dma_wait3A_187 = arith.constant 0 : i32
    %dma_wait3A_188 = tpu.memref_slice %arg2[%dma_wait3A_186, %dma_wait3A_187] : memref<2000000x64xf32, #tpu.memory_space<hbm>> -> memref<2000000x64xf32, #tpu.memory_space<hbm>>
    tpu.wait_indirect_dma semaphore(%arg11 : memref<!tpu.dma_semaphore, #tpu.memory_space<semaphore_mem>>) src(%dma_wait3A_188 : memref<2000000x64xf32, #tpu.memory_space<hbm>>) dst(%dma_wait3A_182 : memref<40x64xf32, #tpu.memory_space<vmem>>)
    %dma_wait3A_189 = arith.constant 0 : i32
    %dma_wait3A_190 = arith.constant 120 : i32
    %dma_wait3A_191 = arith.constant 0 : i32
    %dma_wait3A_192 = tpu.memref_slice %arg6[%dma_wait3A_190, %dma_wait3A_191] : memref<200x64xf32, #tpu.memory_space<vmem>> -> memref<40x64xf32, #tpu.memory_space<vmem>>
    %dma_wait3A_193 = arith.constant 120 : i32
    %dma_wait3A_194 = tpu.memref_slice %arg5[%dma_wait3A_189, %dma_wait3A_193] : memref<128x200xi32, #tpu.memory_space<vmem>> -> memref<1x40xi32, #tpu.memory_space<vmem>>
    %dma_wait3A_195 = tpu.memref_squeeze %dma_wait3A_194 : memref<1x40xi32, #tpu.memory_space<vmem>> -> memref<40xi32, #tpu.memory_space<vmem>>
    %dma_wait3A_196 = arith.constant 0 : i32
    %dma_wait3A_197 = arith.constant 0 : i32
    %dma_wait3A_198 = tpu.memref_slice %arg2[%dma_wait3A_196, %dma_wait3A_197] : memref<2000000x64xf32, #tpu.memory_space<hbm>> -> memref<2000000x64xf32, #tpu.memory_space<hbm>>
    tpu.wait_indirect_dma semaphore(%arg11 : memref<!tpu.dma_semaphore, #tpu.memory_space<semaphore_mem>>) src(%dma_wait3A_198 : memref<2000000x64xf32, #tpu.memory_space<hbm>>) dst(%dma_wait3A_192 : memref<40x64xf32, #tpu.memory_space<vmem>>)
    %dma_wait3A_199 = arith.constant 0 : i32
    %dma_wait3A_200 = arith.constant 160 : i32
    %dma_wait3A_201 = arith.constant 0 : i32
    %dma_wait3A_202 = tpu.memref_slice %arg6[%dma_wait3A_200, %dma_wait3A_201] : memref<200x64xf32, #tpu.memory_space<vmem>> -> memref<40x64xf32, #tpu.memory_space<vmem>>
    %dma_wait3A_203 = arith.constant 160 : i32
    %dma_wait3A_204 = tpu.memref_slice %arg5[%dma_wait3A_199, %dma_wait3A_203] : memref<128x200xi32, #tpu.memory_space<vmem>> -> memref<1x40xi32, #tpu.memory_space<vmem>>
    %dma_wait3A_205 = tpu.memref_squeeze %dma_wait3A_204 : memref<1x40xi32, #tpu.memory_space<vmem>> -> memref<40xi32, #tpu.memory_space<vmem>>
    %dma_wait3A_206 = arith.constant 0 : i32
    %dma_wait3A_207 = arith.constant 0 : i32
    %dma_wait3A_208 = tpu.memref_slice %arg2[%dma_wait3A_206, %dma_wait3A_207] : memref<2000000x64xf32, #tpu.memory_space<hbm>> -> memref<2000000x64xf32, #tpu.memory_space<hbm>>
    tpu.wait_indirect_dma semaphore(%arg11 : memref<!tpu.dma_semaphore, #tpu.memory_space<semaphore_mem>>) src(%dma_wait3A_208 : memref<2000000x64xf32, #tpu.memory_space<hbm>>) dst(%dma_wait3A_202 : memref<40x64xf32, #tpu.memory_space<vmem>>)
    %parallel_loop3A = arith.constant 0 : i32
    %parallel_loop3A_209 = arith.constant 200 : i32
    %parallel_loop3A_210 = arith.constant 1 : i32
    scf.for %parallel_loop3A_998 = %parallel_loop3A to %parallel_loop3A_209 step %parallel_loop3A_210  : i32 {
      %parallel_loop3A_999 = arith.index_cast %parallel_loop3A_998 : i32 to index
      %parallel_loop3A_1000 = arith.constant 0 : index
      %parallel_loop3A_1001 = tpu.vector_load %arg6[%parallel_loop3A_999, %parallel_loop3A_1000] {strides = array<i32>} : memref<200x64xf32, #tpu.memory_space<vmem>>, vector<1x16xf32>,
      %parallel_loop3A_1002 = vector.shape_cast %parallel_loop3A_1001 : vector<1x16xf32> to vector<16xf32>
      %parallel_loop3A_1003 = arith.constant 8.000000e+00 : f32
      %parallel_loop3A_1004 = vector.broadcast %parallel_loop3A_1003 : f32 to vector<16xf32>
      %parallel_loop3A_1005 = arith.mulf %parallel_loop3A_1002, %parallel_loop3A_1004 : vector<16xf32>
      %parallel_loop3A_1006 = arith.index_cast %parallel_loop3A_998 : i32 to index
      %parallel_loop3A_1007 = arith.constant 0 : index
      %parallel_loop3A_1008 = tpu.vector_load %arg6[%parallel_loop3A_1006, %parallel_loop3A_1007] {strides = array<i32>} : memref<200x64xf32, #tpu.memory_space<vmem>>, vector<1x16xf32>,
      %parallel_loop3A_1009 = vector.shape_cast %parallel_loop3A_1008 : vector<1x16xf32> to vector<16xf32>
      %parallel_loop3A_1010 = vector.shape_cast %parallel_loop3A_1005 : vector<16xf32> to vector<1x16xf32>
      tpu.vector_store %arg6[%parallel_loop3A_1006, %parallel_loop3A_1007], %parallel_loop3A_1010 {strides = array<i32>} : memref<200x64xf32, #tpu.memory_space<vmem>>, vector<1x16xf32>,
      %parallel_loop3A_1011 = arith.index_cast %parallel_loop3A_998 : i32 to index
      %parallel_loop3A_1012 = arith.constant 16 : index
      %parallel_loop3A_1013 = tpu.vector_load %arg6[%parallel_loop3A_1011, %parallel_loop3A_1012] {strides = array<i32>} : memref<200x64xf32, #tpu.memory_space<vmem>>, vector<1x16xf32>,
      %parallel_loop3A_1014 = vector.shape_cast %parallel_loop3A_1013 : vector<1x16xf32> to vector<16xf32>
      %parallel_loop3A_1015 = arith.constant 8.000000e+00 : f32
      %parallel_loop3A_1016 = vector.broadcast %parallel_loop3A_1015 : f32 to vector<16xf32>
      %parallel_loop3A_1017 = arith.mulf %parallel_loop3A_1014, %parallel_loop3A_1016 : vector<16xf32>
      %parallel_loop3A_1018 = arith.index_cast %parallel_loop3A_998 : i32 to index
      %parallel_loop3A_1019 = arith.constant 16 : index
      %parallel_loop3A_1020 = tpu.vector_load %arg6[%parallel_loop3A_1018, %parallel_loop3A_1019] {strides = array<i32>} : memref<200x64xf32, #tpu.memory_space<vmem>>, vector<1x16xf32>,
      %parallel_loop3A_1021 = vector.shape_cast %parallel_loop3A_1020 : vector<1x16xf32> to vector<16xf32>
      %parallel_loop3A_1022 = vector.shape_cast %parallel_loop3A_1017 : vector<16xf32> to vector<1x16xf32>
      tpu.vector_store %arg6[%parallel_loop3A_1018, %parallel_loop3A_1019], %parallel_loop3A_1022 {strides = array<i32>} : memref<200x64xf32, #tpu.memory_space<vmem>>, vector<1x16xf32>,
      %parallel_loop3A_1023 = arith.index_cast %parallel_loop3A_998 : i32 to index
      %parallel_loop3A_1024 = arith.constant 32 : index
      %parallel_loop3A_1025 = tpu.vector_load %arg6[%parallel_loop3A_1023, %parallel_loop3A_1024] {strides = array<i32>} : memref<200x64xf32, #tpu.memory_space<vmem>>, vector<1x16xf32>,
      %parallel_loop3A_1026 = vector.shape_cast %parallel_loop3A_1025 : vector<1x16xf32> to vector<16xf32>
      %parallel_loop3A_1027 = arith.constant 8.000000e+00 : f32
      %parallel_loop3A_1028 = vector.broadcast %parallel_loop3A_1027 : f32 to vector<16xf32>
      %parallel_loop3A_1029 = arith.mulf %parallel_loop3A_1026, %parallel_loop3A_1028 : vector<16xf32>
      %parallel_loop3A_1030 = arith.index_cast %parallel_loop3A_998 : i32 to index
      %parallel_loop3A_1031 = arith.constant 32 : index
      %parallel_loop3A_1032 = tpu.vector_load %arg6[%parallel_loop3A_1030, %parallel_loop3A_1031] {strides = array<i32>} : memref<200x64xf32, #tpu.memory_space<vmem>>, vector<1x16xf32>,
      %parallel_loop3A_1033 = vector.shape_cast %parallel_loop3A_1032 : vector<1x16xf32> to vector<16xf32>
      %parallel_loop3A_1034 = vector.shape_cast %parallel_loop3A_1029 : vector<16xf32> to vector<1x16xf32>
      tpu.vector_store %arg6[%parallel_loop3A_1030, %parallel_loop3A_1031], %parallel_loop3A_1034 {strides = array<i32>} : memref<200x64xf32, #tpu.memory_space<vmem>>, vector<1x16xf32>,
      %parallel_loop3A_1035 = arith.index_cast %parallel_loop3A_998 : i32 to index
      %parallel_loop3A_1036 = arith.constant 48 : index
      %parallel_loop3A_1037 = tpu.vector_load %arg6[%parallel_loop3A_1035, %parallel_loop3A_1036] {strides = array<i32>} : memref<200x64xf32, #tpu.memory_space<vmem>>, vector<1x16xf32>,
      %parallel_loop3A_1038 = vector.shape_cast %parallel_loop3A_1037 : vector<1x16xf32> to vector<16xf32>
      %parallel_loop3A_1039 = arith.constant 8.000000e+00 : f32
      %parallel_loop3A_1040 = vector.broadcast %parallel_loop3A_1039 : f32 to vector<16xf32>
      %parallel_loop3A_1041 = arith.mulf %parallel_loop3A_1038, %parallel_loop3A_1040 : vector<16xf32>
      %parallel_loop3A_1042 = arith.index_cast %parallel_loop3A_998 : i32 to index
      %parallel_loop3A_1043 = arith.constant 48 : index
      %parallel_loop3A_1044 = tpu.vector_load %arg6[%parallel_loop3A_1042, %parallel_loop3A_1043] {strides = array<i32>} : memref<200x64xf32, #tpu.memory_space<vmem>>, vector<1x16xf32>,
      %parallel_loop3A_1045 = vector.shape_cast %parallel_loop3A_1044 : vector<1x16xf32> to vector<16xf32>
      %parallel_loop3A_1046 = vector.shape_cast %parallel_loop3A_1041 : vector<16xf32> to vector<1x16xf32>
      tpu.vector_store %arg6[%parallel_loop3A_1042, %parallel_loop3A_1043], %parallel_loop3A_1046 {strides = array<i32>} : memref<200x64xf32, #tpu.memory_space<vmem>>, vector<1x16xf32>,
    } {sc.loop_unroll_factor = 8 : i64, sc.parallel_access}
    %add3A_211 = arith.constant 0 : i32
    %add3A_212 = arith.addi %mul3A_2, %add3A_211 : i32
    %dma_start3A_213 = arith.constant 0 : i32
    %dma_start3A_214 = arith.constant 0 : i32
    %dma_start3A_215 = tpu.memref_slice %arg4[%add3A_212, %dma_start3A_213, %dma_start3A_214] : memref<4096x200x128xf32, #tpu.memory_space<hbm>> -> memref<1x200x64xf32, #tpu.memory_space<hbm>>
    %dma_start3A_216 = tpu.memref_squeeze %dma_start3A_215 : memref<1x200x64xf32, #tpu.memory_space<hbm>> -> memref<200x64xf32, #tpu.memory_space<hbm>>
    %dma_start3A_217 = arith.constant 0 : i32
    %dma_start3A_218 = arith.constant 0 : i32
    %dma_start3A_219 = tpu.memref_slice %arg4[%add3A_212, %dma_start3A_217, %dma_start3A_218] : memref<4096x200x128xf32, #tpu.memory_space<hbm>> -> memref<1x200x64xf32, #tpu.memory_space<hbm>>
    %dma_start3A_220 = tpu.memref_squeeze %dma_start3A_219 : memref<1x200x64xf32, #tpu.memory_space<hbm>> -> memref<200x64xf32, #tpu.memory_space<hbm>>
    tpu.enqueue_dma source(%arg6 : memref<200x64xf32, #tpu.memory_space<vmem>>) target(%dma_start3A_220 : memref<200x64xf32, #tpu.memory_space<hbm>>) target_semaphore(%arg15 : memref<!tpu.dma_semaphore, #tpu.memory_space<semaphore_mem>>)
    %dma_start3A_221 = arith.constant 3 : i32
    %dma_start3A_222 = arith.constant 0 : i32
    %dma_start3A_223 = arith.constant 0 : i32
    %dma_start3A_224 = tpu.memref_slice %arg9[%dma_start3A_222, %dma_start3A_223] : memref<200x64xf32, #tpu.memory_space<vmem>> -> memref<40x64xf32, #tpu.memory_space<vmem>>
    %dma_start3A_225 = arith.constant 0 : i32
    %dma_start3A_226 = tpu.memref_slice %arg5[%dma_start3A_221, %dma_start3A_225] : memref<128x200xi32, #tpu.memory_space<vmem>> -> memref<1x40xi32, #tpu.memory_space<vmem>>
    %dma_start3A_227 = tpu.memref_squeeze %dma_start3A_226 : memref<1x40xi32, #tpu.memory_space<vmem>> -> memref<40xi32, #tpu.memory_space<vmem>>
    %dma_start3A_228 = arith.constant 0 : i32
    %dma_start3A_229 = arith.constant 0 : i32
    %dma_start3A_230 = tpu.memref_slice %arg2[%dma_start3A_228, %dma_start3A_229] : memref<2000000x64xf32, #tpu.memory_space<hbm>> -> memref<2000000x64xf32, #tpu.memory_space<hbm>>
    tpu.enqueue_indirect_dma source(%dma_start3A_230 : memref<2000000x64xf32, #tpu.memory_space<hbm>>) target(%dma_start3A_224 : memref<40x64xf32, #tpu.memory_space<vmem>>) offsets(%dma_start3A_227 : memref<40xi32, #tpu.memory_space<vmem>>) semaphore(%arg14 : memref<!tpu.dma_semaphore, #tpu.memory_space<semaphore_mem>>)
    %dma_start3A_231 = arith.constant 3 : i32
    %dma_start3A_232 = arith.constant 40 : i32
    %dma_start3A_233 = arith.constant 0 : i32
    %dma_start3A_234 = tpu.memref_slice %arg9[%dma_start3A_232, %dma_start3A_233] : memref<200x64xf32, #tpu.memory_space<vmem>> -> memref<40x64xf32, #tpu.memory_space<vmem>>
    %dma_start3A_235 = arith.constant 40 : i32
    %dma_start3A_236 = tpu.memref_slice %arg5[%dma_start3A_231, %dma_start3A_235] : memref<128x200xi32, #tpu.memory_space<vmem>> -> memref<1x40xi32, #tpu.memory_space<vmem>>
    %dma_start3A_237 = tpu.memref_squeeze %dma_start3A_236 : memref<1x40xi32, #tpu.memory_space<vmem>> -> memref<40xi32, #tpu.memory_space<vmem>>
    %dma_start3A_238 = arith.constant 0 : i32
    %dma_start3A_239 = arith.constant 0 : i32
    %dma_start3A_240 = tpu.memref_slice %arg2[%dma_start3A_238, %dma_start3A_239] : memref<2000000x64xf32, #tpu.memory_space<hbm>> -> memref<2000000x64xf32, #tpu.memory_space<hbm>>
    tpu.enqueue_indirect_dma source(%dma_start3A_240 : memref<2000000x64xf32, #tpu.memory_space<hbm>>) target(%dma_start3A_234 : memref<40x64xf32, #tpu.memory_space<vmem>>) offsets(%dma_start3A_237 : memref<40xi32, #tpu.memory_space<vmem>>) semaphore(%arg14 : memref<!tpu.dma_semaphore, #tpu.memory_space<semaphore_mem>>)
    %dma_start3A_241 = arith.constant 3 : i32
    %dma_start3A_242 = arith.constant 80 : i32
    %dma_start3A_243 = arith.constant 0 : i32
    %dma_start3A_244 = tpu.memref_slice %arg9[%dma_start3A_242, %dma_start3A_243] : memref<200x64xf32, #tpu.memory_space<vmem>> -> memref<40x64xf32, #tpu.memory_space<vmem>>
    %dma_start3A_245 = arith.constant 80 : i32
    %dma_start3A_246 = tpu.memref_slice %arg5[%dma_start3A_241, %dma_start3A_245] : memref<128x200xi32, #tpu.memory_space<vmem>> -> memref<1x40xi32, #tpu.memory_space<vmem>>
    %dma_start3A_247 = tpu.memref_squeeze %dma_start3A_246 : memref<1x40xi32, #tpu.memory_space<vmem>> -> memref<40xi32, #tpu.memory_space<vmem>>
    %dma_start3A_248 = arith.constant 0 : i32
    %dma_start3A_249 = arith.constant 0 : i32
    %dma_start3A_250 = tpu.memref_slice %arg2[%dma_start3A_248, %dma_start3A_249] : memref<2000000x64xf32, #tpu.memory_space<hbm>> -> memref<2000000x64xf32, #tpu.memory_space<hbm>>
    tpu.enqueue_indirect_dma source(%dma_start3A_250 : memref<2000000x64xf32, #tpu.memory_space<hbm>>) target(%dma_start3A_244 : memref<40x64xf32, #tpu.memory_space<vmem>>) offsets(%dma_start3A_247 : memref<40xi32, #tpu.memory_space<vmem>>) semaphore(%arg14 : memref<!tpu.dma_semaphore, #tpu.memory_space<semaphore_mem>>)
    %dma_start3A_251 = arith.constant 3 : i32
    %dma_start3A_252 = arith.constant 120 : i32
    %dma_start3A_253 = arith.constant 0 : i32
    %dma_start3A_254 = tpu.memref_slice %arg9[%dma_start3A_252, %dma_start3A_253] : memref<200x64xf32, #tpu.memory_space<vmem>> -> memref<40x64xf32, #tpu.memory_space<vmem>>
    %dma_start3A_255 = arith.constant 120 : i32
    %dma_start3A_256 = tpu.memref_slice %arg5[%dma_start3A_251, %dma_start3A_255] : memref<128x200xi32, #tpu.memory_space<vmem>> -> memref<1x40xi32, #tpu.memory_space<vmem>>
    %dma_start3A_257 = tpu.memref_squeeze %dma_start3A_256 : memref<1x40xi32, #tpu.memory_space<vmem>> -> memref<40xi32, #tpu.memory_space<vmem>>
    %dma_start3A_258 = arith.constant 0 : i32
    %dma_start3A_259 = arith.constant 0 : i32
    %dma_start3A_260 = tpu.memref_slice %arg2[%dma_start3A_258, %dma_start3A_259] : memref<2000000x64xf32, #tpu.memory_space<hbm>> -> memref<2000000x64xf32, #tpu.memory_space<hbm>>
    tpu.enqueue_indirect_dma source(%dma_start3A_260 : memref<2000000x64xf32, #tpu.memory_space<hbm>>) target(%dma_start3A_254 : memref<40x64xf32, #tpu.memory_space<vmem>>) offsets(%dma_start3A_257 : memref<40xi32, #tpu.memory_space<vmem>>) semaphore(%arg14 : memref<!tpu.dma_semaphore, #tpu.memory_space<semaphore_mem>>)
    %dma_start3A_261 = arith.constant 3 : i32
    %dma_start3A_262 = arith.constant 160 : i32
    %dma_start3A_263 = arith.constant 0 : i32
    %dma_start3A_264 = tpu.memref_slice %arg9[%dma_start3A_262, %dma_start3A_263] : memref<200x64xf32, #tpu.memory_space<vmem>> -> memref<40x64xf32, #tpu.memory_space<vmem>>
    %dma_start3A_265 = arith.constant 160 : i32
    %dma_start3A_266 = tpu.memref_slice %arg5[%dma_start3A_261, %dma_start3A_265] : memref<128x200xi32, #tpu.memory_space<vmem>> -> memref<1x40xi32, #tpu.memory_space<vmem>>
    %dma_start3A_267 = tpu.memref_squeeze %dma_start3A_266 : memref<1x40xi32, #tpu.memory_space<vmem>> -> memref<40xi32, #tpu.memory_space<vmem>>
    %dma_start3A_268 = arith.constant 0 : i32
    %dma_start3A_269 = arith.constant 0 : i32
    %dma_start3A_270 = tpu.memref_slice %arg2[%dma_start3A_268, %dma_start3A_269] : memref<2000000x64xf32, #tpu.memory_space<hbm>> -> memref<2000000x64xf32, #tpu.memory_space<hbm>>
    tpu.enqueue_indirect_dma source(%dma_start3A_270 : memref<2000000x64xf32, #tpu.memory_space<hbm>>) target(%dma_start3A_264 : memref<40x64xf32, #tpu.memory_space<vmem>>) offsets(%dma_start3A_267 : memref<40xi32, #tpu.memory_space<vmem>>) semaphore(%arg14 : memref<!tpu.dma_semaphore, #tpu.memory_space<semaphore_mem>>)
    %dma_wait3A_271 = arith.constant 1 : i32
    %dma_wait3A_272 = arith.constant 0 : i32
    %dma_wait3A_273 = arith.constant 0 : i32
    %dma_wait3A_274 = tpu.memref_slice %arg7[%dma_wait3A_272, %dma_wait3A_273] : memref<200x64xf32, #tpu.memory_space<vmem>> -> memref<40x64xf32, #tpu.memory_space<vmem>>
    %dma_wait3A_275 = arith.constant 0 : i32
    %dma_wait3A_276 = tpu.memref_slice %arg5[%dma_wait3A_271, %dma_wait3A_275] : memref<128x200xi32, #tpu.memory_space<vmem>> -> memref<1x40xi32, #tpu.memory_space<vmem>>
    %dma_wait3A_277 = tpu.memref_squeeze %dma_wait3A_276 : memref<1x40xi32, #tpu.memory_space<vmem>> -> memref<40xi32, #tpu.memory_space<vmem>>
    %dma_wait3A_278 = arith.constant 0 : i32
    %dma_wait3A_279 = arith.constant 0 : i32
    %dma_wait3A_280 = tpu.memref_slice %arg2[%dma_wait3A_278, %dma_wait3A_279] : memref<2000000x64xf32, #tpu.memory_space<hbm>> -> memref<2000000x64xf32, #tpu.memory_space<hbm>>
    tpu.wait_indirect_dma semaphore(%arg12 : memref<!tpu.dma_semaphore, #tpu.memory_space<semaphore_mem>>) src(%dma_wait3A_280 : memref<2000000x64xf32, #tpu.memory_space<hbm>>) dst(%dma_wait3A_274 : memref<40x64xf32, #tpu.memory_space<vmem>>)
    %dma_wait3A_281 = arith.constant 1 : i32
    %dma_wait3A_282 = arith.constant 40 : i32
    %dma_wait3A_283 = arith.constant 0 : i32
    %dma_wait3A_284 = tpu.memref_slice %arg7[%dma_wait3A_282, %dma_wait3A_283] : memref<200x64xf32, #tpu.memory_space<vmem>> -> memref<40x64xf32, #tpu.memory_space<vmem>>
    %dma_wait3A_285 = arith.constant 40 : i32
    %dma_wait3A_286 = tpu.memref_slice %arg5[%dma_wait3A_281, %dma_wait3A_285] : memref<128x200xi32, #tpu.memory_space<vmem>> -> memref<1x40xi32, #tpu.memory_space<vmem>>
    %dma_wait3A_287 = tpu.memref_squeeze %dma_wait3A_286 : memref<1x40xi32, #tpu.memory_space<vmem>> -> memref<40xi32, #tpu.memory_space<vmem>>
    %dma_wait3A_288 = arith.constant 0 : i32
    %dma_wait3A_289 = arith.constant 0 : i32
    %dma_wait3A_290 = tpu.memref_slice %arg2[%dma_wait3A_288, %dma_wait3A_289] : memref<2000000x64xf32, #tpu.memory_space<hbm>> -> memref<2000000x64xf32, #tpu.memory_space<hbm>>
    tpu.wait_indirect_dma semaphore(%arg12 : memref<!tpu.dma_semaphore, #tpu.memory_space<semaphore_mem>>) src(%dma_wait3A_290 : memref<2000000x64xf32, #tpu.memory_space<hbm>>) dst(%dma_wait3A_284 : memref<40x64xf32, #tpu.memory_space<vmem>>)
    %dma_wait3A_291 = arith.constant 1 : i32
    %dma_wait3A_292 = arith.constant 80 : i32
    %dma_wait3A_293 = arith.constant 0 : i32
    %dma_wait3A_294 = tpu.memref_slice %arg7[%dma_wait3A_292, %dma_wait3A_293] : memref<200x64xf32, #tpu.memory_space<vmem>> -> memref<40x64xf32, #tpu.memory_space<vmem>>
    %dma_wait3A_295 = arith.constant 80 : i32
    %dma_wait3A_296 = tpu.memref_slice %arg5[%dma_wait3A_291, %dma_wait3A_295] : memref<128x200xi32, #tpu.memory_space<vmem>> -> memref<1x40xi32, #tpu.memory_space<vmem>>
    %dma_wait3A_297 = tpu.memref_squeeze %dma_wait3A_296 : memref<1x40xi32, #tpu.memory_space<vmem>> -> memref<40xi32, #tpu.memory_space<vmem>>
    %dma_wait3A_298 = arith.constant 0 : i32
    %dma_wait3A_299 = arith.constant 0 : i32
    %dma_wait3A_300 = tpu.memref_slice %arg2[%dma_wait3A_298, %dma_wait3A_299] : memref<2000000x64xf32, #tpu.memory_space<hbm>> -> memref<2000000x64xf32, #tpu.memory_space<hbm>>
    tpu.wait_indirect_dma semaphore(%arg12 : memref<!tpu.dma_semaphore, #tpu.memory_space<semaphore_mem>>) src(%dma_wait3A_300 : memref<2000000x64xf32, #tpu.memory_space<hbm>>) dst(%dma_wait3A_294 : memref<40x64xf32, #tpu.memory_space<vmem>>)
    %dma_wait3A_301 = arith.constant 1 : i32
    %dma_wait3A_302 = arith.constant 120 : i32
    %dma_wait3A_303 = arith.constant 0 : i32
    %dma_wait3A_304 = tpu.memref_slice %arg7[%dma_wait3A_302, %dma_wait3A_303] : memref<200x64xf32, #tpu.memory_space<vmem>> -> memref<40x64xf32, #tpu.memory_space<vmem>>
    %dma_wait3A_305 = arith.constant 120 : i32
    %dma_wait3A_306 = tpu.memref_slice %arg5[%dma_wait3A_301, %dma_wait3A_305] : memref<128x200xi32, #tpu.memory_space<vmem>> -> memref<1x40xi32, #tpu.memory_space<vmem>>
    %dma_wait3A_307 = tpu.memref_squeeze %dma_wait3A_306 : memref<1x40xi32, #tpu.memory_space<vmem>> -> memref<40xi32, #tpu.memory_space<vmem>>
    %dma_wait3A_308 = arith.constant 0 : i32
    %dma_wait3A_309 = arith.constant 0 : i32
    %dma_wait3A_310 = tpu.memref_slice %arg2[%dma_wait3A_308, %dma_wait3A_309] : memref<2000000x64xf32, #tpu.memory_space<hbm>> -> memref<2000000x64xf32, #tpu.memory_space<hbm>>
    tpu.wait_indirect_dma semaphore(%arg12 : memref<!tpu.dma_semaphore, #tpu.memory_space<semaphore_mem>>) src(%dma_wait3A_310 : memref<2000000x64xf32, #tpu.memory_space<hbm>>) dst(%dma_wait3A_304 : memref<40x64xf32, #tpu.memory_space<vmem>>)
    %dma_wait3A_311 = arith.constant 1 : i32
    %dma_wait3A_312 = arith.constant 160 : i32
    %dma_wait3A_313 = arith.constant 0 : i32
    %dma_wait3A_314 = tpu.memref_slice %arg7[%dma_wait3A_312, %dma_wait3A_313] : memref<200x64xf32, #tpu.memory_space<vmem>> -> memref<40x64xf32, #tpu.memory_space<vmem>>
    %dma_wait3A_315 = arith.constant 160 : i32
    %dma_wait3A_316 = tpu.memref_slice %arg5[%dma_wait3A_311, %dma_wait3A_315] : memref<128x200xi32, #tpu.memory_space<vmem>> -> memref<1x40xi32, #tpu.memory_space<vmem>>
    %dma_wait3A_317 = tpu.memref_squeeze %dma_wait3A_316 : memref<1x40xi32, #tpu.memory_space<vmem>> -> memref<40xi32, #tpu.memory_space<vmem>>
    %dma_wait3A_318 = arith.constant 0 : i32
    %dma_wait3A_319 = arith.constant 0 : i32
    %dma_wait3A_320 = tpu.memref_slice %arg2[%dma_wait3A_318, %dma_wait3A_319] : memref<2000000x64xf32, #tpu.memory_space<hbm>> -> memref<2000000x64xf32, #tpu.memory_space<hbm>>
    tpu.wait_indirect_dma semaphore(%arg12 : memref<!tpu.dma_semaphore, #tpu.memory_space<semaphore_mem>>) src(%dma_wait3A_320 : memref<2000000x64xf32, #tpu.memory_space<hbm>>) dst(%dma_wait3A_314 : memref<40x64xf32, #tpu.memory_space<vmem>>)
    %parallel_loop3A_321 = arith.constant 0 : i32
    %parallel_loop3A_322 = arith.constant 200 : i32
    %parallel_loop3A_323 = arith.constant 1 : i32
    scf.for %parallel_loop3A_998 = %parallel_loop3A_321 to %parallel_loop3A_322 step %parallel_loop3A_323  : i32 {
      %parallel_loop3A_999 = arith.index_cast %parallel_loop3A_998 : i32 to index
      %parallel_loop3A_1000 = arith.constant 0 : index
      %parallel_loop3A_1001 = tpu.vector_load %arg7[%parallel_loop3A_999, %parallel_loop3A_1000] {strides = array<i32>} : memref<200x64xf32, #tpu.memory_space<vmem>>, vector<1x16xf32>,
      %parallel_loop3A_1002 = vector.shape_cast %parallel_loop3A_1001 : vector<1x16xf32> to vector<16xf32>
      %parallel_loop3A_1003 = arith.constant 8.000000e+00 : f32
      %parallel_loop3A_1004 = vector.broadcast %parallel_loop3A_1003 : f32 to vector<16xf32>
      %parallel_loop3A_1005 = arith.mulf %parallel_loop3A_1002, %parallel_loop3A_1004 : vector<16xf32>
      %parallel_loop3A_1006 = arith.index_cast %parallel_loop3A_998 : i32 to index
      %parallel_loop3A_1007 = arith.constant 0 : index
      %parallel_loop3A_1008 = tpu.vector_load %arg7[%parallel_loop3A_1006, %parallel_loop3A_1007] {strides = array<i32>} : memref<200x64xf32, #tpu.memory_space<vmem>>, vector<1x16xf32>,
      %parallel_loop3A_1009 = vector.shape_cast %parallel_loop3A_1008 : vector<1x16xf32> to vector<16xf32>
      %parallel_loop3A_1010 = vector.shape_cast %parallel_loop3A_1005 : vector<16xf32> to vector<1x16xf32>
      tpu.vector_store %arg7[%parallel_loop3A_1006, %parallel_loop3A_1007], %parallel_loop3A_1010 {strides = array<i32>} : memref<200x64xf32, #tpu.memory_space<vmem>>, vector<1x16xf32>,
      %parallel_loop3A_1011 = arith.index_cast %parallel_loop3A_998 : i32 to index
      %parallel_loop3A_1012 = arith.constant 16 : index
      %parallel_loop3A_1013 = tpu.vector_load %arg7[%parallel_loop3A_1011, %parallel_loop3A_1012] {strides = array<i32>} : memref<200x64xf32, #tpu.memory_space<vmem>>, vector<1x16xf32>,
      %parallel_loop3A_1014 = vector.shape_cast %parallel_loop3A_1013 : vector<1x16xf32> to vector<16xf32>
      %parallel_loop3A_1015 = arith.constant 8.000000e+00 : f32
      %parallel_loop3A_1016 = vector.broadcast %parallel_loop3A_1015 : f32 to vector<16xf32>
      %parallel_loop3A_1017 = arith.mulf %parallel_loop3A_1014, %parallel_loop3A_1016 : vector<16xf32>
      %parallel_loop3A_1018 = arith.index_cast %parallel_loop3A_998 : i32 to index
      %parallel_loop3A_1019 = arith.constant 16 : index
      %parallel_loop3A_1020 = tpu.vector_load %arg7[%parallel_loop3A_1018, %parallel_loop3A_1019] {strides = array<i32>} : memref<200x64xf32, #tpu.memory_space<vmem>>, vector<1x16xf32>,
      %parallel_loop3A_1021 = vector.shape_cast %parallel_loop3A_1020 : vector<1x16xf32> to vector<16xf32>
      %parallel_loop3A_1022 = vector.shape_cast %parallel_loop3A_1017 : vector<16xf32> to vector<1x16xf32>
      tpu.vector_store %arg7[%parallel_loop3A_1018, %parallel_loop3A_1019], %parallel_loop3A_1022 {strides = array<i32>} : memref<200x64xf32, #tpu.memory_space<vmem>>, vector<1x16xf32>,
      %parallel_loop3A_1023 = arith.index_cast %parallel_loop3A_998 : i32 to index
      %parallel_loop3A_1024 = arith.constant 32 : index
      %parallel_loop3A_1025 = tpu.vector_load %arg7[%parallel_loop3A_1023, %parallel_loop3A_1024] {strides = array<i32>} : memref<200x64xf32, #tpu.memory_space<vmem>>, vector<1x16xf32>,
      %parallel_loop3A_1026 = vector.shape_cast %parallel_loop3A_1025 : vector<1x16xf32> to vector<16xf32>
      %parallel_loop3A_1027 = arith.constant 8.000000e+00 : f32
      %parallel_loop3A_1028 = vector.broadcast %parallel_loop3A_1027 : f32 to vector<16xf32>
      %parallel_loop3A_1029 = arith.mulf %parallel_loop3A_1026, %parallel_loop3A_1028 : vector<16xf32>
      %parallel_loop3A_1030 = arith.index_cast %parallel_loop3A_998 : i32 to index
      %parallel_loop3A_1031 = arith.constant 32 : index
      %parallel_loop3A_1032 = tpu.vector_load %arg7[%parallel_loop3A_1030, %parallel_loop3A_1031] {strides = array<i32>} : memref<200x64xf32, #tpu.memory_space<vmem>>, vector<1x16xf32>,
      %parallel_loop3A_1033 = vector.shape_cast %parallel_loop3A_1032 : vector<1x16xf32> to vector<16xf32>
      %parallel_loop3A_1034 = vector.shape_cast %parallel_loop3A_1029 : vector<16xf32> to vector<1x16xf32>
      tpu.vector_store %arg7[%parallel_loop3A_1030, %parallel_loop3A_1031], %parallel_loop3A_1034 {strides = array<i32>} : memref<200x64xf32, #tpu.memory_space<vmem>>, vector<1x16xf32>,
      %parallel_loop3A_1035 = arith.index_cast %parallel_loop3A_998 : i32 to index
      %parallel_loop3A_1036 = arith.constant 48 : index
      %parallel_loop3A_1037 = tpu.vector_load %arg7[%parallel_loop3A_1035, %parallel_loop3A_1036] {strides = array<i32>} : memref<200x64xf32, #tpu.memory_space<vmem>>, vector<1x16xf32>,
      %parallel_loop3A_1038 = vector.shape_cast %parallel_loop3A_1037 : vector<1x16xf32> to vector<16xf32>
      %parallel_loop3A_1039 = arith.constant 8.000000e+00 : f32
      %parallel_loop3A_1040 = vector.broadcast %parallel_loop3A_1039 : f32 to vector<16xf32>
      %parallel_loop3A_1041 = arith.mulf %parallel_loop3A_1038, %parallel_loop3A_1040 : vector<16xf32>
      %parallel_loop3A_1042 = arith.index_cast %parallel_loop3A_998 : i32 to index
      %parallel_loop3A_1043 = arith.constant 48 : index
      %parallel_loop3A_1044 = tpu.vector_load %arg7[%parallel_loop3A_1042, %parallel_loop3A_1043] {strides = array<i32>} : memref<200x64xf32, #tpu.memory_space<vmem>>, vector<1x16xf32>,
      %parallel_loop3A_1045 = vector.shape_cast %parallel_loop3A_1044 : vector<1x16xf32> to vector<16xf32>
      %parallel_loop3A_1046 = vector.shape_cast %parallel_loop3A_1041 : vector<16xf32> to vector<1x16xf32>
      tpu.vector_store %arg7[%parallel_loop3A_1042, %parallel_loop3A_1043], %parallel_loop3A_1046 {strides = array<i32>} : memref<200x64xf32, #tpu.memory_space<vmem>>, vector<1x16xf32>,
    } {sc.loop_unroll_factor = 8 : i64, sc.parallel_access}
    %add3A_324 = arith.constant 1 : i32
    %add3A_325 = arith.addi %mul3A_2, %add3A_324 : i32
    %dma_start3A_326 = arith.constant 0 : i32
    %dma_start3A_327 = arith.constant 0 : i32
    %dma_start3A_328 = tpu.memref_slice %arg4[%add3A_325, %dma_start3A_326, %dma_start3A_327] : memref<4096x200x128xf32, #tpu.memory_space<hbm>> -> memref<1x200x64xf32, #tpu.memory_space<hbm>>
    %dma_start3A_329 = tpu.memref_squeeze %dma_start3A_328 : memref<1x200x64xf32, #tpu.memory_space<hbm>> -> memref<200x64xf32, #tpu.memory_space<hbm>>
    %dma_start3A_330 = arith.constant 0 : i32
    %dma_start3A_331 = arith.constant 0 : i32
    %dma_start3A_332 = tpu.memref_slice %arg4[%add3A_325, %dma_start3A_330, %dma_start3A_331] : memref<4096x200x128xf32, #tpu.memory_space<hbm>> -> memref<1x200x64xf32, #tpu.memory_space<hbm>>
    %dma_start3A_333 = tpu.memref_squeeze %dma_start3A_332 : memref<1x200x64xf32, #tpu.memory_space<hbm>> -> memref<200x64xf32, #tpu.memory_space<hbm>>
    tpu.enqueue_dma source(%arg7 : memref<200x64xf32, #tpu.memory_space<vmem>>) target(%dma_start3A_333 : memref<200x64xf32, #tpu.memory_space<hbm>>) target_semaphore(%arg16 : memref<!tpu.dma_semaphore, #tpu.memory_space<semaphore_mem>>)
    %add3A_334 = arith.constant 0 : i32
    %add3A_335 = arith.addi %mul3A_2, %add3A_334 : i32
    %dma_wait3A_336 = arith.constant 0 : i32
    %dma_wait3A_337 = arith.constant 0 : i32
    %dma_wait3A_338 = tpu.memref_slice %arg4[%add3A_335, %dma_wait3A_336, %dma_wait3A_337] : memref<4096x200x128xf32, #tpu.memory_space<hbm>> -> memref<1x200x64xf32, #tpu.memory_space<hbm>>
    %dma_wait3A_339 = tpu.memref_squeeze %dma_wait3A_338 : memref<1x200x64xf32, #tpu.memory_space<hbm>> -> memref<200x64xf32, #tpu.memory_space<hbm>>
    %dma_wait3A_340 = arith.constant 0 : i32
    %dma_wait3A_341 = arith.constant 0 : i32
    %dma_wait3A_342 = tpu.memref_slice %arg4[%add3A_335, %dma_wait3A_340, %dma_wait3A_341] : memref<4096x200x128xf32, #tpu.memory_space<hbm>> -> memref<1x200x64xf32, #tpu.memory_space<hbm>>
    %dma_wait3A_343 = tpu.memref_squeeze %dma_wait3A_342 : memref<1x200x64xf32, #tpu.memory_space<hbm>> -> memref<200x64xf32, #tpu.memory_space<hbm>>
    tpu.wait_dma2 semaphore(%arg15 : memref<!tpu.dma_semaphore, #tpu.memory_space<semaphore_mem>>) src(%arg6 : memref<200x64xf32, #tpu.memory_space<vmem>>) dst(%dma_wait3A_343 : memref<200x64xf32, #tpu.memory_space<hbm>>)
    %dma_start3A_344 = arith.constant 4 : i32
    %dma_start3A_345 = arith.constant 0 : i32
    %dma_start3A_346 = arith.constant 0 : i32
    %dma_start3A_347 = tpu.memref_slice %arg6[%dma_start3A_345, %dma_start3A_346] : memref<200x64xf32, #tpu.memory_space<vmem>> -> memref<40x64xf32, #tpu.memory_space<vmem>>
    %dma_start3A_348 = arith.constant 0 : i32
    %dma_start3A_349 = tpu.memref_slice %arg5[%dma_start3A_344, %dma_start3A_348] : memref<128x200xi32, #tpu.memory_space<vmem>> -> memref<1x40xi32, #tpu.memory_space<vmem>>
    %dma_start3A_350 = tpu.memref_squeeze %dma_start3A_349 : memref<1x40xi32, #tpu.memory_space<vmem>> -> memref<40xi32, #tpu.memory_space<vmem>>
    %dma_start3A_351 = arith.constant 0 : i32
    %dma_start3A_352 = arith.constant 0 : i32
    %dma_start3A_353 = tpu.memref_slice %arg2[%dma_start3A_351, %dma_start3A_352] : memref<2000000x64xf32, #tpu.memory_space<hbm>> -> memref<2000000x64xf32, #tpu.memory_space<hbm>>
    tpu.enqueue_indirect_dma source(%dma_start3A_353 : memref<2000000x64xf32, #tpu.memory_space<hbm>>) target(%dma_start3A_347 : memref<40x64xf32, #tpu.memory_space<vmem>>) offsets(%dma_start3A_350 : memref<40xi32, #tpu.memory_space<vmem>>) semaphore(%arg11 : memref<!tpu.dma_semaphore, #tpu.memory_space<semaphore_mem>>)
    %dma_start3A_354 = arith.constant 4 : i32
    %dma_start3A_355 = arith.constant 40 : i32
    %dma_start3A_356 = arith.constant 0 : i32
    %dma_start3A_357 = tpu.memref_slice %arg6[%dma_start3A_355, %dma_start3A_356] : memref<200x64xf32, #tpu.memory_space<vmem>> -> memref<40x64xf32, #tpu.memory_space<vmem>>
    %dma_start3A_358 = arith.constant 40 : i32
    %dma_start3A_359 = tpu.memref_slice %arg5[%dma_start3A_354, %dma_start3A_358] : memref<128x200xi32, #tpu.memory_space<vmem>> -> memref<1x40xi32, #tpu.memory_space<vmem>>
    %dma_start3A_360 = tpu.memref_squeeze %dma_start3A_359 : memref<1x40xi32, #tpu.memory_space<vmem>> -> memref<40xi32, #tpu.memory_space<vmem>>
    %dma_start3A_361 = arith.constant 0 : i32
    %dma_start3A_362 = arith.constant 0 : i32
    %dma_start3A_363 = tpu.memref_slice %arg2[%dma_start3A_361, %dma_start3A_362] : memref<2000000x64xf32, #tpu.memory_space<hbm>> -> memref<2000000x64xf32, #tpu.memory_space<hbm>>
    tpu.enqueue_indirect_dma source(%dma_start3A_363 : memref<2000000x64xf32, #tpu.memory_space<hbm>>) target(%dma_start3A_357 : memref<40x64xf32, #tpu.memory_space<vmem>>) offsets(%dma_start3A_360 : memref<40xi32, #tpu.memory_space<vmem>>) semaphore(%arg11 : memref<!tpu.dma_semaphore, #tpu.memory_space<semaphore_mem>>)
    %dma_start3A_364 = arith.constant 4 : i32
    %dma_start3A_365 = arith.constant 80 : i32
    %dma_start3A_366 = arith.constant 0 : i32
    %dma_start3A_367 = tpu.memref_slice %arg6[%dma_start3A_365, %dma_start3A_366] : memref<200x64xf32, #tpu.memory_space<vmem>> -> memref<40x64xf32, #tpu.memory_space<vmem>>
    %dma_start3A_368 = arith.constant 80 : i32
    %dma_start3A_369 = tpu.memref_slice %arg5[%dma_start3A_364, %dma_start3A_368] : memref<128x200xi32, #tpu.memory_space<vmem>> -> memref<1x40xi32, #tpu.memory_space<vmem>>
    %dma_start3A_370 = tpu.memref_squeeze %dma_start3A_369 : memref<1x40xi32, #tpu.memory_space<vmem>> -> memref<40xi32, #tpu.memory_space<vmem>>
    %dma_start3A_371 = arith.constant 0 : i32
    %dma_start3A_372 = arith.constant 0 : i32
    %dma_start3A_373 = tpu.memref_slice %arg2[%dma_start3A_371, %dma_start3A_372] : memref<2000000x64xf32, #tpu.memory_space<hbm>> -> memref<2000000x64xf32, #tpu.memory_space<hbm>>
    tpu.enqueue_indirect_dma source(%dma_start3A_373 : memref<2000000x64xf32, #tpu.memory_space<hbm>>) target(%dma_start3A_367 : memref<40x64xf32, #tpu.memory_space<vmem>>) offsets(%dma_start3A_370 : memref<40xi32, #tpu.memory_space<vmem>>) semaphore(%arg11 : memref<!tpu.dma_semaphore, #tpu.memory_space<semaphore_mem>>)
    %dma_start3A_374 = arith.constant 4 : i32
    %dma_start3A_375 = arith.constant 120 : i32
    %dma_start3A_376 = arith.constant 0 : i32
    %dma_start3A_377 = tpu.memref_slice %arg6[%dma_start3A_375, %dma_start3A_376] : memref<200x64xf32, #tpu.memory_space<vmem>> -> memref<40x64xf32, #tpu.memory_space<vmem>>
    %dma_start3A_378 = arith.constant 120 : i32
    %dma_start3A_379 = tpu.memref_slice %arg5[%dma_start3A_374, %dma_start3A_378] : memref<128x200xi32, #tpu.memory_space<vmem>> -> memref<1x40xi32, #tpu.memory_space<vmem>>
    %dma_start3A_380 = tpu.memref_squeeze %dma_start3A_379 : memref<1x40xi32, #tpu.memory_space<vmem>> -> memref<40xi32, #tpu.memory_space<vmem>>
    %dma_start3A_381 = arith.constant 0 : i32
    %dma_start3A_382 = arith.constant 0 : i32
    %dma_start3A_383 = tpu.memref_slice %arg2[%dma_start3A_381, %dma_start3A_382] : memref<2000000x64xf32, #tpu.memory_space<hbm>> -> memref<2000000x64xf32, #tpu.memory_space<hbm>>
    tpu.enqueue_indirect_dma source(%dma_start3A_383 : memref<2000000x64xf32, #tpu.memory_space<hbm>>) target(%dma_start3A_377 : memref<40x64xf32, #tpu.memory_space<vmem>>) offsets(%dma_start3A_380 : memref<40xi32, #tpu.memory_space<vmem>>) semaphore(%arg11 : memref<!tpu.dma_semaphore, #tpu.memory_space<semaphore_mem>>)
    %dma_start3A_384 = arith.constant 4 : i32
    %dma_start3A_385 = arith.constant 160 : i32
    %dma_start3A_386 = arith.constant 0 : i32
    %dma_start3A_387 = tpu.memref_slice %arg6[%dma_start3A_385, %dma_start3A_386] : memref<200x64xf32, #tpu.memory_space<vmem>> -> memref<40x64xf32, #tpu.memory_space<vmem>>
    %dma_start3A_388 = arith.constant 160 : i32
    %dma_start3A_389 = tpu.memref_slice %arg5[%dma_start3A_384, %dma_start3A_388] : memref<128x200xi32, #tpu.memory_space<vmem>> -> memref<1x40xi32, #tpu.memory_space<vmem>>
    %dma_start3A_390 = tpu.memref_squeeze %dma_start3A_389 : memref<1x40xi32, #tpu.memory_space<vmem>> -> memref<40xi32, #tpu.memory_space<vmem>>
    %dma_start3A_391 = arith.constant 0 : i32
    %dma_start3A_392 = arith.constant 0 : i32
    %dma_start3A_393 = tpu.memref_slice %arg2[%dma_start3A_391, %dma_start3A_392] : memref<2000000x64xf32, #tpu.memory_space<hbm>> -> memref<2000000x64xf32, #tpu.memory_space<hbm>>
    tpu.enqueue_indirect_dma source(%dma_start3A_393 : memref<2000000x64xf32, #tpu.memory_space<hbm>>) target(%dma_start3A_387 : memref<40x64xf32, #tpu.memory_space<vmem>>) offsets(%dma_start3A_390 : memref<40xi32, #tpu.memory_space<vmem>>) semaphore(%arg11 : memref<!tpu.dma_semaphore, #tpu.memory_space<semaphore_mem>>)
    %dma_wait3A_394 = arith.constant 2 : i32
    %dma_wait3A_395 = arith.constant 0 : i32
    %dma_wait3A_396 = arith.constant 0 : i32
    %dma_wait3A_397 = tpu.memref_slice %arg8[%dma_wait3A_395, %dma_wait3A_396] : memref<200x64xf32, #tpu.memory_space<vmem>> -> memref<40x64xf32, #tpu.memory_space<vmem>>
    %dma_wait3A_398 = arith.constant 0 : i32
    %dma_wait3A_399 = tpu.memref_slice %arg5[%dma_wait3A_394, %dma_wait3A_398] : memref<128x200xi32, #tpu.memory_space<vmem>> -> memref<1x40xi32, #tpu.memory_space<vmem>>
    %dma_wait3A_400 = tpu.memref_squeeze %dma_wait3A_399 : memref<1x40xi32, #tpu.memory_space<vmem>> -> memref<40xi32, #tpu.memory_space<vmem>>
    %dma_wait3A_401 = arith.constant 0 : i32
    %dma_wait3A_402 = arith.constant 0 : i32
    %dma_wait3A_403 = tpu.memref_slice %arg2[%dma_wait3A_401, %dma_wait3A_402] : memref<2000000x64xf32, #tpu.memory_space<hbm>> -> memref<2000000x64xf32, #tpu.memory_space<hbm>>
    tpu.wait_indirect_dma semaphore(%arg13 : memref<!tpu.dma_semaphore, #tpu.memory_space<semaphore_mem>>) src(%dma_wait3A_403 : memref<2000000x64xf32, #tpu.memory_space<hbm>>) dst(%dma_wait3A_397 : memref<40x64xf32, #tpu.memory_space<vmem>>)
    %dma_wait3A_404 = arith.constant 2 : i32
    %dma_wait3A_405 = arith.constant 40 : i32
    %dma_wait3A_406 = arith.constant 0 : i32
    %dma_wait3A_407 = tpu.memref_slice %arg8[%dma_wait3A_405, %dma_wait3A_406] : memref<200x64xf32, #tpu.memory_space<vmem>> -> memref<40x64xf32, #tpu.memory_space<vmem>>
    %dma_wait3A_408 = arith.constant 40 : i32
    %dma_wait3A_409 = tpu.memref_slice %arg5[%dma_wait3A_404, %dma_wait3A_408] : memref<128x200xi32, #tpu.memory_space<vmem>> -> memref<1x40xi32, #tpu.memory_space<vmem>>
    %dma_wait3A_410 = tpu.memref_squeeze %dma_wait3A_409 : memref<1x40xi32, #tpu.memory_space<vmem>> -> memref<40xi32, #tpu.memory_space<vmem>>
    %dma_wait3A_411 = arith.constant 0 : i32
    %dma_wait3A_412 = arith.constant 0 : i32
    %dma_wait3A_413 = tpu.memref_slice %arg2[%dma_wait3A_411, %dma_wait3A_412] : memref<2000000x64xf32, #tpu.memory_space<hbm>> -> memref<2000000x64xf32, #tpu.memory_space<hbm>>
    tpu.wait_indirect_dma semaphore(%arg13 : memref<!tpu.dma_semaphore, #tpu.memory_space<semaphore_mem>>) src(%dma_wait3A_413 : memref<2000000x64xf32, #tpu.memory_space<hbm>>) dst(%dma_wait3A_407 : memref<40x64xf32, #tpu.memory_space<vmem>>)
    %dma_wait3A_414 = arith.constant 2 : i32
    %dma_wait3A_415 = arith.constant 80 : i32
    %dma_wait3A_416 = arith.constant 0 : i32
    %dma_wait3A_417 = tpu.memref_slice %arg8[%dma_wait3A_415, %dma_wait3A_416] : memref<200x64xf32, #tpu.memory_space<vmem>> -> memref<40x64xf32, #tpu.memory_space<vmem>>
    %dma_wait3A_418 = arith.constant 80 : i32
    %dma_wait3A_419 = tpu.memref_slice %arg5[%dma_wait3A_414, %dma_wait3A_418] : memref<128x200xi32, #tpu.memory_space<vmem>> -> memref<1x40xi32, #tpu.memory_space<vmem>>
    %dma_wait3A_420 = tpu.memref_squeeze %dma_wait3A_419 : memref<1x40xi32, #tpu.memory_space<vmem>> -> memref<40xi32, #tpu.memory_space<vmem>>
    %dma_wait3A_421 = arith.constant 0 : i32
    %dma_wait3A_422 = arith.constant 0 : i32
    %dma_wait3A_423 = tpu.memref_slice %arg2[%dma_wait3A_421, %dma_wait3A_422] : memref<2000000x64xf32, #tpu.memory_space<hbm>> -> memref<2000000x64xf32, #tpu.memory_space<hbm>>
    tpu.wait_indirect_dma semaphore(%arg13 : memref<!tpu.dma_semaphore, #tpu.memory_space<semaphore_mem>>) src(%dma_wait3A_423 : memref<2000000x64xf32, #tpu.memory_space<hbm>>) dst(%dma_wait3A_417 : memref<40x64xf32, #tpu.memory_space<vmem>>)
    %dma_wait3A_424 = arith.constant 2 : i32
    %dma_wait3A_425 = arith.constant 120 : i32
    %dma_wait3A_426 = arith.constant 0 : i32
    %dma_wait3A_427 = tpu.memref_slice %arg8[%dma_wait3A_425, %dma_wait3A_426] : memref<200x64xf32, #tpu.memory_space<vmem>> -> memref<40x64xf32, #tpu.memory_space<vmem>>
    %dma_wait3A_428 = arith.constant 120 : i32
    %dma_wait3A_429 = tpu.memref_slice %arg5[%dma_wait3A_424, %dma_wait3A_428] : memref<128x200xi32, #tpu.memory_space<vmem>> -> memref<1x40xi32, #tpu.memory_space<vmem>>
    %dma_wait3A_430 = tpu.memref_squeeze %dma_wait3A_429 : memref<1x40xi32, #tpu.memory_space<vmem>> -> memref<40xi32, #tpu.memory_space<vmem>>
    %dma_wait3A_431 = arith.constant 0 : i32
    %dma_wait3A_432 = arith.constant 0 : i32
    %dma_wait3A_433 = tpu.memref_slice %arg2[%dma_wait3A_431, %dma_wait3A_432] : memref<2000000x64xf32, #tpu.memory_space<hbm>> -> memref<2000000x64xf32, #tpu.memory_space<hbm>>
    tpu.wait_indirect_dma semaphore(%arg13 : memref<!tpu.dma_semaphore, #tpu.memory_space<semaphore_mem>>) src(%dma_wait3A_433 : memref<2000000x64xf32, #tpu.memory_space<hbm>>) dst(%dma_wait3A_427 : memref<40x64xf32, #tpu.memory_space<vmem>>)
    %dma_wait3A_434 = arith.constant 2 : i32
    %dma_wait3A_435 = arith.constant 160 : i32
    %dma_wait3A_436 = arith.constant 0 : i32
    %dma_wait3A_437 = tpu.memref_slice %arg8[%dma_wait3A_435, %dma_wait3A_436] : memref<200x64xf32, #tpu.memory_space<vmem>> -> memref<40x64xf32, #tpu.memory_space<vmem>>
    %dma_wait3A_438 = arith.constant 160 : i32
    %dma_wait3A_439 = tpu.memref_slice %arg5[%dma_wait3A_434, %dma_wait3A_438] : memref<128x200xi32, #tpu.memory_space<vmem>> -> memref<1x40xi32, #tpu.memory_space<vmem>>
    %dma_wait3A_440 = tpu.memref_squeeze %dma_wait3A_439 : memref<1x40xi32, #tpu.memory_space<vmem>> -> memref<40xi32, #tpu.memory_space<vmem>>
    %dma_wait3A_441 = arith.constant 0 : i32
    %dma_wait3A_442 = arith.constant 0 : i32
    %dma_wait3A_443 = tpu.memref_slice %arg2[%dma_wait3A_441, %dma_wait3A_442] : memref<2000000x64xf32, #tpu.memory_space<hbm>> -> memref<2000000x64xf32, #tpu.memory_space<hbm>>
    tpu.wait_indirect_dma semaphore(%arg13 : memref<!tpu.dma_semaphore, #tpu.memory_space<semaphore_mem>>) src(%dma_wait3A_443 : memref<2000000x64xf32, #tpu.memory_space<hbm>>) dst(%dma_wait3A_437 : memref<40x64xf32, #tpu.memory_space<vmem>>)
    %parallel_loop3A_444 = arith.constant 0 : i32
    %parallel_loop3A_445 = arith.constant 200 : i32
    %parallel_loop3A_446 = arith.constant 1 : i32
    scf.for %parallel_loop3A_998 = %parallel_loop3A_444 to %parallel_loop3A_445 step %parallel_loop3A_446  : i32 {
      %parallel_loop3A_999 = arith.index_cast %parallel_loop3A_998 : i32 to index
      %parallel_loop3A_1000 = arith.constant 0 : index
      %parallel_loop3A_1001 = tpu.vector_load %arg8[%parallel_loop3A_999, %parallel_loop3A_1000] {strides = array<i32>} : memref<200x64xf32, #tpu.memory_space<vmem>>, vector<1x16xf32>,
      %parallel_loop3A_1002 = vector.shape_cast %parallel_loop3A_1001 : vector<1x16xf32> to vector<16xf32>
      %parallel_loop3A_1003 = arith.constant 8.000000e+00 : f32
      %parallel_loop3A_1004 = vector.broadcast %parallel_loop3A_1003 : f32 to vector<16xf32>
      %parallel_loop3A_1005 = arith.mulf %parallel_loop3A_1002, %parallel_loop3A_1004 : vector<16xf32>
      %parallel_loop3A_1006 = arith.index_cast %parallel_loop3A_998 : i32 to index
      %parallel_loop3A_1007 = arith.constant 0 : index
      %parallel_loop3A_1008 = tpu.vector_load %arg8[%parallel_loop3A_1006, %parallel_loop3A_1007] {strides = array<i32>} : memref<200x64xf32, #tpu.memory_space<vmem>>, vector<1x16xf32>,
      %parallel_loop3A_1009 = vector.shape_cast %parallel_loop3A_1008 : vector<1x16xf32> to vector<16xf32>
      %parallel_loop3A_1010 = vector.shape_cast %parallel_loop3A_1005 : vector<16xf32> to vector<1x16xf32>
      tpu.vector_store %arg8[%parallel_loop3A_1006, %parallel_loop3A_1007], %parallel_loop3A_1010 {strides = array<i32>} : memref<200x64xf32, #tpu.memory_space<vmem>>, vector<1x16xf32>,
      %parallel_loop3A_1011 = arith.index_cast %parallel_loop3A_998 : i32 to index
      %parallel_loop3A_1012 = arith.constant 16 : index
      %parallel_loop3A_1013 = tpu.vector_load %arg8[%parallel_loop3A_1011, %parallel_loop3A_1012] {strides = array<i32>} : memref<200x64xf32, #tpu.memory_space<vmem>>, vector<1x16xf32>,
      %parallel_loop3A_1014 = vector.shape_cast %parallel_loop3A_1013 : vector<1x16xf32> to vector<16xf32>
      %parallel_loop3A_1015 = arith.constant 8.000000e+00 : f32
      %parallel_loop3A_1016 = vector.broadcast %parallel_loop3A_1015 : f32 to vector<16xf32>
      %parallel_loop3A_1017 = arith.mulf %parallel_loop3A_1014, %parallel_loop3A_1016 : vector<16xf32>
      %parallel_loop3A_1018 = arith.index_cast %parallel_loop3A_998 : i32 to index
      %parallel_loop3A_1019 = arith.constant 16 : index
      %parallel_loop3A_1020 = tpu.vector_load %arg8[%parallel_loop3A_1018, %parallel_loop3A_1019] {strides = array<i32>} : memref<200x64xf32, #tpu.memory_space<vmem>>, vector<1x16xf32>,
      %parallel_loop3A_1021 = vector.shape_cast %parallel_loop3A_1020 : vector<1x16xf32> to vector<16xf32>
      %parallel_loop3A_1022 = vector.shape_cast %parallel_loop3A_1017 : vector<16xf32> to vector<1x16xf32>
      tpu.vector_store %arg8[%parallel_loop3A_1018, %parallel_loop3A_1019], %parallel_loop3A_1022 {strides = array<i32>} : memref<200x64xf32, #tpu.memory_space<vmem>>, vector<1x16xf32>,
      %parallel_loop3A_1023 = arith.index_cast %parallel_loop3A_998 : i32 to index
      %parallel_loop3A_1024 = arith.constant 32 : index
      %parallel_loop3A_1025 = tpu.vector_load %arg8[%parallel_loop3A_1023, %parallel_loop3A_1024] {strides = array<i32>} : memref<200x64xf32, #tpu.memory_space<vmem>>, vector<1x16xf32>,
      %parallel_loop3A_1026 = vector.shape_cast %parallel_loop3A_1025 : vector<1x16xf32> to vector<16xf32>
      %parallel_loop3A_1027 = arith.constant 8.000000e+00 : f32
      %parallel_loop3A_1028 = vector.broadcast %parallel_loop3A_1027 : f32 to vector<16xf32>
      %parallel_loop3A_1029 = arith.mulf %parallel_loop3A_1026, %parallel_loop3A_1028 : vector<16xf32>
      %parallel_loop3A_1030 = arith.index_cast %parallel_loop3A_998 : i32 to index
      %parallel_loop3A_1031 = arith.constant 32 : index
      %parallel_loop3A_1032 = tpu.vector_load %arg8[%parallel_loop3A_1030, %parallel_loop3A_1031] {strides = array<i32>} : memref<200x64xf32, #tpu.memory_space<vmem>>, vector<1x16xf32>,
      %parallel_loop3A_1033 = vector.shape_cast %parallel_loop3A_1032 : vector<1x16xf32> to vector<16xf32>
      %parallel_loop3A_1034 = vector.shape_cast %parallel_loop3A_1029 : vector<16xf32> to vector<1x16xf32>
      tpu.vector_store %arg8[%parallel_loop3A_1030, %parallel_loop3A_1031], %parallel_loop3A_1034 {strides = array<i32>} : memref<200x64xf32, #tpu.memory_space<vmem>>, vector<1x16xf32>,
      %parallel_loop3A_1035 = arith.index_cast %parallel_loop3A_998 : i32 to index
      %parallel_loop3A_1036 = arith.constant 48 : index
      %parallel_loop3A_1037 = tpu.vector_load %arg8[%parallel_loop3A_1035, %parallel_loop3A_1036] {strides = array<i32>} : memref<200x64xf32, #tpu.memory_space<vmem>>, vector<1x16xf32>,
      %parallel_loop3A_1038 = vector.shape_cast %parallel_loop3A_1037 : vector<1x16xf32> to vector<16xf32>
      %parallel_loop3A_1039 = arith.constant 8.000000e+00 : f32
      %parallel_loop3A_1040 = vector.broadcast %parallel_loop3A_1039 : f32 to vector<16xf32>
      %parallel_loop3A_1041 = arith.mulf %parallel_loop3A_1038, %parallel_loop3A_1040 : vector<16xf32>
      %parallel_loop3A_1042 = arith.index_cast %parallel_loop3A_998 : i32 to index
      %parallel_loop3A_1043 = arith.constant 48 : index
      %parallel_loop3A_1044 = tpu.vector_load %arg8[%parallel_loop3A_1042, %parallel_loop3A_1043] {strides = array<i32>} : memref<200x64xf32, #tpu.memory_space<vmem>>, vector<1x16xf32>,
      %parallel_loop3A_1045 = vector.shape_cast %parallel_loop3A_1044 : vector<1x16xf32> to vector<16xf32>
      %parallel_loop3A_1046 = vector.shape_cast %parallel_loop3A_1041 : vector<16xf32> to vector<1x16xf32>
      tpu.vector_store %arg8[%parallel_loop3A_1042, %parallel_loop3A_1043], %parallel_loop3A_1046 {strides = array<i32>} : memref<200x64xf32, #tpu.memory_space<vmem>>, vector<1x16xf32>,
    } {sc.loop_unroll_factor = 8 : i64, sc.parallel_access}
    %add3A_447 = arith.constant 2 : i32
    %add3A_448 = arith.addi %mul3A_2, %add3A_447 : i32
    %dma_start3A_449 = arith.constant 0 : i32
    %dma_start3A_450 = arith.constant 0 : i32
    %dma_start3A_451 = tpu.memref_slice %arg4[%add3A_448, %dma_start3A_449, %dma_start3A_450] : memref<4096x200x128xf32, #tpu.memory_space<hbm>> -> memref<1x200x64xf32, #tpu.memory_space<hbm>>
    %dma_start3A_452 = tpu.memref_squeeze %dma_start3A_451 : memref<1x200x64xf32, #tpu.memory_space<hbm>> -> memref<200x64xf32, #tpu.memory_space<hbm>>
    %dma_start3A_453 = arith.constant 0 : i32
    %dma_start3A_454 = arith.constant 0 : i32
    %dma_start3A_455 = tpu.memref_slice %arg4[%add3A_448, %dma_start3A_453, %dma_start3A_454] : memref<4096x200x128xf32, #tpu.memory_space<hbm>> -> memref<1x200x64xf32, #tpu.memory_space<hbm>>
    %dma_start3A_456 = tpu.memref_squeeze %dma_start3A_455 : memref<1x200x64xf32, #tpu.memory_space<hbm>> -> memref<200x64xf32, #tpu.memory_space<hbm>>
    tpu.enqueue_dma source(%arg8 : memref<200x64xf32, #tpu.memory_space<vmem>>) target(%dma_start3A_456 : memref<200x64xf32, #tpu.memory_space<hbm>>) target_semaphore(%arg17 : memref<!tpu.dma_semaphore, #tpu.memory_space<semaphore_mem>>)
    %add3A_457 = arith.constant 1 : i32
    %add3A_458 = arith.addi %mul3A_2, %add3A_457 : i32
    %dma_wait3A_459 = arith.constant 0 : i32
    %dma_wait3A_460 = arith.constant 0 : i32
    %dma_wait3A_461 = tpu.memref_slice %arg4[%add3A_458, %dma_wait3A_459, %dma_wait3A_460] : memref<4096x200x128xf32, #tpu.memory_space<hbm>> -> memref<1x200x64xf32, #tpu.memory_space<hbm>>
    %dma_wait3A_462 = tpu.memref_squeeze %dma_wait3A_461 : memref<1x200x64xf32, #tpu.memory_space<hbm>> -> memref<200x64xf32, #tpu.memory_space<hbm>>
    %dma_wait3A_463 = arith.constant 0 : i32
    %dma_wait3A_464 = arith.constant 0 : i32
    %dma_wait3A_465 = tpu.memref_slice %arg4[%add3A_458, %dma_wait3A_463, %dma_wait3A_464] : memref<4096x200x128xf32, #tpu.memory_space<hbm>> -> memref<1x200x64xf32, #tpu.memory_space<hbm>>
    %dma_wait3A_466 = tpu.memref_squeeze %dma_wait3A_465 : memref<1x200x64xf32, #tpu.memory_space<hbm>> -> memref<200x64xf32, #tpu.memory_space<hbm>>
    tpu.wait_dma2 semaphore(%arg16 : memref<!tpu.dma_semaphore, #tpu.memory_space<semaphore_mem>>) src(%arg7 : memref<200x64xf32, #tpu.memory_space<vmem>>) dst(%dma_wait3A_466 : memref<200x64xf32, #tpu.memory_space<hbm>>)
    %dma_start3A_467 = arith.constant 5 : i32
    %dma_start3A_468 = arith.constant 0 : i32
    %dma_start3A_469 = arith.constant 0 : i32
    %dma_start3A_470 = tpu.memref_slice %arg7[%dma_start3A_468, %dma_start3A_469] : memref<200x64xf32, #tpu.memory_space<vmem>> -> memref<40x64xf32, #tpu.memory_space<vmem>>
    %dma_start3A_471 = arith.constant 0 : i32
    %dma_start3A_472 = tpu.memref_slice %arg5[%dma_start3A_467, %dma_start3A_471] : memref<128x200xi32, #tpu.memory_space<vmem>> -> memref<1x40xi32, #tpu.memory_space<vmem>>
    %dma_start3A_473 = tpu.memref_squeeze %dma_start3A_472 : memref<1x40xi32, #tpu.memory_space<vmem>> -> memref<40xi32, #tpu.memory_space<vmem>>
    %dma_start3A_474 = arith.constant 0 : i32
    %dma_start3A_475 = arith.constant 0 : i32
    %dma_start3A_476 = tpu.memref_slice %arg2[%dma_start3A_474, %dma_start3A_475] : memref<2000000x64xf32, #tpu.memory_space<hbm>> -> memref<2000000x64xf32, #tpu.memory_space<hbm>>
    tpu.enqueue_indirect_dma source(%dma_start3A_476 : memref<2000000x64xf32, #tpu.memory_space<hbm>>) target(%dma_start3A_470 : memref<40x64xf32, #tpu.memory_space<vmem>>) offsets(%dma_start3A_473 : memref<40xi32, #tpu.memory_space<vmem>>) semaphore(%arg12 : memref<!tpu.dma_semaphore, #tpu.memory_space<semaphore_mem>>)
    %dma_start3A_477 = arith.constant 5 : i32
    %dma_start3A_478 = arith.constant 40 : i32
    %dma_start3A_479 = arith.constant 0 : i32
    %dma_start3A_480 = tpu.memref_slice %arg7[%dma_start3A_478, %dma_start3A_479] : memref<200x64xf32, #tpu.memory_space<vmem>> -> memref<40x64xf32, #tpu.memory_space<vmem>>
    %dma_start3A_481 = arith.constant 40 : i32
    %dma_start3A_482 = tpu.memref_slice %arg5[%dma_start3A_477, %dma_start3A_481] : memref<128x200xi32, #tpu.memory_space<vmem>> -> memref<1x40xi32, #tpu.memory_space<vmem>>
    %dma_start3A_483 = tpu.memref_squeeze %dma_start3A_482 : memref<1x40xi32, #tpu.memory_space<vmem>> -> memref<40xi32, #tpu.memory_space<vmem>>
    %dma_start3A_484 = arith.constant 0 : i32
    %dma_start3A_485 = arith.constant 0 : i32
    %dma_start3A_486 = tpu.memref_slice %arg2[%dma_start3A_484, %dma_start3A_485] : memref<2000000x64xf32, #tpu.memory_space<hbm>> -> memref<2000000x64xf32, #tpu.memory_space<hbm>>
    tpu.enqueue_indirect_dma source(%dma_start3A_486 : memref<2000000x64xf32, #tpu.memory_space<hbm>>) target(%dma_start3A_480 : memref<40x64xf32, #tpu.memory_space<vmem>>) offsets(%dma_start3A_483 : memref<40xi32, #tpu.memory_space<vmem>>) semaphore(%arg12 : memref<!tpu.dma_semaphore, #tpu.memory_space<semaphore_mem>>)
    %dma_start3A_487 = arith.constant 5 : i32
    %dma_start3A_488 = arith.constant 80 : i32
    %dma_start3A_489 = arith.constant 0 : i32
    %dma_start3A_490 = tpu.memref_slice %arg7[%dma_start3A_488, %dma_start3A_489] : memref<200x64xf32, #tpu.memory_space<vmem>> -> memref<40x64xf32, #tpu.memory_space<vmem>>
    %dma_start3A_491 = arith.constant 80 : i32
    %dma_start3A_492 = tpu.memref_slice %arg5[%dma_start3A_487, %dma_start3A_491] : memref<128x200xi32, #tpu.memory_space<vmem>> -> memref<1x40xi32, #tpu.memory_space<vmem>>
    %dma_start3A_493 = tpu.memref_squeeze %dma_start3A_492 : memref<1x40xi32, #tpu.memory_space<vmem>> -> memref<40xi32, #tpu.memory_space<vmem>>
    %dma_start3A_494 = arith.constant 0 : i32
    %dma_start3A_495 = arith.constant 0 : i32
    %dma_start3A_496 = tpu.memref_slice %arg2[%dma_start3A_494, %dma_start3A_495] : memref<2000000x64xf32, #tpu.memory_space<hbm>> -> memref<2000000x64xf32, #tpu.memory_space<hbm>>
    tpu.enqueue_indirect_dma source(%dma_start3A_496 : memref<2000000x64xf32, #tpu.memory_space<hbm>>) target(%dma_start3A_490 : memref<40x64xf32, #tpu.memory_space<vmem>>) offsets(%dma_start3A_493 : memref<40xi32, #tpu.memory_space<vmem>>) semaphore(%arg12 : memref<!tpu.dma_semaphore, #tpu.memory_space<semaphore_mem>>)
    %dma_start3A_497 = arith.constant 5 : i32
    %dma_start3A_498 = arith.constant 120 : i32
    %dma_start3A_499 = arith.constant 0 : i32
    %dma_start3A_500 = tpu.memref_slice %arg7[%dma_start3A_498, %dma_start3A_499] : memref<200x64xf32, #tpu.memory_space<vmem>> -> memref<40x64xf32, #tpu.memory_space<vmem>>
    %dma_start3A_501 = arith.constant 120 : i32
    %dma_start3A_502 = tpu.memref_slice %arg5[%dma_start3A_497, %dma_start3A_501] : memref<128x200xi32, #tpu.memory_space<vmem>> -> memref<1x40xi32, #tpu.memory_space<vmem>>
    %dma_start3A_503 = tpu.memref_squeeze %dma_start3A_502 : memref<1x40xi32, #tpu.memory_space<vmem>> -> memref<40xi32, #tpu.memory_space<vmem>>
    %dma_start3A_504 = arith.constant 0 : i32
    %dma_start3A_505 = arith.constant 0 : i32
    %dma_start3A_506 = tpu.memref_slice %arg2[%dma_start3A_504, %dma_start3A_505] : memref<2000000x64xf32, #tpu.memory_space<hbm>> -> memref<2000000x64xf32, #tpu.memory_space<hbm>>
    tpu.enqueue_indirect_dma source(%dma_start3A_506 : memref<2000000x64xf32, #tpu.memory_space<hbm>>) target(%dma_start3A_500 : memref<40x64xf32, #tpu.memory_space<vmem>>) offsets(%dma_start3A_503 : memref<40xi32, #tpu.memory_space<vmem>>) semaphore(%arg12 : memref<!tpu.dma_semaphore, #tpu.memory_space<semaphore_mem>>)
    %dma_start3A_507 = arith.constant 5 : i32
    %dma_start3A_508 = arith.constant 160 : i32
    %dma_start3A_509 = arith.constant 0 : i32
    %dma_start3A_510 = tpu.memref_slice %arg7[%dma_start3A_508, %dma_start3A_509] : memref<200x64xf32, #tpu.memory_space<vmem>> -> memref<40x64xf32, #tpu.memory_space<vmem>>
    %dma_start3A_511 = arith.constant 160 : i32
    %dma_start3A_512 = tpu.memref_slice %arg5[%dma_start3A_507, %dma_start3A_511] : memref<128x200xi32, #tpu.memory_space<vmem>> -> memref<1x40xi32, #tpu.memory_space<vmem>>
    %dma_start3A_513 = tpu.memref_squeeze %dma_start3A_512 : memref<1x40xi32, #tpu.memory_space<vmem>> -> memref<40xi32, #tpu.memory_space<vmem>>
    %dma_start3A_514 = arith.constant 0 : i32
    %dma_start3A_515 = arith.constant 0 : i32
    %dma_start3A_516 = tpu.memref_slice %arg2[%dma_start3A_514, %dma_start3A_515] : memref<2000000x64xf32, #tpu.memory_space<hbm>> -> memref<2000000x64xf32, #tpu.memory_space<hbm>>
    tpu.enqueue_indirect_dma source(%dma_start3A_516 : memref<2000000x64xf32, #tpu.memory_space<hbm>>) target(%dma_start3A_510 : memref<40x64xf32, #tpu.memory_space<vmem>>) offsets(%dma_start3A_513 : memref<40xi32, #tpu.memory_space<vmem>>) semaphore(%arg12 : memref<!tpu.dma_semaphore, #tpu.memory_space<semaphore_mem>>)
    %dma_wait3A_517 = arith.constant 3 : i32
    %dma_wait3A_518 = arith.constant 0 : i32
    %dma_wait3A_519 = arith.constant 0 : i32
    %dma_wait3A_520 = tpu.memref_slice %arg9[%dma_wait3A_518, %dma_wait3A_519] : memref<200x64xf32, #tpu.memory_space<vmem>> -> memref<40x64xf32, #tpu.memory_space<vmem>>
    %dma_wait3A_521 = arith.constant 0 : i32
    %dma_wait3A_522 = tpu.memref_slice %arg5[%dma_wait3A_517, %dma_wait3A_521] : memref<128x200xi32, #tpu.memory_space<vmem>> -> memref<1x40xi32, #tpu.memory_space<vmem>>
    %dma_wait3A_523 = tpu.memref_squeeze %dma_wait3A_522 : memref<1x40xi32, #tpu.memory_space<vmem>> -> memref<40xi32, #tpu.memory_space<vmem>>
    %dma_wait3A_524 = arith.constant 0 : i32
    %dma_wait3A_525 = arith.constant 0 : i32
    %dma_wait3A_526 = tpu.memref_slice %arg2[%dma_wait3A_524, %dma_wait3A_525] : memref<2000000x64xf32, #tpu.memory_space<hbm>> -> memref<2000000x64xf32, #tpu.memory_space<hbm>>
    tpu.wait_indirect_dma semaphore(%arg14 : memref<!tpu.dma_semaphore, #tpu.memory_space<semaphore_mem>>) src(%dma_wait3A_526 : memref<2000000x64xf32, #tpu.memory_space<hbm>>) dst(%dma_wait3A_520 : memref<40x64xf32, #tpu.memory_space<vmem>>)
    %dma_wait3A_527 = arith.constant 3 : i32
    %dma_wait3A_528 = arith.constant 40 : i32
    %dma_wait3A_529 = arith.constant 0 : i32
    %dma_wait3A_530 = tpu.memref_slice %arg9[%dma_wait3A_528, %dma_wait3A_529] : memref<200x64xf32, #tpu.memory_space<vmem>> -> memref<40x64xf32, #tpu.memory_space<vmem>>
    %dma_wait3A_531 = arith.constant 40 : i32
    %dma_wait3A_532 = tpu.memref_slice %arg5[%dma_wait3A_527, %dma_wait3A_531] : memref<128x200xi32, #tpu.memory_space<vmem>> -> memref<1x40xi32, #tpu.memory_space<vmem>>
    %dma_wait3A_533 = tpu.memref_squeeze %dma_wait3A_532 : memref<1x40xi32, #tpu.memory_space<vmem>> -> memref<40xi32, #tpu.memory_space<vmem>>
    %dma_wait3A_534 = arith.constant 0 : i32
    %dma_wait3A_535 = arith.constant 0 : i32
    %dma_wait3A_536 = tpu.memref_slice %arg2[%dma_wait3A_534, %dma_wait3A_535] : memref<2000000x64xf32, #tpu.memory_space<hbm>> -> memref<2000000x64xf32, #tpu.memory_space<hbm>>
    tpu.wait_indirect_dma semaphore(%arg14 : memref<!tpu.dma_semaphore, #tpu.memory_space<semaphore_mem>>) src(%dma_wait3A_536 : memref<2000000x64xf32, #tpu.memory_space<hbm>>) dst(%dma_wait3A_530 : memref<40x64xf32, #tpu.memory_space<vmem>>)
    %dma_wait3A_537 = arith.constant 3 : i32
    %dma_wait3A_538 = arith.constant 80 : i32
    %dma_wait3A_539 = arith.constant 0 : i32
    %dma_wait3A_540 = tpu.memref_slice %arg9[%dma_wait3A_538, %dma_wait3A_539] : memref<200x64xf32, #tpu.memory_space<vmem>> -> memref<40x64xf32, #tpu.memory_space<vmem>>
    %dma_wait3A_541 = arith.constant 80 : i32
    %dma_wait3A_542 = tpu.memref_slice %arg5[%dma_wait3A_537, %dma_wait3A_541] : memref<128x200xi32, #tpu.memory_space<vmem>> -> memref<1x40xi32, #tpu.memory_space<vmem>>
    %dma_wait3A_543 = tpu.memref_squeeze %dma_wait3A_542 : memref<1x40xi32, #tpu.memory_space<vmem>> -> memref<40xi32, #tpu.memory_space<vmem>>
    %dma_wait3A_544 = arith.constant 0 : i32
    %dma_wait3A_545 = arith.constant 0 : i32
    %dma_wait3A_546 = tpu.memref_slice %arg2[%dma_wait3A_544, %dma_wait3A_545] : memref<2000000x64xf32, #tpu.memory_space<hbm>> -> memref<2000000x64xf32, #tpu.memory_space<hbm>>
    tpu.wait_indirect_dma semaphore(%arg14 : memref<!tpu.dma_semaphore, #tpu.memory_space<semaphore_mem>>) src(%dma_wait3A_546 : memref<2000000x64xf32, #tpu.memory_space<hbm>>) dst(%dma_wait3A_540 : memref<40x64xf32, #tpu.memory_space<vmem>>)
    %dma_wait3A_547 = arith.constant 3 : i32
    %dma_wait3A_548 = arith.constant 120 : i32
    %dma_wait3A_549 = arith.constant 0 : i32
    %dma_wait3A_550 = tpu.memref_slice %arg9[%dma_wait3A_548, %dma_wait3A_549] : memref<200x64xf32, #tpu.memory_space<vmem>> -> memref<40x64xf32, #tpu.memory_space<vmem>>
    %dma_wait3A_551 = arith.constant 120 : i32
    %dma_wait3A_552 = tpu.memref_slice %arg5[%dma_wait3A_547, %dma_wait3A_551] : memref<128x200xi32, #tpu.memory_space<vmem>> -> memref<1x40xi32, #tpu.memory_space<vmem>>
    %dma_wait3A_553 = tpu.memref_squeeze %dma_wait3A_552 : memref<1x40xi32, #tpu.memory_space<vmem>> -> memref<40xi32, #tpu.memory_space<vmem>>
    %dma_wait3A_554 = arith.constant 0 : i32
    %dma_wait3A_555 = arith.constant 0 : i32
    %dma_wait3A_556 = tpu.memref_slice %arg2[%dma_wait3A_554, %dma_wait3A_555] : memref<2000000x64xf32, #tpu.memory_space<hbm>> -> memref<2000000x64xf32, #tpu.memory_space<hbm>>
    tpu.wait_indirect_dma semaphore(%arg14 : memref<!tpu.dma_semaphore, #tpu.memory_space<semaphore_mem>>) src(%dma_wait3A_556 : memref<2000000x64xf32, #tpu.memory_space<hbm>>) dst(%dma_wait3A_550 : memref<40x64xf32, #tpu.memory_space<vmem>>)
    %dma_wait3A_557 = arith.constant 3 : i32
    %dma_wait3A_558 = arith.constant 160 : i32
    %dma_wait3A_559 = arith.constant 0 : i32
    %dma_wait3A_560 = tpu.memref_slice %arg9[%dma_wait3A_558, %dma_wait3A_559] : memref<200x64xf32, #tpu.memory_space<vmem>> -> memref<40x64xf32, #tpu.memory_space<vmem>>
    %dma_wait3A_561 = arith.constant 160 : i32
    %dma_wait3A_562 = tpu.memref_slice %arg5[%dma_wait3A_557, %dma_wait3A_561] : memref<128x200xi32, #tpu.memory_space<vmem>> -> memref<1x40xi32, #tpu.memory_space<vmem>>
    %dma_wait3A_563 = tpu.memref_squeeze %dma_wait3A_562 : memref<1x40xi32, #tpu.memory_space<vmem>> -> memref<40xi32, #tpu.memory_space<vmem>>
    %dma_wait3A_564 = arith.constant 0 : i32
    %dma_wait3A_565 = arith.constant 0 : i32
    %dma_wait3A_566 = tpu.memref_slice %arg2[%dma_wait3A_564, %dma_wait3A_565] : memref<2000000x64xf32, #tpu.memory_space<hbm>> -> memref<2000000x64xf32, #tpu.memory_space<hbm>>
    tpu.wait_indirect_dma semaphore(%arg14 : memref<!tpu.dma_semaphore, #tpu.memory_space<semaphore_mem>>) src(%dma_wait3A_566 : memref<2000000x64xf32, #tpu.memory_space<hbm>>) dst(%dma_wait3A_560 : memref<40x64xf32, #tpu.memory_space<vmem>>)
    %parallel_loop3A_567 = arith.constant 0 : i32
    %parallel_loop3A_568 = arith.constant 200 : i32
    %parallel_loop3A_569 = arith.constant 1 : i32
    scf.for %parallel_loop3A_998 = %parallel_loop3A_567 to %parallel_loop3A_568 step %parallel_loop3A_569  : i32 {
      %parallel_loop3A_999 = arith.index_cast %parallel_loop3A_998 : i32 to index
      %parallel_loop3A_1000 = arith.constant 0 : index
      %parallel_loop3A_1001 = tpu.vector_load %arg9[%parallel_loop3A_999, %parallel_loop3A_1000] {strides = array<i32>} : memref<200x64xf32, #tpu.memory_space<vmem>>, vector<1x16xf32>,
      %parallel_loop3A_1002 = vector.shape_cast %parallel_loop3A_1001 : vector<1x16xf32> to vector<16xf32>
      %parallel_loop3A_1003 = arith.constant 8.000000e+00 : f32
      %parallel_loop3A_1004 = vector.broadcast %parallel_loop3A_1003 : f32 to vector<16xf32>
      %parallel_loop3A_1005 = arith.mulf %parallel_loop3A_1002, %parallel_loop3A_1004 : vector<16xf32>
      %parallel_loop3A_1006 = arith.index_cast %parallel_loop3A_998 : i32 to index
      %parallel_loop3A_1007 = arith.constant 0 : index
      %parallel_loop3A_1008 = tpu.vector_load %arg9[%parallel_loop3A_1006, %parallel_loop3A_1007] {strides = array<i32>} : memref<200x64xf32, #tpu.memory_space<vmem>>, vector<1x16xf32>,
      %parallel_loop3A_1009 = vector.shape_cast %parallel_loop3A_1008 : vector<1x16xf32> to vector<16xf32>
      %parallel_loop3A_1010 = vector.shape_cast %parallel_loop3A_1005 : vector<16xf32> to vector<1x16xf32>
      tpu.vector_store %arg9[%parallel_loop3A_1006, %parallel_loop3A_1007], %parallel_loop3A_1010 {strides = array<i32>} : memref<200x64xf32, #tpu.memory_space<vmem>>, vector<1x16xf32>,
      %parallel_loop3A_1011 = arith.index_cast %parallel_loop3A_998 : i32 to index
      %parallel_loop3A_1012 = arith.constant 16 : index
      %parallel_loop3A_1013 = tpu.vector_load %arg9[%parallel_loop3A_1011, %parallel_loop3A_1012] {strides = array<i32>} : memref<200x64xf32, #tpu.memory_space<vmem>>, vector<1x16xf32>,
      %parallel_loop3A_1014 = vector.shape_cast %parallel_loop3A_1013 : vector<1x16xf32> to vector<16xf32>
      %parallel_loop3A_1015 = arith.constant 8.000000e+00 : f32
      %parallel_loop3A_1016 = vector.broadcast %parallel_loop3A_1015 : f32 to vector<16xf32>
      %parallel_loop3A_1017 = arith.mulf %parallel_loop3A_1014, %parallel_loop3A_1016 : vector<16xf32>
      %parallel_loop3A_1018 = arith.index_cast %parallel_loop3A_998 : i32 to index
      %parallel_loop3A_1019 = arith.constant 16 : index
      %parallel_loop3A_1020 = tpu.vector_load %arg9[%parallel_loop3A_1018, %parallel_loop3A_1019] {strides = array<i32>} : memref<200x64xf32, #tpu.memory_space<vmem>>, vector<1x16xf32>,
      %parallel_loop3A_1021 = vector.shape_cast %parallel_loop3A_1020 : vector<1x16xf32> to vector<16xf32>
      %parallel_loop3A_1022 = vector.shape_cast %parallel_loop3A_1017 : vector<16xf32> to vector<1x16xf32>
      tpu.vector_store %arg9[%parallel_loop3A_1018, %parallel_loop3A_1019], %parallel_loop3A_1022 {strides = array<i32>} : memref<200x64xf32, #tpu.memory_space<vmem>>, vector<1x16xf32>,
      %parallel_loop3A_1023 = arith.index_cast %parallel_loop3A_998 : i32 to index
      %parallel_loop3A_1024 = arith.constant 32 : index
      %parallel_loop3A_1025 = tpu.vector_load %arg9[%parallel_loop3A_1023, %parallel_loop3A_1024] {strides = array<i32>} : memref<200x64xf32, #tpu.memory_space<vmem>>, vector<1x16xf32>,
      %parallel_loop3A_1026 = vector.shape_cast %parallel_loop3A_1025 : vector<1x16xf32> to vector<16xf32>
      %parallel_loop3A_1027 = arith.constant 8.000000e+00 : f32
      %parallel_loop3A_1028 = vector.broadcast %parallel_loop3A_1027 : f32 to vector<16xf32>
      %parallel_loop3A_1029 = arith.mulf %parallel_loop3A_1026, %parallel_loop3A_1028 : vector<16xf32>
      %parallel_loop3A_1030 = arith.index_cast %parallel_loop3A_998 : i32 to index
      %parallel_loop3A_1031 = arith.constant 32 : index
      %parallel_loop3A_1032 = tpu.vector_load %arg9[%parallel_loop3A_1030, %parallel_loop3A_1031] {strides = array<i32>} : memref<200x64xf32, #tpu.memory_space<vmem>>, vector<1x16xf32>,
      %parallel_loop3A_1033 = vector.shape_cast %parallel_loop3A_1032 : vector<1x16xf32> to vector<16xf32>
      %parallel_loop3A_1034 = vector.shape_cast %parallel_loop3A_1029 : vector<16xf32> to vector<1x16xf32>
      tpu.vector_store %arg9[%parallel_loop3A_1030, %parallel_loop3A_1031], %parallel_loop3A_1034 {strides = array<i32>} : memref<200x64xf32, #tpu.memory_space<vmem>>, vector<1x16xf32>,
      %parallel_loop3A_1035 = arith.index_cast %parallel_loop3A_998 : i32 to index
      %parallel_loop3A_1036 = arith.constant 48 : index
      %parallel_loop3A_1037 = tpu.vector_load %arg9[%parallel_loop3A_1035, %parallel_loop3A_1036] {strides = array<i32>} : memref<200x64xf32, #tpu.memory_space<vmem>>, vector<1x16xf32>,
      %parallel_loop3A_1038 = vector.shape_cast %parallel_loop3A_1037 : vector<1x16xf32> to vector<16xf32>
      %parallel_loop3A_1039 = arith.constant 8.000000e+00 : f32
      %parallel_loop3A_1040 = vector.broadcast %parallel_loop3A_1039 : f32 to vector<16xf32>
      %parallel_loop3A_1041 = arith.mulf %parallel_loop3A_1038, %parallel_loop3A_1040 : vector<16xf32>
      %parallel_loop3A_1042 = arith.index_cast %parallel_loop3A_998 : i32 to index
      %parallel_loop3A_1043 = arith.constant 48 : index
      %parallel_loop3A_1044 = tpu.vector_load %arg9[%parallel_loop3A_1042, %parallel_loop3A_1043] {strides = array<i32>} : memref<200x64xf32, #tpu.memory_space<vmem>>, vector<1x16xf32>,
      %parallel_loop3A_1045 = vector.shape_cast %parallel_loop3A_1044 : vector<1x16xf32> to vector<16xf32>
      %parallel_loop3A_1046 = vector.shape_cast %parallel_loop3A_1041 : vector<16xf32> to vector<1x16xf32>
      tpu.vector_store %arg9[%parallel_loop3A_1042, %parallel_loop3A_1043], %parallel_loop3A_1046 {strides = array<i32>} : memref<200x64xf32, #tpu.memory_space<vmem>>, vector<1x16xf32>,
    } {sc.loop_unroll_factor = 8 : i64, sc.parallel_access}
    %add3A_570 = arith.constant 3 : i32
    %add3A_571 = arith.addi %mul3A_2, %add3A_570 : i32
    %dma_start3A_572 = arith.constant 0 : i32
    %dma_start3A_573 = arith.constant 0 : i32
    %dma_start3A_574 = tpu.memref_slice %arg4[%add3A_571, %dma_start3A_572, %dma_start3A_573] : memref<4096x200x128xf32, #tpu.memory_space<hbm>> -> memref<1x200x64xf32, #tpu.memory_space<hbm>>
    %dma_start3A_575 = tpu.memref_squeeze %dma_start3A_574 : memref<1x200x64xf32, #tpu.memory_space<hbm>> -> memref<200x64xf32, #tpu.memory_space<hbm>>
    %dma_start3A_576 = arith.constant 0 : i32
    %dma_start3A_577 = arith.constant 0 : i32
    %dma_start3A_578 = tpu.memref_slice %arg4[%add3A_571, %dma_start3A_576, %dma_start3A_577] : memref<4096x200x128xf32, #tpu.memory_space<hbm>> -> memref<1x200x64xf32, #tpu.memory_space<hbm>>
    %dma_start3A_579 = tpu.memref_squeeze %dma_start3A_578 : memref<1x200x64xf32, #tpu.memory_space<hbm>> -> memref<200x64xf32, #tpu.memory_space<hbm>>
    tpu.enqueue_dma source(%arg9 : memref<200x64xf32, #tpu.memory_space<vmem>>) target(%dma_start3A_579 : memref<200x64xf32, #tpu.memory_space<hbm>>) target_semaphore(%arg18 : memref<!tpu.dma_semaphore, #tpu.memory_space<semaphore_mem>>)
    %add3A_580 = arith.constant 2 : i32
    %add3A_581 = arith.addi %mul3A_2, %add3A_580 : i32
    %dma_wait3A_582 = arith.constant 0 : i32
    %dma_wait3A_583 = arith.constant 0 : i32
    %dma_wait3A_584 = tpu.memref_slice %arg4[%add3A_581, %dma_wait3A_582, %dma_wait3A_583] : memref<4096x200x128xf32, #tpu.memory_space<hbm>> -> memref<1x200x64xf32, #tpu.memory_space<hbm>>
    %dma_wait3A_585 = tpu.memref_squeeze %dma_wait3A_584 : memref<1x200x64xf32, #tpu.memory_space<hbm>> -> memref<200x64xf32, #tpu.memory_space<hbm>>
    %dma_wait3A_586 = arith.constant 0 : i32
    %dma_wait3A_587 = arith.constant 0 : i32
    %dma_wait3A_588 = tpu.memref_slice %arg4[%add3A_581, %dma_wait3A_586, %dma_wait3A_587] : memref<4096x200x128xf32, #tpu.memory_space<hbm>> -> memref<1x200x64xf32, #tpu.memory_space<hbm>>
    %dma_wait3A_589 = tpu.memref_squeeze %dma_wait3A_588 : memref<1x200x64xf32, #tpu.memory_space<hbm>> -> memref<200x64xf32, #tpu.memory_space<hbm>>
    tpu.wait_dma2 semaphore(%arg17 : memref<!tpu.dma_semaphore, #tpu.memory_space<semaphore_mem>>) src(%arg8 : memref<200x64xf32, #tpu.memory_space<vmem>>) dst(%dma_wait3A_589 : memref<200x64xf32, #tpu.memory_space<hbm>>)
    %dma_start3A_590 = arith.constant 6 : i32
    %dma_start3A_591 = arith.constant 0 : i32
    %dma_start3A_592 = arith.constant 0 : i32
    %dma_start3A_593 = tpu.memref_slice %arg8[%dma_start3A_591, %dma_start3A_592] : memref<200x64xf32, #tpu.memory_space<vmem>> -> memref<40x64xf32, #tpu.memory_space<vmem>>
    %dma_start3A_594 = arith.constant 0 : i32
    %dma_start3A_595 = tpu.memref_slice %arg5[%dma_start3A_590, %dma_start3A_594] : memref<128x200xi32, #tpu.memory_space<vmem>> -> memref<1x40xi32, #tpu.memory_space<vmem>>
    %dma_start3A_596 = tpu.memref_squeeze %dma_start3A_595 : memref<1x40xi32, #tpu.memory_space<vmem>> -> memref<40xi32, #tpu.memory_space<vmem>>
    %dma_start3A_597 = arith.constant 0 : i32
    %dma_start3A_598 = arith.constant 0 : i32
    %dma_start3A_599 = tpu.memref_slice %arg2[%dma_start3A_597, %dma_start3A_598] : memref<2000000x64xf32, #tpu.memory_space<hbm>> -> memref<2000000x64xf32, #tpu.memory_space<hbm>>
    tpu.enqueue_indirect_dma source(%dma_start3A_599 : memref<2000000x64xf32, #tpu.memory_space<hbm>>) target(%dma_start3A_593 : memref<40x64xf32, #tpu.memory_space<vmem>>) offsets(%dma_start3A_596 : memref<40xi32, #tpu.memory_space<vmem>>) semaphore(%arg13 : memref<!tpu.dma_semaphore, #tpu.memory_space<semaphore_mem>>)
    %dma_start3A_600 = arith.constant 6 : i32
    %dma_start3A_601 = arith.constant 40 : i32
    %dma_start3A_602 = arith.constant 0 : i32
    %dma_start3A_603 = tpu.memref_slice %arg8[%dma_start3A_601, %dma_start3A_602] : memref<200x64xf32, #tpu.memory_space<vmem>> -> memref<40x64xf32, #tpu.memory_space<vmem>>
    %dma_start3A_604 = arith.constant 40 : i32
    %dma_start3A_605 = tpu.memref_slice %arg5[%dma_start3A_600, %dma_start3A_604] : memref<128x200xi32, #tpu.memory_space<vmem>> -> memref<1x40xi32, #tpu.memory_space<vmem>>
    %dma_start3A_606 = tpu.memref_squeeze %dma_start3A_605 : memref<1x40xi32, #tpu.memory_space<vmem>> -> memref<40xi32, #tpu.memory_space<vmem>>
    %dma_start3A_607 = arith.constant 0 : i32
    %dma_start3A_608 = arith.constant 0 : i32
    %dma_start3A_609 = tpu.memref_slice %arg2[%dma_start3A_607, %dma_start3A_608] : memref<2000000x64xf32, #tpu.memory_space<hbm>> -> memref<2000000x64xf32, #tpu.memory_space<hbm>>
    tpu.enqueue_indirect_dma source(%dma_start3A_609 : memref<2000000x64xf32, #tpu.memory_space<hbm>>) target(%dma_start3A_603 : memref<40x64xf32, #tpu.memory_space<vmem>>) offsets(%dma_start3A_606 : memref<40xi32, #tpu.memory_space<vmem>>) semaphore(%arg13 : memref<!tpu.dma_semaphore, #tpu.memory_space<semaphore_mem>>)
    %dma_start3A_610 = arith.constant 6 : i32
    %dma_start3A_611 = arith.constant 80 : i32
    %dma_start3A_612 = arith.constant 0 : i32
    %dma_start3A_613 = tpu.memref_slice %arg8[%dma_start3A_611, %dma_start3A_612] : memref<200x64xf32, #tpu.memory_space<vmem>> -> memref<40x64xf32, #tpu.memory_space<vmem>>
    %dma_start3A_614 = arith.constant 80 : i32
    %dma_start3A_615 = tpu.memref_slice %arg5[%dma_start3A_610, %dma_start3A_614] : memref<128x200xi32, #tpu.memory_space<vmem>> -> memref<1x40xi32, #tpu.memory_space<vmem>>
    %dma_start3A_616 = tpu.memref_squeeze %dma_start3A_615 : memref<1x40xi32, #tpu.memory_space<vmem>> -> memref<40xi32, #tpu.memory_space<vmem>>
    %dma_start3A_617 = arith.constant 0 : i32
    %dma_start3A_618 = arith.constant 0 : i32
    %dma_start3A_619 = tpu.memref_slice %arg2[%dma_start3A_617, %dma_start3A_618] : memref<2000000x64xf32, #tpu.memory_space<hbm>> -> memref<2000000x64xf32, #tpu.memory_space<hbm>>
    tpu.enqueue_indirect_dma source(%dma_start3A_619 : memref<2000000x64xf32, #tpu.memory_space<hbm>>) target(%dma_start3A_613 : memref<40x64xf32, #tpu.memory_space<vmem>>) offsets(%dma_start3A_616 : memref<40xi32, #tpu.memory_space<vmem>>) semaphore(%arg13 : memref<!tpu.dma_semaphore, #tpu.memory_space<semaphore_mem>>)
    %dma_start3A_620 = arith.constant 6 : i32
    %dma_start3A_621 = arith.constant 120 : i32
    %dma_start3A_622 = arith.constant 0 : i32
    %dma_start3A_623 = tpu.memref_slice %arg8[%dma_start3A_621, %dma_start3A_622] : memref<200x64xf32, #tpu.memory_space<vmem>> -> memref<40x64xf32, #tpu.memory_space<vmem>>
    %dma_start3A_624 = arith.constant 120 : i32
    %dma_start3A_625 = tpu.memref_slice %arg5[%dma_start3A_620, %dma_start3A_624] : memref<128x200xi32, #tpu.memory_space<vmem>> -> memref<1x40xi32, #tpu.memory_space<vmem>>
    %dma_start3A_626 = tpu.memref_squeeze %dma_start3A_625 : memref<1x40xi32, #tpu.memory_space<vmem>> -> memref<40xi32, #tpu.memory_space<vmem>>
    %dma_start3A_627 = arith.constant 0 : i32
    %dma_start3A_628 = arith.constant 0 : i32
    %dma_start3A_629 = tpu.memref_slice %arg2[%dma_start3A_627, %dma_start3A_628] : memref<2000000x64xf32, #tpu.memory_space<hbm>> -> memref<2000000x64xf32, #tpu.memory_space<hbm>>
    tpu.enqueue_indirect_dma source(%dma_start3A_629 : memref<2000000x64xf32, #tpu.memory_space<hbm>>) target(%dma_start3A_623 : memref<40x64xf32, #tpu.memory_space<vmem>>) offsets(%dma_start3A_626 : memref<40xi32, #tpu.memory_space<vmem>>) semaphore(%arg13 : memref<!tpu.dma_semaphore, #tpu.memory_space<semaphore_mem>>)
    %dma_start3A_630 = arith.constant 6 : i32
    %dma_start3A_631 = arith.constant 160 : i32
    %dma_start3A_632 = arith.constant 0 : i32
    %dma_start3A_633 = tpu.memref_slice %arg8[%dma_start3A_631, %dma_start3A_632] : memref<200x64xf32, #tpu.memory_space<vmem>> -> memref<40x64xf32, #tpu.memory_space<vmem>>
    %dma_start3A_634 = arith.constant 160 : i32
    %dma_start3A_635 = tpu.memref_slice %arg5[%dma_start3A_630, %dma_start3A_634] : memref<128x200xi32, #tpu.memory_space<vmem>> -> memref<1x40xi32, #tpu.memory_space<vmem>>
    %dma_start3A_636 = tpu.memref_squeeze %dma_start3A_635 : memref<1x40xi32, #tpu.memory_space<vmem>> -> memref<40xi32, #tpu.memory_space<vmem>>
    %dma_start3A_637 = arith.constant 0 : i32
    %dma_start3A_638 = arith.constant 0 : i32
    %dma_start3A_639 = tpu.memref_slice %arg2[%dma_start3A_637, %dma_start3A_638] : memref<2000000x64xf32, #tpu.memory_space<hbm>> -> memref<2000000x64xf32, #tpu.memory_space<hbm>>
    tpu.enqueue_indirect_dma source(%dma_start3A_639 : memref<2000000x64xf32, #tpu.memory_space<hbm>>) target(%dma_start3A_633 : memref<40x64xf32, #tpu.memory_space<vmem>>) offsets(%dma_start3A_636 : memref<40xi32, #tpu.memory_space<vmem>>) semaphore(%arg13 : memref<!tpu.dma_semaphore, #tpu.memory_space<semaphore_mem>>)
    %scan3A = arith.constant 0 : i32
    %scan3A_640 = arith.constant 1 : i32
    %scan3A_641 = arith.constant 30 : i32
    %scan3A_642 = arith.addi %scan3A_640, %scan3A_641 : i32
    %scan3A_643 = arith.constant 1 : i32
    %scan3A_644 = scf.for %scan3A_998 = %scan3A_640 to %scan3A_642 step %scan3A_643 iter_args(%scan3A_999 = %scan3A) -> (i32)  : i32 {
      %mul3A_1000 = arith.constant 4 : i32
      %mul3A_1001 = arith.muli %scan3A_998, %mul3A_1000 : i32
      %add3A_1002 = arith.constant 0 : i32
      %add3A_1003 = arith.addi %mul3A_1001, %add3A_1002 : i32
      %dma_wait3A_1004 = arith.constant 0 : i32
      %dma_wait3A_1005 = arith.constant 0 : i32
      %dma_wait3A_1006 = tpu.memref_slice %arg6[%dma_wait3A_1004, %dma_wait3A_1005] : memref<200x64xf32, #tpu.memory_space<vmem>> -> memref<40x64xf32, #tpu.memory_space<vmem>>
      %dma_wait3A_1007 = arith.constant 0 : i32
      %dma_wait3A_1008 = tpu.memref_slice %arg5[%add3A_1003, %dma_wait3A_1007] : memref<128x200xi32, #tpu.memory_space<vmem>> -> memref<1x40xi32, #tpu.memory_space<vmem>>
      %dma_wait3A_1009 = tpu.memref_squeeze %dma_wait3A_1008 : memref<1x40xi32, #tpu.memory_space<vmem>> -> memref<40xi32, #tpu.memory_space<vmem>>
      %dma_wait3A_1010 = arith.constant 0 : i32
      %dma_wait3A_1011 = arith.constant 0 : i32
      %dma_wait3A_1012 = tpu.memref_slice %arg2[%dma_wait3A_1010, %dma_wait3A_1011] : memref<2000000x64xf32, #tpu.memory_space<hbm>> -> memref<2000000x64xf32, #tpu.memory_space<hbm>>
      tpu.wait_indirect_dma semaphore(%arg11 : memref<!tpu.dma_semaphore, #tpu.memory_space<semaphore_mem>>) src(%dma_wait3A_1012 : memref<2000000x64xf32, #tpu.memory_space<hbm>>) dst(%dma_wait3A_1006 : memref<40x64xf32, #tpu.memory_space<vmem>>)
      %dma_wait3A_1013 = arith.constant 40 : i32
      %dma_wait3A_1014 = arith.constant 0 : i32
      %dma_wait3A_1015 = tpu.memref_slice %arg6[%dma_wait3A_1013, %dma_wait3A_1014] : memref<200x64xf32, #tpu.memory_space<vmem>> -> memref<40x64xf32, #tpu.memory_space<vmem>>
      %dma_wait3A_1016 = arith.constant 40 : i32
      %dma_wait3A_1017 = tpu.memref_slice %arg5[%add3A_1003, %dma_wait3A_1016] : memref<128x200xi32, #tpu.memory_space<vmem>> -> memref<1x40xi32, #tpu.memory_space<vmem>>
      %dma_wait3A_1018 = tpu.memref_squeeze %dma_wait3A_1017 : memref<1x40xi32, #tpu.memory_space<vmem>> -> memref<40xi32, #tpu.memory_space<vmem>>
      %dma_wait3A_1019 = arith.constant 0 : i32
      %dma_wait3A_1020 = arith.constant 0 : i32
      %dma_wait3A_1021 = tpu.memref_slice %arg2[%dma_wait3A_1019, %dma_wait3A_1020] : memref<2000000x64xf32, #tpu.memory_space<hbm>> -> memref<2000000x64xf32, #tpu.memory_space<hbm>>
      tpu.wait_indirect_dma semaphore(%arg11 : memref<!tpu.dma_semaphore, #tpu.memory_space<semaphore_mem>>) src(%dma_wait3A_1021 : memref<2000000x64xf32, #tpu.memory_space<hbm>>) dst(%dma_wait3A_1015 : memref<40x64xf32, #tpu.memory_space<vmem>>)
      %dma_wait3A_1022 = arith.constant 80 : i32
      %dma_wait3A_1023 = arith.constant 0 : i32
      %dma_wait3A_1024 = tpu.memref_slice %arg6[%dma_wait3A_1022, %dma_wait3A_1023] : memref<200x64xf32, #tpu.memory_space<vmem>> -> memref<40x64xf32, #tpu.memory_space<vmem>>
      %dma_wait3A_1025 = arith.constant 80 : i32
      %dma_wait3A_1026 = tpu.memref_slice %arg5[%add3A_1003, %dma_wait3A_1025] : memref<128x200xi32, #tpu.memory_space<vmem>> -> memref<1x40xi32, #tpu.memory_space<vmem>>
      %dma_wait3A_1027 = tpu.memref_squeeze %dma_wait3A_1026 : memref<1x40xi32, #tpu.memory_space<vmem>> -> memref<40xi32, #tpu.memory_space<vmem>>
      %dma_wait3A_1028 = arith.constant 0 : i32
      %dma_wait3A_1029 = arith.constant 0 : i32
      %dma_wait3A_1030 = tpu.memref_slice %arg2[%dma_wait3A_1028, %dma_wait3A_1029] : memref<2000000x64xf32, #tpu.memory_space<hbm>> -> memref<2000000x64xf32, #tpu.memory_space<hbm>>
      tpu.wait_indirect_dma semaphore(%arg11 : memref<!tpu.dma_semaphore, #tpu.memory_space<semaphore_mem>>) src(%dma_wait3A_1030 : memref<2000000x64xf32, #tpu.memory_space<hbm>>) dst(%dma_wait3A_1024 : memref<40x64xf32, #tpu.memory_space<vmem>>)
      %dma_wait3A_1031 = arith.constant 120 : i32
      %dma_wait3A_1032 = arith.constant 0 : i32
      %dma_wait3A_1033 = tpu.memref_slice %arg6[%dma_wait3A_1031, %dma_wait3A_1032] : memref<200x64xf32, #tpu.memory_space<vmem>> -> memref<40x64xf32, #tpu.memory_space<vmem>>
      %dma_wait3A_1034 = arith.constant 120 : i32
      %dma_wait3A_1035 = tpu.memref_slice %arg5[%add3A_1003, %dma_wait3A_1034] : memref<128x200xi32, #tpu.memory_space<vmem>> -> memref<1x40xi32, #tpu.memory_space<vmem>>
      %dma_wait3A_1036 = tpu.memref_squeeze %dma_wait3A_1035 : memref<1x40xi32, #tpu.memory_space<vmem>> -> memref<40xi32, #tpu.memory_space<vmem>>
      %dma_wait3A_1037 = arith.constant 0 : i32
      %dma_wait3A_1038 = arith.constant 0 : i32
      %dma_wait3A_1039 = tpu.memref_slice %arg2[%dma_wait3A_1037, %dma_wait3A_1038] : memref<2000000x64xf32, #tpu.memory_space<hbm>> -> memref<2000000x64xf32, #tpu.memory_space<hbm>>
      tpu.wait_indirect_dma semaphore(%arg11 : memref<!tpu.dma_semaphore, #tpu.memory_space<semaphore_mem>>) src(%dma_wait3A_1039 : memref<2000000x64xf32, #tpu.memory_space<hbm>>) dst(%dma_wait3A_1033 : memref<40x64xf32, #tpu.memory_space<vmem>>)
      %dma_wait3A_1040 = arith.constant 160 : i32
      %dma_wait3A_1041 = arith.constant 0 : i32
      %dma_wait3A_1042 = tpu.memref_slice %arg6[%dma_wait3A_1040, %dma_wait3A_1041] : memref<200x64xf32, #tpu.memory_space<vmem>> -> memref<40x64xf32, #tpu.memory_space<vmem>>
      %dma_wait3A_1043 = arith.constant 160 : i32
      %dma_wait3A_1044 = tpu.memref_slice %arg5[%add3A_1003, %dma_wait3A_1043] : memref<128x200xi32, #tpu.memory_space<vmem>> -> memref<1x40xi32, #tpu.memory_space<vmem>>
      %dma_wait3A_1045 = tpu.memref_squeeze %dma_wait3A_1044 : memref<1x40xi32, #tpu.memory_space<vmem>> -> memref<40xi32, #tpu.memory_space<vmem>>
      %dma_wait3A_1046 = arith.constant 0 : i32
      %dma_wait3A_1047 = arith.constant 0 : i32
      %dma_wait3A_1048 = tpu.memref_slice %arg2[%dma_wait3A_1046, %dma_wait3A_1047] : memref<2000000x64xf32, #tpu.memory_space<hbm>> -> memref<2000000x64xf32, #tpu.memory_space<hbm>>
      tpu.wait_indirect_dma semaphore(%arg11 : memref<!tpu.dma_semaphore, #tpu.memory_space<semaphore_mem>>) src(%dma_wait3A_1048 : memref<2000000x64xf32, #tpu.memory_space<hbm>>) dst(%dma_wait3A_1042 : memref<40x64xf32, #tpu.memory_space<vmem>>)
      %parallel_loop3A_1049 = arith.constant 0 : i32
      %parallel_loop3A_1050 = arith.constant 200 : i32
      %parallel_loop3A_1051 = arith.constant 1 : i32
      scf.for %parallel_loop3A_1484 = %parallel_loop3A_1049 to %parallel_loop3A_1050 step %parallel_loop3A_1051  : i32 {
        %parallel_loop3A_1485 = arith.index_cast %parallel_loop3A_1484 : i32 to index
        %parallel_loop3A_1486 = arith.constant 0 : index
        %parallel_loop3A_1487 = tpu.vector_load %arg6[%parallel_loop3A_1485, %parallel_loop3A_1486] {strides = array<i32>} : memref<200x64xf32, #tpu.memory_space<vmem>>, vector<1x16xf32>,
        %parallel_loop3A_1488 = vector.shape_cast %parallel_loop3A_1487 : vector<1x16xf32> to vector<16xf32>
        %parallel_loop3A_1489 = arith.constant 8.000000e+00 : f32
        %parallel_loop3A_1490 = vector.broadcast %parallel_loop3A_1489 : f32 to vector<16xf32>
        %parallel_loop3A_1491 = arith.mulf %parallel_loop3A_1488, %parallel_loop3A_1490 : vector<16xf32>
        %parallel_loop3A_1492 = arith.index_cast %parallel_loop3A_1484 : i32 to index
        %parallel_loop3A_1493 = arith.constant 0 : index
        %parallel_loop3A_1494 = tpu.vector_load %arg6[%parallel_loop3A_1492, %parallel_loop3A_1493] {strides = array<i32>} : memref<200x64xf32, #tpu.memory_space<vmem>>, vector<1x16xf32>,
        %parallel_loop3A_1495 = vector.shape_cast %parallel_loop3A_1494 : vector<1x16xf32> to vector<16xf32>
        %parallel_loop3A_1496 = vector.shape_cast %parallel_loop3A_1491 : vector<16xf32> to vector<1x16xf32>
        tpu.vector_store %arg6[%parallel_loop3A_1492, %parallel_loop3A_1493], %parallel_loop3A_1496 {strides = array<i32>} : memref<200x64xf32, #tpu.memory_space<vmem>>, vector<1x16xf32>,
        %parallel_loop3A_1497 = arith.index_cast %parallel_loop3A_1484 : i32 to index
        %parallel_loop3A_1498 = arith.constant 16 : index
        %parallel_loop3A_1499 = tpu.vector_load %arg6[%parallel_loop3A_1497, %parallel_loop3A_1498] {strides = array<i32>} : memref<200x64xf32, #tpu.memory_space<vmem>>, vector<1x16xf32>,
        %parallel_loop3A_1500 = vector.shape_cast %parallel_loop3A_1499 : vector<1x16xf32> to vector<16xf32>
        %parallel_loop3A_1501 = arith.constant 8.000000e+00 : f32
        %parallel_loop3A_1502 = vector.broadcast %parallel_loop3A_1501 : f32 to vector<16xf32>
        %parallel_loop3A_1503 = arith.mulf %parallel_loop3A_1500, %parallel_loop3A_1502 : vector<16xf32>
        %parallel_loop3A_1504 = arith.index_cast %parallel_loop3A_1484 : i32 to index
        %parallel_loop3A_1505 = arith.constant 16 : index
        %parallel_loop3A_1506 = tpu.vector_load %arg6[%parallel_loop3A_1504, %parallel_loop3A_1505] {strides = array<i32>} : memref<200x64xf32, #tpu.memory_space<vmem>>, vector<1x16xf32>,
        %parallel_loop3A_1507 = vector.shape_cast %parallel_loop3A_1506 : vector<1x16xf32> to vector<16xf32>
        %parallel_loop3A_1508 = vector.shape_cast %parallel_loop3A_1503 : vector<16xf32> to vector<1x16xf32>
        tpu.vector_store %arg6[%parallel_loop3A_1504, %parallel_loop3A_1505], %parallel_loop3A_1508 {strides = array<i32>} : memref<200x64xf32, #tpu.memory_space<vmem>>, vector<1x16xf32>,
        %parallel_loop3A_1509 = arith.index_cast %parallel_loop3A_1484 : i32 to index
        %parallel_loop3A_1510 = arith.constant 32 : index
        %parallel_loop3A_1511 = tpu.vector_load %arg6[%parallel_loop3A_1509, %parallel_loop3A_1510] {strides = array<i32>} : memref<200x64xf32, #tpu.memory_space<vmem>>, vector<1x16xf32>,
        %parallel_loop3A_1512 = vector.shape_cast %parallel_loop3A_1511 : vector<1x16xf32> to vector<16xf32>
        %parallel_loop3A_1513 = arith.constant 8.000000e+00 : f32
        %parallel_loop3A_1514 = vector.broadcast %parallel_loop3A_1513 : f32 to vector<16xf32>
        %parallel_loop3A_1515 = arith.mulf %parallel_loop3A_1512, %parallel_loop3A_1514 : vector<16xf32>
        %parallel_loop3A_1516 = arith.index_cast %parallel_loop3A_1484 : i32 to index
        %parallel_loop3A_1517 = arith.constant 32 : index
        %parallel_loop3A_1518 = tpu.vector_load %arg6[%parallel_loop3A_1516, %parallel_loop3A_1517] {strides = array<i32>} : memref<200x64xf32, #tpu.memory_space<vmem>>, vector<1x16xf32>,
        %parallel_loop3A_1519 = vector.shape_cast %parallel_loop3A_1518 : vector<1x16xf32> to vector<16xf32>
        %parallel_loop3A_1520 = vector.shape_cast %parallel_loop3A_1515 : vector<16xf32> to vector<1x16xf32>
        tpu.vector_store %arg6[%parallel_loop3A_1516, %parallel_loop3A_1517], %parallel_loop3A_1520 {strides = array<i32>} : memref<200x64xf32, #tpu.memory_space<vmem>>, vector<1x16xf32>,
        %parallel_loop3A_1521 = arith.index_cast %parallel_loop3A_1484 : i32 to index
        %parallel_loop3A_1522 = arith.constant 48 : index
        %parallel_loop3A_1523 = tpu.vector_load %arg6[%parallel_loop3A_1521, %parallel_loop3A_1522] {strides = array<i32>} : memref<200x64xf32, #tpu.memory_space<vmem>>, vector<1x16xf32>,
        %parallel_loop3A_1524 = vector.shape_cast %parallel_loop3A_1523 : vector<1x16xf32> to vector<16xf32>
        %parallel_loop3A_1525 = arith.constant 8.000000e+00 : f32
        %parallel_loop3A_1526 = vector.broadcast %parallel_loop3A_1525 : f32 to vector<16xf32>
        %parallel_loop3A_1527 = arith.mulf %parallel_loop3A_1524, %parallel_loop3A_1526 : vector<16xf32>
        %parallel_loop3A_1528 = arith.index_cast %parallel_loop3A_1484 : i32 to index
        %parallel_loop3A_1529 = arith.constant 48 : index
        %parallel_loop3A_1530 = tpu.vector_load %arg6[%parallel_loop3A_1528, %parallel_loop3A_1529] {strides = array<i32>} : memref<200x64xf32, #tpu.memory_space<vmem>>, vector<1x16xf32>,
        %parallel_loop3A_1531 = vector.shape_cast %parallel_loop3A_1530 : vector<1x16xf32> to vector<16xf32>
        %parallel_loop3A_1532 = vector.shape_cast %parallel_loop3A_1527 : vector<16xf32> to vector<1x16xf32>
        tpu.vector_store %arg6[%parallel_loop3A_1528, %parallel_loop3A_1529], %parallel_loop3A_1532 {strides = array<i32>} : memref<200x64xf32, #tpu.memory_space<vmem>>, vector<1x16xf32>,
      } {sc.loop_unroll_factor = 8 : i64, sc.parallel_access}
      %add3A_1052 = arith.addi %mul3A_2, %add3A_1003 : i32
      %dma_start3A_1053 = arith.constant 0 : i32
      %dma_start3A_1054 = arith.constant 0 : i32
      %dma_start3A_1055 = tpu.memref_slice %arg4[%add3A_1052, %dma_start3A_1053, %dma_start3A_1054] : memref<4096x200x128xf32, #tpu.memory_space<hbm>> -> memref<1x200x64xf32, #tpu.memory_space<hbm>>
      %dma_start3A_1056 = tpu.memref_squeeze %dma_start3A_1055 : memref<1x200x64xf32, #tpu.memory_space<hbm>> -> memref<200x64xf32, #tpu.memory_space<hbm>>
      %dma_start3A_1057 = arith.constant 0 : i32
      %dma_start3A_1058 = arith.constant 0 : i32
      %dma_start3A_1059 = tpu.memref_slice %arg4[%add3A_1052, %dma_start3A_1057, %dma_start3A_1058] : memref<4096x200x128xf32, #tpu.memory_space<hbm>> -> memref<1x200x64xf32, #tpu.memory_space<hbm>>
      %dma_start3A_1060 = tpu.memref_squeeze %dma_start3A_1059 : memref<1x200x64xf32, #tpu.memory_space<hbm>> -> memref<200x64xf32, #tpu.memory_space<hbm>>
      tpu.enqueue_dma source(%arg6 : memref<200x64xf32, #tpu.memory_space<vmem>>) target(%dma_start3A_1060 : memref<200x64xf32, #tpu.memory_space<hbm>>) target_semaphore(%arg15 : memref<!tpu.dma_semaphore, #tpu.memory_space<semaphore_mem>>)
      %sub3A = arith.constant 1 : i32
      %sub3A_1061 = arith.subi %add3A_1003, %sub3A : i32
      %add3A_1062 = arith.addi %mul3A_2, %sub3A_1061 : i32
      %dma_wait3A_1063 = arith.constant 0 : i32
      %dma_wait3A_1064 = arith.constant 0 : i32
      %dma_wait3A_1065 = tpu.memref_slice %arg4[%add3A_1062, %dma_wait3A_1063, %dma_wait3A_1064] : memref<4096x200x128xf32, #tpu.memory_space<hbm>> -> memref<1x200x64xf32, #tpu.memory_space<hbm>>
      %dma_wait3A_1066 = tpu.memref_squeeze %dma_wait3A_1065 : memref<1x200x64xf32, #tpu.memory_space<hbm>> -> memref<200x64xf32, #tpu.memory_space<hbm>>
      %dma_wait3A_1067 = arith.constant 0 : i32
      %dma_wait3A_1068 = arith.constant 0 : i32
      %dma_wait3A_1069 = tpu.memref_slice %arg4[%add3A_1062, %dma_wait3A_1067, %dma_wait3A_1068] : memref<4096x200x128xf32, #tpu.memory_space<hbm>> -> memref<1x200x64xf32, #tpu.memory_space<hbm>>
      %dma_wait3A_1070 = tpu.memref_squeeze %dma_wait3A_1069 : memref<1x200x64xf32, #tpu.memory_space<hbm>> -> memref<200x64xf32, #tpu.memory_space<hbm>>
      tpu.wait_dma2 semaphore(%arg18 : memref<!tpu.dma_semaphore, #tpu.memory_space<semaphore_mem>>) src(%arg9 : memref<200x64xf32, #tpu.memory_space<vmem>>) dst(%dma_wait3A_1070 : memref<200x64xf32, #tpu.memory_space<hbm>>)
      %add3A_1071 = arith.constant 4 : i32
      %add3A_1072 = arith.addi %add3A_1003, %add3A_1071 : i32
      %sub3A_1073 = arith.constant 1 : i32
      %sub3A_1074 = arith.subi %add3A_1072, %sub3A_1073 : i32
      %dma_start3A_1075 = arith.constant 0 : i32
      %dma_start3A_1076 = arith.constant 0 : i32
      %dma_start3A_1077 = tpu.memref_slice %arg9[%dma_start3A_1075, %dma_start3A_1076] : memref<200x64xf32, #tpu.memory_space<vmem>> -> memref<40x64xf32, #tpu.memory_space<vmem>>
      %dma_start3A_1078 = arith.constant 0 : i32
      %dma_start3A_1079 = tpu.memref_slice %arg5[%sub3A_1074, %dma_start3A_1078] : memref<128x200xi32, #tpu.memory_space<vmem>> -> memref<1x40xi32, #tpu.memory_space<vmem>>
      %dma_start3A_1080 = tpu.memref_squeeze %dma_start3A_1079 : memref<1x40xi32, #tpu.memory_space<vmem>> -> memref<40xi32, #tpu.memory_space<vmem>>
      %dma_start3A_1081 = arith.constant 0 : i32
      %dma_start3A_1082 = arith.constant 0 : i32
      %dma_start3A_1083 = tpu.memref_slice %arg2[%dma_start3A_1081, %dma_start3A_1082] : memref<2000000x64xf32, #tpu.memory_space<hbm>> -> memref<2000000x64xf32, #tpu.memory_space<hbm>>
      tpu.enqueue_indirect_dma source(%dma_start3A_1083 : memref<2000000x64xf32, #tpu.memory_space<hbm>>) target(%dma_start3A_1077 : memref<40x64xf32, #tpu.memory_space<vmem>>) offsets(%dma_start3A_1080 : memref<40xi32, #tpu.memory_space<vmem>>) semaphore(%arg14 : memref<!tpu.dma_semaphore, #tpu.memory_space<semaphore_mem>>)
      %dma_start3A_1084 = arith.constant 40 : i32
      %dma_start3A_1085 = arith.constant 0 : i32
      %dma_start3A_1086 = tpu.memref_slice %arg9[%dma_start3A_1084, %dma_start3A_1085] : memref<200x64xf32, #tpu.memory_space<vmem>> -> memref<40x64xf32, #tpu.memory_space<vmem>>
      %dma_start3A_1087 = arith.constant 40 : i32
      %dma_start3A_1088 = tpu.memref_slice %arg5[%sub3A_1074, %dma_start3A_1087] : memref<128x200xi32, #tpu.memory_space<vmem>> -> memref<1x40xi32, #tpu.memory_space<vmem>>
      %dma_start3A_1089 = tpu.memref_squeeze %dma_start3A_1088 : memref<1x40xi32, #tpu.memory_space<vmem>> -> memref<40xi32, #tpu.memory_space<vmem>>
      %dma_start3A_1090 = arith.constant 0 : i32
      %dma_start3A_1091 = arith.constant 0 : i32
      %dma_start3A_1092 = tpu.memref_slice %arg2[%dma_start3A_1090, %dma_start3A_1091] : memref<2000000x64xf32, #tpu.memory_space<hbm>> -> memref<2000000x64xf32, #tpu.memory_space<hbm>>
      tpu.enqueue_indirect_dma source(%dma_start3A_1092 : memref<2000000x64xf32, #tpu.memory_space<hbm>>) target(%dma_start3A_1086 : memref<40x64xf32, #tpu.memory_space<vmem>>) offsets(%dma_start3A_1089 : memref<40xi32, #tpu.memory_space<vmem>>) semaphore(%arg14 : memref<!tpu.dma_semaphore, #tpu.memory_space<semaphore_mem>>)
      %dma_start3A_1093 = arith.constant 80 : i32
      %dma_start3A_1094 = arith.constant 0 : i32
      %dma_start3A_1095 = tpu.memref_slice %arg9[%dma_start3A_1093, %dma_start3A_1094] : memref<200x64xf32, #tpu.memory_space<vmem>> -> memref<40x64xf32, #tpu.memory_space<vmem>>
      %dma_start3A_1096 = arith.constant 80 : i32
      %dma_start3A_1097 = tpu.memref_slice %arg5[%sub3A_1074, %dma_start3A_1096] : memref<128x200xi32, #tpu.memory_space<vmem>> -> memref<1x40xi32, #tpu.memory_space<vmem>>
      %dma_start3A_1098 = tpu.memref_squeeze %dma_start3A_1097 : memref<1x40xi32, #tpu.memory_space<vmem>> -> memref<40xi32, #tpu.memory_space<vmem>>
      %dma_start3A_1099 = arith.constant 0 : i32
      %dma_start3A_1100 = arith.constant 0 : i32
      %dma_start3A_1101 = tpu.memref_slice %arg2[%dma_start3A_1099, %dma_start3A_1100] : memref<2000000x64xf32, #tpu.memory_space<hbm>> -> memref<2000000x64xf32, #tpu.memory_space<hbm>>
      tpu.enqueue_indirect_dma source(%dma_start3A_1101 : memref<2000000x64xf32, #tpu.memory_space<hbm>>) target(%dma_start3A_1095 : memref<40x64xf32, #tpu.memory_space<vmem>>) offsets(%dma_start3A_1098 : memref<40xi32, #tpu.memory_space<vmem>>) semaphore(%arg14 : memref<!tpu.dma_semaphore, #tpu.memory_space<semaphore_mem>>)
      %dma_start3A_1102 = arith.constant 120 : i32
      %dma_start3A_1103 = arith.constant 0 : i32
      %dma_start3A_1104 = tpu.memref_slice %arg9[%dma_start3A_1102, %dma_start3A_1103] : memref<200x64xf32, #tpu.memory_space<vmem>> -> memref<40x64xf32, #tpu.memory_space<vmem>>
      %dma_start3A_1105 = arith.constant 120 : i32
      %dma_start3A_1106 = tpu.memref_slice %arg5[%sub3A_1074, %dma_start3A_1105] : memref<128x200xi32, #tpu.memory_space<vmem>> -> memref<1x40xi32, #tpu.memory_space<vmem>>
      %dma_start3A_1107 = tpu.memref_squeeze %dma_start3A_1106 : memref<1x40xi32, #tpu.memory_space<vmem>> -> memref<40xi32, #tpu.memory_space<vmem>>
      %dma_start3A_1108 = arith.constant 0 : i32
      %dma_start3A_1109 = arith.constant 0 : i32
      %dma_start3A_1110 = tpu.memref_slice %arg2[%dma_start3A_1108, %dma_start3A_1109] : memref<2000000x64xf32, #tpu.memory_space<hbm>> -> memref<2000000x64xf32, #tpu.memory_space<hbm>>
      tpu.enqueue_indirect_dma source(%dma_start3A_1110 : memref<2000000x64xf32, #tpu.memory_space<hbm>>) target(%dma_start3A_1104 : memref<40x64xf32, #tpu.memory_space<vmem>>) offsets(%dma_start3A_1107 : memref<40xi32, #tpu.memory_space<vmem>>) semaphore(%arg14 : memref<!tpu.dma_semaphore, #tpu.memory_space<semaphore_mem>>)
      %dma_start3A_1111 = arith.constant 160 : i32
      %dma_start3A_1112 = arith.constant 0 : i32
      %dma_start3A_1113 = tpu.memref_slice %arg9[%dma_start3A_1111, %dma_start3A_1112] : memref<200x64xf32, #tpu.memory_space<vmem>> -> memref<40x64xf32, #tpu.memory_space<vmem>>
      %dma_start3A_1114 = arith.constant 160 : i32
      %dma_start3A_1115 = tpu.memref_slice %arg5[%sub3A_1074, %dma_start3A_1114] : memref<128x200xi32, #tpu.memory_space<vmem>> -> memref<1x40xi32, #tpu.memory_space<vmem>>
      %dma_start3A_1116 = tpu.memref_squeeze %dma_start3A_1115 : memref<1x40xi32, #tpu.memory_space<vmem>> -> memref<40xi32, #tpu.memory_space<vmem>>
      %dma_start3A_1117 = arith.constant 0 : i32
      %dma_start3A_1118 = arith.constant 0 : i32
      %dma_start3A_1119 = tpu.memref_slice %arg2[%dma_start3A_1117, %dma_start3A_1118] : memref<2000000x64xf32, #tpu.memory_space<hbm>> -> memref<2000000x64xf32, #tpu.memory_space<hbm>>
      tpu.enqueue_indirect_dma source(%dma_start3A_1119 : memref<2000000x64xf32, #tpu.memory_space<hbm>>) target(%dma_start3A_1113 : memref<40x64xf32, #tpu.memory_space<vmem>>) offsets(%dma_start3A_1116 : memref<40xi32, #tpu.memory_space<vmem>>) semaphore(%arg14 : memref<!tpu.dma_semaphore, #tpu.memory_space<semaphore_mem>>)
      %mul3A_1120 = arith.constant 4 : i32
      %mul3A_1121 = arith.muli %scan3A_998, %mul3A_1120 : i32
      %add3A_1122 = arith.constant 1 : i32
      %add3A_1123 = arith.addi %mul3A_1121, %add3A_1122 : i32
      %dma_wait3A_1124 = arith.constant 0 : i32
      %dma_wait3A_1125 = arith.constant 0 : i32
      %dma_wait3A_1126 = tpu.memref_slice %arg7[%dma_wait3A_1124, %dma_wait3A_1125] : memref<200x64xf32, #tpu.memory_space<vmem>> -> memref<40x64xf32, #tpu.memory_space<vmem>>
      %dma_wait3A_1127 = arith.constant 0 : i32
      %dma_wait3A_1128 = tpu.memref_slice %arg5[%add3A_1123, %dma_wait3A_1127] : memref<128x200xi32, #tpu.memory_space<vmem>> -> memref<1x40xi32, #tpu.memory_space<vmem>>
      %dma_wait3A_1129 = tpu.memref_squeeze %dma_wait3A_1128 : memref<1x40xi32, #tpu.memory_space<vmem>> -> memref<40xi32, #tpu.memory_space<vmem>>
      %dma_wait3A_1130 = arith.constant 0 : i32
      %dma_wait3A_1131 = arith.constant 0 : i32
      %dma_wait3A_1132 = tpu.memref_slice %arg2[%dma_wait3A_1130, %dma_wait3A_1131] : memref<2000000x64xf32, #tpu.memory_space<hbm>> -> memref<2000000x64xf32, #tpu.memory_space<hbm>>
      tpu.wait_indirect_dma semaphore(%arg12 : memref<!tpu.dma_semaphore, #tpu.memory_space<semaphore_mem>>) src(%dma_wait3A_1132 : memref<2000000x64xf32, #tpu.memory_space<hbm>>) dst(%dma_wait3A_1126 : memref<40x64xf32, #tpu.memory_space<vmem>>)
      %dma_wait3A_1133 = arith.constant 40 : i32
      %dma_wait3A_1134 = arith.constant 0 : i32
      %dma_wait3A_1135 = tpu.memref_slice %arg7[%dma_wait3A_1133, %dma_wait3A_1134] : memref<200x64xf32, #tpu.memory_space<vmem>> -> memref<40x64xf32, #tpu.memory_space<vmem>>
      %dma_wait3A_1136 = arith.constant 40 : i32
      %dma_wait3A_1137 = tpu.memref_slice %arg5[%add3A_1123, %dma_wait3A_1136] : memref<128x200xi32, #tpu.memory_space<vmem>> -> memref<1x40xi32, #tpu.memory_space<vmem>>
      %dma_wait3A_1138 = tpu.memref_squeeze %dma_wait3A_1137 : memref<1x40xi32, #tpu.memory_space<vmem>> -> memref<40xi32, #tpu.memory_space<vmem>>
      %dma_wait3A_1139 = arith.constant 0 : i32
      %dma_wait3A_1140 = arith.constant 0 : i32
      %dma_wait3A_1141 = tpu.memref_slice %arg2[%dma_wait3A_1139, %dma_wait3A_1140] : memref<2000000x64xf32, #tpu.memory_space<hbm>> -> memref<2000000x64xf32, #tpu.memory_space<hbm>>
      tpu.wait_indirect_dma semaphore(%arg12 : memref<!tpu.dma_semaphore, #tpu.memory_space<semaphore_mem>>) src(%dma_wait3A_1141 : memref<2000000x64xf32, #tpu.memory_space<hbm>>) dst(%dma_wait3A_1135 : memref<40x64xf32, #tpu.memory_space<vmem>>)
      %dma_wait3A_1142 = arith.constant 80 : i32
      %dma_wait3A_1143 = arith.constant 0 : i32
      %dma_wait3A_1144 = tpu.memref_slice %arg7[%dma_wait3A_1142, %dma_wait3A_1143] : memref<200x64xf32, #tpu.memory_space<vmem>> -> memref<40x64xf32, #tpu.memory_space<vmem>>
      %dma_wait3A_1145 = arith.constant 80 : i32
      %dma_wait3A_1146 = tpu.memref_slice %arg5[%add3A_1123, %dma_wait3A_1145] : memref<128x200xi32, #tpu.memory_space<vmem>> -> memref<1x40xi32, #tpu.memory_space<vmem>>
      %dma_wait3A_1147 = tpu.memref_squeeze %dma_wait3A_1146 : memref<1x40xi32, #tpu.memory_space<vmem>> -> memref<40xi32, #tpu.memory_space<vmem>>
      %dma_wait3A_1148 = arith.constant 0 : i32
      %dma_wait3A_1149 = arith.constant 0 : i32
      %dma_wait3A_1150 = tpu.memref_slice %arg2[%dma_wait3A_1148, %dma_wait3A_1149] : memref<2000000x64xf32, #tpu.memory_space<hbm>> -> memref<2000000x64xf32, #tpu.memory_space<hbm>>
      tpu.wait_indirect_dma semaphore(%arg12 : memref<!tpu.dma_semaphore, #tpu.memory_space<semaphore_mem>>) src(%dma_wait3A_1150 : memref<2000000x64xf32, #tpu.memory_space<hbm>>) dst(%dma_wait3A_1144 : memref<40x64xf32, #tpu.memory_space<vmem>>)
      %dma_wait3A_1151 = arith.constant 120 : i32
      %dma_wait3A_1152 = arith.constant 0 : i32
      %dma_wait3A_1153 = tpu.memref_slice %arg7[%dma_wait3A_1151, %dma_wait3A_1152] : memref<200x64xf32, #tpu.memory_space<vmem>> -> memref<40x64xf32, #tpu.memory_space<vmem>>
      %dma_wait3A_1154 = arith.constant 120 : i32
      %dma_wait3A_1155 = tpu.memref_slice %arg5[%add3A_1123, %dma_wait3A_1154] : memref<128x200xi32, #tpu.memory_space<vmem>> -> memref<1x40xi32, #tpu.memory_space<vmem>>
      %dma_wait3A_1156 = tpu.memref_squeeze %dma_wait3A_1155 : memref<1x40xi32, #tpu.memory_space<vmem>> -> memref<40xi32, #tpu.memory_space<vmem>>
      %dma_wait3A_1157 = arith.constant 0 : i32
      %dma_wait3A_1158 = arith.constant 0 : i32
      %dma_wait3A_1159 = tpu.memref_slice %arg2[%dma_wait3A_1157, %dma_wait3A_1158] : memref<2000000x64xf32, #tpu.memory_space<hbm>> -> memref<2000000x64xf32, #tpu.memory_space<hbm>>
      tpu.wait_indirect_dma semaphore(%arg12 : memref<!tpu.dma_semaphore, #tpu.memory_space<semaphore_mem>>) src(%dma_wait3A_1159 : memref<2000000x64xf32, #tpu.memory_space<hbm>>) dst(%dma_wait3A_1153 : memref<40x64xf32, #tpu.memory_space<vmem>>)
      %dma_wait3A_1160 = arith.constant 160 : i32
      %dma_wait3A_1161 = arith.constant 0 : i32
      %dma_wait3A_1162 = tpu.memref_slice %arg7[%dma_wait3A_1160, %dma_wait3A_1161] : memref<200x64xf32, #tpu.memory_space<vmem>> -> memref<40x64xf32, #tpu.memory_space<vmem>>
      %dma_wait3A_1163 = arith.constant 160 : i32
      %dma_wait3A_1164 = tpu.memref_slice %arg5[%add3A_1123, %dma_wait3A_1163] : memref<128x200xi32, #tpu.memory_space<vmem>> -> memref<1x40xi32, #tpu.memory_space<vmem>>
      %dma_wait3A_1165 = tpu.memref_squeeze %dma_wait3A_1164 : memref<1x40xi32, #tpu.memory_space<vmem>> -> memref<40xi32, #tpu.memory_space<vmem>>
      %dma_wait3A_1166 = arith.constant 0 : i32
      %dma_wait3A_1167 = arith.constant 0 : i32
      %dma_wait3A_1168 = tpu.memref_slice %arg2[%dma_wait3A_1166, %dma_wait3A_1167] : memref<2000000x64xf32, #tpu.memory_space<hbm>> -> memref<2000000x64xf32, #tpu.memory_space<hbm>>
      tpu.wait_indirect_dma semaphore(%arg12 : memref<!tpu.dma_semaphore, #tpu.memory_space<semaphore_mem>>) src(%dma_wait3A_1168 : memref<2000000x64xf32, #tpu.memory_space<hbm>>) dst(%dma_wait3A_1162 : memref<40x64xf32, #tpu.memory_space<vmem>>)
      %parallel_loop3A_1169 = arith.constant 0 : i32
      %parallel_loop3A_1170 = arith.constant 200 : i32
      %parallel_loop3A_1171 = arith.constant 1 : i32
      scf.for %parallel_loop3A_1484 = %parallel_loop3A_1169 to %parallel_loop3A_1170 step %parallel_loop3A_1171  : i32 {
        %parallel_loop3A_1485 = arith.index_cast %parallel_loop3A_1484 : i32 to index
        %parallel_loop3A_1486 = arith.constant 0 : index
        %parallel_loop3A_1487 = tpu.vector_load %arg7[%parallel_loop3A_1485, %parallel_loop3A_1486] {strides = array<i32>} : memref<200x64xf32, #tpu.memory_space<vmem>>, vector<1x16xf32>,
        %parallel_loop3A_1488 = vector.shape_cast %parallel_loop3A_1487 : vector<1x16xf32> to vector<16xf32>
        %parallel_loop3A_1489 = arith.constant 8.000000e+00 : f32
        %parallel_loop3A_1490 = vector.broadcast %parallel_loop3A_1489 : f32 to vector<16xf32>
        %parallel_loop3A_1491 = arith.mulf %parallel_loop3A_1488, %parallel_loop3A_1490 : vector<16xf32>
        %parallel_loop3A_1492 = arith.index_cast %parallel_loop3A_1484 : i32 to index
        %parallel_loop3A_1493 = arith.constant 0 : index
        %parallel_loop3A_1494 = tpu.vector_load %arg7[%parallel_loop3A_1492, %parallel_loop3A_1493] {strides = array<i32>} : memref<200x64xf32, #tpu.memory_space<vmem>>, vector<1x16xf32>,
        %parallel_loop3A_1495 = vector.shape_cast %parallel_loop3A_1494 : vector<1x16xf32> to vector<16xf32>
        %parallel_loop3A_1496 = vector.shape_cast %parallel_loop3A_1491 : vector<16xf32> to vector<1x16xf32>
        tpu.vector_store %arg7[%parallel_loop3A_1492, %parallel_loop3A_1493], %parallel_loop3A_1496 {strides = array<i32>} : memref<200x64xf32, #tpu.memory_space<vmem>>, vector<1x16xf32>,
        %parallel_loop3A_1497 = arith.index_cast %parallel_loop3A_1484 : i32 to index
        %parallel_loop3A_1498 = arith.constant 16 : index
        %parallel_loop3A_1499 = tpu.vector_load %arg7[%parallel_loop3A_1497, %parallel_loop3A_1498] {strides = array<i32>} : memref<200x64xf32, #tpu.memory_space<vmem>>, vector<1x16xf32>,
        %parallel_loop3A_1500 = vector.shape_cast %parallel_loop3A_1499 : vector<1x16xf32> to vector<16xf32>
        %parallel_loop3A_1501 = arith.constant 8.000000e+00 : f32
        %parallel_loop3A_1502 = vector.broadcast %parallel_loop3A_1501 : f32 to vector<16xf32>
        %parallel_loop3A_1503 = arith.mulf %parallel_loop3A_1500, %parallel_loop3A_1502 : vector<16xf32>
        %parallel_loop3A_1504 = arith.index_cast %parallel_loop3A_1484 : i32 to index
        %parallel_loop3A_1505 = arith.constant 16 : index
        %parallel_loop3A_1506 = tpu.vector_load %arg7[%parallel_loop3A_1504, %parallel_loop3A_1505] {strides = array<i32>} : memref<200x64xf32, #tpu.memory_space<vmem>>, vector<1x16xf32>,
        %parallel_loop3A_1507 = vector.shape_cast %parallel_loop3A_1506 : vector<1x16xf32> to vector<16xf32>
        %parallel_loop3A_1508 = vector.shape_cast %parallel_loop3A_1503 : vector<16xf32> to vector<1x16xf32>
        tpu.vector_store %arg7[%parallel_loop3A_1504, %parallel_loop3A_1505], %parallel_loop3A_1508 {strides = array<i32>} : memref<200x64xf32, #tpu.memory_space<vmem>>, vector<1x16xf32>,
        %parallel_loop3A_1509 = arith.index_cast %parallel_loop3A_1484 : i32 to index
        %parallel_loop3A_1510 = arith.constant 32 : index
        %parallel_loop3A_1511 = tpu.vector_load %arg7[%parallel_loop3A_1509, %parallel_loop3A_1510] {strides = array<i32>} : memref<200x64xf32, #tpu.memory_space<vmem>>, vector<1x16xf32>,
        %parallel_loop3A_1512 = vector.shape_cast %parallel_loop3A_1511 : vector<1x16xf32> to vector<16xf32>
        %parallel_loop3A_1513 = arith.constant 8.000000e+00 : f32
        %parallel_loop3A_1514 = vector.broadcast %parallel_loop3A_1513 : f32 to vector<16xf32>
        %parallel_loop3A_1515 = arith.mulf %parallel_loop3A_1512, %parallel_loop3A_1514 : vector<16xf32>
        %parallel_loop3A_1516 = arith.index_cast %parallel_loop3A_1484 : i32 to index
        %parallel_loop3A_1517 = arith.constant 32 : index
        %parallel_loop3A_1518 = tpu.vector_load %arg7[%parallel_loop3A_1516, %parallel_loop3A_1517] {strides = array<i32>} : memref<200x64xf32, #tpu.memory_space<vmem>>, vector<1x16xf32>,
        %parallel_loop3A_1519 = vector.shape_cast %parallel_loop3A_1518 : vector<1x16xf32> to vector<16xf32>
        %parallel_loop3A_1520 = vector.shape_cast %parallel_loop3A_1515 : vector<16xf32> to vector<1x16xf32>
        tpu.vector_store %arg7[%parallel_loop3A_1516, %parallel_loop3A_1517], %parallel_loop3A_1520 {strides = array<i32>} : memref<200x64xf32, #tpu.memory_space<vmem>>, vector<1x16xf32>,
        %parallel_loop3A_1521 = arith.index_cast %parallel_loop3A_1484 : i32 to index
        %parallel_loop3A_1522 = arith.constant 48 : index
        %parallel_loop3A_1523 = tpu.vector_load %arg7[%parallel_loop3A_1521, %parallel_loop3A_1522] {strides = array<i32>} : memref<200x64xf32, #tpu.memory_space<vmem>>, vector<1x16xf32>,
        %parallel_loop3A_1524 = vector.shape_cast %parallel_loop3A_1523 : vector<1x16xf32> to vector<16xf32>
        %parallel_loop3A_1525 = arith.constant 8.000000e+00 : f32
        %parallel_loop3A_1526 = vector.broadcast %parallel_loop3A_1525 : f32 to vector<16xf32>
        %parallel_loop3A_1527 = arith.mulf %parallel_loop3A_1524, %parallel_loop3A_1526 : vector<16xf32>
        %parallel_loop3A_1528 = arith.index_cast %parallel_loop3A_1484 : i32 to index
        %parallel_loop3A_1529 = arith.constant 48 : index
        %parallel_loop3A_1530 = tpu.vector_load %arg7[%parallel_loop3A_1528, %parallel_loop3A_1529] {strides = array<i32>} : memref<200x64xf32, #tpu.memory_space<vmem>>, vector<1x16xf32>,
        %parallel_loop3A_1531 = vector.shape_cast %parallel_loop3A_1530 : vector<1x16xf32> to vector<16xf32>
        %parallel_loop3A_1532 = vector.shape_cast %parallel_loop3A_1527 : vector<16xf32> to vector<1x16xf32>
        tpu.vector_store %arg7[%parallel_loop3A_1528, %parallel_loop3A_1529], %parallel_loop3A_1532 {strides = array<i32>} : memref<200x64xf32, #tpu.memory_space<vmem>>, vector<1x16xf32>,
      } {sc.loop_unroll_factor = 8 : i64, sc.parallel_access}
      %add3A_1172 = arith.addi %mul3A_2, %add3A_1123 : i32
      %dma_start3A_1173 = arith.constant 0 : i32
      %dma_start3A_1174 = arith.constant 0 : i32
      %dma_start3A_1175 = tpu.memref_slice %arg4[%add3A_1172, %dma_start3A_1173, %dma_start3A_1174] : memref<4096x200x128xf32, #tpu.memory_space<hbm>> -> memref<1x200x64xf32, #tpu.memory_space<hbm>>
      %dma_start3A_1176 = tpu.memref_squeeze %dma_start3A_1175 : memref<1x200x64xf32, #tpu.memory_space<hbm>> -> memref<200x64xf32, #tpu.memory_space<hbm>>
      %dma_start3A_1177 = arith.constant 0 : i32
      %dma_start3A_1178 = arith.constant 0 : i32
      %dma_start3A_1179 = tpu.memref_slice %arg4[%add3A_1172, %dma_start3A_1177, %dma_start3A_1178] : memref<4096x200x128xf32, #tpu.memory_space<hbm>> -> memref<1x200x64xf32, #tpu.memory_space<hbm>>
      %dma_start3A_1180 = tpu.memref_squeeze %dma_start3A_1179 : memref<1x200x64xf32, #tpu.memory_space<hbm>> -> memref<200x64xf32, #tpu.memory_space<hbm>>
      tpu.enqueue_dma source(%arg7 : memref<200x64xf32, #tpu.memory_space<vmem>>) target(%dma_start3A_1180 : memref<200x64xf32, #tpu.memory_space<hbm>>) target_semaphore(%arg16 : memref<!tpu.dma_semaphore, #tpu.memory_space<semaphore_mem>>)
      %sub3A_1181 = arith.constant 1 : i32
      %sub3A_1182 = arith.subi %add3A_1123, %sub3A_1181 : i32
      %add3A_1183 = arith.addi %mul3A_2, %sub3A_1182 : i32
      %dma_wait3A_1184 = arith.constant 0 : i32
      %dma_wait3A_1185 = arith.constant 0 : i32
      %dma_wait3A_1186 = tpu.memref_slice %arg4[%add3A_1183, %dma_wait3A_1184, %dma_wait3A_1185] : memref<4096x200x128xf32, #tpu.memory_space<hbm>> -> memref<1x200x64xf32, #tpu.memory_space<hbm>>
      %dma_wait3A_1187 = tpu.memref_squeeze %dma_wait3A_1186 : memref<1x200x64xf32, #tpu.memory_space<hbm>> -> memref<200x64xf32, #tpu.memory_space<hbm>>
      %dma_wait3A_1188 = arith.constant 0 : i32
      %dma_wait3A_1189 = arith.constant 0 : i32
      %dma_wait3A_1190 = tpu.memref_slice %arg4[%add3A_1183, %dma_wait3A_1188, %dma_wait3A_1189] : memref<4096x200x128xf32, #tpu.memory_space<hbm>> -> memref<1x200x64xf32, #tpu.memory_space<hbm>>
      %dma_wait3A_1191 = tpu.memref_squeeze %dma_wait3A_1190 : memref<1x200x64xf32, #tpu.memory_space<hbm>> -> memref<200x64xf32, #tpu.memory_space<hbm>>
      tpu.wait_dma2 semaphore(%arg15 : memref<!tpu.dma_semaphore, #tpu.memory_space<semaphore_mem>>) src(%arg6 : memref<200x64xf32, #tpu.memory_space<vmem>>) dst(%dma_wait3A_1191 : memref<200x64xf32, #tpu.memory_space<hbm>>)
      %add3A_1192 = arith.constant 4 : i32
      %add3A_1193 = arith.addi %add3A_1123, %add3A_1192 : i32
      %sub3A_1194 = arith.constant 1 : i32
      %sub3A_1195 = arith.subi %add3A_1193, %sub3A_1194 : i32
      %dma_start3A_1196 = arith.constant 0 : i32
      %dma_start3A_1197 = arith.constant 0 : i32
      %dma_start3A_1198 = tpu.memref_slice %arg6[%dma_start3A_1196, %dma_start3A_1197] : memref<200x64xf32, #tpu.memory_space<vmem>> -> memref<40x64xf32, #tpu.memory_space<vmem>>
      %dma_start3A_1199 = arith.constant 0 : i32
      %dma_start3A_1200 = tpu.memref_slice %arg5[%sub3A_1195, %dma_start3A_1199] : memref<128x200xi32, #tpu.memory_space<vmem>> -> memref<1x40xi32, #tpu.memory_space<vmem>>
      %dma_start3A_1201 = tpu.memref_squeeze %dma_start3A_1200 : memref<1x40xi32, #tpu.memory_space<vmem>> -> memref<40xi32, #tpu.memory_space<vmem>>
      %dma_start3A_1202 = arith.constant 0 : i32
      %dma_start3A_1203 = arith.constant 0 : i32
      %dma_start3A_1204 = tpu.memref_slice %arg2[%dma_start3A_1202, %dma_start3A_1203] : memref<2000000x64xf32, #tpu.memory_space<hbm>> -> memref<2000000x64xf32, #tpu.memory_space<hbm>>
      tpu.enqueue_indirect_dma source(%dma_start3A_1204 : memref<2000000x64xf32, #tpu.memory_space<hbm>>) target(%dma_start3A_1198 : memref<40x64xf32, #tpu.memory_space<vmem>>) offsets(%dma_start3A_1201 : memref<40xi32, #tpu.memory_space<vmem>>) semaphore(%arg11 : memref<!tpu.dma_semaphore, #tpu.memory_space<semaphore_mem>>)
      %dma_start3A_1205 = arith.constant 40 : i32
      %dma_start3A_1206 = arith.constant 0 : i32
      %dma_start3A_1207 = tpu.memref_slice %arg6[%dma_start3A_1205, %dma_start3A_1206] : memref<200x64xf32, #tpu.memory_space<vmem>> -> memref<40x64xf32, #tpu.memory_space<vmem>>
      %dma_start3A_1208 = arith.constant 40 : i32
      %dma_start3A_1209 = tpu.memref_slice %arg5[%sub3A_1195, %dma_start3A_1208] : memref<128x200xi32, #tpu.memory_space<vmem>> -> memref<1x40xi32, #tpu.memory_space<vmem>>
      %dma_start3A_1210 = tpu.memref_squeeze %dma_start3A_1209 : memref<1x40xi32, #tpu.memory_space<vmem>> -> memref<40xi32, #tpu.memory_space<vmem>>
      %dma_start3A_1211 = arith.constant 0 : i32
      %dma_start3A_1212 = arith.constant 0 : i32
      %dma_start3A_1213 = tpu.memref_slice %arg2[%dma_start3A_1211, %dma_start3A_1212] : memref<2000000x64xf32, #tpu.memory_space<hbm>> -> memref<2000000x64xf32, #tpu.memory_space<hbm>>
      tpu.enqueue_indirect_dma source(%dma_start3A_1213 : memref<2000000x64xf32, #tpu.memory_space<hbm>>) target(%dma_start3A_1207 : memref<40x64xf32, #tpu.memory_space<vmem>>) offsets(%dma_start3A_1210 : memref<40xi32, #tpu.memory_space<vmem>>) semaphore(%arg11 : memref<!tpu.dma_semaphore, #tpu.memory_space<semaphore_mem>>)
      %dma_start3A_1214 = arith.constant 80 : i32
      %dma_start3A_1215 = arith.constant 0 : i32
      %dma_start3A_1216 = tpu.memref_slice %arg6[%dma_start3A_1214, %dma_start3A_1215] : memref<200x64xf32, #tpu.memory_space<vmem>> -> memref<40x64xf32, #tpu.memory_space<vmem>>
      %dma_start3A_1217 = arith.constant 80 : i32
      %dma_start3A_1218 = tpu.memref_slice %arg5[%sub3A_1195, %dma_start3A_1217] : memref<128x200xi32, #tpu.memory_space<vmem>> -> memref<1x40xi32, #tpu.memory_space<vmem>>
      %dma_start3A_1219 = tpu.memref_squeeze %dma_start3A_1218 : memref<1x40xi32, #tpu.memory_space<vmem>> -> memref<40xi32, #tpu.memory_space<vmem>>
      %dma_start3A_1220 = arith.constant 0 : i32
      %dma_start3A_1221 = arith.constant 0 : i32
      %dma_start3A_1222 = tpu.memref_slice %arg2[%dma_start3A_1220, %dma_start3A_1221] : memref<2000000x64xf32, #tpu.memory_space<hbm>> -> memref<2000000x64xf32, #tpu.memory_space<hbm>>
      tpu.enqueue_indirect_dma source(%dma_start3A_1222 : memref<2000000x64xf32, #tpu.memory_space<hbm>>) target(%dma_start3A_1216 : memref<40x64xf32, #tpu.memory_space<vmem>>) offsets(%dma_start3A_1219 : memref<40xi32, #tpu.memory_space<vmem>>) semaphore(%arg11 : memref<!tpu.dma_semaphore, #tpu.memory_space<semaphore_mem>>)
      %dma_start3A_1223 = arith.constant 120 : i32
      %dma_start3A_1224 = arith.constant 0 : i32
      %dma_start3A_1225 = tpu.memref_slice %arg6[%dma_start3A_1223, %dma_start3A_1224] : memref<200x64xf32, #tpu.memory_space<vmem>> -> memref<40x64xf32, #tpu.memory_space<vmem>>
      %dma_start3A_1226 = arith.constant 120 : i32
      %dma_start3A_1227 = tpu.memref_slice %arg5[%sub3A_1195, %dma_start3A_1226] : memref<128x200xi32, #tpu.memory_space<vmem>> -> memref<1x40xi32, #tpu.memory_space<vmem>>
      %dma_start3A_1228 = tpu.memref_squeeze %dma_start3A_1227 : memref<1x40xi32, #tpu.memory_space<vmem>> -> memref<40xi32, #tpu.memory_space<vmem>>
      %dma_start3A_1229 = arith.constant 0 : i32
      %dma_start3A_1230 = arith.constant 0 : i32
      %dma_start3A_1231 = tpu.memref_slice %arg2[%dma_start3A_1229, %dma_start3A_1230] : memref<2000000x64xf32, #tpu.memory_space<hbm>> -> memref<2000000x64xf32, #tpu.memory_space<hbm>>
      tpu.enqueue_indirect_dma source(%dma_start3A_1231 : memref<2000000x64xf32, #tpu.memory_space<hbm>>) target(%dma_start3A_1225 : memref<40x64xf32, #tpu.memory_space<vmem>>) offsets(%dma_start3A_1228 : memref<40xi32, #tpu.memory_space<vmem>>) semaphore(%arg11 : memref<!tpu.dma_semaphore, #tpu.memory_space<semaphore_mem>>)
      %dma_start3A_1232 = arith.constant 160 : i32
      %dma_start3A_1233 = arith.constant 0 : i32
      %dma_start3A_1234 = tpu.memref_slice %arg6[%dma_start3A_1232, %dma_start3A_1233] : memref<200x64xf32, #tpu.memory_space<vmem>> -> memref<40x64xf32, #tpu.memory_space<vmem>>
      %dma_start3A_1235 = arith.constant 160 : i32
      %dma_start3A_1236 = tpu.memref_slice %arg5[%sub3A_1195, %dma_start3A_1235] : memref<128x200xi32, #tpu.memory_space<vmem>> -> memref<1x40xi32, #tpu.memory_space<vmem>>
      %dma_start3A_1237 = tpu.memref_squeeze %dma_start3A_1236 : memref<1x40xi32, #tpu.memory_space<vmem>> -> memref<40xi32, #tpu.memory_space<vmem>>
      %dma_start3A_1238 = arith.constant 0 : i32
      %dma_start3A_1239 = arith.constant 0 : i32
      %dma_start3A_1240 = tpu.memref_slice %arg2[%dma_start3A_1238, %dma_start3A_1239] : memref<2000000x64xf32, #tpu.memory_space<hbm>> -> memref<2000000x64xf32, #tpu.memory_space<hbm>>
      tpu.enqueue_indirect_dma source(%dma_start3A_1240 : memref<2000000x64xf32, #tpu.memory_space<hbm>>) target(%dma_start3A_1234 : memref<40x64xf32, #tpu.memory_space<vmem>>) offsets(%dma_start3A_1237 : memref<40xi32, #tpu.memory_space<vmem>>) semaphore(%arg11 : memref<!tpu.dma_semaphore, #tpu.memory_space<semaphore_mem>>)
      %mul3A_1241 = arith.constant 4 : i32
      %mul3A_1242 = arith.muli %scan3A_998, %mul3A_1241 : i32
      %add3A_1243 = arith.constant 2 : i32
      %add3A_1244 = arith.addi %mul3A_1242, %add3A_1243 : i32
      %dma_wait3A_1245 = arith.constant 0 : i32
      %dma_wait3A_1246 = arith.constant 0 : i32
      %dma_wait3A_1247 = tpu.memref_slice %arg8[%dma_wait3A_1245, %dma_wait3A_1246] : memref<200x64xf32, #tpu.memory_space<vmem>> -> memref<40x64xf32, #tpu.memory_space<vmem>>
      %dma_wait3A_1248 = arith.constant 0 : i32
      %dma_wait3A_1249 = tpu.memref_slice %arg5[%add3A_1244, %dma_wait3A_1248] : memref<128x200xi32, #tpu.memory_space<vmem>> -> memref<1x40xi32, #tpu.memory_space<vmem>>
      %dma_wait3A_1250 = tpu.memref_squeeze %dma_wait3A_1249 : memref<1x40xi32, #tpu.memory_space<vmem>> -> memref<40xi32, #tpu.memory_space<vmem>>
      %dma_wait3A_1251 = arith.constant 0 : i32
      %dma_wait3A_1252 = arith.constant 0 : i32
      %dma_wait3A_1253 = tpu.memref_slice %arg2[%dma_wait3A_1251, %dma_wait3A_1252] : memref<2000000x64xf32, #tpu.memory_space<hbm>> -> memref<2000000x64xf32, #tpu.memory_space<hbm>>
      tpu.wait_indirect_dma semaphore(%arg13 : memref<!tpu.dma_semaphore, #tpu.memory_space<semaphore_mem>>) src(%dma_wait3A_1253 : memref<2000000x64xf32, #tpu.memory_space<hbm>>) dst(%dma_wait3A_1247 : memref<40x64xf32, #tpu.memory_space<vmem>>)
      %dma_wait3A_1254 = arith.constant 40 : i32
      %dma_wait3A_1255 = arith.constant 0 : i32
      %dma_wait3A_1256 = tpu.memref_slice %arg8[%dma_wait3A_1254, %dma_wait3A_1255] : memref<200x64xf32, #tpu.memory_space<vmem>> -> memref<40x64xf32, #tpu.memory_space<vmem>>
      %dma_wait3A_1257 = arith.constant 40 : i32
      %dma_wait3A_1258 = tpu.memref_slice %arg5[%add3A_1244, %dma_wait3A_1257] : memref<128x200xi32, #tpu.memory_space<vmem>> -> memref<1x40xi32, #tpu.memory_space<vmem>>
      %dma_wait3A_1259 = tpu.memref_squeeze %dma_wait3A_1258 : memref<1x40xi32, #tpu.memory_space<vmem>> -> memref<40xi32, #tpu.memory_space<vmem>>
      %dma_wait3A_1260 = arith.constant 0 : i32
      %dma_wait3A_1261 = arith.constant 0 : i32
      %dma_wait3A_1262 = tpu.memref_slice %arg2[%dma_wait3A_1260, %dma_wait3A_1261] : memref<2000000x64xf32, #tpu.memory_space<hbm>> -> memref<2000000x64xf32, #tpu.memory_space<hbm>>
      tpu.wait_indirect_dma semaphore(%arg13 : memref<!tpu.dma_semaphore, #tpu.memory_space<semaphore_mem>>) src(%dma_wait3A_1262 : memref<2000000x64xf32, #tpu.memory_space<hbm>>) dst(%dma_wait3A_1256 : memref<40x64xf32, #tpu.memory_space<vmem>>)
      %dma_wait3A_1263 = arith.constant 80 : i32
      %dma_wait3A_1264 = arith.constant 0 : i32
      %dma_wait3A_1265 = tpu.memref_slice %arg8[%dma_wait3A_1263, %dma_wait3A_1264] : memref<200x64xf32, #tpu.memory_space<vmem>> -> memref<40x64xf32, #tpu.memory_space<vmem>>
      %dma_wait3A_1266 = arith.constant 80 : i32
      %dma_wait3A_1267 = tpu.memref_slice %arg5[%add3A_1244, %dma_wait3A_1266] : memref<128x200xi32, #tpu.memory_space<vmem>> -> memref<1x40xi32, #tpu.memory_space<vmem>>
      %dma_wait3A_1268 = tpu.memref_squeeze %dma_wait3A_1267 : memref<1x40xi32, #tpu.memory_space<vmem>> -> memref<40xi32, #tpu.memory_space<vmem>>
      %dma_wait3A_1269 = arith.constant 0 : i32
      %dma_wait3A_1270 = arith.constant 0 : i32
      %dma_wait3A_1271 = tpu.memref_slice %arg2[%dma_wait3A_1269, %dma_wait3A_1270] : memref<2000000x64xf32, #tpu.memory_space<hbm>> -> memref<2000000x64xf32, #tpu.memory_space<hbm>>
      tpu.wait_indirect_dma semaphore(%arg13 : memref<!tpu.dma_semaphore, #tpu.memory_space<semaphore_mem>>) src(%dma_wait3A_1271 : memref<2000000x64xf32, #tpu.memory_space<hbm>>) dst(%dma_wait3A_1265 : memref<40x64xf32, #tpu.memory_space<vmem>>)
      %dma_wait3A_1272 = arith.constant 120 : i32
      %dma_wait3A_1273 = arith.constant 0 : i32
      %dma_wait3A_1274 = tpu.memref_slice %arg8[%dma_wait3A_1272, %dma_wait3A_1273] : memref<200x64xf32, #tpu.memory_space<vmem>> -> memref<40x64xf32, #tpu.memory_space<vmem>>
      %dma_wait3A_1275 = arith.constant 120 : i32
      %dma_wait3A_1276 = tpu.memref_slice %arg5[%add3A_1244, %dma_wait3A_1275] : memref<128x200xi32, #tpu.memory_space<vmem>> -> memref<1x40xi32, #tpu.memory_space<vmem>>
      %dma_wait3A_1277 = tpu.memref_squeeze %dma_wait3A_1276 : memref<1x40xi32, #tpu.memory_space<vmem>> -> memref<40xi32, #tpu.memory_space<vmem>>
      %dma_wait3A_1278 = arith.constant 0 : i32
      %dma_wait3A_1279 = arith.constant 0 : i32
      %dma_wait3A_1280 = tpu.memref_slice %arg2[%dma_wait3A_1278, %dma_wait3A_1279] : memref<2000000x64xf32, #tpu.memory_space<hbm>> -> memref<2000000x64xf32, #tpu.memory_space<hbm>>
      tpu.wait_indirect_dma semaphore(%arg13 : memref<!tpu.dma_semaphore, #tpu.memory_space<semaphore_mem>>) src(%dma_wait3A_1280 : memref<2000000x64xf32, #tpu.memory_space<hbm>>) dst(%dma_wait3A_1274 : memref<40x64xf32, #tpu.memory_space<vmem>>)
      %dma_wait3A_1281 = arith.constant 160 : i32
      %dma_wait3A_1282 = arith.constant 0 : i32
      %dma_wait3A_1283 = tpu.memref_slice %arg8[%dma_wait3A_1281, %dma_wait3A_1282] : memref<200x64xf32, #tpu.memory_space<vmem>> -> memref<40x64xf32, #tpu.memory_space<vmem>>
      %dma_wait3A_1284 = arith.constant 160 : i32
      %dma_wait3A_1285 = tpu.memref_slice %arg5[%add3A_1244, %dma_wait3A_1284] : memref<128x200xi32, #tpu.memory_space<vmem>> -> memref<1x40xi32, #tpu.memory_space<vmem>>
      %dma_wait3A_1286 = tpu.memref_squeeze %dma_wait3A_1285 : memref<1x40xi32, #tpu.memory_space<vmem>> -> memref<40xi32, #tpu.memory_space<vmem>>
      %dma_wait3A_1287 = arith.constant 0 : i32
      %dma_wait3A_1288 = arith.constant 0 : i32
      %dma_wait3A_1289 = tpu.memref_slice %arg2[%dma_wait3A_1287, %dma_wait3A_1288] : memref<2000000x64xf32, #tpu.memory_space<hbm>> -> memref<2000000x64xf32, #tpu.memory_space<hbm>>
      tpu.wait_indirect_dma semaphore(%arg13 : memref<!tpu.dma_semaphore, #tpu.memory_space<semaphore_mem>>) src(%dma_wait3A_1289 : memref<2000000x64xf32, #tpu.memory_space<hbm>>) dst(%dma_wait3A_1283 : memref<40x64xf32, #tpu.memory_space<vmem>>)
      %parallel_loop3A_1290 = arith.constant 0 : i32
      %parallel_loop3A_1291 = arith.constant 200 : i32
      %parallel_loop3A_1292 = arith.constant 1 : i32
      scf.for %parallel_loop3A_1484 = %parallel_loop3A_1290 to %parallel_loop3A_1291 step %parallel_loop3A_1292  : i32 {
        %parallel_loop3A_1485 = arith.index_cast %parallel_loop3A_1484 : i32 to index
        %parallel_loop3A_1486 = arith.constant 0 : index
        %parallel_loop3A_1487 = tpu.vector_load %arg8[%parallel_loop3A_1485, %parallel_loop3A_1486] {strides = array<i32>} : memref<200x64xf32, #tpu.memory_space<vmem>>, vector<1x16xf32>,
        %parallel_loop3A_1488 = vector.shape_cast %parallel_loop3A_1487 : vector<1x16xf32> to vector<16xf32>
        %parallel_loop3A_1489 = arith.constant 8.000000e+00 : f32
        %parallel_loop3A_1490 = vector.broadcast %parallel_loop3A_1489 : f32 to vector<16xf32>
        %parallel_loop3A_1491 = arith.mulf %parallel_loop3A_1488, %parallel_loop3A_1490 : vector<16xf32>
        %parallel_loop3A_1492 = arith.index_cast %parallel_loop3A_1484 : i32 to index
        %parallel_loop3A_1493 = arith.constant 0 : index
        %parallel_loop3A_1494 = tpu.vector_load %arg8[%parallel_loop3A_1492, %parallel_loop3A_1493] {strides = array<i32>} : memref<200x64xf32, #tpu.memory_space<vmem>>, vector<1x16xf32>,
        %parallel_loop3A_1495 = vector.shape_cast %parallel_loop3A_1494 : vector<1x16xf32> to vector<16xf32>
        %parallel_loop3A_1496 = vector.shape_cast %parallel_loop3A_1491 : vector<16xf32> to vector<1x16xf32>
        tpu.vector_store %arg8[%parallel_loop3A_1492, %parallel_loop3A_1493], %parallel_loop3A_1496 {strides = array<i32>} : memref<200x64xf32, #tpu.memory_space<vmem>>, vector<1x16xf32>,
        %parallel_loop3A_1497 = arith.index_cast %parallel_loop3A_1484 : i32 to index
        %parallel_loop3A_1498 = arith.constant 16 : index
        %parallel_loop3A_1499 = tpu.vector_load %arg8[%parallel_loop3A_1497, %parallel_loop3A_1498] {strides = array<i32>} : memref<200x64xf32, #tpu.memory_space<vmem>>, vector<1x16xf32>,
        %parallel_loop3A_1500 = vector.shape_cast %parallel_loop3A_1499 : vector<1x16xf32> to vector<16xf32>
        %parallel_loop3A_1501 = arith.constant 8.000000e+00 : f32
        %parallel_loop3A_1502 = vector.broadcast %parallel_loop3A_1501 : f32 to vector<16xf32>
        %parallel_loop3A_1503 = arith.mulf %parallel_loop3A_1500, %parallel_loop3A_1502 : vector<16xf32>
        %parallel_loop3A_1504 = arith.index_cast %parallel_loop3A_1484 : i32 to index
        %parallel_loop3A_1505 = arith.constant 16 : index
        %parallel_loop3A_1506 = tpu.vector_load %arg8[%parallel_loop3A_1504, %parallel_loop3A_1505] {strides = array<i32>} : memref<200x64xf32, #tpu.memory_space<vmem>>, vector<1x16xf32>,
        %parallel_loop3A_1507 = vector.shape_cast %parallel_loop3A_1506 : vector<1x16xf32> to vector<16xf32>
        %parallel_loop3A_1508 = vector.shape_cast %parallel_loop3A_1503 : vector<16xf32> to vector<1x16xf32>
        tpu.vector_store %arg8[%parallel_loop3A_1504, %parallel_loop3A_1505], %parallel_loop3A_1508 {strides = array<i32>} : memref<200x64xf32, #tpu.memory_space<vmem>>, vector<1x16xf32>,
        %parallel_loop3A_1509 = arith.index_cast %parallel_loop3A_1484 : i32 to index
        %parallel_loop3A_1510 = arith.constant 32 : index
        %parallel_loop3A_1511 = tpu.vector_load %arg8[%parallel_loop3A_1509, %parallel_loop3A_1510] {strides = array<i32>} : memref<200x64xf32, #tpu.memory_space<vmem>>, vector<1x16xf32>,
        %parallel_loop3A_1512 = vector.shape_cast %parallel_loop3A_1511 : vector<1x16xf32> to vector<16xf32>
        %parallel_loop3A_1513 = arith.constant 8.000000e+00 : f32
        %parallel_loop3A_1514 = vector.broadcast %parallel_loop3A_1513 : f32 to vector<16xf32>
        %parallel_loop3A_1515 = arith.mulf %parallel_loop3A_1512, %parallel_loop3A_1514 : vector<16xf32>
        %parallel_loop3A_1516 = arith.index_cast %parallel_loop3A_1484 : i32 to index
        %parallel_loop3A_1517 = arith.constant 32 : index
        %parallel_loop3A_1518 = tpu.vector_load %arg8[%parallel_loop3A_1516, %parallel_loop3A_1517] {strides = array<i32>} : memref<200x64xf32, #tpu.memory_space<vmem>>, vector<1x16xf32>,
        %parallel_loop3A_1519 = vector.shape_cast %parallel_loop3A_1518 : vector<1x16xf32> to vector<16xf32>
        %parallel_loop3A_1520 = vector.shape_cast %parallel_loop3A_1515 : vector<16xf32> to vector<1x16xf32>
        tpu.vector_store %arg8[%parallel_loop3A_1516, %parallel_loop3A_1517], %parallel_loop3A_1520 {strides = array<i32>} : memref<200x64xf32, #tpu.memory_space<vmem>>, vector<1x16xf32>,
        %parallel_loop3A_1521 = arith.index_cast %parallel_loop3A_1484 : i32 to index
        %parallel_loop3A_1522 = arith.constant 48 : index
        %parallel_loop3A_1523 = tpu.vector_load %arg8[%parallel_loop3A_1521, %parallel_loop3A_1522] {strides = array<i32>} : memref<200x64xf32, #tpu.memory_space<vmem>>, vector<1x16xf32>,
        %parallel_loop3A_1524 = vector.shape_cast %parallel_loop3A_1523 : vector<1x16xf32> to vector<16xf32>
        %parallel_loop3A_1525 = arith.constant 8.000000e+00 : f32
        %parallel_loop3A_1526 = vector.broadcast %parallel_loop3A_1525 : f32 to vector<16xf32>
        %parallel_loop3A_1527 = arith.mulf %parallel_loop3A_1524, %parallel_loop3A_1526 : vector<16xf32>
        %parallel_loop3A_1528 = arith.index_cast %parallel_loop3A_1484 : i32 to index
        %parallel_loop3A_1529 = arith.constant 48 : index
        %parallel_loop3A_1530 = tpu.vector_load %arg8[%parallel_loop3A_1528, %parallel_loop3A_1529] {strides = array<i32>} : memref<200x64xf32, #tpu.memory_space<vmem>>, vector<1x16xf32>,
        %parallel_loop3A_1531 = vector.shape_cast %parallel_loop3A_1530 : vector<1x16xf32> to vector<16xf32>
        %parallel_loop3A_1532 = vector.shape_cast %parallel_loop3A_1527 : vector<16xf32> to vector<1x16xf32>
        tpu.vector_store %arg8[%parallel_loop3A_1528, %parallel_loop3A_1529], %parallel_loop3A_1532 {strides = array<i32>} : memref<200x64xf32, #tpu.memory_space<vmem>>, vector<1x16xf32>,
      } {sc.loop_unroll_factor = 8 : i64, sc.parallel_access}
      %add3A_1293 = arith.addi %mul3A_2, %add3A_1244 : i32
      %dma_start3A_1294 = arith.constant 0 : i32
      %dma_start3A_1295 = arith.constant 0 : i32
      %dma_start3A_1296 = tpu.memref_slice %arg4[%add3A_1293, %dma_start3A_1294, %dma_start3A_1295] : memref<4096x200x128xf32, #tpu.memory_space<hbm>> -> memref<1x200x64xf32, #tpu.memory_space<hbm>>
      %dma_start3A_1297 = tpu.memref_squeeze %dma_start3A_1296 : memref<1x200x64xf32, #tpu.memory_space<hbm>> -> memref<200x64xf32, #tpu.memory_space<hbm>>
      %dma_start3A_1298 = arith.constant 0 : i32
      %dma_start3A_1299 = arith.constant 0 : i32
      %dma_start3A_1300 = tpu.memref_slice %arg4[%add3A_1293, %dma_start3A_1298, %dma_start3A_1299] : memref<4096x200x128xf32, #tpu.memory_space<hbm>> -> memref<1x200x64xf32, #tpu.memory_space<hbm>>
      %dma_start3A_1301 = tpu.memref_squeeze %dma_start3A_1300 : memref<1x200x64xf32, #tpu.memory_space<hbm>> -> memref<200x64xf32, #tpu.memory_space<hbm>>
      tpu.enqueue_dma source(%arg8 : memref<200x64xf32, #tpu.memory_space<vmem>>) target(%dma_start3A_1301 : memref<200x64xf32, #tpu.memory_space<hbm>>) target_semaphore(%arg17 : memref<!tpu.dma_semaphore, #tpu.memory_space<semaphore_mem>>)
      %sub3A_1302 = arith.constant 1 : i32
      %sub3A_1303 = arith.subi %add3A_1244, %sub3A_1302 : i32
      %add3A_1304 = arith.addi %mul3A_2, %sub3A_1303 : i32
      %dma_wait3A_1305 = arith.constant 0 : i32
      %dma_wait3A_1306 = arith.constant 0 : i32
      %dma_wait3A_1307 = tpu.memref_slice %arg4[%add3A_1304, %dma_wait3A_1305, %dma_wait3A_1306] : memref<4096x200x128xf32, #tpu.memory_space<hbm>> -> memref<1x200x64xf32, #tpu.memory_space<hbm>>
      %dma_wait3A_1308 = tpu.memref_squeeze %dma_wait3A_1307 : memref<1x200x64xf32, #tpu.memory_space<hbm>> -> memref<200x64xf32, #tpu.memory_space<hbm>>
      %dma_wait3A_1309 = arith.constant 0 : i32
      %dma_wait3A_1310 = arith.constant 0 : i32
      %dma_wait3A_1311 = tpu.memref_slice %arg4[%add3A_1304, %dma_wait3A_1309, %dma_wait3A_1310] : memref<4096x200x128xf32, #tpu.memory_space<hbm>> -> memref<1x200x64xf32, #tpu.memory_space<hbm>>
      %dma_wait3A_1312 = tpu.memref_squeeze %dma_wait3A_1311 : memref<1x200x64xf32, #tpu.memory_space<hbm>> -> memref<200x64xf32, #tpu.memory_space<hbm>>
      tpu.wait_dma2 semaphore(%arg16 : memref<!tpu.dma_semaphore, #tpu.memory_space<semaphore_mem>>) src(%arg7 : memref<200x64xf32, #tpu.memory_space<vmem>>) dst(%dma_wait3A_1312 : memref<200x64xf32, #tpu.memory_space<hbm>>)
      %add3A_1313 = arith.constant 4 : i32
      %add3A_1314 = arith.addi %add3A_1244, %add3A_1313 : i32
      %sub3A_1315 = arith.constant 1 : i32
      %sub3A_1316 = arith.subi %add3A_1314, %sub3A_1315 : i32
      %dma_start3A_1317 = arith.constant 0 : i32
      %dma_start3A_1318 = arith.constant 0 : i32
      %dma_start3A_1319 = tpu.memref_slice %arg7[%dma_start3A_1317, %dma_start3A_1318] : memref<200x64xf32, #tpu.memory_space<vmem>> -> memref<40x64xf32, #tpu.memory_space<vmem>>
      %dma_start3A_1320 = arith.constant 0 : i32
      %dma_start3A_1321 = tpu.memref_slice %arg5[%sub3A_1316, %dma_start3A_1320] : memref<128x200xi32, #tpu.memory_space<vmem>> -> memref<1x40xi32, #tpu.memory_space<vmem>>
      %dma_start3A_1322 = tpu.memref_squeeze %dma_start3A_1321 : memref<1x40xi32, #tpu.memory_space<vmem>> -> memref<40xi32, #tpu.memory_space<vmem>>
      %dma_start3A_1323 = arith.constant 0 : i32
      %dma_start3A_1324 = arith.constant 0 : i32
      %dma_start3A_1325 = tpu.memref_slice %arg2[%dma_start3A_1323, %dma_start3A_1324] : memref<2000000x64xf32, #tpu.memory_space<hbm>> -> memref<2000000x64xf32, #tpu.memory_space<hbm>>
      tpu.enqueue_indirect_dma source(%dma_start3A_1325 : memref<2000000x64xf32, #tpu.memory_space<hbm>>) target(%dma_start3A_1319 : memref<40x64xf32, #tpu.memory_space<vmem>>) offsets(%dma_start3A_1322 : memref<40xi32, #tpu.memory_space<vmem>>) semaphore(%arg12 : memref<!tpu.dma_semaphore, #tpu.memory_space<semaphore_mem>>)
      %dma_start3A_1326 = arith.constant 40 : i32
      %dma_start3A_1327 = arith.constant 0 : i32
      %dma_start3A_1328 = tpu.memref_slice %arg7[%dma_start3A_1326, %dma_start3A_1327] : memref<200x64xf32, #tpu.memory_space<vmem>> -> memref<40x64xf32, #tpu.memory_space<vmem>>
      %dma_start3A_1329 = arith.constant 40 : i32
      %dma_start3A_1330 = tpu.memref_slice %arg5[%sub3A_1316, %dma_start3A_1329] : memref<128x200xi32, #tpu.memory_space<vmem>> -> memref<1x40xi32, #tpu.memory_space<vmem>>
      %dma_start3A_1331 = tpu.memref_squeeze %dma_start3A_1330 : memref<1x40xi32, #tpu.memory_space<vmem>> -> memref<40xi32, #tpu.memory_space<vmem>>
      %dma_start3A_1332 = arith.constant 0 : i32
      %dma_start3A_1333 = arith.constant 0 : i32
      %dma_start3A_1334 = tpu.memref_slice %arg2[%dma_start3A_1332, %dma_start3A_1333] : memref<2000000x64xf32, #tpu.memory_space<hbm>> -> memref<2000000x64xf32, #tpu.memory_space<hbm>>
      tpu.enqueue_indirect_dma source(%dma_start3A_1334 : memref<2000000x64xf32, #tpu.memory_space<hbm>>) target(%dma_start3A_1328 : memref<40x64xf32, #tpu.memory_space<vmem>>) offsets(%dma_start3A_1331 : memref<40xi32, #tpu.memory_space<vmem>>) semaphore(%arg12 : memref<!tpu.dma_semaphore, #tpu.memory_space<semaphore_mem>>)
      %dma_start3A_1335 = arith.constant 80 : i32
      %dma_start3A_1336 = arith.constant 0 : i32
      %dma_start3A_1337 = tpu.memref_slice %arg7[%dma_start3A_1335, %dma_start3A_1336] : memref<200x64xf32, #tpu.memory_space<vmem>> -> memref<40x64xf32, #tpu.memory_space<vmem>>
      %dma_start3A_1338 = arith.constant 80 : i32
      %dma_start3A_1339 = tpu.memref_slice %arg5[%sub3A_1316, %dma_start3A_1338] : memref<128x200xi32, #tpu.memory_space<vmem>> -> memref<1x40xi32, #tpu.memory_space<vmem>>
      %dma_start3A_1340 = tpu.memref_squeeze %dma_start3A_1339 : memref<1x40xi32, #tpu.memory_space<vmem>> -> memref<40xi32, #tpu.memory_space<vmem>>
      %dma_start3A_1341 = arith.constant 0 : i32
      %dma_start3A_1342 = arith.constant 0 : i32
      %dma_start3A_1343 = tpu.memref_slice %arg2[%dma_start3A_1341, %dma_start3A_1342] : memref<2000000x64xf32, #tpu.memory_space<hbm>> -> memref<2000000x64xf32, #tpu.memory_space<hbm>>
      tpu.enqueue_indirect_dma source(%dma_start3A_1343 : memref<2000000x64xf32, #tpu.memory_space<hbm>>) target(%dma_start3A_1337 : memref<40x64xf32, #tpu.memory_space<vmem>>) offsets(%dma_start3A_1340 : memref<40xi32, #tpu.memory_space<vmem>>) semaphore(%arg12 : memref<!tpu.dma_semaphore, #tpu.memory_space<semaphore_mem>>)
      %dma_start3A_1344 = arith.constant 120 : i32
      %dma_start3A_1345 = arith.constant 0 : i32
      %dma_start3A_1346 = tpu.memref_slice %arg7[%dma_start3A_1344, %dma_start3A_1345] : memref<200x64xf32, #tpu.memory_space<vmem>> -> memref<40x64xf32, #tpu.memory_space<vmem>>
      %dma_start3A_1347 = arith.constant 120 : i32
      %dma_start3A_1348 = tpu.memref_slice %arg5[%sub3A_1316, %dma_start3A_1347] : memref<128x200xi32, #tpu.memory_space<vmem>> -> memref<1x40xi32, #tpu.memory_space<vmem>>
      %dma_start3A_1349 = tpu.memref_squeeze %dma_start3A_1348 : memref<1x40xi32, #tpu.memory_space<vmem>> -> memref<40xi32, #tpu.memory_space<vmem>>
      %dma_start3A_1350 = arith.constant 0 : i32
      %dma_start3A_1351 = arith.constant 0 : i32
      %dma_start3A_1352 = tpu.memref_slice %arg2[%dma_start3A_1350, %dma_start3A_1351] : memref<2000000x64xf32, #tpu.memory_space<hbm>> -> memref<2000000x64xf32, #tpu.memory_space<hbm>>
      tpu.enqueue_indirect_dma source(%dma_start3A_1352 : memref<2000000x64xf32, #tpu.memory_space<hbm>>) target(%dma_start3A_1346 : memref<40x64xf32, #tpu.memory_space<vmem>>) offsets(%dma_start3A_1349 : memref<40xi32, #tpu.memory_space<vmem>>) semaphore(%arg12 : memref<!tpu.dma_semaphore, #tpu.memory_space<semaphore_mem>>)
      %dma_start3A_1353 = arith.constant 160 : i32
      %dma_start3A_1354 = arith.constant 0 : i32
      %dma_start3A_1355 = tpu.memref_slice %arg7[%dma_start3A_1353, %dma_start3A_1354] : memref<200x64xf32, #tpu.memory_space<vmem>> -> memref<40x64xf32, #tpu.memory_space<vmem>>
      %dma_start3A_1356 = arith.constant 160 : i32
      %dma_start3A_1357 = tpu.memref_slice %arg5[%sub3A_1316, %dma_start3A_1356] : memref<128x200xi32, #tpu.memory_space<vmem>> -> memref<1x40xi32, #tpu.memory_space<vmem>>
      %dma_start3A_1358 = tpu.memref_squeeze %dma_start3A_1357 : memref<1x40xi32, #tpu.memory_space<vmem>> -> memref<40xi32, #tpu.memory_space<vmem>>
      %dma_start3A_1359 = arith.constant 0 : i32
      %dma_start3A_1360 = arith.constant 0 : i32
      %dma_start3A_1361 = tpu.memref_slice %arg2[%dma_start3A_1359, %dma_start3A_1360] : memref<2000000x64xf32, #tpu.memory_space<hbm>> -> memref<2000000x64xf32, #tpu.memory_space<hbm>>
      tpu.enqueue_indirect_dma source(%dma_start3A_1361 : memref<2000000x64xf32, #tpu.memory_space<hbm>>) target(%dma_start3A_1355 : memref<40x64xf32, #tpu.memory_space<vmem>>) offsets(%dma_start3A_1358 : memref<40xi32, #tpu.memory_space<vmem>>) semaphore(%arg12 : memref<!tpu.dma_semaphore, #tpu.memory_space<semaphore_mem>>)
      %mul3A_1362 = arith.constant 4 : i32
      %mul3A_1363 = arith.muli %scan3A_998, %mul3A_1362 : i32
      %add3A_1364 = arith.constant 3 : i32
      %add3A_1365 = arith.addi %mul3A_1363, %add3A_1364 : i32
      %dma_wait3A_1366 = arith.constant 0 : i32
      %dma_wait3A_1367 = arith.constant 0 : i32
      %dma_wait3A_1368 = tpu.memref_slice %arg9[%dma_wait3A_1366, %dma_wait3A_1367] : memref<200x64xf32, #tpu.memory_space<vmem>> -> memref<40x64xf32, #tpu.memory_space<vmem>>
      %dma_wait3A_1369 = arith.constant 0 : i32
      %dma_wait3A_1370 = tpu.memref_slice %arg5[%add3A_1365, %dma_wait3A_1369] : memref<128x200xi32, #tpu.memory_space<vmem>> -> memref<1x40xi32, #tpu.memory_space<vmem>>
      %dma_wait3A_1371 = tpu.memref_squeeze %dma_wait3A_1370 : memref<1x40xi32, #tpu.memory_space<vmem>> -> memref<40xi32, #tpu.memory_space<vmem>>
      %dma_wait3A_1372 = arith.constant 0 : i32
      %dma_wait3A_1373 = arith.constant 0 : i32
      %dma_wait3A_1374 = tpu.memref_slice %arg2[%dma_wait3A_1372, %dma_wait3A_1373] : memref<2000000x64xf32, #tpu.memory_space<hbm>> -> memref<2000000x64xf32, #tpu.memory_space<hbm>>
      tpu.wait_indirect_dma semaphore(%arg14 : memref<!tpu.dma_semaphore, #tpu.memory_space<semaphore_mem>>) src(%dma_wait3A_1374 : memref<2000000x64xf32, #tpu.memory_space<hbm>>) dst(%dma_wait3A_1368 : memref<40x64xf32, #tpu.memory_space<vmem>>)
      %dma_wait3A_1375 = arith.constant 40 : i32
      %dma_wait3A_1376 = arith.constant 0 : i32
      %dma_wait3A_1377 = tpu.memref_slice %arg9[%dma_wait3A_1375, %dma_wait3A_1376] : memref<200x64xf32, #tpu.memory_space<vmem>> -> memref<40x64xf32, #tpu.memory_space<vmem>>
      %dma_wait3A_1378 = arith.constant 40 : i32
      %dma_wait3A_1379 = tpu.memref_slice %arg5[%add3A_1365, %dma_wait3A_1378] : memref<128x200xi32, #tpu.memory_space<vmem>> -> memref<1x40xi32, #tpu.memory_space<vmem>>
      %dma_wait3A_1380 = tpu.memref_squeeze %dma_wait3A_1379 : memref<1x40xi32, #tpu.memory_space<vmem>> -> memref<40xi32, #tpu.memory_space<vmem>>
      %dma_wait3A_1381 = arith.constant 0 : i32
      %dma_wait3A_1382 = arith.constant 0 : i32
      %dma_wait3A_1383 = tpu.memref_slice %arg2[%dma_wait3A_1381, %dma_wait3A_1382] : memref<2000000x64xf32, #tpu.memory_space<hbm>> -> memref<2000000x64xf32, #tpu.memory_space<hbm>>
      tpu.wait_indirect_dma semaphore(%arg14 : memref<!tpu.dma_semaphore, #tpu.memory_space<semaphore_mem>>) src(%dma_wait3A_1383 : memref<2000000x64xf32, #tpu.memory_space<hbm>>) dst(%dma_wait3A_1377 : memref<40x64xf32, #tpu.memory_space<vmem>>)
      %dma_wait3A_1384 = arith.constant 80 : i32
      %dma_wait3A_1385 = arith.constant 0 : i32
      %dma_wait3A_1386 = tpu.memref_slice %arg9[%dma_wait3A_1384, %dma_wait3A_1385] : memref<200x64xf32, #tpu.memory_space<vmem>> -> memref<40x64xf32, #tpu.memory_space<vmem>>
      %dma_wait3A_1387 = arith.constant 80 : i32
      %dma_wait3A_1388 = tpu.memref_slice %arg5[%add3A_1365, %dma_wait3A_1387] : memref<128x200xi32, #tpu.memory_space<vmem>> -> memref<1x40xi32, #tpu.memory_space<vmem>>
      %dma_wait3A_1389 = tpu.memref_squeeze %dma_wait3A_1388 : memref<1x40xi32, #tpu.memory_space<vmem>> -> memref<40xi32, #tpu.memory_space<vmem>>
      %dma_wait3A_1390 = arith.constant 0 : i32
      %dma_wait3A_1391 = arith.constant 0 : i32
      %dma_wait3A_1392 = tpu.memref_slice %arg2[%dma_wait3A_1390, %dma_wait3A_1391] : memref<2000000x64xf32, #tpu.memory_space<hbm>> -> memref<2000000x64xf32, #tpu.memory_space<hbm>>
      tpu.wait_indirect_dma semaphore(%arg14 : memref<!tpu.dma_semaphore, #tpu.memory_space<semaphore_mem>>) src(%dma_wait3A_1392 : memref<2000000x64xf32, #tpu.memory_space<hbm>>) dst(%dma_wait3A_1386 : memref<40x64xf32, #tpu.memory_space<vmem>>)
      %dma_wait3A_1393 = arith.constant 120 : i32
      %dma_wait3A_1394 = arith.constant 0 : i32
      %dma_wait3A_1395 = tpu.memref_slice %arg9[%dma_wait3A_1393, %dma_wait3A_1394] : memref<200x64xf32, #tpu.memory_space<vmem>> -> memref<40x64xf32, #tpu.memory_space<vmem>>
      %dma_wait3A_1396 = arith.constant 120 : i32
      %dma_wait3A_1397 = tpu.memref_slice %arg5[%add3A_1365, %dma_wait3A_1396] : memref<128x200xi32, #tpu.memory_space<vmem>> -> memref<1x40xi32, #tpu.memory_space<vmem>>
      %dma_wait3A_1398 = tpu.memref_squeeze %dma_wait3A_1397 : memref<1x40xi32, #tpu.memory_space<vmem>> -> memref<40xi32, #tpu.memory_space<vmem>>
      %dma_wait3A_1399 = arith.constant 0 : i32
      %dma_wait3A_1400 = arith.constant 0 : i32
      %dma_wait3A_1401 = tpu.memref_slice %arg2[%dma_wait3A_1399, %dma_wait3A_1400] : memref<2000000x64xf32, #tpu.memory_space<hbm>> -> memref<2000000x64xf32, #tpu.memory_space<hbm>>
      tpu.wait_indirect_dma semaphore(%arg14 : memref<!tpu.dma_semaphore, #tpu.memory_space<semaphore_mem>>) src(%dma_wait3A_1401 : memref<2000000x64xf32, #tpu.memory_space<hbm>>) dst(%dma_wait3A_1395 : memref<40x64xf32, #tpu.memory_space<vmem>>)
      %dma_wait3A_1402 = arith.constant 160 : i32
      %dma_wait3A_1403 = arith.constant 0 : i32
      %dma_wait3A_1404 = tpu.memref_slice %arg9[%dma_wait3A_1402, %dma_wait3A_1403] : memref<200x64xf32, #tpu.memory_space<vmem>> -> memref<40x64xf32, #tpu.memory_space<vmem>>
      %dma_wait3A_1405 = arith.constant 160 : i32
      %dma_wait3A_1406 = tpu.memref_slice %arg5[%add3A_1365, %dma_wait3A_1405] : memref<128x200xi32, #tpu.memory_space<vmem>> -> memref<1x40xi32, #tpu.memory_space<vmem>>
      %dma_wait3A_1407 = tpu.memref_squeeze %dma_wait3A_1406 : memref<1x40xi32, #tpu.memory_space<vmem>> -> memref<40xi32, #tpu.memory_space<vmem>>
      %dma_wait3A_1408 = arith.constant 0 : i32
      %dma_wait3A_1409 = arith.constant 0 : i32
      %dma_wait3A_1410 = tpu.memref_slice %arg2[%dma_wait3A_1408, %dma_wait3A_1409] : memref<2000000x64xf32, #tpu.memory_space<hbm>> -> memref<2000000x64xf32, #tpu.memory_space<hbm>>
      tpu.wait_indirect_dma semaphore(%arg14 : memref<!tpu.dma_semaphore, #tpu.memory_space<semaphore_mem>>) src(%dma_wait3A_1410 : memref<2000000x64xf32, #tpu.memory_space<hbm>>) dst(%dma_wait3A_1404 : memref<40x64xf32, #tpu.memory_space<vmem>>)
      %parallel_loop3A_1411 = arith.constant 0 : i32
      %parallel_loop3A_1412 = arith.constant 200 : i32
      %parallel_loop3A_1413 = arith.constant 1 : i32
      scf.for %parallel_loop3A_1484 = %parallel_loop3A_1411 to %parallel_loop3A_1412 step %parallel_loop3A_1413  : i32 {
        %parallel_loop3A_1485 = arith.index_cast %parallel_loop3A_1484 : i32 to index
        %parallel_loop3A_1486 = arith.constant 0 : index
        %parallel_loop3A_1487 = tpu.vector_load %arg9[%parallel_loop3A_1485, %parallel_loop3A_1486] {strides = array<i32>} : memref<200x64xf32, #tpu.memory_space<vmem>>, vector<1x16xf32>,
        %parallel_loop3A_1488 = vector.shape_cast %parallel_loop3A_1487 : vector<1x16xf32> to vector<16xf32>
        %parallel_loop3A_1489 = arith.constant 8.000000e+00 : f32
        %parallel_loop3A_1490 = vector.broadcast %parallel_loop3A_1489 : f32 to vector<16xf32>
        %parallel_loop3A_1491 = arith.mulf %parallel_loop3A_1488, %parallel_loop3A_1490 : vector<16xf32>
        %parallel_loop3A_1492 = arith.index_cast %parallel_loop3A_1484 : i32 to index
        %parallel_loop3A_1493 = arith.constant 0 : index
        %parallel_loop3A_1494 = tpu.vector_load %arg9[%parallel_loop3A_1492, %parallel_loop3A_1493] {strides = array<i32>} : memref<200x64xf32, #tpu.memory_space<vmem>>, vector<1x16xf32>,
        %parallel_loop3A_1495 = vector.shape_cast %parallel_loop3A_1494 : vector<1x16xf32> to vector<16xf32>
        %parallel_loop3A_1496 = vector.shape_cast %parallel_loop3A_1491 : vector<16xf32> to vector<1x16xf32>
        tpu.vector_store %arg9[%parallel_loop3A_1492, %parallel_loop3A_1493], %parallel_loop3A_1496 {strides = array<i32>} : memref<200x64xf32, #tpu.memory_space<vmem>>, vector<1x16xf32>,
        %parallel_loop3A_1497 = arith.index_cast %parallel_loop3A_1484 : i32 to index
        %parallel_loop3A_1498 = arith.constant 16 : index
        %parallel_loop3A_1499 = tpu.vector_load %arg9[%parallel_loop3A_1497, %parallel_loop3A_1498] {strides = array<i32>} : memref<200x64xf32, #tpu.memory_space<vmem>>, vector<1x16xf32>,
        %parallel_loop3A_1500 = vector.shape_cast %parallel_loop3A_1499 : vector<1x16xf32> to vector<16xf32>
        %parallel_loop3A_1501 = arith.constant 8.000000e+00 : f32
        %parallel_loop3A_1502 = vector.broadcast %parallel_loop3A_1501 : f32 to vector<16xf32>
        %parallel_loop3A_1503 = arith.mulf %parallel_loop3A_1500, %parallel_loop3A_1502 : vector<16xf32>
        %parallel_loop3A_1504 = arith.index_cast %parallel_loop3A_1484 : i32 to index
        %parallel_loop3A_1505 = arith.constant 16 : index
        %parallel_loop3A_1506 = tpu.vector_load %arg9[%parallel_loop3A_1504, %parallel_loop3A_1505] {strides = array<i32>} : memref<200x64xf32, #tpu.memory_space<vmem>>, vector<1x16xf32>,
        %parallel_loop3A_1507 = vector.shape_cast %parallel_loop3A_1506 : vector<1x16xf32> to vector<16xf32>
        %parallel_loop3A_1508 = vector.shape_cast %parallel_loop3A_1503 : vector<16xf32> to vector<1x16xf32>
        tpu.vector_store %arg9[%parallel_loop3A_1504, %parallel_loop3A_1505], %parallel_loop3A_1508 {strides = array<i32>} : memref<200x64xf32, #tpu.memory_space<vmem>>, vector<1x16xf32>,
        %parallel_loop3A_1509 = arith.index_cast %parallel_loop3A_1484 : i32 to index
        %parallel_loop3A_1510 = arith.constant 32 : index
        %parallel_loop3A_1511 = tpu.vector_load %arg9[%parallel_loop3A_1509, %parallel_loop3A_1510] {strides = array<i32>} : memref<200x64xf32, #tpu.memory_space<vmem>>, vector<1x16xf32>,
        %parallel_loop3A_1512 = vector.shape_cast %parallel_loop3A_1511 : vector<1x16xf32> to vector<16xf32>
        %parallel_loop3A_1513 = arith.constant 8.000000e+00 : f32
        %parallel_loop3A_1514 = vector.broadcast %parallel_loop3A_1513 : f32 to vector<16xf32>
        %parallel_loop3A_1515 = arith.mulf %parallel_loop3A_1512, %parallel_loop3A_1514 : vector<16xf32>
        %parallel_loop3A_1516 = arith.index_cast %parallel_loop3A_1484 : i32 to index
        %parallel_loop3A_1517 = arith.constant 32 : index
        %parallel_loop3A_1518 = tpu.vector_load %arg9[%parallel_loop3A_1516, %parallel_loop3A_1517] {strides = array<i32>} : memref<200x64xf32, #tpu.memory_space<vmem>>, vector<1x16xf32>,
        %parallel_loop3A_1519 = vector.shape_cast %parallel_loop3A_1518 : vector<1x16xf32> to vector<16xf32>
        %parallel_loop3A_1520 = vector.shape_cast %parallel_loop3A_1515 : vector<16xf32> to vector<1x16xf32>
        tpu.vector_store %arg9[%parallel_loop3A_1516, %parallel_loop3A_1517], %parallel_loop3A_1520 {strides = array<i32>} : memref<200x64xf32, #tpu.memory_space<vmem>>, vector<1x16xf32>,
        %parallel_loop3A_1521 = arith.index_cast %parallel_loop3A_1484 : i32 to index
        %parallel_loop3A_1522 = arith.constant 48 : index
        %parallel_loop3A_1523 = tpu.vector_load %arg9[%parallel_loop3A_1521, %parallel_loop3A_1522] {strides = array<i32>} : memref<200x64xf32, #tpu.memory_space<vmem>>, vector<1x16xf32>,
        %parallel_loop3A_1524 = vector.shape_cast %parallel_loop3A_1523 : vector<1x16xf32> to vector<16xf32>
        %parallel_loop3A_1525 = arith.constant 8.000000e+00 : f32
        %parallel_loop3A_1526 = vector.broadcast %parallel_loop3A_1525 : f32 to vector<16xf32>
        %parallel_loop3A_1527 = arith.mulf %parallel_loop3A_1524, %parallel_loop3A_1526 : vector<16xf32>
        %parallel_loop3A_1528 = arith.index_cast %parallel_loop3A_1484 : i32 to index
        %parallel_loop3A_1529 = arith.constant 48 : index
        %parallel_loop3A_1530 = tpu.vector_load %arg9[%parallel_loop3A_1528, %parallel_loop3A_1529] {strides = array<i32>} : memref<200x64xf32, #tpu.memory_space<vmem>>, vector<1x16xf32>,
        %parallel_loop3A_1531 = vector.shape_cast %parallel_loop3A_1530 : vector<1x16xf32> to vector<16xf32>
        %parallel_loop3A_1532 = vector.shape_cast %parallel_loop3A_1527 : vector<16xf32> to vector<1x16xf32>
        tpu.vector_store %arg9[%parallel_loop3A_1528, %parallel_loop3A_1529], %parallel_loop3A_1532 {strides = array<i32>} : memref<200x64xf32, #tpu.memory_space<vmem>>, vector<1x16xf32>,
      } {sc.loop_unroll_factor = 8 : i64, sc.parallel_access}
      %add3A_1414 = arith.addi %mul3A_2, %add3A_1365 : i32
      %dma_start3A_1415 = arith.constant 0 : i32
      %dma_start3A_1416 = arith.constant 0 : i32
      %dma_start3A_1417 = tpu.memref_slice %arg4[%add3A_1414, %dma_start3A_1415, %dma_start3A_1416] : memref<4096x200x128xf32, #tpu.memory_space<hbm>> -> memref<1x200x64xf32, #tpu.memory_space<hbm>>
      %dma_start3A_1418 = tpu.memref_squeeze %dma_start3A_1417 : memref<1x200x64xf32, #tpu.memory_space<hbm>> -> memref<200x64xf32, #tpu.memory_space<hbm>>
      %dma_start3A_1419 = arith.constant 0 : i32
      %dma_start3A_1420 = arith.constant 0 : i32
      %dma_start3A_1421 = tpu.memref_slice %arg4[%add3A_1414, %dma_start3A_1419, %dma_start3A_1420] : memref<4096x200x128xf32, #tpu.memory_space<hbm>> -> memref<1x200x64xf32, #tpu.memory_space<hbm>>
      %dma_start3A_1422 = tpu.memref_squeeze %dma_start3A_1421 : memref<1x200x64xf32, #tpu.memory_space<hbm>> -> memref<200x64xf32, #tpu.memory_space<hbm>>
      tpu.enqueue_dma source(%arg9 : memref<200x64xf32, #tpu.memory_space<vmem>>) target(%dma_start3A_1422 : memref<200x64xf32, #tpu.memory_space<hbm>>) target_semaphore(%arg18 : memref<!tpu.dma_semaphore, #tpu.memory_space<semaphore_mem>>)
      %sub3A_1423 = arith.constant 1 : i32
      %sub3A_1424 = arith.subi %add3A_1365, %sub3A_1423 : i32
      %add3A_1425 = arith.addi %mul3A_2, %sub3A_1424 : i32
      %dma_wait3A_1426 = arith.constant 0 : i32
      %dma_wait3A_1427 = arith.constant 0 : i32
      %dma_wait3A_1428 = tpu.memref_slice %arg4[%add3A_1425, %dma_wait3A_1426, %dma_wait3A_1427] : memref<4096x200x128xf32, #tpu.memory_space<hbm>> -> memref<1x200x64xf32, #tpu.memory_space<hbm>>
      %dma_wait3A_1429 = tpu.memref_squeeze %dma_wait3A_1428 : memref<1x200x64xf32, #tpu.memory_space<hbm>> -> memref<200x64xf32, #tpu.memory_space<hbm>>
      %dma_wait3A_1430 = arith.constant 0 : i32
      %dma_wait3A_1431 = arith.constant 0 : i32
      %dma_wait3A_1432 = tpu.memref_slice %arg4[%add3A_1425, %dma_wait3A_1430, %dma_wait3A_1431] : memref<4096x200x128xf32, #tpu.memory_space<hbm>> -> memref<1x200x64xf32, #tpu.memory_space<hbm>>
      %dma_wait3A_1433 = tpu.memref_squeeze %dma_wait3A_1432 : memref<1x200x64xf32, #tpu.memory_space<hbm>> -> memref<200x64xf32, #tpu.memory_space<hbm>>
      tpu.wait_dma2 semaphore(%arg17 : memref<!tpu.dma_semaphore, #tpu.memory_space<semaphore_mem>>) src(%arg8 : memref<200x64xf32, #tpu.memory_space<vmem>>) dst(%dma_wait3A_1433 : memref<200x64xf32, #tpu.memory_space<hbm>>)
      %add3A_1434 = arith.constant 4 : i32
      %add3A_1435 = arith.addi %add3A_1365, %add3A_1434 : i32
      %sub3A_1436 = arith.constant 1 : i32
      %sub3A_1437 = arith.subi %add3A_1435, %sub3A_1436 : i32
      %dma_start3A_1438 = arith.constant 0 : i32
      %dma_start3A_1439 = arith.constant 0 : i32
      %dma_start3A_1440 = tpu.memref_slice %arg8[%dma_start3A_1438, %dma_start3A_1439] : memref<200x64xf32, #tpu.memory_space<vmem>> -> memref<40x64xf32, #tpu.memory_space<vmem>>
      %dma_start3A_1441 = arith.constant 0 : i32
      %dma_start3A_1442 = tpu.memref_slice %arg5[%sub3A_1437, %dma_start3A_1441] : memref<128x200xi32, #tpu.memory_space<vmem>> -> memref<1x40xi32, #tpu.memory_space<vmem>>
      %dma_start3A_1443 = tpu.memref_squeeze %dma_start3A_1442 : memref<1x40xi32, #tpu.memory_space<vmem>> -> memref<40xi32, #tpu.memory_space<vmem>>
      %dma_start3A_1444 = arith.constant 0 : i32
      %dma_start3A_1445 = arith.constant 0 : i32
      %dma_start3A_1446 = tpu.memref_slice %arg2[%dma_start3A_1444, %dma_start3A_1445] : memref<2000000x64xf32, #tpu.memory_space<hbm>> -> memref<2000000x64xf32, #tpu.memory_space<hbm>>
      tpu.enqueue_indirect_dma source(%dma_start3A_1446 : memref<2000000x64xf32, #tpu.memory_space<hbm>>) target(%dma_start3A_1440 : memref<40x64xf32, #tpu.memory_space<vmem>>) offsets(%dma_start3A_1443 : memref<40xi32, #tpu.memory_space<vmem>>) semaphore(%arg13 : memref<!tpu.dma_semaphore, #tpu.memory_space<semaphore_mem>>)
      %dma_start3A_1447 = arith.constant 40 : i32
      %dma_start3A_1448 = arith.constant 0 : i32
      %dma_start3A_1449 = tpu.memref_slice %arg8[%dma_start3A_1447, %dma_start3A_1448] : memref<200x64xf32, #tpu.memory_space<vmem>> -> memref<40x64xf32, #tpu.memory_space<vmem>>
      %dma_start3A_1450 = arith.constant 40 : i32
      %dma_start3A_1451 = tpu.memref_slice %arg5[%sub3A_1437, %dma_start3A_1450] : memref<128x200xi32, #tpu.memory_space<vmem>> -> memref<1x40xi32, #tpu.memory_space<vmem>>
      %dma_start3A_1452 = tpu.memref_squeeze %dma_start3A_1451 : memref<1x40xi32, #tpu.memory_space<vmem>> -> memref<40xi32, #tpu.memory_space<vmem>>
      %dma_start3A_1453 = arith.constant 0 : i32
      %dma_start3A_1454 = arith.constant 0 : i32
      %dma_start3A_1455 = tpu.memref_slice %arg2[%dma_start3A_1453, %dma_start3A_1454] : memref<2000000x64xf32, #tpu.memory_space<hbm>> -> memref<2000000x64xf32, #tpu.memory_space<hbm>>
      tpu.enqueue_indirect_dma source(%dma_start3A_1455 : memref<2000000x64xf32, #tpu.memory_space<hbm>>) target(%dma_start3A_1449 : memref<40x64xf32, #tpu.memory_space<vmem>>) offsets(%dma_start3A_1452 : memref<40xi32, #tpu.memory_space<vmem>>) semaphore(%arg13 : memref<!tpu.dma_semaphore, #tpu.memory_space<semaphore_mem>>)
      %dma_start3A_1456 = arith.constant 80 : i32
      %dma_start3A_1457 = arith.constant 0 : i32
      %dma_start3A_1458 = tpu.memref_slice %arg8[%dma_start3A_1456, %dma_start3A_1457] : memref<200x64xf32, #tpu.memory_space<vmem>> -> memref<40x64xf32, #tpu.memory_space<vmem>>
      %dma_start3A_1459 = arith.constant 80 : i32
      %dma_start3A_1460 = tpu.memref_slice %arg5[%sub3A_1437, %dma_start3A_1459] : memref<128x200xi32, #tpu.memory_space<vmem>> -> memref<1x40xi32, #tpu.memory_space<vmem>>
      %dma_start3A_1461 = tpu.memref_squeeze %dma_start3A_1460 : memref<1x40xi32, #tpu.memory_space<vmem>> -> memref<40xi32, #tpu.memory_space<vmem>>
      %dma_start3A_1462 = arith.constant 0 : i32
      %dma_start3A_1463 = arith.constant 0 : i32
      %dma_start3A_1464 = tpu.memref_slice %arg2[%dma_start3A_1462, %dma_start3A_1463] : memref<2000000x64xf32, #tpu.memory_space<hbm>> -> memref<2000000x64xf32, #tpu.memory_space<hbm>>
      tpu.enqueue_indirect_dma source(%dma_start3A_1464 : memref<2000000x64xf32, #tpu.memory_space<hbm>>) target(%dma_start3A_1458 : memref<40x64xf32, #tpu.memory_space<vmem>>) offsets(%dma_start3A_1461 : memref<40xi32, #tpu.memory_space<vmem>>) semaphore(%arg13 : memref<!tpu.dma_semaphore, #tpu.memory_space<semaphore_mem>>)
      %dma_start3A_1465 = arith.constant 120 : i32
      %dma_start3A_1466 = arith.constant 0 : i32
      %dma_start3A_1467 = tpu.memref_slice %arg8[%dma_start3A_1465, %dma_start3A_1466] : memref<200x64xf32, #tpu.memory_space<vmem>> -> memref<40x64xf32, #tpu.memory_space<vmem>>
      %dma_start3A_1468 = arith.constant 120 : i32
      %dma_start3A_1469 = tpu.memref_slice %arg5[%sub3A_1437, %dma_start3A_1468] : memref<128x200xi32, #tpu.memory_space<vmem>> -> memref<1x40xi32, #tpu.memory_space<vmem>>
      %dma_start3A_1470 = tpu.memref_squeeze %dma_start3A_1469 : memref<1x40xi32, #tpu.memory_space<vmem>> -> memref<40xi32, #tpu.memory_space<vmem>>
      %dma_start3A_1471 = arith.constant 0 : i32
      %dma_start3A_1472 = arith.constant 0 : i32
      %dma_start3A_1473 = tpu.memref_slice %arg2[%dma_start3A_1471, %dma_start3A_1472] : memref<2000000x64xf32, #tpu.memory_space<hbm>> -> memref<2000000x64xf32, #tpu.memory_space<hbm>>
      tpu.enqueue_indirect_dma source(%dma_start3A_1473 : memref<2000000x64xf32, #tpu.memory_space<hbm>>) target(%dma_start3A_1467 : memref<40x64xf32, #tpu.memory_space<vmem>>) offsets(%dma_start3A_1470 : memref<40xi32, #tpu.memory_space<vmem>>) semaphore(%arg13 : memref<!tpu.dma_semaphore, #tpu.memory_space<semaphore_mem>>)
      %dma_start3A_1474 = arith.constant 160 : i32
      %dma_start3A_1475 = arith.constant 0 : i32
      %dma_start3A_1476 = tpu.memref_slice %arg8[%dma_start3A_1474, %dma_start3A_1475] : memref<200x64xf32, #tpu.memory_space<vmem>> -> memref<40x64xf32, #tpu.memory_space<vmem>>
      %dma_start3A_1477 = arith.constant 160 : i32
      %dma_start3A_1478 = tpu.memref_slice %arg5[%sub3A_1437, %dma_start3A_1477] : memref<128x200xi32, #tpu.memory_space<vmem>> -> memref<1x40xi32, #tpu.memory_space<vmem>>
      %dma_start3A_1479 = tpu.memref_squeeze %dma_start3A_1478 : memref<1x40xi32, #tpu.memory_space<vmem>> -> memref<40xi32, #tpu.memory_space<vmem>>
      %dma_start3A_1480 = arith.constant 0 : i32
      %dma_start3A_1481 = arith.constant 0 : i32
      %dma_start3A_1482 = tpu.memref_slice %arg2[%dma_start3A_1480, %dma_start3A_1481] : memref<2000000x64xf32, #tpu.memory_space<hbm>> -> memref<2000000x64xf32, #tpu.memory_space<hbm>>
      tpu.enqueue_indirect_dma source(%dma_start3A_1482 : memref<2000000x64xf32, #tpu.memory_space<hbm>>) target(%dma_start3A_1476 : memref<40x64xf32, #tpu.memory_space<vmem>>) offsets(%dma_start3A_1479 : memref<40xi32, #tpu.memory_space<vmem>>) semaphore(%arg13 : memref<!tpu.dma_semaphore, #tpu.memory_space<semaphore_mem>>)
      %scan3A_1483 = arith.constant 0 : i32
      scf.yield %scan3A_1483 : i32
    }
    %scan3A_645 = arith.constant 30 : i32
    %dma_wait3A_646 = arith.constant 124 : i32
    %dma_wait3A_647 = arith.constant 0 : i32
    %dma_wait3A_648 = arith.constant 0 : i32
    %dma_wait3A_649 = tpu.memref_slice %arg6[%dma_wait3A_647, %dma_wait3A_648] : memref<200x64xf32, #tpu.memory_space<vmem>> -> memref<40x64xf32, #tpu.memory_space<vmem>>
    %dma_wait3A_650 = arith.constant 0 : i32
    %dma_wait3A_651 = tpu.memref_slice %arg5[%dma_wait3A_646, %dma_wait3A_650] : memref<128x200xi32, #tpu.memory_space<vmem>> -> memref<1x40xi32, #tpu.memory_space<vmem>>
    %dma_wait3A_652 = tpu.memref_squeeze %dma_wait3A_651 : memref<1x40xi32, #tpu.memory_space<vmem>> -> memref<40xi32, #tpu.memory_space<vmem>>
    %dma_wait3A_653 = arith.constant 0 : i32
    %dma_wait3A_654 = arith.constant 0 : i32
    %dma_wait3A_655 = tpu.memref_slice %arg2[%dma_wait3A_653, %dma_wait3A_654] : memref<2000000x64xf32, #tpu.memory_space<hbm>> -> memref<2000000x64xf32, #tpu.memory_space<hbm>>
    tpu.wait_indirect_dma semaphore(%arg11 : memref<!tpu.dma_semaphore, #tpu.memory_space<semaphore_mem>>) src(%dma_wait3A_655 : memref<2000000x64xf32, #tpu.memory_space<hbm>>) dst(%dma_wait3A_649 : memref<40x64xf32, #tpu.memory_space<vmem>>)
    %dma_wait3A_656 = arith.constant 124 : i32
    %dma_wait3A_657 = arith.constant 40 : i32
    %dma_wait3A_658 = arith.constant 0 : i32
    %dma_wait3A_659 = tpu.memref_slice %arg6[%dma_wait3A_657, %dma_wait3A_658] : memref<200x64xf32, #tpu.memory_space<vmem>> -> memref<40x64xf32, #tpu.memory_space<vmem>>
    %dma_wait3A_660 = arith.constant 40 : i32
    %dma_wait3A_661 = tpu.memref_slice %arg5[%dma_wait3A_656, %dma_wait3A_660] : memref<128x200xi32, #tpu.memory_space<vmem>> -> memref<1x40xi32, #tpu.memory_space<vmem>>
    %dma_wait3A_662 = tpu.memref_squeeze %dma_wait3A_661 : memref<1x40xi32, #tpu.memory_space<vmem>> -> memref<40xi32, #tpu.memory_space<vmem>>
    %dma_wait3A_663 = arith.constant 0 : i32
    %dma_wait3A_664 = arith.constant 0 : i32
    %dma_wait3A_665 = tpu.memref_slice %arg2[%dma_wait3A_663, %dma_wait3A_664] : memref<2000000x64xf32, #tpu.memory_space<hbm>> -> memref<2000000x64xf32, #tpu.memory_space<hbm>>
    tpu.wait_indirect_dma semaphore(%arg11 : memref<!tpu.dma_semaphore, #tpu.memory_space<semaphore_mem>>) src(%dma_wait3A_665 : memref<2000000x64xf32, #tpu.memory_space<hbm>>) dst(%dma_wait3A_659 : memref<40x64xf32, #tpu.memory_space<vmem>>)
    %dma_wait3A_666 = arith.constant 124 : i32
    %dma_wait3A_667 = arith.constant 80 : i32
    %dma_wait3A_668 = arith.constant 0 : i32
    %dma_wait3A_669 = tpu.memref_slice %arg6[%dma_wait3A_667, %dma_wait3A_668] : memref<200x64xf32, #tpu.memory_space<vmem>> -> memref<40x64xf32, #tpu.memory_space<vmem>>
    %dma_wait3A_670 = arith.constant 80 : i32
    %dma_wait3A_671 = tpu.memref_slice %arg5[%dma_wait3A_666, %dma_wait3A_670] : memref<128x200xi32, #tpu.memory_space<vmem>> -> memref<1x40xi32, #tpu.memory_space<vmem>>
    %dma_wait3A_672 = tpu.memref_squeeze %dma_wait3A_671 : memref<1x40xi32, #tpu.memory_space<vmem>> -> memref<40xi32, #tpu.memory_space<vmem>>
    %dma_wait3A_673 = arith.constant 0 : i32
    %dma_wait3A_674 = arith.constant 0 : i32
    %dma_wait3A_675 = tpu.memref_slice %arg2[%dma_wait3A_673, %dma_wait3A_674] : memref<2000000x64xf32, #tpu.memory_space<hbm>> -> memref<2000000x64xf32, #tpu.memory_space<hbm>>
    tpu.wait_indirect_dma semaphore(%arg11 : memref<!tpu.dma_semaphore, #tpu.memory_space<semaphore_mem>>) src(%dma_wait3A_675 : memref<2000000x64xf32, #tpu.memory_space<hbm>>) dst(%dma_wait3A_669 : memref<40x64xf32, #tpu.memory_space<vmem>>)
    %dma_wait3A_676 = arith.constant 124 : i32
    %dma_wait3A_677 = arith.constant 120 : i32
    %dma_wait3A_678 = arith.constant 0 : i32
    %dma_wait3A_679 = tpu.memref_slice %arg6[%dma_wait3A_677, %dma_wait3A_678] : memref<200x64xf32, #tpu.memory_space<vmem>> -> memref<40x64xf32, #tpu.memory_space<vmem>>
    %dma_wait3A_680 = arith.constant 120 : i32
    %dma_wait3A_681 = tpu.memref_slice %arg5[%dma_wait3A_676, %dma_wait3A_680] : memref<128x200xi32, #tpu.memory_space<vmem>> -> memref<1x40xi32, #tpu.memory_space<vmem>>
    %dma_wait3A_682 = tpu.memref_squeeze %dma_wait3A_681 : memref<1x40xi32, #tpu.memory_space<vmem>> -> memref<40xi32, #tpu.memory_space<vmem>>
    %dma_wait3A_683 = arith.constant 0 : i32
    %dma_wait3A_684 = arith.constant 0 : i32
    %dma_wait3A_685 = tpu.memref_slice %arg2[%dma_wait3A_683, %dma_wait3A_684] : memref<2000000x64xf32, #tpu.memory_space<hbm>> -> memref<2000000x64xf32, #tpu.memory_space<hbm>>
    tpu.wait_indirect_dma semaphore(%arg11 : memref<!tpu.dma_semaphore, #tpu.memory_space<semaphore_mem>>) src(%dma_wait3A_685 : memref<2000000x64xf32, #tpu.memory_space<hbm>>) dst(%dma_wait3A_679 : memref<40x64xf32, #tpu.memory_space<vmem>>)
    %dma_wait3A_686 = arith.constant 124 : i32
    %dma_wait3A_687 = arith.constant 160 : i32
    %dma_wait3A_688 = arith.constant 0 : i32
    %dma_wait3A_689 = tpu.memref_slice %arg6[%dma_wait3A_687, %dma_wait3A_688] : memref<200x64xf32, #tpu.memory_space<vmem>> -> memref<40x64xf32, #tpu.memory_space<vmem>>
    %dma_wait3A_690 = arith.constant 160 : i32
    %dma_wait3A_691 = tpu.memref_slice %arg5[%dma_wait3A_686, %dma_wait3A_690] : memref<128x200xi32, #tpu.memory_space<vmem>> -> memref<1x40xi32, #tpu.memory_space<vmem>>
    %dma_wait3A_692 = tpu.memref_squeeze %dma_wait3A_691 : memref<1x40xi32, #tpu.memory_space<vmem>> -> memref<40xi32, #tpu.memory_space<vmem>>
    %dma_wait3A_693 = arith.constant 0 : i32
    %dma_wait3A_694 = arith.constant 0 : i32
    %dma_wait3A_695 = tpu.memref_slice %arg2[%dma_wait3A_693, %dma_wait3A_694] : memref<2000000x64xf32, #tpu.memory_space<hbm>> -> memref<2000000x64xf32, #tpu.memory_space<hbm>>
    tpu.wait_indirect_dma semaphore(%arg11 : memref<!tpu.dma_semaphore, #tpu.memory_space<semaphore_mem>>) src(%dma_wait3A_695 : memref<2000000x64xf32, #tpu.memory_space<hbm>>) dst(%dma_wait3A_689 : memref<40x64xf32, #tpu.memory_space<vmem>>)
    %parallel_loop3A_696 = arith.constant 0 : i32
    %parallel_loop3A_697 = arith.constant 200 : i32
    %parallel_loop3A_698 = arith.constant 1 : i32
    scf.for %parallel_loop3A_998 = %parallel_loop3A_696 to %parallel_loop3A_697 step %parallel_loop3A_698  : i32 {
      %parallel_loop3A_999 = arith.index_cast %parallel_loop3A_998 : i32 to index
      %parallel_loop3A_1000 = arith.constant 0 : index
      %parallel_loop3A_1001 = tpu.vector_load %arg6[%parallel_loop3A_999, %parallel_loop3A_1000] {strides = array<i32>} : memref<200x64xf32, #tpu.memory_space<vmem>>, vector<1x16xf32>,
      %parallel_loop3A_1002 = vector.shape_cast %parallel_loop3A_1001 : vector<1x16xf32> to vector<16xf32>
      %parallel_loop3A_1003 = arith.constant 8.000000e+00 : f32
      %parallel_loop3A_1004 = vector.broadcast %parallel_loop3A_1003 : f32 to vector<16xf32>
      %parallel_loop3A_1005 = arith.mulf %parallel_loop3A_1002, %parallel_loop3A_1004 : vector<16xf32>
      %parallel_loop3A_1006 = arith.index_cast %parallel_loop3A_998 : i32 to index
      %parallel_loop3A_1007 = arith.constant 0 : index
      %parallel_loop3A_1008 = tpu.vector_load %arg6[%parallel_loop3A_1006, %parallel_loop3A_1007] {strides = array<i32>} : memref<200x64xf32, #tpu.memory_space<vmem>>, vector<1x16xf32>,
      %parallel_loop3A_1009 = vector.shape_cast %parallel_loop3A_1008 : vector<1x16xf32> to vector<16xf32>
      %parallel_loop3A_1010 = vector.shape_cast %parallel_loop3A_1005 : vector<16xf32> to vector<1x16xf32>
      tpu.vector_store %arg6[%parallel_loop3A_1006, %parallel_loop3A_1007], %parallel_loop3A_1010 {strides = array<i32>} : memref<200x64xf32, #tpu.memory_space<vmem>>, vector<1x16xf32>,
      %parallel_loop3A_1011 = arith.index_cast %parallel_loop3A_998 : i32 to index
      %parallel_loop3A_1012 = arith.constant 16 : index
      %parallel_loop3A_1013 = tpu.vector_load %arg6[%parallel_loop3A_1011, %parallel_loop3A_1012] {strides = array<i32>} : memref<200x64xf32, #tpu.memory_space<vmem>>, vector<1x16xf32>,
      %parallel_loop3A_1014 = vector.shape_cast %parallel_loop3A_1013 : vector<1x16xf32> to vector<16xf32>
      %parallel_loop3A_1015 = arith.constant 8.000000e+00 : f32
      %parallel_loop3A_1016 = vector.broadcast %parallel_loop3A_1015 : f32 to vector<16xf32>
      %parallel_loop3A_1017 = arith.mulf %parallel_loop3A_1014, %parallel_loop3A_1016 : vector<16xf32>
      %parallel_loop3A_1018 = arith.index_cast %parallel_loop3A_998 : i32 to index
      %parallel_loop3A_1019 = arith.constant 16 : index
      %parallel_loop3A_1020 = tpu.vector_load %arg6[%parallel_loop3A_1018, %parallel_loop3A_1019] {strides = array<i32>} : memref<200x64xf32, #tpu.memory_space<vmem>>, vector<1x16xf32>,
      %parallel_loop3A_1021 = vector.shape_cast %parallel_loop3A_1020 : vector<1x16xf32> to vector<16xf32>
      %parallel_loop3A_1022 = vector.shape_cast %parallel_loop3A_1017 : vector<16xf32> to vector<1x16xf32>
      tpu.vector_store %arg6[%parallel_loop3A_1018, %parallel_loop3A_1019], %parallel_loop3A_1022 {strides = array<i32>} : memref<200x64xf32, #tpu.memory_space<vmem>>, vector<1x16xf32>,
      %parallel_loop3A_1023 = arith.index_cast %parallel_loop3A_998 : i32 to index
      %parallel_loop3A_1024 = arith.constant 32 : index
      %parallel_loop3A_1025 = tpu.vector_load %arg6[%parallel_loop3A_1023, %parallel_loop3A_1024] {strides = array<i32>} : memref<200x64xf32, #tpu.memory_space<vmem>>, vector<1x16xf32>,
      %parallel_loop3A_1026 = vector.shape_cast %parallel_loop3A_1025 : vector<1x16xf32> to vector<16xf32>
      %parallel_loop3A_1027 = arith.constant 8.000000e+00 : f32
      %parallel_loop3A_1028 = vector.broadcast %parallel_loop3A_1027 : f32 to vector<16xf32>
      %parallel_loop3A_1029 = arith.mulf %parallel_loop3A_1026, %parallel_loop3A_1028 : vector<16xf32>
      %parallel_loop3A_1030 = arith.index_cast %parallel_loop3A_998 : i32 to index
      %parallel_loop3A_1031 = arith.constant 32 : index
      %parallel_loop3A_1032 = tpu.vector_load %arg6[%parallel_loop3A_1030, %parallel_loop3A_1031] {strides = array<i32>} : memref<200x64xf32, #tpu.memory_space<vmem>>, vector<1x16xf32>,
      %parallel_loop3A_1033 = vector.shape_cast %parallel_loop3A_1032 : vector<1x16xf32> to vector<16xf32>
      %parallel_loop3A_1034 = vector.shape_cast %parallel_loop3A_1029 : vector<16xf32> to vector<1x16xf32>
      tpu.vector_store %arg6[%parallel_loop3A_1030, %parallel_loop3A_1031], %parallel_loop3A_1034 {strides = array<i32>} : memref<200x64xf32, #tpu.memory_space<vmem>>, vector<1x16xf32>,
      %parallel_loop3A_1035 = arith.index_cast %parallel_loop3A_998 : i32 to index
      %parallel_loop3A_1036 = arith.constant 48 : index
      %parallel_loop3A_1037 = tpu.vector_load %arg6[%parallel_loop3A_1035, %parallel_loop3A_1036] {strides = array<i32>} : memref<200x64xf32, #tpu.memory_space<vmem>>, vector<1x16xf32>,
      %parallel_loop3A_1038 = vector.shape_cast %parallel_loop3A_1037 : vector<1x16xf32> to vector<16xf32>
      %parallel_loop3A_1039 = arith.constant 8.000000e+00 : f32
      %parallel_loop3A_1040 = vector.broadcast %parallel_loop3A_1039 : f32 to vector<16xf32>
      %parallel_loop3A_1041 = arith.mulf %parallel_loop3A_1038, %parallel_loop3A_1040 : vector<16xf32>
      %parallel_loop3A_1042 = arith.index_cast %parallel_loop3A_998 : i32 to index
      %parallel_loop3A_1043 = arith.constant 48 : index
      %parallel_loop3A_1044 = tpu.vector_load %arg6[%parallel_loop3A_1042, %parallel_loop3A_1043] {strides = array<i32>} : memref<200x64xf32, #tpu.memory_space<vmem>>, vector<1x16xf32>,
      %parallel_loop3A_1045 = vector.shape_cast %parallel_loop3A_1044 : vector<1x16xf32> to vector<16xf32>
      %parallel_loop3A_1046 = vector.shape_cast %parallel_loop3A_1041 : vector<16xf32> to vector<1x16xf32>
      tpu.vector_store %arg6[%parallel_loop3A_1042, %parallel_loop3A_1043], %parallel_loop3A_1046 {strides = array<i32>} : memref<200x64xf32, #tpu.memory_space<vmem>>, vector<1x16xf32>,
    } {sc.loop_unroll_factor = 8 : i64, sc.parallel_access}
    %add3A_699 = arith.constant 124 : i32
    %add3A_700 = arith.addi %mul3A_2, %add3A_699 : i32
    %dma_start3A_701 = arith.constant 0 : i32
    %dma_start3A_702 = arith.constant 0 : i32
    %dma_start3A_703 = tpu.memref_slice %arg4[%add3A_700, %dma_start3A_701, %dma_start3A_702] : memref<4096x200x128xf32, #tpu.memory_space<hbm>> -> memref<1x200x64xf32, #tpu.memory_space<hbm>>
    %dma_start3A_704 = tpu.memref_squeeze %dma_start3A_703 : memref<1x200x64xf32, #tpu.memory_space<hbm>> -> memref<200x64xf32, #tpu.memory_space<hbm>>
    %dma_start3A_705 = arith.constant 0 : i32
    %dma_start3A_706 = arith.constant 0 : i32
    %dma_start3A_707 = tpu.memref_slice %arg4[%add3A_700, %dma_start3A_705, %dma_start3A_706] : memref<4096x200x128xf32, #tpu.memory_space<hbm>> -> memref<1x200x64xf32, #tpu.memory_space<hbm>>
    %dma_start3A_708 = tpu.memref_squeeze %dma_start3A_707 : memref<1x200x64xf32, #tpu.memory_space<hbm>> -> memref<200x64xf32, #tpu.memory_space<hbm>>
    tpu.enqueue_dma source(%arg6 : memref<200x64xf32, #tpu.memory_space<vmem>>) target(%dma_start3A_708 : memref<200x64xf32, #tpu.memory_space<hbm>>) target_semaphore(%arg15 : memref<!tpu.dma_semaphore, #tpu.memory_space<semaphore_mem>>)
    %add3A_709 = arith.constant 123 : i32
    %add3A_710 = arith.addi %mul3A_2, %add3A_709 : i32
    %dma_wait3A_711 = arith.constant 0 : i32
    %dma_wait3A_712 = arith.constant 0 : i32
    %dma_wait3A_713 = tpu.memref_slice %arg4[%add3A_710, %dma_wait3A_711, %dma_wait3A_712] : memref<4096x200x128xf32, #tpu.memory_space<hbm>> -> memref<1x200x64xf32, #tpu.memory_space<hbm>>
    %dma_wait3A_714 = tpu.memref_squeeze %dma_wait3A_713 : memref<1x200x64xf32, #tpu.memory_space<hbm>> -> memref<200x64xf32, #tpu.memory_space<hbm>>
    %dma_wait3A_715 = arith.constant 0 : i32
    %dma_wait3A_716 = arith.constant 0 : i32
    %dma_wait3A_717 = tpu.memref_slice %arg4[%add3A_710, %dma_wait3A_715, %dma_wait3A_716] : memref<4096x200x128xf32, #tpu.memory_space<hbm>> -> memref<1x200x64xf32, #tpu.memory_space<hbm>>
    %dma_wait3A_718 = tpu.memref_squeeze %dma_wait3A_717 : memref<1x200x64xf32, #tpu.memory_space<hbm>> -> memref<200x64xf32, #tpu.memory_space<hbm>>
    tpu.wait_dma2 semaphore(%arg18 : memref<!tpu.dma_semaphore, #tpu.memory_space<semaphore_mem>>) src(%arg9 : memref<200x64xf32, #tpu.memory_space<vmem>>) dst(%dma_wait3A_718 : memref<200x64xf32, #tpu.memory_space<hbm>>)
    %dma_start3A_719 = arith.constant 127 : i32
    %dma_start3A_720 = arith.constant 0 : i32
    %dma_start3A_721 = arith.constant 0 : i32
    %dma_start3A_722 = tpu.memref_slice %arg9[%dma_start3A_720, %dma_start3A_721] : memref<200x64xf32, #tpu.memory_space<vmem>> -> memref<40x64xf32, #tpu.memory_space<vmem>>
    %dma_start3A_723 = arith.constant 0 : i32
    %dma_start3A_724 = tpu.memref_slice %arg5[%dma_start3A_719, %dma_start3A_723] : memref<128x200xi32, #tpu.memory_space<vmem>> -> memref<1x40xi32, #tpu.memory_space<vmem>>
    %dma_start3A_725 = tpu.memref_squeeze %dma_start3A_724 : memref<1x40xi32, #tpu.memory_space<vmem>> -> memref<40xi32, #tpu.memory_space<vmem>>
    %dma_start3A_726 = arith.constant 0 : i32
    %dma_start3A_727 = arith.constant 0 : i32
    %dma_start3A_728 = tpu.memref_slice %arg2[%dma_start3A_726, %dma_start3A_727] : memref<2000000x64xf32, #tpu.memory_space<hbm>> -> memref<2000000x64xf32, #tpu.memory_space<hbm>>
    tpu.enqueue_indirect_dma source(%dma_start3A_728 : memref<2000000x64xf32, #tpu.memory_space<hbm>>) target(%dma_start3A_722 : memref<40x64xf32, #tpu.memory_space<vmem>>) offsets(%dma_start3A_725 : memref<40xi32, #tpu.memory_space<vmem>>) semaphore(%arg14 : memref<!tpu.dma_semaphore, #tpu.memory_space<semaphore_mem>>)
    %dma_start3A_729 = arith.constant 127 : i32
    %dma_start3A_730 = arith.constant 40 : i32
    %dma_start3A_731 = arith.constant 0 : i32
    %dma_start3A_732 = tpu.memref_slice %arg9[%dma_start3A_730, %dma_start3A_731] : memref<200x64xf32, #tpu.memory_space<vmem>> -> memref<40x64xf32, #tpu.memory_space<vmem>>
    %dma_start3A_733 = arith.constant 40 : i32
    %dma_start3A_734 = tpu.memref_slice %arg5[%dma_start3A_729, %dma_start3A_733] : memref<128x200xi32, #tpu.memory_space<vmem>> -> memref<1x40xi32, #tpu.memory_space<vmem>>
    %dma_start3A_735 = tpu.memref_squeeze %dma_start3A_734 : memref<1x40xi32, #tpu.memory_space<vmem>> -> memref<40xi32, #tpu.memory_space<vmem>>
    %dma_start3A_736 = arith.constant 0 : i32
    %dma_start3A_737 = arith.constant 0 : i32
    %dma_start3A_738 = tpu.memref_slice %arg2[%dma_start3A_736, %dma_start3A_737] : memref<2000000x64xf32, #tpu.memory_space<hbm>> -> memref<2000000x64xf32, #tpu.memory_space<hbm>>
    tpu.enqueue_indirect_dma source(%dma_start3A_738 : memref<2000000x64xf32, #tpu.memory_space<hbm>>) target(%dma_start3A_732 : memref<40x64xf32, #tpu.memory_space<vmem>>) offsets(%dma_start3A_735 : memref<40xi32, #tpu.memory_space<vmem>>) semaphore(%arg14 : memref<!tpu.dma_semaphore, #tpu.memory_space<semaphore_mem>>)
    %dma_start3A_739 = arith.constant 127 : i32
    %dma_start3A_740 = arith.constant 80 : i32
    %dma_start3A_741 = arith.constant 0 : i32
    %dma_start3A_742 = tpu.memref_slice %arg9[%dma_start3A_740, %dma_start3A_741] : memref<200x64xf32, #tpu.memory_space<vmem>> -> memref<40x64xf32, #tpu.memory_space<vmem>>
    %dma_start3A_743 = arith.constant 80 : i32
    %dma_start3A_744 = tpu.memref_slice %arg5[%dma_start3A_739, %dma_start3A_743] : memref<128x200xi32, #tpu.memory_space<vmem>> -> memref<1x40xi32, #tpu.memory_space<vmem>>
    %dma_start3A_745 = tpu.memref_squeeze %dma_start3A_744 : memref<1x40xi32, #tpu.memory_space<vmem>> -> memref<40xi32, #tpu.memory_space<vmem>>
    %dma_start3A_746 = arith.constant 0 : i32
    %dma_start3A_747 = arith.constant 0 : i32
    %dma_start3A_748 = tpu.memref_slice %arg2[%dma_start3A_746, %dma_start3A_747] : memref<2000000x64xf32, #tpu.memory_space<hbm>> -> memref<2000000x64xf32, #tpu.memory_space<hbm>>
    tpu.enqueue_indirect_dma source(%dma_start3A_748 : memref<2000000x64xf32, #tpu.memory_space<hbm>>) target(%dma_start3A_742 : memref<40x64xf32, #tpu.memory_space<vmem>>) offsets(%dma_start3A_745 : memref<40xi32, #tpu.memory_space<vmem>>) semaphore(%arg14 : memref<!tpu.dma_semaphore, #tpu.memory_space<semaphore_mem>>)
    %dma_start3A_749 = arith.constant 127 : i32
    %dma_start3A_750 = arith.constant 120 : i32
    %dma_start3A_751 = arith.constant 0 : i32
    %dma_start3A_752 = tpu.memref_slice %arg9[%dma_start3A_750, %dma_start3A_751] : memref<200x64xf32, #tpu.memory_space<vmem>> -> memref<40x64xf32, #tpu.memory_space<vmem>>
    %dma_start3A_753 = arith.constant 120 : i32
    %dma_start3A_754 = tpu.memref_slice %arg5[%dma_start3A_749, %dma_start3A_753] : memref<128x200xi32, #tpu.memory_space<vmem>> -> memref<1x40xi32, #tpu.memory_space<vmem>>
    %dma_start3A_755 = tpu.memref_squeeze %dma_start3A_754 : memref<1x40xi32, #tpu.memory_space<vmem>> -> memref<40xi32, #tpu.memory_space<vmem>>
    %dma_start3A_756 = arith.constant 0 : i32
    %dma_start3A_757 = arith.constant 0 : i32
    %dma_start3A_758 = tpu.memref_slice %arg2[%dma_start3A_756, %dma_start3A_757] : memref<2000000x64xf32, #tpu.memory_space<hbm>> -> memref<2000000x64xf32, #tpu.memory_space<hbm>>
    tpu.enqueue_indirect_dma source(%dma_start3A_758 : memref<2000000x64xf32, #tpu.memory_space<hbm>>) target(%dma_start3A_752 : memref<40x64xf32, #tpu.memory_space<vmem>>) offsets(%dma_start3A_755 : memref<40xi32, #tpu.memory_space<vmem>>) semaphore(%arg14 : memref<!tpu.dma_semaphore, #tpu.memory_space<semaphore_mem>>)
    %dma_start3A_759 = arith.constant 127 : i32
    %dma_start3A_760 = arith.constant 160 : i32
    %dma_start3A_761 = arith.constant 0 : i32
    %dma_start3A_762 = tpu.memref_slice %arg9[%dma_start3A_760, %dma_start3A_761] : memref<200x64xf32, #tpu.memory_space<vmem>> -> memref<40x64xf32, #tpu.memory_space<vmem>>
    %dma_start3A_763 = arith.constant 160 : i32
    %dma_start3A_764 = tpu.memref_slice %arg5[%dma_start3A_759, %dma_start3A_763] : memref<128x200xi32, #tpu.memory_space<vmem>> -> memref<1x40xi32, #tpu.memory_space<vmem>>
    %dma_start3A_765 = tpu.memref_squeeze %dma_start3A_764 : memref<1x40xi32, #tpu.memory_space<vmem>> -> memref<40xi32, #tpu.memory_space<vmem>>
    %dma_start3A_766 = arith.constant 0 : i32
    %dma_start3A_767 = arith.constant 0 : i32
    %dma_start3A_768 = tpu.memref_slice %arg2[%dma_start3A_766, %dma_start3A_767] : memref<2000000x64xf32, #tpu.memory_space<hbm>> -> memref<2000000x64xf32, #tpu.memory_space<hbm>>
    tpu.enqueue_indirect_dma source(%dma_start3A_768 : memref<2000000x64xf32, #tpu.memory_space<hbm>>) target(%dma_start3A_762 : memref<40x64xf32, #tpu.memory_space<vmem>>) offsets(%dma_start3A_765 : memref<40xi32, #tpu.memory_space<vmem>>) semaphore(%arg14 : memref<!tpu.dma_semaphore, #tpu.memory_space<semaphore_mem>>)
    %dma_wait3A_769 = arith.constant 125 : i32
    %dma_wait3A_770 = arith.constant 0 : i32
    %dma_wait3A_771 = arith.constant 0 : i32
    %dma_wait3A_772 = tpu.memref_slice %arg7[%dma_wait3A_770, %dma_wait3A_771] : memref<200x64xf32, #tpu.memory_space<vmem>> -> memref<40x64xf32, #tpu.memory_space<vmem>>
    %dma_wait3A_773 = arith.constant 0 : i32
    %dma_wait3A_774 = tpu.memref_slice %arg5[%dma_wait3A_769, %dma_wait3A_773] : memref<128x200xi32, #tpu.memory_space<vmem>> -> memref<1x40xi32, #tpu.memory_space<vmem>>
    %dma_wait3A_775 = tpu.memref_squeeze %dma_wait3A_774 : memref<1x40xi32, #tpu.memory_space<vmem>> -> memref<40xi32, #tpu.memory_space<vmem>>
    %dma_wait3A_776 = arith.constant 0 : i32
    %dma_wait3A_777 = arith.constant 0 : i32
    %dma_wait3A_778 = tpu.memref_slice %arg2[%dma_wait3A_776, %dma_wait3A_777] : memref<2000000x64xf32, #tpu.memory_space<hbm>> -> memref<2000000x64xf32, #tpu.memory_space<hbm>>
    tpu.wait_indirect_dma semaphore(%arg12 : memref<!tpu.dma_semaphore, #tpu.memory_space<semaphore_mem>>) src(%dma_wait3A_778 : memref<2000000x64xf32, #tpu.memory_space<hbm>>) dst(%dma_wait3A_772 : memref<40x64xf32, #tpu.memory_space<vmem>>)
    %dma_wait3A_779 = arith.constant 125 : i32
    %dma_wait3A_780 = arith.constant 40 : i32
    %dma_wait3A_781 = arith.constant 0 : i32
    %dma_wait3A_782 = tpu.memref_slice %arg7[%dma_wait3A_780, %dma_wait3A_781] : memref<200x64xf32, #tpu.memory_space<vmem>> -> memref<40x64xf32, #tpu.memory_space<vmem>>
    %dma_wait3A_783 = arith.constant 40 : i32
    %dma_wait3A_784 = tpu.memref_slice %arg5[%dma_wait3A_779, %dma_wait3A_783] : memref<128x200xi32, #tpu.memory_space<vmem>> -> memref<1x40xi32, #tpu.memory_space<vmem>>
    %dma_wait3A_785 = tpu.memref_squeeze %dma_wait3A_784 : memref<1x40xi32, #tpu.memory_space<vmem>> -> memref<40xi32, #tpu.memory_space<vmem>>
    %dma_wait3A_786 = arith.constant 0 : i32
    %dma_wait3A_787 = arith.constant 0 : i32
    %dma_wait3A_788 = tpu.memref_slice %arg2[%dma_wait3A_786, %dma_wait3A_787] : memref<2000000x64xf32, #tpu.memory_space<hbm>> -> memref<2000000x64xf32, #tpu.memory_space<hbm>>
    tpu.wait_indirect_dma semaphore(%arg12 : memref<!tpu.dma_semaphore, #tpu.memory_space<semaphore_mem>>) src(%dma_wait3A_788 : memref<2000000x64xf32, #tpu.memory_space<hbm>>) dst(%dma_wait3A_782 : memref<40x64xf32, #tpu.memory_space<vmem>>)
    %dma_wait3A_789 = arith.constant 125 : i32
    %dma_wait3A_790 = arith.constant 80 : i32
    %dma_wait3A_791 = arith.constant 0 : i32
    %dma_wait3A_792 = tpu.memref_slice %arg7[%dma_wait3A_790, %dma_wait3A_791] : memref<200x64xf32, #tpu.memory_space<vmem>> -> memref<40x64xf32, #tpu.memory_space<vmem>>
    %dma_wait3A_793 = arith.constant 80 : i32
    %dma_wait3A_794 = tpu.memref_slice %arg5[%dma_wait3A_789, %dma_wait3A_793] : memref<128x200xi32, #tpu.memory_space<vmem>> -> memref<1x40xi32, #tpu.memory_space<vmem>>
    %dma_wait3A_795 = tpu.memref_squeeze %dma_wait3A_794 : memref<1x40xi32, #tpu.memory_space<vmem>> -> memref<40xi32, #tpu.memory_space<vmem>>
    %dma_wait3A_796 = arith.constant 0 : i32
    %dma_wait3A_797 = arith.constant 0 : i32
    %dma_wait3A_798 = tpu.memref_slice %arg2[%dma_wait3A_796, %dma_wait3A_797] : memref<2000000x64xf32, #tpu.memory_space<hbm>> -> memref<2000000x64xf32, #tpu.memory_space<hbm>>
    tpu.wait_indirect_dma semaphore(%arg12 : memref<!tpu.dma_semaphore, #tpu.memory_space<semaphore_mem>>) src(%dma_wait3A_798 : memref<2000000x64xf32, #tpu.memory_space<hbm>>) dst(%dma_wait3A_792 : memref<40x64xf32, #tpu.memory_space<vmem>>)
    %dma_wait3A_799 = arith.constant 125 : i32
    %dma_wait3A_800 = arith.constant 120 : i32
    %dma_wait3A_801 = arith.constant 0 : i32
    %dma_wait3A_802 = tpu.memref_slice %arg7[%dma_wait3A_800, %dma_wait3A_801] : memref<200x64xf32, #tpu.memory_space<vmem>> -> memref<40x64xf32, #tpu.memory_space<vmem>>
    %dma_wait3A_803 = arith.constant 120 : i32
    %dma_wait3A_804 = tpu.memref_slice %arg5[%dma_wait3A_799, %dma_wait3A_803] : memref<128x200xi32, #tpu.memory_space<vmem>> -> memref<1x40xi32, #tpu.memory_space<vmem>>
    %dma_wait3A_805 = tpu.memref_squeeze %dma_wait3A_804 : memref<1x40xi32, #tpu.memory_space<vmem>> -> memref<40xi32, #tpu.memory_space<vmem>>
    %dma_wait3A_806 = arith.constant 0 : i32
    %dma_wait3A_807 = arith.constant 0 : i32
    %dma_wait3A_808 = tpu.memref_slice %arg2[%dma_wait3A_806, %dma_wait3A_807] : memref<2000000x64xf32, #tpu.memory_space<hbm>> -> memref<2000000x64xf32, #tpu.memory_space<hbm>>
    tpu.wait_indirect_dma semaphore(%arg12 : memref<!tpu.dma_semaphore, #tpu.memory_space<semaphore_mem>>) src(%dma_wait3A_808 : memref<2000000x64xf32, #tpu.memory_space<hbm>>) dst(%dma_wait3A_802 : memref<40x64xf32, #tpu.memory_space<vmem>>)
    %dma_wait3A_809 = arith.constant 125 : i32
    %dma_wait3A_810 = arith.constant 160 : i32
    %dma_wait3A_811 = arith.constant 0 : i32
    %dma_wait3A_812 = tpu.memref_slice %arg7[%dma_wait3A_810, %dma_wait3A_811] : memref<200x64xf32, #tpu.memory_space<vmem>> -> memref<40x64xf32, #tpu.memory_space<vmem>>
    %dma_wait3A_813 = arith.constant 160 : i32
    %dma_wait3A_814 = tpu.memref_slice %arg5[%dma_wait3A_809, %dma_wait3A_813] : memref<128x200xi32, #tpu.memory_space<vmem>> -> memref<1x40xi32, #tpu.memory_space<vmem>>
    %dma_wait3A_815 = tpu.memref_squeeze %dma_wait3A_814 : memref<1x40xi32, #tpu.memory_space<vmem>> -> memref<40xi32, #tpu.memory_space<vmem>>
    %dma_wait3A_816 = arith.constant 0 : i32
    %dma_wait3A_817 = arith.constant 0 : i32
    %dma_wait3A_818 = tpu.memref_slice %arg2[%dma_wait3A_816, %dma_wait3A_817] : memref<2000000x64xf32, #tpu.memory_space<hbm>> -> memref<2000000x64xf32, #tpu.memory_space<hbm>>
    tpu.wait_indirect_dma semaphore(%arg12 : memref<!tpu.dma_semaphore, #tpu.memory_space<semaphore_mem>>) src(%dma_wait3A_818 : memref<2000000x64xf32, #tpu.memory_space<hbm>>) dst(%dma_wait3A_812 : memref<40x64xf32, #tpu.memory_space<vmem>>)
    %parallel_loop3A_819 = arith.constant 0 : i32
    %parallel_loop3A_820 = arith.constant 200 : i32
    %parallel_loop3A_821 = arith.constant 1 : i32
    scf.for %parallel_loop3A_998 = %parallel_loop3A_819 to %parallel_loop3A_820 step %parallel_loop3A_821  : i32 {
      %parallel_loop3A_999 = arith.index_cast %parallel_loop3A_998 : i32 to index
      %parallel_loop3A_1000 = arith.constant 0 : index
      %parallel_loop3A_1001 = tpu.vector_load %arg7[%parallel_loop3A_999, %parallel_loop3A_1000] {strides = array<i32>} : memref<200x64xf32, #tpu.memory_space<vmem>>, vector<1x16xf32>,
      %parallel_loop3A_1002 = vector.shape_cast %parallel_loop3A_1001 : vector<1x16xf32> to vector<16xf32>
      %parallel_loop3A_1003 = arith.constant 8.000000e+00 : f32
      %parallel_loop3A_1004 = vector.broadcast %parallel_loop3A_1003 : f32 to vector<16xf32>
      %parallel_loop3A_1005 = arith.mulf %parallel_loop3A_1002, %parallel_loop3A_1004 : vector<16xf32>
      %parallel_loop3A_1006 = arith.index_cast %parallel_loop3A_998 : i32 to index
      %parallel_loop3A_1007 = arith.constant 0 : index
      %parallel_loop3A_1008 = tpu.vector_load %arg7[%parallel_loop3A_1006, %parallel_loop3A_1007] {strides = array<i32>} : memref<200x64xf32, #tpu.memory_space<vmem>>, vector<1x16xf32>,
      %parallel_loop3A_1009 = vector.shape_cast %parallel_loop3A_1008 : vector<1x16xf32> to vector<16xf32>
      %parallel_loop3A_1010 = vector.shape_cast %parallel_loop3A_1005 : vector<16xf32> to vector<1x16xf32>
      tpu.vector_store %arg7[%parallel_loop3A_1006, %parallel_loop3A_1007], %parallel_loop3A_1010 {strides = array<i32>} : memref<200x64xf32, #tpu.memory_space<vmem>>, vector<1x16xf32>,
      %parallel_loop3A_1011 = arith.index_cast %parallel_loop3A_998 : i32 to index
      %parallel_loop3A_1012 = arith.constant 16 : index
      %parallel_loop3A_1013 = tpu.vector_load %arg7[%parallel_loop3A_1011, %parallel_loop3A_1012] {strides = array<i32>} : memref<200x64xf32, #tpu.memory_space<vmem>>, vector<1x16xf32>,
      %parallel_loop3A_1014 = vector.shape_cast %parallel_loop3A_1013 : vector<1x16xf32> to vector<16xf32>
      %parallel_loop3A_1015 = arith.constant 8.000000e+00 : f32
      %parallel_loop3A_1016 = vector.broadcast %parallel_loop3A_1015 : f32 to vector<16xf32>
      %parallel_loop3A_1017 = arith.mulf %parallel_loop3A_1014, %parallel_loop3A_1016 : vector<16xf32>
      %parallel_loop3A_1018 = arith.index_cast %parallel_loop3A_998 : i32 to index
      %parallel_loop3A_1019 = arith.constant 16 : index
      %parallel_loop3A_1020 = tpu.vector_load %arg7[%parallel_loop3A_1018, %parallel_loop3A_1019] {strides = array<i32>} : memref<200x64xf32, #tpu.memory_space<vmem>>, vector<1x16xf32>,
      %parallel_loop3A_1021 = vector.shape_cast %parallel_loop3A_1020 : vector<1x16xf32> to vector<16xf32>
      %parallel_loop3A_1022 = vector.shape_cast %parallel_loop3A_1017 : vector<16xf32> to vector<1x16xf32>
      tpu.vector_store %arg7[%parallel_loop3A_1018, %parallel_loop3A_1019], %parallel_loop3A_1022 {strides = array<i32>} : memref<200x64xf32, #tpu.memory_space<vmem>>, vector<1x16xf32>,
      %parallel_loop3A_1023 = arith.index_cast %parallel_loop3A_998 : i32 to index
      %parallel_loop3A_1024 = arith.constant 32 : index
      %parallel_loop3A_1025 = tpu.vector_load %arg7[%parallel_loop3A_1023, %parallel_loop3A_1024] {strides = array<i32>} : memref<200x64xf32, #tpu.memory_space<vmem>>, vector<1x16xf32>,
      %parallel_loop3A_1026 = vector.shape_cast %parallel_loop3A_1025 : vector<1x16xf32> to vector<16xf32>
      %parallel_loop3A_1027 = arith.constant 8.000000e+00 : f32
      %parallel_loop3A_1028 = vector.broadcast %parallel_loop3A_1027 : f32 to vector<16xf32>
      %parallel_loop3A_1029 = arith.mulf %parallel_loop3A_1026, %parallel_loop3A_1028 : vector<16xf32>
      %parallel_loop3A_1030 = arith.index_cast %parallel_loop3A_998 : i32 to index
      %parallel_loop3A_1031 = arith.constant 32 : index
      %parallel_loop3A_1032 = tpu.vector_load %arg7[%parallel_loop3A_1030, %parallel_loop3A_1031] {strides = array<i32>} : memref<200x64xf32, #tpu.memory_space<vmem>>, vector<1x16xf32>,
      %parallel_loop3A_1033 = vector.shape_cast %parallel_loop3A_1032 : vector<1x16xf32> to vector<16xf32>
      %parallel_loop3A_1034 = vector.shape_cast %parallel_loop3A_1029 : vector<16xf32> to vector<1x16xf32>
      tpu.vector_store %arg7[%parallel_loop3A_1030, %parallel_loop3A_1031], %parallel_loop3A_1034 {strides = array<i32>} : memref<200x64xf32, #tpu.memory_space<vmem>>, vector<1x16xf32>,
      %parallel_loop3A_1035 = arith.index_cast %parallel_loop3A_998 : i32 to index
      %parallel_loop3A_1036 = arith.constant 48 : index
      %parallel_loop3A_1037 = tpu.vector_load %arg7[%parallel_loop3A_1035, %parallel_loop3A_1036] {strides = array<i32>} : memref<200x64xf32, #tpu.memory_space<vmem>>, vector<1x16xf32>,
      %parallel_loop3A_1038 = vector.shape_cast %parallel_loop3A_1037 : vector<1x16xf32> to vector<16xf32>
      %parallel_loop3A_1039 = arith.constant 8.000000e+00 : f32
      %parallel_loop3A_1040 = vector.broadcast %parallel_loop3A_1039 : f32 to vector<16xf32>
      %parallel_loop3A_1041 = arith.mulf %parallel_loop3A_1038, %parallel_loop3A_1040 : vector<16xf32>
      %parallel_loop3A_1042 = arith.index_cast %parallel_loop3A_998 : i32 to index
      %parallel_loop3A_1043 = arith.constant 48 : index
      %parallel_loop3A_1044 = tpu.vector_load %arg7[%parallel_loop3A_1042, %parallel_loop3A_1043] {strides = array<i32>} : memref<200x64xf32, #tpu.memory_space<vmem>>, vector<1x16xf32>,
      %parallel_loop3A_1045 = vector.shape_cast %parallel_loop3A_1044 : vector<1x16xf32> to vector<16xf32>
      %parallel_loop3A_1046 = vector.shape_cast %parallel_loop3A_1041 : vector<16xf32> to vector<1x16xf32>
      tpu.vector_store %arg7[%parallel_loop3A_1042, %parallel_loop3A_1043], %parallel_loop3A_1046 {strides = array<i32>} : memref<200x64xf32, #tpu.memory_space<vmem>>, vector<1x16xf32>,
    } {sc.loop_unroll_factor = 8 : i64, sc.parallel_access}
    %add3A_822 = arith.constant 125 : i32
    %add3A_823 = arith.addi %mul3A_2, %add3A_822 : i32
    %dma_start3A_824 = arith.constant 0 : i32
    %dma_start3A_825 = arith.constant 0 : i32
    %dma_start3A_826 = tpu.memref_slice %arg4[%add3A_823, %dma_start3A_824, %dma_start3A_825] : memref<4096x200x128xf32, #tpu.memory_space<hbm>> -> memref<1x200x64xf32, #tpu.memory_space<hbm>>
    %dma_start3A_827 = tpu.memref_squeeze %dma_start3A_826 : memref<1x200x64xf32, #tpu.memory_space<hbm>> -> memref<200x64xf32, #tpu.memory_space<hbm>>
    %dma_start3A_828 = arith.constant 0 : i32
    %dma_start3A_829 = arith.constant 0 : i32
    %dma_start3A_830 = tpu.memref_slice %arg4[%add3A_823, %dma_start3A_828, %dma_start3A_829] : memref<4096x200x128xf32, #tpu.memory_space<hbm>> -> memref<1x200x64xf32, #tpu.memory_space<hbm>>
    %dma_start3A_831 = tpu.memref_squeeze %dma_start3A_830 : memref<1x200x64xf32, #tpu.memory_space<hbm>> -> memref<200x64xf32, #tpu.memory_space<hbm>>
    tpu.enqueue_dma source(%arg7 : memref<200x64xf32, #tpu.memory_space<vmem>>) target(%dma_start3A_831 : memref<200x64xf32, #tpu.memory_space<hbm>>) target_semaphore(%arg16 : memref<!tpu.dma_semaphore, #tpu.memory_space<semaphore_mem>>)
    %dma_wait3A_832 = arith.constant 126 : i32
    %dma_wait3A_833 = arith.constant 0 : i32
    %dma_wait3A_834 = arith.constant 0 : i32
    %dma_wait3A_835 = tpu.memref_slice %arg8[%dma_wait3A_833, %dma_wait3A_834] : memref<200x64xf32, #tpu.memory_space<vmem>> -> memref<40x64xf32, #tpu.memory_space<vmem>>
    %dma_wait3A_836 = arith.constant 0 : i32
    %dma_wait3A_837 = tpu.memref_slice %arg5[%dma_wait3A_832, %dma_wait3A_836] : memref<128x200xi32, #tpu.memory_space<vmem>> -> memref<1x40xi32, #tpu.memory_space<vmem>>
    %dma_wait3A_838 = tpu.memref_squeeze %dma_wait3A_837 : memref<1x40xi32, #tpu.memory_space<vmem>> -> memref<40xi32, #tpu.memory_space<vmem>>
    %dma_wait3A_839 = arith.constant 0 : i32
    %dma_wait3A_840 = arith.constant 0 : i32
    %dma_wait3A_841 = tpu.memref_slice %arg2[%dma_wait3A_839, %dma_wait3A_840] : memref<2000000x64xf32, #tpu.memory_space<hbm>> -> memref<2000000x64xf32, #tpu.memory_space<hbm>>
    tpu.wait_indirect_dma semaphore(%arg13 : memref<!tpu.dma_semaphore, #tpu.memory_space<semaphore_mem>>) src(%dma_wait3A_841 : memref<2000000x64xf32, #tpu.memory_space<hbm>>) dst(%dma_wait3A_835 : memref<40x64xf32, #tpu.memory_space<vmem>>)
    %dma_wait3A_842 = arith.constant 126 : i32
    %dma_wait3A_843 = arith.constant 40 : i32
    %dma_wait3A_844 = arith.constant 0 : i32
    %dma_wait3A_845 = tpu.memref_slice %arg8[%dma_wait3A_843, %dma_wait3A_844] : memref<200x64xf32, #tpu.memory_space<vmem>> -> memref<40x64xf32, #tpu.memory_space<vmem>>
    %dma_wait3A_846 = arith.constant 40 : i32
    %dma_wait3A_847 = tpu.memref_slice %arg5[%dma_wait3A_842, %dma_wait3A_846] : memref<128x200xi32, #tpu.memory_space<vmem>> -> memref<1x40xi32, #tpu.memory_space<vmem>>
    %dma_wait3A_848 = tpu.memref_squeeze %dma_wait3A_847 : memref<1x40xi32, #tpu.memory_space<vmem>> -> memref<40xi32, #tpu.memory_space<vmem>>
    %dma_wait3A_849 = arith.constant 0 : i32
    %dma_wait3A_850 = arith.constant 0 : i32
    %dma_wait3A_851 = tpu.memref_slice %arg2[%dma_wait3A_849, %dma_wait3A_850] : memref<2000000x64xf32, #tpu.memory_space<hbm>> -> memref<2000000x64xf32, #tpu.memory_space<hbm>>
    tpu.wait_indirect_dma semaphore(%arg13 : memref<!tpu.dma_semaphore, #tpu.memory_space<semaphore_mem>>) src(%dma_wait3A_851 : memref<2000000x64xf32, #tpu.memory_space<hbm>>) dst(%dma_wait3A_845 : memref<40x64xf32, #tpu.memory_space<vmem>>)
    %dma_wait3A_852 = arith.constant 126 : i32
    %dma_wait3A_853 = arith.constant 80 : i32
    %dma_wait3A_854 = arith.constant 0 : i32
    %dma_wait3A_855 = tpu.memref_slice %arg8[%dma_wait3A_853, %dma_wait3A_854] : memref<200x64xf32, #tpu.memory_space<vmem>> -> memref<40x64xf32, #tpu.memory_space<vmem>>
    %dma_wait3A_856 = arith.constant 80 : i32
    %dma_wait3A_857 = tpu.memref_slice %arg5[%dma_wait3A_852, %dma_wait3A_856] : memref<128x200xi32, #tpu.memory_space<vmem>> -> memref<1x40xi32, #tpu.memory_space<vmem>>
    %dma_wait3A_858 = tpu.memref_squeeze %dma_wait3A_857 : memref<1x40xi32, #tpu.memory_space<vmem>> -> memref<40xi32, #tpu.memory_space<vmem>>
    %dma_wait3A_859 = arith.constant 0 : i32
    %dma_wait3A_860 = arith.constant 0 : i32
    %dma_wait3A_861 = tpu.memref_slice %arg2[%dma_wait3A_859, %dma_wait3A_860] : memref<2000000x64xf32, #tpu.memory_space<hbm>> -> memref<2000000x64xf32, #tpu.memory_space<hbm>>
    tpu.wait_indirect_dma semaphore(%arg13 : memref<!tpu.dma_semaphore, #tpu.memory_space<semaphore_mem>>) src(%dma_wait3A_861 : memref<2000000x64xf32, #tpu.memory_space<hbm>>) dst(%dma_wait3A_855 : memref<40x64xf32, #tpu.memory_space<vmem>>)
    %dma_wait3A_862 = arith.constant 126 : i32
    %dma_wait3A_863 = arith.constant 120 : i32
    %dma_wait3A_864 = arith.constant 0 : i32
    %dma_wait3A_865 = tpu.memref_slice %arg8[%dma_wait3A_863, %dma_wait3A_864] : memref<200x64xf32, #tpu.memory_space<vmem>> -> memref<40x64xf32, #tpu.memory_space<vmem>>
    %dma_wait3A_866 = arith.constant 120 : i32
    %dma_wait3A_867 = tpu.memref_slice %arg5[%dma_wait3A_862, %dma_wait3A_866] : memref<128x200xi32, #tpu.memory_space<vmem>> -> memref<1x40xi32, #tpu.memory_space<vmem>>
    %dma_wait3A_868 = tpu.memref_squeeze %dma_wait3A_867 : memref<1x40xi32, #tpu.memory_space<vmem>> -> memref<40xi32, #tpu.memory_space<vmem>>
    %dma_wait3A_869 = arith.constant 0 : i32
    %dma_wait3A_870 = arith.constant 0 : i32
    %dma_wait3A_871 = tpu.memref_slice %arg2[%dma_wait3A_869, %dma_wait3A_870] : memref<2000000x64xf32, #tpu.memory_space<hbm>> -> memref<2000000x64xf32, #tpu.memory_space<hbm>>
    tpu.wait_indirect_dma semaphore(%arg13 : memref<!tpu.dma_semaphore, #tpu.memory_space<semaphore_mem>>) src(%dma_wait3A_871 : memref<2000000x64xf32, #tpu.memory_space<hbm>>) dst(%dma_wait3A_865 : memref<40x64xf32, #tpu.memory_space<vmem>>)
    %dma_wait3A_872 = arith.constant 126 : i32
    %dma_wait3A_873 = arith.constant 160 : i32
    %dma_wait3A_874 = arith.constant 0 : i32
    %dma_wait3A_875 = tpu.memref_slice %arg8[%dma_wait3A_873, %dma_wait3A_874] : memref<200x64xf32, #tpu.memory_space<vmem>> -> memref<40x64xf32, #tpu.memory_space<vmem>>
    %dma_wait3A_876 = arith.constant 160 : i32
    %dma_wait3A_877 = tpu.memref_slice %arg5[%dma_wait3A_872, %dma_wait3A_876] : memref<128x200xi32, #tpu.memory_space<vmem>> -> memref<1x40xi32, #tpu.memory_space<vmem>>
    %dma_wait3A_878 = tpu.memref_squeeze %dma_wait3A_877 : memref<1x40xi32, #tpu.memory_space<vmem>> -> memref<40xi32, #tpu.memory_space<vmem>>
    %dma_wait3A_879 = arith.constant 0 : i32
    %dma_wait3A_880 = arith.constant 0 : i32
    %dma_wait3A_881 = tpu.memref_slice %arg2[%dma_wait3A_879, %dma_wait3A_880] : memref<2000000x64xf32, #tpu.memory_space<hbm>> -> memref<2000000x64xf32, #tpu.memory_space<hbm>>
    tpu.wait_indirect_dma semaphore(%arg13 : memref<!tpu.dma_semaphore, #tpu.memory_space<semaphore_mem>>) src(%dma_wait3A_881 : memref<2000000x64xf32, #tpu.memory_space<hbm>>) dst(%dma_wait3A_875 : memref<40x64xf32, #tpu.memory_space<vmem>>)
    %parallel_loop3A_882 = arith.constant 0 : i32
    %parallel_loop3A_883 = arith.constant 200 : i32
    %parallel_loop3A_884 = arith.constant 1 : i32
    scf.for %parallel_loop3A_998 = %parallel_loop3A_882 to %parallel_loop3A_883 step %parallel_loop3A_884  : i32 {
      %parallel_loop3A_999 = arith.index_cast %parallel_loop3A_998 : i32 to index
      %parallel_loop3A_1000 = arith.constant 0 : index
      %parallel_loop3A_1001 = tpu.vector_load %arg8[%parallel_loop3A_999, %parallel_loop3A_1000] {strides = array<i32>} : memref<200x64xf32, #tpu.memory_space<vmem>>, vector<1x16xf32>,
      %parallel_loop3A_1002 = vector.shape_cast %parallel_loop3A_1001 : vector<1x16xf32> to vector<16xf32>
      %parallel_loop3A_1003 = arith.constant 8.000000e+00 : f32
      %parallel_loop3A_1004 = vector.broadcast %parallel_loop3A_1003 : f32 to vector<16xf32>
      %parallel_loop3A_1005 = arith.mulf %parallel_loop3A_1002, %parallel_loop3A_1004 : vector<16xf32>
      %parallel_loop3A_1006 = arith.index_cast %parallel_loop3A_998 : i32 to index
      %parallel_loop3A_1007 = arith.constant 0 : index
      %parallel_loop3A_1008 = tpu.vector_load %arg8[%parallel_loop3A_1006, %parallel_loop3A_1007] {strides = array<i32>} : memref<200x64xf32, #tpu.memory_space<vmem>>, vector<1x16xf32>,
      %parallel_loop3A_1009 = vector.shape_cast %parallel_loop3A_1008 : vector<1x16xf32> to vector<16xf32>
      %parallel_loop3A_1010 = vector.shape_cast %parallel_loop3A_1005 : vector<16xf32> to vector<1x16xf32>
      tpu.vector_store %arg8[%parallel_loop3A_1006, %parallel_loop3A_1007], %parallel_loop3A_1010 {strides = array<i32>} : memref<200x64xf32, #tpu.memory_space<vmem>>, vector<1x16xf32>,
      %parallel_loop3A_1011 = arith.index_cast %parallel_loop3A_998 : i32 to index
      %parallel_loop3A_1012 = arith.constant 16 : index
      %parallel_loop3A_1013 = tpu.vector_load %arg8[%parallel_loop3A_1011, %parallel_loop3A_1012] {strides = array<i32>} : memref<200x64xf32, #tpu.memory_space<vmem>>, vector<1x16xf32>,
      %parallel_loop3A_1014 = vector.shape_cast %parallel_loop3A_1013 : vector<1x16xf32> to vector<16xf32>
      %parallel_loop3A_1015 = arith.constant 8.000000e+00 : f32
      %parallel_loop3A_1016 = vector.broadcast %parallel_loop3A_1015 : f32 to vector<16xf32>
      %parallel_loop3A_1017 = arith.mulf %parallel_loop3A_1014, %parallel_loop3A_1016 : vector<16xf32>
      %parallel_loop3A_1018 = arith.index_cast %parallel_loop3A_998 : i32 to index
      %parallel_loop3A_1019 = arith.constant 16 : index
      %parallel_loop3A_1020 = tpu.vector_load %arg8[%parallel_loop3A_1018, %parallel_loop3A_1019] {strides = array<i32>} : memref<200x64xf32, #tpu.memory_space<vmem>>, vector<1x16xf32>,
      %parallel_loop3A_1021 = vector.shape_cast %parallel_loop3A_1020 : vector<1x16xf32> to vector<16xf32>
      %parallel_loop3A_1022 = vector.shape_cast %parallel_loop3A_1017 : vector<16xf32> to vector<1x16xf32>
      tpu.vector_store %arg8[%parallel_loop3A_1018, %parallel_loop3A_1019], %parallel_loop3A_1022 {strides = array<i32>} : memref<200x64xf32, #tpu.memory_space<vmem>>, vector<1x16xf32>,
      %parallel_loop3A_1023 = arith.index_cast %parallel_loop3A_998 : i32 to index
      %parallel_loop3A_1024 = arith.constant 32 : index
      %parallel_loop3A_1025 = tpu.vector_load %arg8[%parallel_loop3A_1023, %parallel_loop3A_1024] {strides = array<i32>} : memref<200x64xf32, #tpu.memory_space<vmem>>, vector<1x16xf32>,
      %parallel_loop3A_1026 = vector.shape_cast %parallel_loop3A_1025 : vector<1x16xf32> to vector<16xf32>
      %parallel_loop3A_1027 = arith.constant 8.000000e+00 : f32
      %parallel_loop3A_1028 = vector.broadcast %parallel_loop3A_1027 : f32 to vector<16xf32>
      %parallel_loop3A_1029 = arith.mulf %parallel_loop3A_1026, %parallel_loop3A_1028 : vector<16xf32>
      %parallel_loop3A_1030 = arith.index_cast %parallel_loop3A_998 : i32 to index
      %parallel_loop3A_1031 = arith.constant 32 : index
      %parallel_loop3A_1032 = tpu.vector_load %arg8[%parallel_loop3A_1030, %parallel_loop3A_1031] {strides = array<i32>} : memref<200x64xf32, #tpu.memory_space<vmem>>, vector<1x16xf32>,
      %parallel_loop3A_1033 = vector.shape_cast %parallel_loop3A_1032 : vector<1x16xf32> to vector<16xf32>
      %parallel_loop3A_1034 = vector.shape_cast %parallel_loop3A_1029 : vector<16xf32> to vector<1x16xf32>
      tpu.vector_store %arg8[%parallel_loop3A_1030, %parallel_loop3A_1031], %parallel_loop3A_1034 {strides = array<i32>} : memref<200x64xf32, #tpu.memory_space<vmem>>, vector<1x16xf32>,
      %parallel_loop3A_1035 = arith.index_cast %parallel_loop3A_998 : i32 to index
      %parallel_loop3A_1036 = arith.constant 48 : index
      %parallel_loop3A_1037 = tpu.vector_load %arg8[%parallel_loop3A_1035, %parallel_loop3A_1036] {strides = array<i32>} : memref<200x64xf32, #tpu.memory_space<vmem>>, vector<1x16xf32>,
      %parallel_loop3A_1038 = vector.shape_cast %parallel_loop3A_1037 : vector<1x16xf32> to vector<16xf32>
      %parallel_loop3A_1039 = arith.constant 8.000000e+00 : f32
      %parallel_loop3A_1040 = vector.broadcast %parallel_loop3A_1039 : f32 to vector<16xf32>
      %parallel_loop3A_1041 = arith.mulf %parallel_loop3A_1038, %parallel_loop3A_1040 : vector<16xf32>
      %parallel_loop3A_1042 = arith.index_cast %parallel_loop3A_998 : i32 to index
      %parallel_loop3A_1043 = arith.constant 48 : index
      %parallel_loop3A_1044 = tpu.vector_load %arg8[%parallel_loop3A_1042, %parallel_loop3A_1043] {strides = array<i32>} : memref<200x64xf32, #tpu.memory_space<vmem>>, vector<1x16xf32>,
      %parallel_loop3A_1045 = vector.shape_cast %parallel_loop3A_1044 : vector<1x16xf32> to vector<16xf32>
      %parallel_loop3A_1046 = vector.shape_cast %parallel_loop3A_1041 : vector<16xf32> to vector<1x16xf32>
      tpu.vector_store %arg8[%parallel_loop3A_1042, %parallel_loop3A_1043], %parallel_loop3A_1046 {strides = array<i32>} : memref<200x64xf32, #tpu.memory_space<vmem>>, vector<1x16xf32>,
    } {sc.loop_unroll_factor = 8 : i64, sc.parallel_access}
    %add3A_885 = arith.constant 126 : i32
    %add3A_886 = arith.addi %mul3A_2, %add3A_885 : i32
    %dma_start3A_887 = arith.constant 0 : i32
    %dma_start3A_888 = arith.constant 0 : i32
    %dma_start3A_889 = tpu.memref_slice %arg4[%add3A_886, %dma_start3A_887, %dma_start3A_888] : memref<4096x200x128xf32, #tpu.memory_space<hbm>> -> memref<1x200x64xf32, #tpu.memory_space<hbm>>
    %dma_start3A_890 = tpu.memref_squeeze %dma_start3A_889 : memref<1x200x64xf32, #tpu.memory_space<hbm>> -> memref<200x64xf32, #tpu.memory_space<hbm>>
    %dma_start3A_891 = arith.constant 0 : i32
    %dma_start3A_892 = arith.constant 0 : i32
    %dma_start3A_893 = tpu.memref_slice %arg4[%add3A_886, %dma_start3A_891, %dma_start3A_892] : memref<4096x200x128xf32, #tpu.memory_space<hbm>> -> memref<1x200x64xf32, #tpu.memory_space<hbm>>
    %dma_start3A_894 = tpu.memref_squeeze %dma_start3A_893 : memref<1x200x64xf32, #tpu.memory_space<hbm>> -> memref<200x64xf32, #tpu.memory_space<hbm>>
    tpu.enqueue_dma source(%arg8 : memref<200x64xf32, #tpu.memory_space<vmem>>) target(%dma_start3A_894 : memref<200x64xf32, #tpu.memory_space<hbm>>) target_semaphore(%arg17 : memref<!tpu.dma_semaphore, #tpu.memory_space<semaphore_mem>>)
    %dma_wait3A_895 = arith.constant 127 : i32
    %dma_wait3A_896 = arith.constant 0 : i32
    %dma_wait3A_897 = arith.constant 0 : i32
    %dma_wait3A_898 = tpu.memref_slice %arg9[%dma_wait3A_896, %dma_wait3A_897] : memref<200x64xf32, #tpu.memory_space<vmem>> -> memref<40x64xf32, #tpu.memory_space<vmem>>
    %dma_wait3A_899 = arith.constant 0 : i32
    %dma_wait3A_900 = tpu.memref_slice %arg5[%dma_wait3A_895, %dma_wait3A_899] : memref<128x200xi32, #tpu.memory_space<vmem>> -> memref<1x40xi32, #tpu.memory_space<vmem>>
    %dma_wait3A_901 = tpu.memref_squeeze %dma_wait3A_900 : memref<1x40xi32, #tpu.memory_space<vmem>> -> memref<40xi32, #tpu.memory_space<vmem>>
    %dma_wait3A_902 = arith.constant 0 : i32
    %dma_wait3A_903 = arith.constant 0 : i32
    %dma_wait3A_904 = tpu.memref_slice %arg2[%dma_wait3A_902, %dma_wait3A_903] : memref<2000000x64xf32, #tpu.memory_space<hbm>> -> memref<2000000x64xf32, #tpu.memory_space<hbm>>
    tpu.wait_indirect_dma semaphore(%arg14 : memref<!tpu.dma_semaphore, #tpu.memory_space<semaphore_mem>>) src(%dma_wait3A_904 : memref<2000000x64xf32, #tpu.memory_space<hbm>>) dst(%dma_wait3A_898 : memref<40x64xf32, #tpu.memory_space<vmem>>)
    %dma_wait3A_905 = arith.constant 127 : i32
    %dma_wait3A_906 = arith.constant 40 : i32
    %dma_wait3A_907 = arith.constant 0 : i32
    %dma_wait3A_908 = tpu.memref_slice %arg9[%dma_wait3A_906, %dma_wait3A_907] : memref<200x64xf32, #tpu.memory_space<vmem>> -> memref<40x64xf32, #tpu.memory_space<vmem>>
    %dma_wait3A_909 = arith.constant 40 : i32
    %dma_wait3A_910 = tpu.memref_slice %arg5[%dma_wait3A_905, %dma_wait3A_909] : memref<128x200xi32, #tpu.memory_space<vmem>> -> memref<1x40xi32, #tpu.memory_space<vmem>>
    %dma_wait3A_911 = tpu.memref_squeeze %dma_wait3A_910 : memref<1x40xi32, #tpu.memory_space<vmem>> -> memref<40xi32, #tpu.memory_space<vmem>>
    %dma_wait3A_912 = arith.constant 0 : i32
    %dma_wait3A_913 = arith.constant 0 : i32
    %dma_wait3A_914 = tpu.memref_slice %arg2[%dma_wait3A_912, %dma_wait3A_913] : memref<2000000x64xf32, #tpu.memory_space<hbm>> -> memref<2000000x64xf32, #tpu.memory_space<hbm>>
    tpu.wait_indirect_dma semaphore(%arg14 : memref<!tpu.dma_semaphore, #tpu.memory_space<semaphore_mem>>) src(%dma_wait3A_914 : memref<2000000x64xf32, #tpu.memory_space<hbm>>) dst(%dma_wait3A_908 : memref<40x64xf32, #tpu.memory_space<vmem>>)
    %dma_wait3A_915 = arith.constant 127 : i32
    %dma_wait3A_916 = arith.constant 80 : i32
    %dma_wait3A_917 = arith.constant 0 : i32
    %dma_wait3A_918 = tpu.memref_slice %arg9[%dma_wait3A_916, %dma_wait3A_917] : memref<200x64xf32, #tpu.memory_space<vmem>> -> memref<40x64xf32, #tpu.memory_space<vmem>>
    %dma_wait3A_919 = arith.constant 80 : i32
    %dma_wait3A_920 = tpu.memref_slice %arg5[%dma_wait3A_915, %dma_wait3A_919] : memref<128x200xi32, #tpu.memory_space<vmem>> -> memref<1x40xi32, #tpu.memory_space<vmem>>
    %dma_wait3A_921 = tpu.memref_squeeze %dma_wait3A_920 : memref<1x40xi32, #tpu.memory_space<vmem>> -> memref<40xi32, #tpu.memory_space<vmem>>
    %dma_wait3A_922 = arith.constant 0 : i32
    %dma_wait3A_923 = arith.constant 0 : i32
    %dma_wait3A_924 = tpu.memref_slice %arg2[%dma_wait3A_922, %dma_wait3A_923] : memref<2000000x64xf32, #tpu.memory_space<hbm>> -> memref<2000000x64xf32, #tpu.memory_space<hbm>>
    tpu.wait_indirect_dma semaphore(%arg14 : memref<!tpu.dma_semaphore, #tpu.memory_space<semaphore_mem>>) src(%dma_wait3A_924 : memref<2000000x64xf32, #tpu.memory_space<hbm>>) dst(%dma_wait3A_918 : memref<40x64xf32, #tpu.memory_space<vmem>>)
    %dma_wait3A_925 = arith.constant 127 : i32
    %dma_wait3A_926 = arith.constant 120 : i32
    %dma_wait3A_927 = arith.constant 0 : i32
    %dma_wait3A_928 = tpu.memref_slice %arg9[%dma_wait3A_926, %dma_wait3A_927] : memref<200x64xf32, #tpu.memory_space<vmem>> -> memref<40x64xf32, #tpu.memory_space<vmem>>
    %dma_wait3A_929 = arith.constant 120 : i32
    %dma_wait3A_930 = tpu.memref_slice %arg5[%dma_wait3A_925, %dma_wait3A_929] : memref<128x200xi32, #tpu.memory_space<vmem>> -> memref<1x40xi32, #tpu.memory_space<vmem>>
    %dma_wait3A_931 = tpu.memref_squeeze %dma_wait3A_930 : memref<1x40xi32, #tpu.memory_space<vmem>> -> memref<40xi32, #tpu.memory_space<vmem>>
    %dma_wait3A_932 = arith.constant 0 : i32
    %dma_wait3A_933 = arith.constant 0 : i32
    %dma_wait3A_934 = tpu.memref_slice %arg2[%dma_wait3A_932, %dma_wait3A_933] : memref<2000000x64xf32, #tpu.memory_space<hbm>> -> memref<2000000x64xf32, #tpu.memory_space<hbm>>
    tpu.wait_indirect_dma semaphore(%arg14 : memref<!tpu.dma_semaphore, #tpu.memory_space<semaphore_mem>>) src(%dma_wait3A_934 : memref<2000000x64xf32, #tpu.memory_space<hbm>>) dst(%dma_wait3A_928 : memref<40x64xf32, #tpu.memory_space<vmem>>)
    %dma_wait3A_935 = arith.constant 127 : i32
    %dma_wait3A_936 = arith.constant 160 : i32
    %dma_wait3A_937 = arith.constant 0 : i32
    %dma_wait3A_938 = tpu.memref_slice %arg9[%dma_wait3A_936, %dma_wait3A_937] : memref<200x64xf32, #tpu.memory_space<vmem>> -> memref<40x64xf32, #tpu.memory_space<vmem>>
    %dma_wait3A_939 = arith.constant 160 : i32
    %dma_wait3A_940 = tpu.memref_slice %arg5[%dma_wait3A_935, %dma_wait3A_939] : memref<128x200xi32, #tpu.memory_space<vmem>> -> memref<1x40xi32, #tpu.memory_space<vmem>>
    %dma_wait3A_941 = tpu.memref_squeeze %dma_wait3A_940 : memref<1x40xi32, #tpu.memory_space<vmem>> -> memref<40xi32, #tpu.memory_space<vmem>>
    %dma_wait3A_942 = arith.constant 0 : i32
    %dma_wait3A_943 = arith.constant 0 : i32
    %dma_wait3A_944 = tpu.memref_slice %arg2[%dma_wait3A_942, %dma_wait3A_943] : memref<2000000x64xf32, #tpu.memory_space<hbm>> -> memref<2000000x64xf32, #tpu.memory_space<hbm>>
    tpu.wait_indirect_dma semaphore(%arg14 : memref<!tpu.dma_semaphore, #tpu.memory_space<semaphore_mem>>) src(%dma_wait3A_944 : memref<2000000x64xf32, #tpu.memory_space<hbm>>) dst(%dma_wait3A_938 : memref<40x64xf32, #tpu.memory_space<vmem>>)
    %parallel_loop3A_945 = arith.constant 0 : i32
    %parallel_loop3A_946 = arith.constant 200 : i32
    %parallel_loop3A_947 = arith.constant 1 : i32
    scf.for %parallel_loop3A_998 = %parallel_loop3A_945 to %parallel_loop3A_946 step %parallel_loop3A_947  : i32 {
      %parallel_loop3A_999 = arith.index_cast %parallel_loop3A_998 : i32 to index
      %parallel_loop3A_1000 = arith.constant 0 : index
      %parallel_loop3A_1001 = tpu.vector_load %arg9[%parallel_loop3A_999, %parallel_loop3A_1000] {strides = array<i32>} : memref<200x64xf32, #tpu.memory_space<vmem>>, vector<1x16xf32>,
      %parallel_loop3A_1002 = vector.shape_cast %parallel_loop3A_1001 : vector<1x16xf32> to vector<16xf32>
      %parallel_loop3A_1003 = arith.constant 8.000000e+00 : f32
      %parallel_loop3A_1004 = vector.broadcast %parallel_loop3A_1003 : f32 to vector<16xf32>
      %parallel_loop3A_1005 = arith.mulf %parallel_loop3A_1002, %parallel_loop3A_1004 : vector<16xf32>
      %parallel_loop3A_1006 = arith.index_cast %parallel_loop3A_998 : i32 to index
      %parallel_loop3A_1007 = arith.constant 0 : index
      %parallel_loop3A_1008 = tpu.vector_load %arg9[%parallel_loop3A_1006, %parallel_loop3A_1007] {strides = array<i32>} : memref<200x64xf32, #tpu.memory_space<vmem>>, vector<1x16xf32>,
      %parallel_loop3A_1009 = vector.shape_cast %parallel_loop3A_1008 : vector<1x16xf32> to vector<16xf32>
      %parallel_loop3A_1010 = vector.shape_cast %parallel_loop3A_1005 : vector<16xf32> to vector<1x16xf32>
      tpu.vector_store %arg9[%parallel_loop3A_1006, %parallel_loop3A_1007], %parallel_loop3A_1010 {strides = array<i32>} : memref<200x64xf32, #tpu.memory_space<vmem>>, vector<1x16xf32>,
      %parallel_loop3A_1011 = arith.index_cast %parallel_loop3A_998 : i32 to index
      %parallel_loop3A_1012 = arith.constant 16 : index
      %parallel_loop3A_1013 = tpu.vector_load %arg9[%parallel_loop3A_1011, %parallel_loop3A_1012] {strides = array<i32>} : memref<200x64xf32, #tpu.memory_space<vmem>>, vector<1x16xf32>,
      %parallel_loop3A_1014 = vector.shape_cast %parallel_loop3A_1013 : vector<1x16xf32> to vector<16xf32>
      %parallel_loop3A_1015 = arith.constant 8.000000e+00 : f32
      %parallel_loop3A_1016 = vector.broadcast %parallel_loop3A_1015 : f32 to vector<16xf32>
      %parallel_loop3A_1017 = arith.mulf %parallel_loop3A_1014, %parallel_loop3A_1016 : vector<16xf32>
      %parallel_loop3A_1018 = arith.index_cast %parallel_loop3A_998 : i32 to index
      %parallel_loop3A_1019 = arith.constant 16 : index
      %parallel_loop3A_1020 = tpu.vector_load %arg9[%parallel_loop3A_1018, %parallel_loop3A_1019] {strides = array<i32>} : memref<200x64xf32, #tpu.memory_space<vmem>>, vector<1x16xf32>,
      %parallel_loop3A_1021 = vector.shape_cast %parallel_loop3A_1020 : vector<1x16xf32> to vector<16xf32>
      %parallel_loop3A_1022 = vector.shape_cast %parallel_loop3A_1017 : vector<16xf32> to vector<1x16xf32>
      tpu.vector_store %arg9[%parallel_loop3A_1018, %parallel_loop3A_1019], %parallel_loop3A_1022 {strides = array<i32>} : memref<200x64xf32, #tpu.memory_space<vmem>>, vector<1x16xf32>,
      %parallel_loop3A_1023 = arith.index_cast %parallel_loop3A_998 : i32 to index
      %parallel_loop3A_1024 = arith.constant 32 : index
      %parallel_loop3A_1025 = tpu.vector_load %arg9[%parallel_loop3A_1023, %parallel_loop3A_1024] {strides = array<i32>} : memref<200x64xf32, #tpu.memory_space<vmem>>, vector<1x16xf32>,
      %parallel_loop3A_1026 = vector.shape_cast %parallel_loop3A_1025 : vector<1x16xf32> to vector<16xf32>
      %parallel_loop3A_1027 = arith.constant 8.000000e+00 : f32
      %parallel_loop3A_1028 = vector.broadcast %parallel_loop3A_1027 : f32 to vector<16xf32>
      %parallel_loop3A_1029 = arith.mulf %parallel_loop3A_1026, %parallel_loop3A_1028 : vector<16xf32>
      %parallel_loop3A_1030 = arith.index_cast %parallel_loop3A_998 : i32 to index
      %parallel_loop3A_1031 = arith.constant 32 : index
      %parallel_loop3A_1032 = tpu.vector_load %arg9[%parallel_loop3A_1030, %parallel_loop3A_1031] {strides = array<i32>} : memref<200x64xf32, #tpu.memory_space<vmem>>, vector<1x16xf32>,
      %parallel_loop3A_1033 = vector.shape_cast %parallel_loop3A_1032 : vector<1x16xf32> to vector<16xf32>
      %parallel_loop3A_1034 = vector.shape_cast %parallel_loop3A_1029 : vector<16xf32> to vector<1x16xf32>
      tpu.vector_store %arg9[%parallel_loop3A_1030, %parallel_loop3A_1031], %parallel_loop3A_1034 {strides = array<i32>} : memref<200x64xf32, #tpu.memory_space<vmem>>, vector<1x16xf32>,
      %parallel_loop3A_1035 = arith.index_cast %parallel_loop3A_998 : i32 to index
      %parallel_loop3A_1036 = arith.constant 48 : index
      %parallel_loop3A_1037 = tpu.vector_load %arg9[%parallel_loop3A_1035, %parallel_loop3A_1036] {strides = array<i32>} : memref<200x64xf32, #tpu.memory_space<vmem>>, vector<1x16xf32>,
      %parallel_loop3A_1038 = vector.shape_cast %parallel_loop3A_1037 : vector<1x16xf32> to vector<16xf32>
      %parallel_loop3A_1039 = arith.constant 8.000000e+00 : f32
      %parallel_loop3A_1040 = vector.broadcast %parallel_loop3A_1039 : f32 to vector<16xf32>
      %parallel_loop3A_1041 = arith.mulf %parallel_loop3A_1038, %parallel_loop3A_1040 : vector<16xf32>
      %parallel_loop3A_1042 = arith.index_cast %parallel_loop3A_998 : i32 to index
      %parallel_loop3A_1043 = arith.constant 48 : index
      %parallel_loop3A_1044 = tpu.vector_load %arg9[%parallel_loop3A_1042, %parallel_loop3A_1043] {strides = array<i32>} : memref<200x64xf32, #tpu.memory_space<vmem>>, vector<1x16xf32>,
      %parallel_loop3A_1045 = vector.shape_cast %parallel_loop3A_1044 : vector<1x16xf32> to vector<16xf32>
      %parallel_loop3A_1046 = vector.shape_cast %parallel_loop3A_1041 : vector<16xf32> to vector<1x16xf32>
      tpu.vector_store %arg9[%parallel_loop3A_1042, %parallel_loop3A_1043], %parallel_loop3A_1046 {strides = array<i32>} : memref<200x64xf32, #tpu.memory_space<vmem>>, vector<1x16xf32>,
    } {sc.loop_unroll_factor = 8 : i64, sc.parallel_access}
    %add3A_948 = arith.constant 127 : i32
    %add3A_949 = arith.addi %mul3A_2, %add3A_948 : i32
    %dma_start3A_950 = arith.constant 0 : i32
    %dma_start3A_951 = arith.constant 0 : i32
    %dma_start3A_952 = tpu.memref_slice %arg4[%add3A_949, %dma_start3A_950, %dma_start3A_951] : memref<4096x200x128xf32, #tpu.memory_space<hbm>> -> memref<1x200x64xf32, #tpu.memory_space<hbm>>
    %dma_start3A_953 = tpu.memref_squeeze %dma_start3A_952 : memref<1x200x64xf32, #tpu.memory_space<hbm>> -> memref<200x64xf32, #tpu.memory_space<hbm>>
    %dma_start3A_954 = arith.constant 0 : i32
    %dma_start3A_955 = arith.constant 0 : i32
    %dma_start3A_956 = tpu.memref_slice %arg4[%add3A_949, %dma_start3A_954, %dma_start3A_955] : memref<4096x200x128xf32, #tpu.memory_space<hbm>> -> memref<1x200x64xf32, #tpu.memory_space<hbm>>
    %dma_start3A_957 = tpu.memref_squeeze %dma_start3A_956 : memref<1x200x64xf32, #tpu.memory_space<hbm>> -> memref<200x64xf32, #tpu.memory_space<hbm>>
    tpu.enqueue_dma source(%arg9 : memref<200x64xf32, #tpu.memory_space<vmem>>) target(%dma_start3A_957 : memref<200x64xf32, #tpu.memory_space<hbm>>) target_semaphore(%arg18 : memref<!tpu.dma_semaphore, #tpu.memory_space<semaphore_mem>>)
    %add3A_958 = arith.constant 124 : i32
    %add3A_959 = arith.addi %mul3A_2, %add3A_958 : i32
    %dma_wait3A_960 = arith.constant 0 : i32
    %dma_wait3A_961 = arith.constant 0 : i32
    %dma_wait3A_962 = tpu.memref_slice %arg4[%add3A_959, %dma_wait3A_960, %dma_wait3A_961] : memref<4096x200x128xf32, #tpu.memory_space<hbm>> -> memref<1x200x64xf32, #tpu.memory_space<hbm>>
    %dma_wait3A_963 = tpu.memref_squeeze %dma_wait3A_962 : memref<1x200x64xf32, #tpu.memory_space<hbm>> -> memref<200x64xf32, #tpu.memory_space<hbm>>
    %dma_wait3A_964 = arith.constant 0 : i32
    %dma_wait3A_965 = arith.constant 0 : i32
    %dma_wait3A_966 = tpu.memref_slice %arg4[%add3A_959, %dma_wait3A_964, %dma_wait3A_965] : memref<4096x200x128xf32, #tpu.memory_space<hbm>> -> memref<1x200x64xf32, #tpu.memory_space<hbm>>
    %dma_wait3A_967 = tpu.memref_squeeze %dma_wait3A_966 : memref<1x200x64xf32, #tpu.memory_space<hbm>> -> memref<200x64xf32, #tpu.memory_space<hbm>>
    tpu.wait_dma2 semaphore(%arg15 : memref<!tpu.dma_semaphore, #tpu.memory_space<semaphore_mem>>) src(%arg6 : memref<200x64xf32, #tpu.memory_space<vmem>>) dst(%dma_wait3A_967 : memref<200x64xf32, #tpu.memory_space<hbm>>)
    %add3A_968 = arith.constant 125 : i32
    %add3A_969 = arith.addi %mul3A_2, %add3A_968 : i32
    %dma_wait3A_970 = arith.constant 0 : i32
    %dma_wait3A_971 = arith.constant 0 : i32
    %dma_wait3A_972 = tpu.memref_slice %arg4[%add3A_969, %dma_wait3A_970, %dma_wait3A_971] : memref<4096x200x128xf32, #tpu.memory_space<hbm>> -> memref<1x200x64xf32, #tpu.memory_space<hbm>>
    %dma_wait3A_973 = tpu.memref_squeeze %dma_wait3A_972 : memref<1x200x64xf32, #tpu.memory_space<hbm>> -> memref<200x64xf32, #tpu.memory_space<hbm>>
    %dma_wait3A_974 = arith.constant 0 : i32
    %dma_wait3A_975 = arith.constant 0 : i32
    %dma_wait3A_976 = tpu.memref_slice %arg4[%add3A_969, %dma_wait3A_974, %dma_wait3A_975] : memref<4096x200x128xf32, #tpu.memory_space<hbm>> -> memref<1x200x64xf32, #tpu.memory_space<hbm>>
    %dma_wait3A_977 = tpu.memref_squeeze %dma_wait3A_976 : memref<1x200x64xf32, #tpu.memory_space<hbm>> -> memref<200x64xf32, #tpu.memory_space<hbm>>
    tpu.wait_dma2 semaphore(%arg16 : memref<!tpu.dma_semaphore, #tpu.memory_space<semaphore_mem>>) src(%arg7 : memref<200x64xf32, #tpu.memory_space<vmem>>) dst(%dma_wait3A_977 : memref<200x64xf32, #tpu.memory_space<hbm>>)
    %add3A_978 = arith.constant 126 : i32
    %add3A_979 = arith.addi %mul3A_2, %add3A_978 : i32
    %dma_wait3A_980 = arith.constant 0 : i32
    %dma_wait3A_981 = arith.constant 0 : i32
    %dma_wait3A_982 = tpu.memref_slice %arg4[%add3A_979, %dma_wait3A_980, %dma_wait3A_981] : memref<4096x200x128xf32, #tpu.memory_space<hbm>> -> memref<1x200x64xf32, #tpu.memory_space<hbm>>
    %dma_wait3A_983 = tpu.memref_squeeze %dma_wait3A_982 : memref<1x200x64xf32, #tpu.memory_space<hbm>> -> memref<200x64xf32, #tpu.memory_space<hbm>>
    %dma_wait3A_984 = arith.constant 0 : i32
    %dma_wait3A_985 = arith.constant 0 : i32
    %dma_wait3A_986 = tpu.memref_slice %arg4[%add3A_979, %dma_wait3A_984, %dma_wait3A_985] : memref<4096x200x128xf32, #tpu.memory_space<hbm>> -> memref<1x200x64xf32, #tpu.memory_space<hbm>>
    %dma_wait3A_987 = tpu.memref_squeeze %dma_wait3A_986 : memref<1x200x64xf32, #tpu.memory_space<hbm>> -> memref<200x64xf32, #tpu.memory_space<hbm>>
    tpu.wait_dma2 semaphore(%arg17 : memref<!tpu.dma_semaphore, #tpu.memory_space<semaphore_mem>>) src(%arg8 : memref<200x64xf32, #tpu.memory_space<vmem>>) dst(%dma_wait3A_987 : memref<200x64xf32, #tpu.memory_space<hbm>>)
    %add3A_988 = arith.constant 127 : i32
    %add3A_989 = arith.addi %mul3A_2, %add3A_988 : i32
    %dma_wait3A_990 = arith.constant 0 : i32
    %dma_wait3A_991 = arith.constant 0 : i32
    %dma_wait3A_992 = tpu.memref_slice %arg4[%add3A_989, %dma_wait3A_990, %dma_wait3A_991] : memref<4096x200x128xf32, #tpu.memory_space<hbm>> -> memref<1x200x64xf32, #tpu.memory_space<hbm>>
    %dma_wait3A_993 = tpu.memref_squeeze %dma_wait3A_992 : memref<1x200x64xf32, #tpu.memory_space<hbm>> -> memref<200x64xf32, #tpu.memory_space<hbm>>
    %dma_wait3A_994 = arith.constant 0 : i32
    %dma_wait3A_995 = arith.constant 0 : i32
    %dma_wait3A_996 = tpu.memref_slice %arg4[%add3A_989, %dma_wait3A_994, %dma_wait3A_995] : memref<4096x200x128xf32, #tpu.memory_space<hbm>> -> memref<1x200x64xf32, #tpu.memory_space<hbm>>
    %dma_wait3A_997 = tpu.memref_squeeze %dma_wait3A_996 : memref<1x200x64xf32, #tpu.memory_space<hbm>> -> memref<200x64xf32, #tpu.memory_space<hbm>>
    tpu.wait_dma2 semaphore(%arg18 : memref<!tpu.dma_semaphore, #tpu.memory_space<semaphore_mem>>) src(%arg9 : memref<200x64xf32, #tpu.memory_space<vmem>>) dst(%dma_wait3A_997 : memref<200x64xf32, #tpu.memory_space<hbm>>)
    return
  }
}

</mosaic_0001>

<sc_bundles>
// kernel: kernel.3.cloned.1.call-start
scs
__scs_entry_jumppad:
0x0: {  	(pc) =	sbr.rel $0x88, $3  }
0x1: {  	(tag) =	ssettag $0x0;
	lr =	simm.s32 $0x1  }
0x2: {  	[smem:$0x3F9F] =	sst lr;
	_ =	strace $0xD0000000  }
0x3: {  	_ = 	snop  }
0x4: {  	_ = 	snop  }
0x5: {  	_ = 	snop  }
0x6: {  	_ = 	snop  }
0x7: {  	_ = 	snop  }
__scs_overlays_trampoline_lowered:
0x8: {  	[smem:$0x3FAE] =	sst s0  }
0x9: {  	[smem:$0x3FAF] =	sst s1  }
0xa: {  	[smem:$0x3FB0] =	sst s2  }
0xb: {  	[smem:$0x3FB1] =	sst s3  }
0xc: {  	[smem:$0x3FB2] =	sst s4  }
0xd: {  	[smem:$0x3FB3] =	sst s5  }
0xe: {  	[smem:$0x3FB4] =	sst s6  }
0xf: {  	[smem:$0x3FB5] =	sst s7  }
0x10: {  	[smem:$0x3FB6] =	sst s8  }
0x11: {  	[smem:$0x3FB7] =	sst s9;
	s0 =	simm.s32 @!p0 $0x0  }
0x12: {  	s1 =	sld [smem:$0x3F9D];
	s0 =	simm.s32 @p0 $0x1  }
0x13: {  	[smem:$0x3FB8] =	sst s0;
	s0 =	simm.s32 @!p1 $0x0  }
0x14: {  	s2 =	sld [smem:$0x3F9C];
	s0 =	simm.s32 @p1 $0x1  }
0x15: {  	[smem:$0x3FB9] =	sst s0;
	s0 =	simm.s32 @!p2 $0x0  }
0x16: {  	s3 =	sld [smem:$0x3FDB];
	s0 =	simm.s32 @p2 $0x1  }
0x17: {  	s4 =	simm.s32 $0x1BF5;
	[smem:$0x3FBB] =	sst s0  }
0x18: {  	s0 =	sld [smem:$0x3F9E];
	_ =	swait.ge [sflag:s4], $0x0  }
0x19: {  	s7 =	sld [smem:$0x3F9F]  }
0x1a: {  	s8 =	sadd.s32 $0xFFFFE003, lr  }
0x1b: {  	s9 =	sadd.s32 $0xFFFFFEF7, lr;
	s5 =	simm.s32 $0xFFFFFFFF;
	p2 =	slt.u32 s8, $0xFFFFF086  }
0x1c: {  	p1 =	slt.u32 s9, $0xF7A;
	s5 =	simm.s32 @!p2 $0x0  }
0x1d: {  	s5 =	simm.s32 @p1 $0x1;
	p0 =	seq.s32 s7, s2  }
0x1e: {  	s7 =	smul.u32 @!p0 $0xF7A, s2;
	p2 =	seq.s32 @!p0 s5, $0x0  }
0x1f: {  	s9 =	smul.u32 $0xF7A, s1;
	s8 =	simm.s32 @!p0 $0x1BF5;
	p2 =	por !p2, p0  }
0x20: {  	[sflag:s8] =	ssyncset.s32 @!p0 $0xFFFFF086;
	s6 =	sadd.s32 @!p0 s3, s7;
	s7 =	simm.s32 @!p0 $0x108  }
0x21: {  	s3 =	sadd.s32 s3, s9;
	s6 =	sadd.s32 @!p0 $0x88, s6;
	s7 =	simm.s32 @p2 $0x1082  }
0x22: {  	[simem:s7], [sflag:s8] =	dma.local @!p0 [hbm:s6], $0xF7A  }
0x23: {  	s9 =	sor.u32 $0xD0000000, s2;
	s6 =	simm.s32 $0x108;
	_ =	swait.ge @!p0 [sflag:s8], $0x0  }
0x24: {  	s3 =	sadd.s32 $0x88, s3;
	s6 =	simm.s32 @!p1 $0x1082;
	[sflag:s4] =	ssyncset.s32 $0xFFFFF086  }
0x25: {  	[simem:s6], [sflag:s4] =	dma.local [hbm:s3], $0xF7A  }
0x26: {  	[smem:$0x3F9F] =	sst s1;
	(tag) =	ssettag s2;
	_ =	strace s9  }
0x27: {  	s1 =	sld [smem:$0x3FAF]  }
0x28: {  	s2 =	sld [smem:$0x3FB0]  }
0x29: {  	s4 =	sld [smem:$0x3FB2]  }
0x2a: {  	p0 =	seq.s32 s5, $0x0;
	s5 =	sld [smem:$0x3FB3]  }
0x2b: {  	s6 =	sld [smem:$0x3FB4]  }
0x2c: {  	s7 =	sld [smem:$0x3FB5]  }
0x2d: {  	s3 =	simm.s32 $0x108;
	s8 =	sld [smem:$0x3FB6]  }
0x2e: {  	s3 =	simm.s32 @!p0 $0x1082;
	s9 =	sld [smem:$0x3FB7]  }
0x2f: {  	lr =	sadd.s32 s0, s3;
	s0 =	sld [smem:$0x3FAE]  }
0x30: {  	s3 =	sld [smem:$0x3FB1]  }
0x31: {  	[smem:$0x3FBA] =	sst s10  }
0x32: {  	s10 =	sld [smem:$0x3FB8];
	_ =	sdelay $0x3  }
0x33: {  	p0 =	seq.s32 s10, $0x1;
	s10 =	sld [smem:$0x3FBA];
	_ =	sdelay $0x3  }
0x34: {  	[smem:$0x3FBA] =	sst s10  }
0x35: {  	s10 =	sld [smem:$0x3FB9];
	_ =	sdelay $0x3  }
0x36: {  	p1 =	seq.s32 s10, $0x1;
	s10 =	sld [smem:$0x3FBA];
	_ =	sdelay $0x3  }
0x37: {  	[smem:$0x3FBA] =	sst s10  }
0x38: {  	s10 =	sld [smem:$0x3FBB]  }
0x39: {  	_ = 	snop;
	(pc) =	sbr.ind lr, $3  }
0x3a: {  	_ = 	snop  }
0x3b: {  	_ = 	snop  }
0x3c: {  	p2 =	seq.s32 s10, $0x1;
	s10 =	sld [smem:$0x3FBA]  }
0x3d: {  	_ =	shalt  }
0x3e: {  	_ =	shalt  }
0x3f: {  	_ =	shalt  }
0x40: {  	_ =	shalt  }
0x41: {  	_ =	shalt  }
0x42: {  	_ =	shalt  }
0x43: {  	_ =	shalt  }
0x44: {  	_ =	shalt  }
0x45: {  	_ =	shalt  }
0x46: {  	_ =	shalt  }
0x47: {  	_ =	shalt  }
0x48: {  	_ =	shalt  }
0x49: {  	_ =	shalt  }
0x4a: {  	_ =	shalt  }
0x4b: {  	_ =	shalt  }
0x4c: {  	_ =	shalt  }
0x4d: {  	_ =	shalt  }
0x4e: {  	_ =	shalt  }
0x4f: {  	_ =	shalt  }
0x50: {  	_ =	shalt  }
0x51: {  	_ =	shalt  }
0x52: {  	_ =	shalt  }
0x53: {  	_ =	shalt  }
0x54: {  	_ =	shalt  }
0x55: {  	_ =	shalt  }
0x56: {  	_ =	shalt  }
0x57: {  	_ =	shalt  }
0x58: {  	_ =	shalt  }
0x59: {  	_ =	shalt  }
0x5a: {  	_ =	shalt  }
0x5b: {  	_ =	shalt  }
0x5c: {  	_ =	shalt  }
0x5d: {  	_ =	shalt  }
0x5e: {  	_ =	shalt  }
0x5f: {  	_ =	shalt  }
0x60: {  	_ =	shalt  }
0x61: {  	_ =	shalt  }
0x62: {  	_ =	shalt  }
0x63: {  	_ =	shalt  }
0x64: {  	_ =	shalt  }
0x65: {  	_ =	shalt  }
0x66: {  	_ =	shalt  }
0x67: {  	_ =	shalt  }
0x68: {  	_ =	shalt  }
0x69: {  	_ =	shalt  }
0x6a: {  	_ =	shalt  }
0x6b: {  	_ =	shalt  }
0x6c: {  	_ =	shalt  }
0x6d: {  	_ =	shalt  }
0x6e: {  	_ =	shalt  }
0x6f: {  	_ =	shalt  }
0x70: {  	_ =	shalt  }
0x71: {  	_ =	shalt  }
0x72: {  	_ =	shalt  }
0x73: {  	_ =	shalt  }
0x74: {  	_ =	shalt  }
0x75: {  	_ =	shalt  }
0x76: {  	_ =	shalt  }
0x77: {  	_ =	shalt  }
0x78: {  	_ =	shalt  }
0x79: {  	_ =	shalt  }
0x7a: {  	_ =	shalt  }
0x7b: {  	_ =	shalt  }
0x7c: {  	_ =	shalt  }
0x7d: {  	_ =	shalt  }
0x7e: {  	_ =	shalt  }
0x7f: {  	_ =	shalt  }
0x80: {  	_ =	shalt  }
0x81: {  	_ =	shalt  }
0x82: {  	_ =	shalt  }
0x83: {  	_ =	shalt  }
0x84: {  	_ =	shalt  }
0x85: {  	_ =	shalt  }
0x86: {  	_ =	shalt  }
0x87: {  	_ =	shalt  }
.Lfunc_end0:
.L_simem_size_0:
called_computation.2_lowered:
.L_overlay_start_0:
0x88: {  	s2 =	sld [smem:$0x3FD9]  }
0x89: {  	s3 =	sld [smem:$0x3FFE];
	_ =	sdelay $0x1  }
0x8a: {  	s1 =	srdreg.scid  }
0x8b: {  	s0 =	sand.u32 $0x1, s1  }
0x8c: {  	s17 =	sshll.u32 s0, $0xA;
	s2 =	sadd.s32 s3, s2  }
0x8d: {  	s2 =	sadd.s32 s2, s17  }
0x8e: {  	[smem:$0x3FC6] =	sst s2  }
0x8f: {  	_ = 	snop  }
0x90: {  	s2 =	sld [smem:$0x3FD0];
	(tm) =	ssettm $0x1  }
0x91: {  	s18 =	sld [smem:$0x3FFB];
	_ =	sdelay $0x3  }
0x92: {  	_ =	strace s18  }
0x93: {  	s3 =	sld [smem:$0x3FFC];
	_ =	sdelay $0x3  }
0x94: {  	_ =	strace s3  }
0x95: {  	s3 =	sld [smem:$0x3FFD];
	_ =	sdelay $0x3  }
0x96: {  	_ =	strace s3  }
0x97: {  	_ =	strace $0x8FFFFFFF  }
0x98: {  	s19 =	sld [smem:$0x3FDB];
	_ =	sdelay $0x1  }
0x99: {  	s4 =	simm.s32 $_scs_section_size  }
0x9a: {  	s5 =	simm.s32 $_size__tile_overlayer_lowered;
	s6 =	simm.s32 $_tile_overlayer_lowered  }
0x9b: {  	s22 =	simm.s32 $0x1BFF;
	s21 =	sshll.u32 s6, $0x1;
	s3 =	sadd.s32 s4, s19  }
0x9c: {  	s7 =	simm.s32 $0x0;
	s20 =	sshll.u32 s5, $0x1;
	s5 =	sadd.s32 s21, s3  }
0x9d: {  	[timem:s7], [sflag:s22] =	dma.local [hbm:s5], s20  }
0x9e: {  	_ =	swait.ge [sflag:s22], s20  }
0x9f: {  	s4 =	ssub.s32 $0x0, s20;
	[sflag:s22] =	ssyncset.done $0x0  }
0xa0: {  	[sflag:s22] =	ssyncadd.s32 s4;
	_ =	sdelay $0x1  }
0xa1: {  	s23 =	simm.s32 $0x1B8B  }
0xa2: {  	_ =	swait.ge [sflag:s23], $0x1  }
0xa3: {  	[sflag:s23] =	ssyncset.done $0x0  }
0xa4: {  	s25 =	simm.s32 $0x1B8E;
	s24 =	sld [smem:$0x3FFE];
	[sflag:s23] =	ssyncadd.s32 $0xFFFFFFFF  }
0xa5: {  	s26 =	simm.s32 $execute0_lowered;
	[smem:$0x3FD2] =	sst s25  }
0xa6: {  	s5 =	sshll.u32 s26, $0x1;
	_ =	strace $0x80000049;
	[dreg:$0x1] =	wrdreg $0xFFFFFFFF  }
0xa7: {  	s28 =	simm.s32 $_size_execute0_lowered;
	s3 =	sadd.s32 s3, s5;
	[dreg:$0x0] =	wrdreg $0x0  }
0xa8: {  	s5 =	sshll.u32 s28, $0x1;
	[dreg:$0x2] =	wrdreg s3  }
0xa9: {  	[dreg:$0x3] =	wrdreg s5  }
0xaa: {  	[dreg:$0x4] =	wrdreg $0xC0  }
0xab: {  	_ =	task [dreg:s7], $0x5FFFF  }
0xac: {  	[dreg:$0x1] =	wrdreg $0xFFFFFFFF  }
0xad: {  	[dreg:$0x0] =	wrdreg $0x60  }
0xae: {  	[dreg:$0x2] =	wrdreg s24  }
0xaf: {  	[dreg:$0x3] =	wrdreg s2  }
0xb0: {  	[dreg:$0x4] =	wrdreg $0x9  }
0xb1: {  	_ =	task.clear_ibuf [dreg:s7], $0x5FFFF;
	_ =	strace $0x90000049  }
0xb2: {  	s29 =	simm.s32 $0x9;
	_ =	strace $0x8000004B  }
0xb3: {  	_ =	swait.ge [sflag:s29], $0x1  }
0xb4: {  	[sflag:s29] =	ssyncadd.s32 $0xFFFFFFFF  }
0xb5: {  	_ =	strace $0x9000004B  }
0xb6: {  	_ =	sfence  }
0xb7: {  	s30 =	sld [smem:$0x0];
	_ =	sdelay $0x2  }
0xb8: {  	s31 =	sshll.u32 s1, $0xD;
	s1 =	sshrl.u32 s1, $0x2  }
0xb9: {  	s3 =	sand.u32 $0x4000, s31;
	s1 =	sadd.s32 s1, s30  }
0xba: {  	s0 =	sor.u32 s3, s0;
	s1 =	sshll.u32 s1, $0x11  }
0xbb: {  	s0 =	sor.u32 s1, s0  }
0xbc: {  	s0 =	sadd.s32 $0x8F2B, s0  }
0xbd: {  	[sflag:s0] =	ssyncadd.remote.s32 $0x1  }
0xbe: {  	_ =	sfence.sel $0xFFFF  }
0xbf: {  	[dreg:$0x0] =	wrdreg $0xFFFFFFFF;
	(pc) =	sbr.abs _section_cstart, $3  }
0xc0: {  	[dreg:$0x1] =	wrdreg $0xFFFFFFFF  }
0xc1: {  	_ =	task.clear_ibuf [dreg:s7], $0x2FFFF;
	_ =	strace $0x9FFFFFFF  }
0xc2: {  	(tm) =	ssettm $0x7FFFFFFF  }
0xc3: {  	_ =	shalt  }
tec
execute0_lowered:
.L_overlay_start_1:
0x0: {  	(tag) =	ssettag $0x1  }
0x1: {  	s0 =	rddreg [dreg:$0x0]  }
0x2: {  	s1 =	rddreg [dreg:$0x1];
	s2 =	srdreg.scid  }
0x3: {  	s3 =	stileid.u32;
	s5 =	simm.s32 $0x0;
	s17 =	simm.s32 $0x28  }
0x4: {  	s18 =	simm.s32 $0x6400;
	s28 =	simm.s32 $0x9600;
	s29 =	simm.s32 $0xC800  }
0x5: {  	s31 =	simm.s32 $0xF000;
	s9 =	simm.s32 $0xFA00;
	s10 =	simm.s32 $0x10400  }
0x6: {  	s11 =	simm.s32 $0x10E00;
	s12 =	simm.s32 $0x11800;
	s13 =	simm.s32 $0x12200  }
0x7: {  	s14 =	simm.s32 $0x3;
	s15 =	simm.s32 $0x6;
	s2 =	sand.u32 $0x1, s2  }
0x8: {  	s16 =	simm.s32 $0x7;
	s3 =	sshll.u32 s3, $0x8;
	s4 =	sshll.u32 s2, $0x7  }
0x9: {  	[smem:$0x7FF] =	sst s5;
	s2 =	ssub.s32 $0x2, s2;
	s3 =	sor.u32 s4, s3  }
0xa: {  	s5 =	sadd.s32 $0xE00, s0;
	s19 =	sshrl.u32 s2, $0x1;
	s6 =	smul.u32 $0xC80, s3  }
0xb: {  	s4 =	sadd.s32 $0xF43200, s0;
	s8 =	smul.u32 $0x19, s3;
	s0 =	ssub.s32 s2, s19  }
0xc: {  	_ =	strace $0x8000004A;
	s7 =	smul.u32 $0x6400, s3;
	s0 =	smax.u32 s0, $0x1  }
0xd: {  	s2 =	simm.s32 $0x2;
	s1 =	sadd.s32 s1, s8;
	[dreg:$0xc] =	wrdreg s0  }
0xe: {  	s19 =	simm.s32 $0x5;
	s6 =	sadd.s32 s5, s6;
	[dreg:$0x4] =	wrdreg s1  }
0xf: {  	s20 =	sshrl.u32 s7, $0x3;
	s21 =	sadd.s32 $0xC80, s6;
	[dreg:$0x3] =	wrdreg s6  }
0x10: {  	s7 =	simm.s32 $0x40;
	s23 =	sadd.s32 $0x1900, s6;
	[dreg:$0x5] =	wrdreg s21  }
0x11: {  	s22 =	sadd.s32 s5, s20;
	s24 =	sadd.s32 $0x2580, s6;
	[dreg:$0x6] =	wrdreg s23  }
0x12: {  	s8 =	simm.s32 $0x80;
	[dreg:$0x7] =	wrdreg s24;
	s25 =	sadd.s32 $0x60E00, s22  }
0x13: {  	s6 =	simm.s32 $0x4;
	s26 =	sadd.s32 $0x61A80, s22;
	[dreg:$0x8] =	wrdreg s25  }
0x14: {  	s30 =	sadd.s32 $0x62700, s22;
	s1 =	sadd.s32 $0x63380, s22;
	[dreg:$0x9] =	wrdreg s26  }
0x15: {  	s22 =	simm.s32 $0xE600;
	s21 =	simm.s32 $0x8;
	[dreg:$0xa] =	wrdreg s30  }
0x16: {  	s23 =	simm.s32 $0x9;
	[dreg:$0xb] =	wrdreg s1;
	s1 =	simm.s32 $0x0  }
.LBB2_1:
0x17: {  	[dreg:$0xd] =	wrdreg s1  }
0x18: {  	s0 =	simm.s32 $0x0;
	s25 =	rddreg [dreg:$0x4];
	s26 =	simm.s32 $0x1  }
0x19: {  	[tilespmem:s0], [sflag:$0x1] =	stream.linear.gather [hbm4b:s25+s0], $0x6400, $0x38;
	[tilespmem:$0x12C00] =	vst v63  }
0x1a: {  	_ =	swait.ge [sflag:s26], $0x6400  }
0x1b: {  	[sflag:s26] =	ssyncset.done $0x0  }
0x1c: {  	[sflag:s26] =	ssyncadd.s32 $0xFFFF9C00  }
0x1d: {  	[tilespmem:s18], [sflag:$0x2] =	stream.indirect.gather [hbm4b:s4+s17], $0x40, s0, s17, $0xb8;
	[tilespmem:$0x12C00] =	vst v63  }
0x1e: {  	s30 =	simm.s32 $0x6E00  }
0x1f: {  	[tilespmem:s30], [sflag:$0x2] =	stream.indirect.gather [hbm4b:s4+s17], $0x40, s17, s17, $0xb8;
	[tilespmem:$0x12C00] =	vst v63  }
0x20: {  	s1 =	simm.s32 $0x50;
	s20 =	simm.s32 $0x7800  }
0x21: {  	[tilespmem:s20], [sflag:$0x2] =	stream.indirect.gather [hbm4b:s4+s17], $0x40, s1, s17, $0xb8;
	[tilespmem:$0x12C00] =	vst v63  }
0x22: {  	s24 =	simm.s32 $0x78;
	s25 =	simm.s32 $0x8200  }
0x23: {  	[tilespmem:s25], [sflag:$0x2] =	stream.indirect.gather [hbm4b:s4+s17], $0x40, s24, s17, $0xb8;
	[tilespmem:$0x12C00] =	vst v63  }
0x24: {  	s26 =	simm.s32 $0xA0;
	s30 =	simm.s32 $0x8C00  }
0x25: {  	[tilespmem:s30], [sflag:$0x2] =	stream.indirect.gather [hbm4b:s4+s17], $0x40, s26, s17, $0xb8;
	[tilespmem:$0x12C00] =	vst v63  }
0x26: {  	s20 =	simm.s32 $0xC8  }
0x27: {  	[tilespmem:s28], [sflag:$0x3] =	stream.indirect.gather [hbm4b:s4+s17], $0x40, s20, s17, $0xb8;
	[tilespmem:$0x12C00] =	vst v63  }
0x28: {  	s24 =	simm.s32 $0xF0;
	s25 =	simm.s32 $0xA000  }
0x29: {  	[tilespmem:s25], [sflag:$0x3] =	stream.indirect.gather [hbm4b:s4+s17], $0x40, s24, s17, $0xb8;
	[tilespmem:$0x12C00] =	vst v63  }
0x2a: {  	s26 =	simm.s32 $0x118;
	s30 =	simm.s32 $0xAA00  }
0x2b: {  	[tilespmem:s30], [sflag:$0x3] =	stream.indirect.gather [hbm4b:s4+s17], $0x40, s26, s17, $0xb8;
	[tilespmem:$0x12C00] =	vst v63  }
0x2c: {  	s20 =	simm.s32 $0x140;
	s24 =	simm.s32 $0xB400  }
0x2d: {  	[tilespmem:s24], [sflag:$0x3] =	stream.indirect.gather [hbm4b:s4+s17], $0x40, s20, s17, $0xb8;
	[tilespmem:$0x12C00] =	vst v63  }
0x2e: {  	s25 =	simm.s32 $0x168;
	s26 =	simm.s32 $0xBE00  }
0x2f: {  	[tilespmem:s26], [sflag:$0x3] =	stream.indirect.gather [hbm4b:s4+s17], $0x40, s25, s17, $0xb8;
	[tilespmem:$0x12C00] =	vst v63  }
0x30: {  	s30 =	simm.s32 $0x190  }
0x31: {  	[tilespmem:s29], [sflag:$0x4] =	stream.indirect.gather [hbm4b:s4+s17], $0x40, s30, s17, $0xb8;
	[tilespmem:$0x12C00] =	vst v63  }
0x32: {  	s1 =	simm.s32 $0x1B8;
	s20 =	simm.s32 $0xD200  }
0x33: {  	[tilespmem:s20], [sflag:$0x4] =	stream.indirect.gather [hbm4b:s4+s17], $0x40, s1, s17, $0xb8;
	[tilespmem:$0x12C00] =	vst v63  }
0x34: {  	s24 =	simm.s32 $0x1E0;
	s25 =	simm.s32 $0xDC00  }
0x35: {  	[tilespmem:s25], [sflag:$0x4] =	stream.indirect.gather [hbm4b:s4+s17], $0x40, s24, s17, $0xb8;
	[tilespmem:$0x12C00] =	vst v63  }
0x36: {  	s26 =	simm.s32 $0x208  }
0x37: {  	[tilespmem:s22], [sflag:$0x4] =	stream.indirect.gather [hbm4b:s4+s17], $0x40, s26, s17, $0xb8;
	[tilespmem:$0x12C00] =	vst v63  }
0x38: {  	s30 =	simm.s32 $0x230  }
0x39: {  	[tilespmem:s31], [sflag:$0x4] =	stream.indirect.gather [hbm4b:s4+s17], $0x40, s30, s17, $0xb8;
	[tilespmem:$0x12C00] =	vst v63  }
0x3a: {  	_ =	swait.ge [sflag:s2], $0xA00  }
0x3b: {  	[sflag:s2] =	ssyncset.done $0x0  }
0x3c: {  	[sflag:s2] =	ssyncadd.s32 $0xFFFFF600  }
0x3d: {  	_ =	swait.ge [sflag:s2], $0xA00  }
0x3e: {  	[sflag:s2] =	ssyncset.done $0x0  }
0x3f: {  	[sflag:s2] =	ssyncadd.s32 $0xFFFFF600  }
0x40: {  	_ =	swait.ge [sflag:s2], $0xA00  }
0x41: {  	[sflag:s2] =	ssyncset.done $0x0  }
0x42: {  	[sflag:s2] =	ssyncadd.s32 $0xFFFFF600  }
0x43: {  	_ =	swait.ge [sflag:s2], $0xA00  }
0x44: {  	[sflag:s2] =	ssyncset.done $0x0  }
0x45: {  	[sflag:s2] =	ssyncadd.s32 $0xFFFFF600  }
0x46: {  	_ =	swait.ge [sflag:s2], $0xA00  }
0x47: {  	[sflag:s2] =	ssyncset.done $0x0  }
0x48: {  	s0 =	simm.s32 $0x6500;
	[sflag:s2] =	ssyncadd.s32 $0xFFFFF600  }
0x49: {  	v0 =	vld [tilespmem:s0+$0xF0]  }
0x4a: {  	v1 =	vld [tilespmem:s0+$0xFFFFFF10]  }
0x4b: {  	v2 =	vld [tilespmem:s0+$0xFFFFFF20]  }
0x4c: {  	v3 =	vld [tilespmem:s0+$0xFFFFFF30]  }
0x4d: {  	v4 =	vld [tilespmem:s0+$0xFFFFFF40]  }
0x4e: {  	v5 =	vld [tilespmem:s0+$0xFFFFFF50];
	v0 =	vmul.f32 $8.000000000e+00, v0  }
0x4f: {  	v6 =	vld [tilespmem:s0+$0xFFFFFF60];
	v1 =	vmul.f32 $8.000000000e+00, v1  }
0x50: {  	v7 =	vld [tilespmem:s0+$0xFFFFFF70];
	v2 =	vmul.f32 $8.000000000e+00, v2;
	[tilespmem:s0+$0xF0] =	vst v0  }
0x51: {  	[tilespmem:s0+$0xFFFFFF10] =	vst v1;
	v0 =	vmul.f32 $8.000000000e+00, v3;
	v1 =	vld [tilespmem:s0+$0xFFFFFF80]  }
0x52: {  	[tilespmem:s0+$0xFFFFFF20] =	vst v2;
	v2 =	vmul.f32 $8.000000000e+00, v4;
	v3 =	vld [tilespmem:s0+$0xFFFFFF90]  }
0x53: {  	v4 =	vld [tilespmem:s0+$0xFFFFFFA0];
	[tilespmem:s0+$0xFFFFFF30] =	vst v0;
	v0 =	vmul.f32 $8.000000000e+00, v5  }
0x54: {  	[tilespmem:s0+$0xFFFFFF40] =	vst v2;
	v2 =	vmul.f32 $8.000000000e+00, v6;
	v5 =	vld [tilespmem:s0+$0xFFFFFFB0]  }
0x55: {  	v6 =	vld [tilespmem:s0+$0xFFFFFFC0];
	[tilespmem:s0+$0xFFFFFF50] =	vst v0;
	v0 =	vmul.f32 $8.000000000e+00, v7  }
0x56: {  	[tilespmem:s0+$0xFFFFFF60] =	vst v2;
	v2 =	vld [tilespmem:s0+$0xFFFFFFD0];
	v1 =	vmul.f32 $8.000000000e+00, v1  }
0x57: {  	[tilespmem:s0+$0xFFFFFF70] =	vst v0;
	v0 =	vmul.f32 $8.000000000e+00, v3;
	v3 =	vld [tilespmem:s0+$0xFFFFFFE0]  }
0x58: {  	[tilespmem:s0+$0xFFFFFF80] =	vst v1;
	v1 =	vmul.f32 $8.000000000e+00, v4;
	v4 =	vld [tilespmem:s0+$0xFFFFFFF0]  }
0x59: {  	[tilespmem:s0+$0xFFFFFF90] =	vst v0;
	v0 =	vmul.f32 $8.000000000e+00, v5;
	v5 =	vld [tilespmem:s0+$0x0]  }
0x5a: {  	[tilespmem:s0+$0xFFFFFFA0] =	vst v1;
	v1 =	vmul.f32 $8.000000000e+00, v6;
	v6 =	vld [tilespmem:s0+$0x10]  }
0x5b: {  	[tilespmem:s0+$0xFFFFFFB0] =	vst v0;
	v0 =	vmul.f32 $8.000000000e+00, v2;
	v2 =	vld [tilespmem:s0+$0x20]  }
0x5c: {  	[tilespmem:s0+$0xFFFFFFC0] =	vst v1;
	v1 =	vmul.f32 $8.000000000e+00, v3;
	v3 =	vld [tilespmem:s0+$0x30]  }
0x5d: {  	[tilespmem:s0+$0xFFFFFFD0] =	vst v0;
	v0 =	vmul.f32 $8.000000000e+00, v4;
	v4 =	vld [tilespmem:s0+$0x40]  }
0x5e: {  	[tilespmem:s0+$0xFFFFFFE0] =	vst v1;
	v1 =	vmul.f32 $8.000000000e+00, v5;
	v5 =	vld [tilespmem:s0+$0x50]  }
0x5f: {  	[tilespmem:s0+$0xFFFFFFF0] =	vst v0;
	v0 =	vmul.f32 $8.000000000e+00, v6;
	v6 =	vld [tilespmem:s0+$0x60]  }
0x60: {  	[tilespmem:s0+$0x0] =	vst v1;
	v1 =	vmul.f32 $8.000000000e+00, v2;
	v2 =	vld [tilespmem:s0+$0x70]  }
0x61: {  	[tilespmem:s0+$0x10] =	vst v0;
	v0 =	vmul.f32 $8.000000000e+00, v3;
	v3 =	vld [tilespmem:s0+$0x80]  }
0x62: {  	[tilespmem:s0+$0x20] =	vst v1;
	v1 =	vmul.f32 $8.000000000e+00, v4;
	v4 =	vld [tilespmem:s0+$0x90]  }
0x63: {  	v7 =	vld [tilespmem:s0+$0xA0];
	[tilespmem:s0+$0x30] =	vst v0;
	v5 =	vmul.f32 $8.000000000e+00, v5  }
0x64: {  	v0 =	vld [tilespmem:s0+$0xB0];
	[tilespmem:s0+$0x40] =	vst v1;
	v6 =	vmul.f32 $8.000000000e+00, v6  }
0x65: {  	v1 =	vld [tilespmem:s0+$0xC0];
	[tilespmem:s0+$0x50] =	vst v5;
	v5 =	vmul.f32 $8.000000000e+00, v2  }
0x66: {  	v2 =	vld [tilespmem:s0+$0xD0];
	[tilespmem:s0+$0x60] =	vst v6;
	v6 =	vmul.f32 $8.000000000e+00, v3  }
0x67: {  	v3 =	vld [tilespmem:s0+$0xE0];
	[tilespmem:s0+$0x70] =	vst v5;
	v5 =	vmul.f32 $8.000000000e+00, v4  }
0x68: {  	s20 =	simm.s32 $0x0;
	s1 =	simm.s32 $0x6700;
	v4 =	vld [tilespmem:s0+$0xFFFFFF00];
	[tilespmem:s0+$0x80] =	vst v6;
	v6 =	vmul.f32 $8.000000000e+00, v7  }
.LBB2_2:
0x69: {  	v7 =	vld [tilespmem:s1+$0xF0];
	s20 =	sadd.s32 $0x8, s20;
	[tilespmem:s0+$0x90] =	vst v5;
	v0 =	vmul.f32 $8.000000000e+00, v0  }
0x6a: {  	v5 =	vld [tilespmem:s1+$0xFFFFFF10];
	p0 =	slt.u32 s20, $0xC0;
	[tilespmem:s0+$0xA0] =	vst v6;
	v1 =	vmul.f32 $8.000000000e+00, v1  }
0x6b: {  	v6 =	vld [tilespmem:s1+$0xFFFFFF20];
	[tilespmem:s0+$0xB0] =	vst v0;
	v0 =	vmul.f32 $8.000000000e+00, v2  }
0x6c: {  	v2 =	vld [tilespmem:s1+$0xFFFFFF30];
	[tilespmem:s0+$0xC0] =	vst v1;
	v1 =	vmul.f32 $8.000000000e+00, v3  }
0x6d: {  	v3 =	vld [tilespmem:s1+$0xFFFFFF40];
	v4 =	vmul.f32 $8.000000000e+00, v4;
	[tilespmem:s0+$0xD0] =	vst v0  }
0x6e: {  	v0 =	vld [tilespmem:s1+$0xFFFFFF50];
	v7 =	vmul.f32 $8.000000000e+00, v7;
	[tilespmem:s0+$0xE0] =	vst v1  }
0x6f: {  	v1 =	vmul.f32 $8.000000000e+00, v5;
	v5 =	vld [tilespmem:s1+$0xFFFFFF60];
	[tilespmem:s0+$0xFFFFFF00] =	vst v4;
	s0 =	smov.u32 s1  }
0x70: {  	v4 =	vmul.f32 $8.000000000e+00, v6;
	v6 =	vld [tilespmem:s1+$0xFFFFFF70];
	[tilespmem:s1+$0xF0] =	vst v7  }
0x71: {  	[tilespmem:s1+$0xFFFFFF10] =	vst v1;
	v1 =	vmul.f32 $8.000000000e+00, v2;
	v2 =	vld [tilespmem:s1+$0xFFFFFF80]  }
0x72: {  	[tilespmem:s1+$0xFFFFFF20] =	vst v4;
	v3 =	vmul.f32 $8.000000000e+00, v3;
	v4 =	vld [tilespmem:s1+$0xFFFFFF90]  }
0x73: {  	[tilespmem:s1+$0xFFFFFF30] =	vst v1;
	v0 =	vmul.f32 $8.000000000e+00, v0;
	v1 =	vld [tilespmem:s1+$0xFFFFFFA0]  }
0x74: {  	[tilespmem:s1+$0xFFFFFF40] =	vst v3;
	v3 =	vmul.f32 $8.000000000e+00, v5;
	v5 =	vld [tilespmem:s1+$0xFFFFFFB0]  }
0x75: {  	[tilespmem:s1+$0xFFFFFF50] =	vst v0;
	v0 =	vmul.f32 $8.000000000e+00, v6;
	v6 =	vld [tilespmem:s1+$0xFFFFFFC0]  }
0x76: {  	[tilespmem:s1+$0xFFFFFF60] =	vst v3;
	v2 =	vmul.f32 $8.000000000e+00, v2;
	v3 =	vld [tilespmem:s1+$0xFFFFFFD0]  }
0x77: {  	[tilespmem:s1+$0xFFFFFF70] =	vst v0;
	v0 =	vmul.f32 $8.000000000e+00, v4;
	v4 =	vld [tilespmem:s1+$0xFFFFFFE0]  }
0x78: {  	[tilespmem:s1+$0xFFFFFF80] =	vst v2;
	v1 =	vmul.f32 $8.000000000e+00, v1;
	v2 =	vld [tilespmem:s1+$0xFFFFFFF0]  }
0x79: {  	[tilespmem:s1+$0xFFFFFF90] =	vst v0;
	v0 =	vmul.f32 $8.000000000e+00, v5;
	v5 =	vld [tilespmem:s1+$0x0]  }
0x7a: {  	[tilespmem:s1+$0xFFFFFFA0] =	vst v1;
	v1 =	vmul.f32 $8.000000000e+00, v6;
	v6 =	vld [tilespmem:s1+$0x10]  }
0x7b: {  	[tilespmem:s1+$0xFFFFFFB0] =	vst v0;
	v0 =	vmul.f32 $8.000000000e+00, v3;
	v3 =	vld [tilespmem:s1+$0x20]  }
0x7c: {  	[tilespmem:s1+$0xFFFFFFC0] =	vst v1;
	v1 =	vmul.f32 $8.000000000e+00, v4;
	v4 =	vld [tilespmem:s1+$0x30]  }
0x7d: {  	[tilespmem:s1+$0xFFFFFFD0] =	vst v0;
	v0 =	vmul.f32 $8.000000000e+00, v2;
	v2 =	vld [tilespmem:s1+$0x40]  }
0x7e: {  	[tilespmem:s1+$0xFFFFFFE0] =	vst v1;
	v1 =	vmul.f32 $8.000000000e+00, v5;
	v5 =	vld [tilespmem:s1+$0x50]  }
0x7f: {  	[tilespmem:s1+$0xFFFFFFF0] =	vst v0;
	v0 =	vmul.f32 $8.000000000e+00, v6;
	v6 =	vld [tilespmem:s1+$0x60]  }
0x80: {  	[tilespmem:s1+$0x0] =	vst v1;
	v1 =	vmul.f32 $8.000000000e+00, v3;
	v3 =	vld [tilespmem:s1+$0x70]  }
0x81: {  	[tilespmem:s1+$0x10] =	vst v0;
	v0 =	vmul.f32 $8.000000000e+00, v4;
	v4 =	vld [tilespmem:s1+$0x80]  }
0x82: {  	[tilespmem:s1+$0x20] =	vst v1;
	v1 =	vmul.f32 $8.000000000e+00, v2;
	v7 =	vld [tilespmem:s1+$0x90]  }
0x83: {  	[tilespmem:s1+$0x30] =	vst v0;
	v2 =	vmul.f32 $8.000000000e+00, v5;
	v8 =	vld [tilespmem:s1+$0xA0]  }
.Ltmp0:
0x84: {  	[tilespmem:s1+$0x40] =	vst v1;
	v5 =	vmul.f32 $8.000000000e+00, v6;
	v0 =	vld [tilespmem:s1+$0xB0];
	(pc) =	sbr.rel @p0 .LBB2_2-.Ltmp0, $4  }
0x85: {  	[tilespmem:s1+$0x50] =	vst v2;
	v3 =	vmul.f32 $8.000000000e+00, v3;
	v1 =	vld [tilespmem:s1+$0xC0]  }
0x86: {  	[tilespmem:s1+$0x60] =	vst v5;
	v6 =	vmul.f32 $8.000000000e+00, v4;
	v2 =	vld [tilespmem:s1+$0xD0]  }
0x87: {  	[tilespmem:s1+$0x70] =	vst v3;
	v5 =	vmul.f32 $8.000000000e+00, v7;
	v3 =	vld [tilespmem:s1+$0xE0]  }
0x88: {  	s1 =	sadd.s32 $0x200, s1;
	v4 =	vld [tilespmem:s0+$0xFFFFFF00];
	[tilespmem:s0+$0x80] =	vst v6;
	v6 =	vmul.f32 $8.000000000e+00, v8  }
0x89: {  	[tilespmem:s0+$0x90] =	vst v5;
	v0 =	vmul.f32 $8.000000000e+00, v0  }
0x8a: {  	[tilespmem:s0+$0xA0] =	vst v6;
	v1 =	vmul.f32 $8.000000000e+00, v1  }
0x8b: {  	[tilespmem:s0+$0xB0] =	vst v0;
	v0 =	vmul.f32 $8.000000000e+00, v2  }
0x8c: {  	[tilespmem:s0+$0xC0] =	vst v1;
	v1 =	vmul.f32 $8.000000000e+00, v3  }
0x8d: {  	v2 =	vmul.f32 $8.000000000e+00, v4;
	[tilespmem:s0+$0xD0] =	vst v0  }
0x8e: {  	[tilespmem:s0+$0xE0] =	vst v1  }
0x8f: {  	[tilespmem:s0+$0xFFFFFF00] =	vst v2  }
0x90: {  	s0 =	rddreg [dreg:$0x3]  }
0x91: {  	[hbm4b:s0+s7] =	stream.strided.scatter [tilespmem:s18], [sflag:$0x6], $0x3200, s8, s7, $0x38;
	[tilespmem:$0x12C00] =	vst v63  }
0x92: {  	s20 =	simm.s32 $0x258  }
0x93: {  	[tilespmem:s9], [sflag:$0x5] =	stream.indirect.gather [hbm4b:s4+s17], $0x40, s20, s17, $0xb8;
	[tilespmem:$0x12C00] =	vst v63  }
0x94: {  	s24 =	simm.s32 $0x280  }
0x95: {  	[tilespmem:s10], [sflag:$0x5] =	stream.indirect.gather [hbm4b:s4+s17], $0x40, s24, s17, $0xb8;
	[tilespmem:$0x12C00] =	vst v63  }
0x96: {  	s25 =	simm.s32 $0x2A8  }
0x97: {  	[tilespmem:s11], [sflag:$0x5] =	stream.indirect.gather [hbm4b:s4+s17], $0x40, s25, s17, $0xb8;
	[tilespmem:$0x12C00] =	vst v63  }
0x98: {  	s26 =	simm.s32 $0x2D0  }
0x99: {  	[tilespmem:s12], [sflag:$0x5] =	stream.indirect.gather [hbm4b:s4+s17], $0x40, s26, s17, $0xb8;
	[tilespmem:$0x12C00] =	vst v63  }
0x9a: {  	s30 =	simm.s32 $0x2F8  }
0x9b: {  	[tilespmem:s13], [sflag:$0x5] =	stream.indirect.gather [hbm4b:s4+s17], $0x40, s30, s17, $0xb8;
	[tilespmem:$0x12C00] =	vst v63  }
0x9c: {  	_ =	swait.ge [sflag:s14], $0xA00  }
0x9d: {  	[sflag:s14] =	ssyncset.done $0x0  }
0x9e: {  	[sflag:s14] =	ssyncadd.s32 $0xFFFFF600  }
0x9f: {  	_ =	swait.ge [sflag:s14], $0xA00  }
0xa0: {  	[sflag:s14] =	ssyncset.done $0x0  }
0xa1: {  	[sflag:s14] =	ssyncadd.s32 $0xFFFFF600  }
0xa2: {  	_ =	swait.ge [sflag:s14], $0xA00  }
0xa3: {  	[sflag:s14] =	ssyncset.done $0x0  }
0xa4: {  	[sflag:s14] =	ssyncadd.s32 $0xFFFFF600  }
0xa5: {  	_ =	swait.ge [sflag:s14], $0xA00  }
0xa6: {  	[sflag:s14] =	ssyncset.done $0x0  }
0xa7: {  	[sflag:s14] =	ssyncadd.s32 $0xFFFFF600  }
0xa8: {  	_ =	swait.ge [sflag:s14], $0xA00  }
0xa9: {  	[sflag:s14] =	ssyncset.done $0x0  }
0xaa: {  	s0 =	simm.s32 $0x9700;
	[sflag:s14] =	ssyncadd.s32 $0xFFFFF600  }
0xab: {  	v0 =	vld [tilespmem:s0+$0xF0]  }
0xac: {  	v1 =	vld [tilespmem:s0+$0xFFFFFF10]  }
0xad: {  	v2 =	vld [tilespmem:s0+$0xFFFFFF20]  }
0xae: {  	v3 =	vld [tilespmem:s0+$0xFFFFFF30]  }
0xaf: {  	v4 =	vld [tilespmem:s0+$0xFFFFFF40]  }
0xb0: {  	v5 =	vld [tilespmem:s0+$0xFFFFFF50];
	v0 =	vmul.f32 $8.000000000e+00, v0  }
0xb1: {  	v6 =	vld [tilespmem:s0+$0xFFFFFF60];
	v1 =	vmul.f32 $8.000000000e+00, v1  }
0xb2: {  	v7 =	vld [tilespmem:s0+$0xFFFFFF70];
	v2 =	vmul.f32 $8.000000000e+00, v2;
	[tilespmem:s0+$0xF0] =	vst v0  }
0xb3: {  	[tilespmem:s0+$0xFFFFFF10] =	vst v1;
	v0 =	vmul.f32 $8.000000000e+00, v3;
	v1 =	vld [tilespmem:s0+$0xFFFFFF80]  }
0xb4: {  	[tilespmem:s0+$0xFFFFFF20] =	vst v2;
	v2 =	vmul.f32 $8.000000000e+00, v4;
	v3 =	vld [tilespmem:s0+$0xFFFFFF90]  }
0xb5: {  	v4 =	vld [tilespmem:s0+$0xFFFFFFA0];
	[tilespmem:s0+$0xFFFFFF30] =	vst v0;
	v0 =	vmul.f32 $8.000000000e+00, v5  }
0xb6: {  	[tilespmem:s0+$0xFFFFFF40] =	vst v2;
	v2 =	vmul.f32 $8.000000000e+00, v6;
	v5 =	vld [tilespmem:s0+$0xFFFFFFB0]  }
0xb7: {  	v6 =	vld [tilespmem:s0+$0xFFFFFFC0];
	[tilespmem:s0+$0xFFFFFF50] =	vst v0;
	v0 =	vmul.f32 $8.000000000e+00, v7  }
0xb8: {  	[tilespmem:s0+$0xFFFFFF60] =	vst v2;
	v2 =	vld [tilespmem:s0+$0xFFFFFFD0];
	v1 =	vmul.f32 $8.000000000e+00, v1  }
0xb9: {  	[tilespmem:s0+$0xFFFFFF70] =	vst v0;
	v0 =	vmul.f32 $8.000000000e+00, v3;
	v3 =	vld [tilespmem:s0+$0xFFFFFFE0]  }
0xba: {  	[tilespmem:s0+$0xFFFFFF80] =	vst v1;
	v1 =	vmul.f32 $8.000000000e+00, v4;
	v4 =	vld [tilespmem:s0+$0xFFFFFFF0]  }
0xbb: {  	[tilespmem:s0+$0xFFFFFF90] =	vst v0;
	v0 =	vmul.f32 $8.000000000e+00, v5;
	v5 =	vld [tilespmem:s0+$0x0]  }
0xbc: {  	[tilespmem:s0+$0xFFFFFFA0] =	vst v1;
	v1 =	vmul.f32 $8.000000000e+00, v6;
	v6 =	vld [tilespmem:s0+$0x10]  }
0xbd: {  	[tilespmem:s0+$0xFFFFFFB0] =	vst v0;
	v0 =	vmul.f32 $8.000000000e+00, v2;
	v2 =	vld [tilespmem:s0+$0x20]  }
0xbe: {  	[tilespmem:s0+$0xFFFFFFC0] =	vst v1;
	v1 =	vmul.f32 $8.000000000e+00, v3;
	v3 =	vld [tilespmem:s0+$0x30]  }
0xbf: {  	[tilespmem:s0+$0xFFFFFFD0] =	vst v0;
	v0 =	vmul.f32 $8.000000000e+00, v4;
	v4 =	vld [tilespmem:s0+$0x40]  }
0xc0: {  	[tilespmem:s0+$0xFFFFFFE0] =	vst v1;
	v1 =	vmul.f32 $8.000000000e+00, v5;
	v5 =	vld [tilespmem:s0+$0x50]  }
0xc1: {  	[tilespmem:s0+$0xFFFFFFF0] =	vst v0;
	v0 =	vmul.f32 $8.000000000e+00, v6;
	v6 =	vld [tilespmem:s0+$0x60]  }
0xc2: {  	[tilespmem:s0+$0x0] =	vst v1;
	v1 =	vmul.f32 $8.000000000e+00, v2;
	v2 =	vld [tilespmem:s0+$0x70]  }
0xc3: {  	[tilespmem:s0+$0x10] =	vst v0;
	v0 =	vmul.f32 $8.000000000e+00, v3;
	v3 =	vld [tilespmem:s0+$0x80]  }
0xc4: {  	[tilespmem:s0+$0x20] =	vst v1;
	v1 =	vmul.f32 $8.000000000e+00, v4;
	v4 =	vld [tilespmem:s0+$0x90]  }
0xc5: {  	v7 =	vld [tilespmem:s0+$0xA0];
	[tilespmem:s0+$0x30] =	vst v0;
	v5 =	vmul.f32 $8.000000000e+00, v5  }
0xc6: {  	v0 =	vld [tilespmem:s0+$0xB0];
	[tilespmem:s0+$0x40] =	vst v1;
	v6 =	vmul.f32 $8.000000000e+00, v6  }
0xc7: {  	v1 =	vld [tilespmem:s0+$0xC0];
	[tilespmem:s0+$0x50] =	vst v5;
	v5 =	vmul.f32 $8.000000000e+00, v2  }
0xc8: {  	v2 =	vld [tilespmem:s0+$0xD0];
	[tilespmem:s0+$0x60] =	vst v6;
	v6 =	vmul.f32 $8.000000000e+00, v3  }
0xc9: {  	v3 =	vld [tilespmem:s0+$0xE0];
	[tilespmem:s0+$0x70] =	vst v5;
	v5 =	vmul.f32 $8.000000000e+00, v4  }
0xca: {  	s1 =	simm.s32 $0x9900;
	s20 =	simm.s32 $0x0;
	v4 =	vld [tilespmem:s0+$0xFFFFFF00];
	[tilespmem:s0+$0x80] =	vst v6;
	v6 =	vmul.f32 $8.000000000e+00, v7  }
.LBB2_4:
0xcb: {  	v7 =	vld [tilespmem:s1+$0xF0];
	s20 =	sadd.s32 $0x8, s20;
	[tilespmem:s0+$0x90] =	vst v5;
	v0 =	vmul.f32 $8.000000000e+00, v0  }
0xcc: {  	v5 =	vld [tilespmem:s1+$0xFFFFFF10];
	p0 =	slt.u32 s20, $0xC0;
	[tilespmem:s0+$0xA0] =	vst v6;
	v1 =	vmul.f32 $8.000000000e+00, v1  }
0xcd: {  	v6 =	vld [tilespmem:s1+$0xFFFFFF20];
	[tilespmem:s0+$0xB0] =	vst v0;
	v0 =	vmul.f32 $8.000000000e+00, v2  }
0xce: {  	v2 =	vld [tilespmem:s1+$0xFFFFFF30];
	[tilespmem:s0+$0xC0] =	vst v1;
	v1 =	vmul.f32 $8.000000000e+00, v3  }
0xcf: {  	v3 =	vld [tilespmem:s1+$0xFFFFFF40];
	v4 =	vmul.f32 $8.000000000e+00, v4;
	[tilespmem:s0+$0xD0] =	vst v0  }
0xd0: {  	v0 =	vld [tilespmem:s1+$0xFFFFFF50];
	v7 =	vmul.f32 $8.000000000e+00, v7;
	[tilespmem:s0+$0xE0] =	vst v1  }
0xd1: {  	v1 =	vmul.f32 $8.000000000e+00, v5;
	v5 =	vld [tilespmem:s1+$0xFFFFFF60];
	[tilespmem:s0+$0xFFFFFF00] =	vst v4;
	s0 =	smov.u32 s1  }
0xd2: {  	v4 =	vmul.f32 $8.000000000e+00, v6;
	v6 =	vld [tilespmem:s1+$0xFFFFFF70];
	[tilespmem:s1+$0xF0] =	vst v7  }
0xd3: {  	[tilespmem:s1+$0xFFFFFF10] =	vst v1;
	v1 =	vmul.f32 $8.000000000e+00, v2;
	v2 =	vld [tilespmem:s1+$0xFFFFFF80]  }
0xd4: {  	[tilespmem:s1+$0xFFFFFF20] =	vst v4;
	v3 =	vmul.f32 $8.000000000e+00, v3;
	v4 =	vld [tilespmem:s1+$0xFFFFFF90]  }
0xd5: {  	[tilespmem:s1+$0xFFFFFF30] =	vst v1;
	v0 =	vmul.f32 $8.000000000e+00, v0;
	v1 =	vld [tilespmem:s1+$0xFFFFFFA0]  }
0xd6: {  	[tilespmem:s1+$0xFFFFFF40] =	vst v3;
	v3 =	vmul.f32 $8.000000000e+00, v5;
	v5 =	vld [tilespmem:s1+$0xFFFFFFB0]  }
0xd7: {  	[tilespmem:s1+$0xFFFFFF50] =	vst v0;
	v0 =	vmul.f32 $8.000000000e+00, v6;
	v6 =	vld [tilespmem:s1+$0xFFFFFFC0]  }
0xd8: {  	[tilespmem:s1+$0xFFFFFF60] =	vst v3;
	v2 =	vmul.f32 $8.000000000e+00, v2;
	v3 =	vld [tilespmem:s1+$0xFFFFFFD0]  }
0xd9: {  	[tilespmem:s1+$0xFFFFFF70] =	vst v0;
	v0 =	vmul.f32 $8.000000000e+00, v4;
	v4 =	vld [tilespmem:s1+$0xFFFFFFE0]  }
0xda: {  	[tilespmem:s1+$0xFFFFFF80] =	vst v2;
	v1 =	vmul.f32 $8.000000000e+00, v1;
	v2 =	vld [tilespmem:s1+$0xFFFFFFF0]  }
0xdb: {  	[tilespmem:s1+$0xFFFFFF90] =	vst v0;
	v0 =	vmul.f32 $8.000000000e+00, v5;
	v5 =	vld [tilespmem:s1+$0x0]  }
0xdc: {  	[tilespmem:s1+$0xFFFFFFA0] =	vst v1;
	v1 =	vmul.f32 $8.000000000e+00, v6;
	v6 =	vld [tilespmem:s1+$0x10]  }
0xdd: {  	[tilespmem:s1+$0xFFFFFFB0] =	vst v0;
	v0 =	vmul.f32 $8.000000000e+00, v3;
	v3 =	vld [tilespmem:s1+$0x20]  }
0xde: {  	[tilespmem:s1+$0xFFFFFFC0] =	vst v1;
	v1 =	vmul.f32 $8.000000000e+00, v4;
	v4 =	vld [tilespmem:s1+$0x30]  }
0xdf: {  	[tilespmem:s1+$0xFFFFFFD0] =	vst v0;
	v0 =	vmul.f32 $8.000000000e+00, v2;
	v2 =	vld [tilespmem:s1+$0x40]  }
0xe0: {  	[tilespmem:s1+$0xFFFFFFE0] =	vst v1;
	v1 =	vmul.f32 $8.000000000e+00, v5;
	v5 =	vld [tilespmem:s1+$0x50]  }
0xe1: {  	[tilespmem:s1+$0xFFFFFFF0] =	vst v0;
	v0 =	vmul.f32 $8.000000000e+00, v6;
	v6 =	vld [tilespmem:s1+$0x60]  }
0xe2: {  	[tilespmem:s1+$0x0] =	vst v1;
	v1 =	vmul.f32 $8.000000000e+00, v3;
	v3 =	vld [tilespmem:s1+$0x70]  }
0xe3: {  	[tilespmem:s1+$0x10] =	vst v0;
	v0 =	vmul.f32 $8.000000000e+00, v4;
	v4 =	vld [tilespmem:s1+$0x80]  }
0xe4: {  	[tilespmem:s1+$0x20] =	vst v1;
	v1 =	vmul.f32 $8.000000000e+00, v2;
	v7 =	vld [tilespmem:s1+$0x90]  }
0xe5: {  	[tilespmem:s1+$0x30] =	vst v0;
	v2 =	vmul.f32 $8.000000000e+00, v5;
	v8 =	vld [tilespmem:s1+$0xA0]  }
.Ltmp1:
0xe6: {  	[tilespmem:s1+$0x40] =	vst v1;
	v5 =	vmul.f32 $8.000000000e+00, v6;
	v0 =	vld [tilespmem:s1+$0xB0];
	(pc) =	sbr.rel @p0 .LBB2_4-.Ltmp1, $4  }
0xe7: {  	[tilespmem:s1+$0x50] =	vst v2;
	v3 =	vmul.f32 $8.000000000e+00, v3;
	v1 =	vld [tilespmem:s1+$0xC0]  }
0xe8: {  	[tilespmem:s1+$0x60] =	vst v5;
	v6 =	vmul.f32 $8.000000000e+00, v4;
	v2 =	vld [tilespmem:s1+$0xD0]  }
0xe9: {  	[tilespmem:s1+$0x70] =	vst v3;
	v5 =	vmul.f32 $8.000000000e+00, v7;
	v3 =	vld [tilespmem:s1+$0xE0]  }
0xea: {  	s1 =	sadd.s32 $0x200, s1;
	v4 =	vld [tilespmem:s0+$0xFFFFFF00];
	[tilespmem:s0+$0x80] =	vst v6;
	v6 =	vmul.f32 $8.000000000e+00, v8  }
0xeb: {  	[tilespmem:s0+$0x90] =	vst v5;
	v0 =	vmul.f32 $8.000000000e+00, v0  }
0xec: {  	[tilespmem:s0+$0xA0] =	vst v6;
	v1 =	vmul.f32 $8.000000000e+00, v1  }
0xed: {  	[tilespmem:s0+$0xB0] =	vst v0;
	v0 =	vmul.f32 $8.000000000e+00, v2  }
0xee: {  	[tilespmem:s0+$0xC0] =	vst v1;
	v1 =	vmul.f32 $8.000000000e+00, v3  }
0xef: {  	v2 =	vmul.f32 $8.000000000e+00, v4;
	[tilespmem:s0+$0xD0] =	vst v0  }
0xf0: {  	[tilespmem:s0+$0xE0] =	vst v1  }
0xf1: {  	[tilespmem:s0+$0xFFFFFF00] =	vst v2  }
0xf2: {  	s0 =	rddreg [dreg:$0x5]  }
0xf3: {  	[hbm4b:s0+s7] =	stream.strided.scatter [tilespmem:s28], [sflag:$0x7], $0x3200, s8, s7, $0x38;
	[tilespmem:$0x12C00] =	vst v63  }
0xf4: {  	_ =	swait.ge [sflag:s15], $0x3200  }
0xf5: {  	[sflag:s15] =	ssyncset.done $0x0  }
0xf6: {  	s26 =	simm.s32 $0x320;
	[sflag:s15] =	ssyncadd.s32 $0xFFFFCE00  }
0xf7: {  	[tilespmem:s18], [sflag:$0x2] =	stream.indirect.gather [hbm4b:s4+s17], $0x40, s26, s17, $0xb8;
	[tilespmem:$0x12C00] =	vst v63  }
0xf8: {  	s30 =	simm.s32 $0x6E00;
	s1 =	simm.s32 $0x348  }
0xf9: {  	[tilespmem:s30], [sflag:$0x2] =	stream.indirect.gather [hbm4b:s4+s17], $0x40, s1, s17, $0xb8;
	[tilespmem:$0x12C00] =	vst v63  }
0xfa: {  	s20 =	simm.s32 $0x370;
	s1 =	simm.s32 $0x7800  }
0xfb: {  	[tilespmem:s1], [sflag:$0x2] =	stream.indirect.gather [hbm4b:s4+s17], $0x40, s20, s17, $0xb8;
	[tilespmem:$0x12C00] =	vst v63  }
0xfc: {  	s24 =	simm.s32 $0x8200;
	s25 =	simm.s32 $0x398  }
0xfd: {  	[tilespmem:s24], [sflag:$0x2] =	stream.indirect.gather [hbm4b:s4+s17], $0x40, s25, s17, $0xb8;
	[tilespmem:$0x12C00] =	vst v63  }
0xfe: {  	s26 =	simm.s32 $0x8C00;
	s30 =	simm.s32 $0x3C0  }
0xff: {  	[tilespmem:s26], [sflag:$0x2] =	stream.indirect.gather [hbm4b:s4+s17], $0x40, s30, s17, $0xb8;
	[tilespmem:$0x12C00] =	vst v63  }
0x100: {  	_ =	swait.ge [sflag:s6], $0xA00  }
0x101: {  	[sflag:s6] =	ssyncset.done $0x0  }
0x102: {  	[sflag:s6] =	ssyncadd.s32 $0xFFFFF600  }
0x103: {  	_ =	swait.ge [sflag:s6], $0xA00  }
0x104: {  	[sflag:s6] =	ssyncset.done $0x0  }
0x105: {  	[sflag:s6] =	ssyncadd.s32 $0xFFFFF600  }
0x106: {  	_ =	swait.ge [sflag:s6], $0xA00  }
0x107: {  	[sflag:s6] =	ssyncset.done $0x0  }
0x108: {  	[sflag:s6] =	ssyncadd.s32 $0xFFFFF600  }
0x109: {  	_ =	swait.ge [sflag:s6], $0xA00  }
0x10a: {  	[sflag:s6] =	ssyncset.done $0x0  }
0x10b: {  	[sflag:s6] =	ssyncadd.s32 $0xFFFFF600  }
0x10c: {  	_ =	swait.ge [sflag:s6], $0xA00  }
0x10d: {  	[sflag:s6] =	ssyncset.done $0x0  }
0x10e: {  	s0 =	simm.s32 $0xC900;
	[sflag:s6] =	ssyncadd.s32 $0xFFFFF600  }
0x10f: {  	v0 =	vld [tilespmem:s0+$0xF0]  }
0x110: {  	v1 =	vld [tilespmem:s0+$0xFFFFFF10]  }
0x111: {  	v2 =	vld [tilespmem:s0+$0xFFFFFF20]  }
0x112: {  	v3 =	vld [tilespmem:s0+$0xFFFFFF30]  }
0x113: {  	v4 =	vld [tilespmem:s0+$0xFFFFFF40]  }
0x114: {  	v5 =	vld [tilespmem:s0+$0xFFFFFF50];
	v0 =	vmul.f32 $8.000000000e+00, v0  }
0x115: {  	v6 =	vld [tilespmem:s0+$0xFFFFFF60];
	v1 =	vmul.f32 $8.000000000e+00, v1  }
0x116: {  	v7 =	vld [tilespmem:s0+$0xFFFFFF70];
	v2 =	vmul.f32 $8.000000000e+00, v2;
	[tilespmem:s0+$0xF0] =	vst v0  }
0x117: {  	[tilespmem:s0+$0xFFFFFF10] =	vst v1;
	v0 =	vmul.f32 $8.000000000e+00, v3;
	v1 =	vld [tilespmem:s0+$0xFFFFFF80]  }
0x118: {  	[tilespmem:s0+$0xFFFFFF20] =	vst v2;
	v2 =	vmul.f32 $8.000000000e+00, v4;
	v3 =	vld [tilespmem:s0+$0xFFFFFF90]  }
0x119: {  	v4 =	vld [tilespmem:s0+$0xFFFFFFA0];
	[tilespmem:s0+$0xFFFFFF30] =	vst v0;
	v0 =	vmul.f32 $8.000000000e+00, v5  }
0x11a: {  	[tilespmem:s0+$0xFFFFFF40] =	vst v2;
	v2 =	vmul.f32 $8.000000000e+00, v6;
	v5 =	vld [tilespmem:s0+$0xFFFFFFB0]  }
0x11b: {  	v6 =	vld [tilespmem:s0+$0xFFFFFFC0];
	[tilespmem:s0+$0xFFFFFF50] =	vst v0;
	v0 =	vmul.f32 $8.000000000e+00, v7  }
0x11c: {  	[tilespmem:s0+$0xFFFFFF60] =	vst v2;
	v2 =	vld [tilespmem:s0+$0xFFFFFFD0];
	v1 =	vmul.f32 $8.000000000e+00, v1  }
0x11d: {  	[tilespmem:s0+$0xFFFFFF70] =	vst v0;
	v0 =	vmul.f32 $8.000000000e+00, v3;
	v3 =	vld [tilespmem:s0+$0xFFFFFFE0]  }
0x11e: {  	[tilespmem:s0+$0xFFFFFF80] =	vst v1;
	v1 =	vmul.f32 $8.000000000e+00, v4;
	v4 =	vld [tilespmem:s0+$0xFFFFFFF0]  }
0x11f: {  	[tilespmem:s0+$0xFFFFFF90] =	vst v0;
	v0 =	vmul.f32 $8.000000000e+00, v5;
	v5 =	vld [tilespmem:s0+$0x0]  }
0x120: {  	[tilespmem:s0+$0xFFFFFFA0] =	vst v1;
	v1 =	vmul.f32 $8.000000000e+00, v6;
	v6 =	vld [tilespmem:s0+$0x10]  }
0x121: {  	[tilespmem:s0+$0xFFFFFFB0] =	vst v0;
	v0 =	vmul.f32 $8.000000000e+00, v2;
	v2 =	vld [tilespmem:s0+$0x20]  }
0x122: {  	[tilespmem:s0+$0xFFFFFFC0] =	vst v1;
	v1 =	vmul.f32 $8.000000000e+00, v3;
	v3 =	vld [tilespmem:s0+$0x30]  }
0x123: {  	[tilespmem:s0+$0xFFFFFFD0] =	vst v0;
	v0 =	vmul.f32 $8.000000000e+00, v4;
	v4 =	vld [tilespmem:s0+$0x40]  }
0x124: {  	[tilespmem:s0+$0xFFFFFFE0] =	vst v1;
	v1 =	vmul.f32 $8.000000000e+00, v5;
	v5 =	vld [tilespmem:s0+$0x50]  }
0x125: {  	[tilespmem:s0+$0xFFFFFFF0] =	vst v0;
	v0 =	vmul.f32 $8.000000000e+00, v6;
	v6 =	vld [tilespmem:s0+$0x60]  }
0x126: {  	[tilespmem:s0+$0x0] =	vst v1;
	v1 =	vmul.f32 $8.000000000e+00, v2;
	v2 =	vld [tilespmem:s0+$0x70]  }
0x127: {  	[tilespmem:s0+$0x10] =	vst v0;
	v0 =	vmul.f32 $8.000000000e+00, v3;
	v3 =	vld [tilespmem:s0+$0x80]  }
0x128: {  	[tilespmem:s0+$0x20] =	vst v1;
	v1 =	vmul.f32 $8.000000000e+00, v4;
	v4 =	vld [tilespmem:s0+$0x90]  }
0x129: {  	v7 =	vld [tilespmem:s0+$0xA0];
	[tilespmem:s0+$0x30] =	vst v0;
	v5 =	vmul.f32 $8.000000000e+00, v5  }
0x12a: {  	v0 =	vld [tilespmem:s0+$0xB0];
	[tilespmem:s0+$0x40] =	vst v1;
	v6 =	vmul.f32 $8.000000000e+00, v6  }
0x12b: {  	v1 =	vld [tilespmem:s0+$0xC0];
	[tilespmem:s0+$0x50] =	vst v5;
	v5 =	vmul.f32 $8.000000000e+00, v2  }
0x12c: {  	v2 =	vld [tilespmem:s0+$0xD0];
	[tilespmem:s0+$0x60] =	vst v6;
	v6 =	vmul.f32 $8.000000000e+00, v3  }
0x12d: {  	v3 =	vld [tilespmem:s0+$0xE0];
	[tilespmem:s0+$0x70] =	vst v5;
	v5 =	vmul.f32 $8.000000000e+00, v4  }
0x12e: {  	s20 =	simm.s32 $0x0;
	s1 =	simm.s32 $0xCB00;
	v4 =	vld [tilespmem:s0+$0xFFFFFF00];
	[tilespmem:s0+$0x80] =	vst v6;
	v6 =	vmul.f32 $8.000000000e+00, v7  }
.LBB2_6:
0x12f: {  	v7 =	vld [tilespmem:s1+$0xF0];
	s20 =	sadd.s32 $0x8, s20;
	[tilespmem:s0+$0x90] =	vst v5;
	v0 =	vmul.f32 $8.000000000e+00, v0  }
0x130: {  	v5 =	vld [tilespmem:s1+$0xFFFFFF10];
	p0 =	slt.u32 s20, $0xC0;
	[tilespmem:s0+$0xA0] =	vst v6;
	v1 =	vmul.f32 $8.000000000e+00, v1  }
0x131: {  	v6 =	vld [tilespmem:s1+$0xFFFFFF20];
	[tilespmem:s0+$0xB0] =	vst v0;
	v0 =	vmul.f32 $8.000000000e+00, v2  }
0x132: {  	v2 =	vld [tilespmem:s1+$0xFFFFFF30];
	[tilespmem:s0+$0xC0] =	vst v1;
	v1 =	vmul.f32 $8.000000000e+00, v3  }
0x133: {  	v3 =	vld [tilespmem:s1+$0xFFFFFF40];
	v4 =	vmul.f32 $8.000000000e+00, v4;
	[tilespmem:s0+$0xD0] =	vst v0  }
0x134: {  	v0 =	vld [tilespmem:s1+$0xFFFFFF50];
	v7 =	vmul.f32 $8.000000000e+00, v7;
	[tilespmem:s0+$0xE0] =	vst v1  }
0x135: {  	v1 =	vmul.f32 $8.000000000e+00, v5;
	v5 =	vld [tilespmem:s1+$0xFFFFFF60];
	[tilespmem:s0+$0xFFFFFF00] =	vst v4;
	s0 =	smov.u32 s1  }
0x136: {  	v4 =	vmul.f32 $8.000000000e+00, v6;
	v6 =	vld [tilespmem:s1+$0xFFFFFF70];
	[tilespmem:s1+$0xF0] =	vst v7  }
0x137: {  	[tilespmem:s1+$0xFFFFFF10] =	vst v1;
	v1 =	vmul.f32 $8.000000000e+00, v2;
	v2 =	vld [tilespmem:s1+$0xFFFFFF80]  }
0x138: {  	[tilespmem:s1+$0xFFFFFF20] =	vst v4;
	v3 =	vmul.f32 $8.000000000e+00, v3;
	v4 =	vld [tilespmem:s1+$0xFFFFFF90]  }
0x139: {  	[tilespmem:s1+$0xFFFFFF30] =	vst v1;
	v0 =	vmul.f32 $8.000000000e+00, v0;
	v1 =	vld [tilespmem:s1+$0xFFFFFFA0]  }
0x13a: {  	[tilespmem:s1+$0xFFFFFF40] =	vst v3;
	v3 =	vmul.f32 $8.000000000e+00, v5;
	v5 =	vld [tilespmem:s1+$0xFFFFFFB0]  }
0x13b: {  	[tilespmem:s1+$0xFFFFFF50] =	vst v0;
	v0 =	vmul.f32 $8.000000000e+00, v6;
	v6 =	vld [tilespmem:s1+$0xFFFFFFC0]  }
0x13c: {  	[tilespmem:s1+$0xFFFFFF60] =	vst v3;
	v2 =	vmul.f32 $8.000000000e+00, v2;
	v3 =	vld [tilespmem:s1+$0xFFFFFFD0]  }
0x13d: {  	[tilespmem:s1+$0xFFFFFF70] =	vst v0;
	v0 =	vmul.f32 $8.000000000e+00, v4;
	v4 =	vld [tilespmem:s1+$0xFFFFFFE0]  }
0x13e: {  	[tilespmem:s1+$0xFFFFFF80] =	vst v2;
	v1 =	vmul.f32 $8.000000000e+00, v1;
	v2 =	vld [tilespmem:s1+$0xFFFFFFF0]  }
0x13f: {  	[tilespmem:s1+$0xFFFFFF90] =	vst v0;
	v0 =	vmul.f32 $8.000000000e+00, v5;
	v5 =	vld [tilespmem:s1+$0x0]  }
0x140: {  	[tilespmem:s1+$0xFFFFFFA0] =	vst v1;
	v1 =	vmul.f32 $8.000000000e+00, v6;
	v6 =	vld [tilespmem:s1+$0x10]  }
0x141: {  	[tilespmem:s1+$0xFFFFFFB0] =	vst v0;
	v0 =	vmul.f32 $8.000000000e+00, v3;
	v3 =	vld [tilespmem:s1+$0x20]  }
0x142: {  	[tilespmem:s1+$0xFFFFFFC0] =	vst v1;
	v1 =	vmul.f32 $8.000000000e+00, v4;
	v4 =	vld [tilespmem:s1+$0x30]  }
0x143: {  	[tilespmem:s1+$0xFFFFFFD0] =	vst v0;
	v0 =	vmul.f32 $8.000000000e+00, v2;
	v2 =	vld [tilespmem:s1+$0x40]  }
0x144: {  	[tilespmem:s1+$0xFFFFFFE0] =	vst v1;
	v1 =	vmul.f32 $8.000000000e+00, v5;
	v5 =	vld [tilespmem:s1+$0x50]  }
0x145: {  	[tilespmem:s1+$0xFFFFFFF0] =	vst v0;
	v0 =	vmul.f32 $8.000000000e+00, v6;
	v6 =	vld [tilespmem:s1+$0x60]  }
0x146: {  	[tilespmem:s1+$0x0] =	vst v1;
	v1 =	vmul.f32 $8.000000000e+00, v3;
	v3 =	vld [tilespmem:s1+$0x70]  }
0x147: {  	[tilespmem:s1+$0x10] =	vst v0;
	v0 =	vmul.f32 $8.000000000e+00, v4;
	v4 =	vld [tilespmem:s1+$0x80]  }
0x148: {  	[tilespmem:s1+$0x20] =	vst v1;
	v1 =	vmul.f32 $8.000000000e+00, v2;
	v7 =	vld [tilespmem:s1+$0x90]  }
0x149: {  	[tilespmem:s1+$0x30] =	vst v0;
	v2 =	vmul.f32 $8.000000000e+00, v5;
	v8 =	vld [tilespmem:s1+$0xA0]  }
.Ltmp2:
0x14a: {  	[tilespmem:s1+$0x40] =	vst v1;
	v5 =	vmul.f32 $8.000000000e+00, v6;
	v0 =	vld [tilespmem:s1+$0xB0];
	(pc) =	sbr.rel @p0 .LBB2_6-.Ltmp2, $4  }
0x14b: {  	[tilespmem:s1+$0x50] =	vst v2;
	v3 =	vmul.f32 $8.000000000e+00, v3;
	v1 =	vld [tilespmem:s1+$0xC0]  }
0x14c: {  	[tilespmem:s1+$0x60] =	vst v5;
	v6 =	vmul.f32 $8.000000000e+00, v4;
	v2 =	vld [tilespmem:s1+$0xD0]  }
0x14d: {  	[tilespmem:s1+$0x70] =	vst v3;
	v5 =	vmul.f32 $8.000000000e+00, v7;
	v3 =	vld [tilespmem:s1+$0xE0]  }
0x14e: {  	s1 =	sadd.s32 $0x200, s1;
	v4 =	vld [tilespmem:s0+$0xFFFFFF00];
	[tilespmem:s0+$0x80] =	vst v6;
	v6 =	vmul.f32 $8.000000000e+00, v8  }
0x14f: {  	[tilespmem:s0+$0x90] =	vst v5;
	v0 =	vmul.f32 $8.000000000e+00, v0  }
0x150: {  	[tilespmem:s0+$0xA0] =	vst v6;
	v1 =	vmul.f32 $8.000000000e+00, v1  }
0x151: {  	[tilespmem:s0+$0xB0] =	vst v0;
	v0 =	vmul.f32 $8.000000000e+00, v2  }
0x152: {  	[tilespmem:s0+$0xC0] =	vst v1;
	v1 =	vmul.f32 $8.000000000e+00, v3  }
0x153: {  	v2 =	vmul.f32 $8.000000000e+00, v4;
	[tilespmem:s0+$0xD0] =	vst v0  }
0x154: {  	[tilespmem:s0+$0xE0] =	vst v1  }
0x155: {  	[tilespmem:s0+$0xFFFFFF00] =	vst v2  }
0x156: {  	s0 =	rddreg [dreg:$0x6]  }
0x157: {  	[hbm4b:s0+s7] =	stream.strided.scatter [tilespmem:s29], [sflag:$0x8], $0x3200, s8, s7, $0x38;
	[tilespmem:$0x12C00] =	vst v63  }
0x158: {  	_ =	swait.ge [sflag:s16], $0x3200  }
0x159: {  	[sflag:s16] =	ssyncset.done $0x0  }
0x15a: {  	s26 =	simm.s32 $0x3E8;
	[sflag:s16] =	ssyncadd.s32 $0xFFFFCE00  }
0x15b: {  	[tilespmem:s28], [sflag:$0x3] =	stream.indirect.gather [hbm4b:s4+s17], $0x40, s26, s17, $0xb8;
	[tilespmem:$0x12C00] =	vst v63  }
0x15c: {  	s30 =	simm.s32 $0xA000;
	s1 =	simm.s32 $0x410  }
0x15d: {  	[tilespmem:s30], [sflag:$0x3] =	stream.indirect.gather [hbm4b:s4+s17], $0x40, s1, s17, $0xb8;
	[tilespmem:$0x12C00] =	vst v63  }
0x15e: {  	s20 =	simm.s32 $0x438;
	s1 =	simm.s32 $0xAA00  }
0x15f: {  	[tilespmem:s1], [sflag:$0x3] =	stream.indirect.gather [hbm4b:s4+s17], $0x40, s20, s17, $0xb8;
	[tilespmem:$0x12C00] =	vst v63  }
0x160: {  	s24 =	simm.s32 $0xB400;
	s25 =	simm.s32 $0x460  }
0x161: {  	[tilespmem:s24], [sflag:$0x3] =	stream.indirect.gather [hbm4b:s4+s17], $0x40, s25, s17, $0xb8;
	[tilespmem:$0x12C00] =	vst v63  }
0x162: {  	s26 =	simm.s32 $0xBE00;
	s30 =	simm.s32 $0x488  }
0x163: {  	[tilespmem:s26], [sflag:$0x3] =	stream.indirect.gather [hbm4b:s4+s17], $0x40, s30, s17, $0xb8;
	[tilespmem:$0x12C00] =	vst v63  }
0x164: {  	_ =	swait.ge [sflag:s19], $0xA00  }
0x165: {  	[sflag:s19] =	ssyncset.done $0x0  }
0x166: {  	[sflag:s19] =	ssyncadd.s32 $0xFFFFF600  }
0x167: {  	_ =	swait.ge [sflag:s19], $0xA00  }
0x168: {  	[sflag:s19] =	ssyncset.done $0x0  }
0x169: {  	[sflag:s19] =	ssyncadd.s32 $0xFFFFF600  }
0x16a: {  	_ =	swait.ge [sflag:s19], $0xA00  }
0x16b: {  	[sflag:s19] =	ssyncset.done $0x0  }
0x16c: {  	[sflag:s19] =	ssyncadd.s32 $0xFFFFF600  }
0x16d: {  	_ =	swait.ge [sflag:s19], $0xA00  }
0x16e: {  	[sflag:s19] =	ssyncset.done $0x0  }
0x16f: {  	[sflag:s19] =	ssyncadd.s32 $0xFFFFF600  }
0x170: {  	_ =	swait.ge [sflag:s19], $0xA00  }
0x171: {  	[sflag:s19] =	ssyncset.done $0x0  }
0x172: {  	s0 =	simm.s32 $0xFB00;
	[sflag:s19] =	ssyncadd.s32 $0xFFFFF600  }
0x173: {  	v0 =	vld [tilespmem:s0+$0xF0]  }
0x174: {  	v1 =	vld [tilespmem:s0+$0xFFFFFF10]  }
0x175: {  	v2 =	vld [tilespmem:s0+$0xFFFFFF20]  }
0x176: {  	v3 =	vld [tilespmem:s0+$0xFFFFFF30]  }
0x177: {  	v4 =	vld [tilespmem:s0+$0xFFFFFF40]  }
0x178: {  	v5 =	vld [tilespmem:s0+$0xFFFFFF50];
	v0 =	vmul.f32 $8.000000000e+00, v0  }
0x179: {  	v6 =	vld [tilespmem:s0+$0xFFFFFF60];
	v1 =	vmul.f32 $8.000000000e+00, v1  }
0x17a: {  	v7 =	vld [tilespmem:s0+$0xFFFFFF70];
	v2 =	vmul.f32 $8.000000000e+00, v2;
	[tilespmem:s0+$0xF0] =	vst v0  }
0x17b: {  	[tilespmem:s0+$0xFFFFFF10] =	vst v1;
	v0 =	vmul.f32 $8.000000000e+00, v3;
	v1 =	vld [tilespmem:s0+$0xFFFFFF80]  }
0x17c: {  	[tilespmem:s0+$0xFFFFFF20] =	vst v2;
	v2 =	vmul.f32 $8.000000000e+00, v4;
	v3 =	vld [tilespmem:s0+$0xFFFFFF90]  }
0x17d: {  	v4 =	vld [tilespmem:s0+$0xFFFFFFA0];
	[tilespmem:s0+$0xFFFFFF30] =	vst v0;
	v0 =	vmul.f32 $8.000000000e+00, v5  }
0x17e: {  	[tilespmem:s0+$0xFFFFFF40] =	vst v2;
	v2 =	vmul.f32 $8.000000000e+00, v6;
	v5 =	vld [tilespmem:s0+$0xFFFFFFB0]  }
0x17f: {  	v6 =	vld [tilespmem:s0+$0xFFFFFFC0];
	[tilespmem:s0+$0xFFFFFF50] =	vst v0;
	v0 =	vmul.f32 $8.000000000e+00, v7  }
0x180: {  	[tilespmem:s0+$0xFFFFFF60] =	vst v2;
	v2 =	vld [tilespmem:s0+$0xFFFFFFD0];
	v1 =	vmul.f32 $8.000000000e+00, v1  }
0x181: {  	[tilespmem:s0+$0xFFFFFF70] =	vst v0;
	v0 =	vmul.f32 $8.000000000e+00, v3;
	v3 =	vld [tilespmem:s0+$0xFFFFFFE0]  }
0x182: {  	[tilespmem:s0+$0xFFFFFF80] =	vst v1;
	v1 =	vmul.f32 $8.000000000e+00, v4;
	v4 =	vld [tilespmem:s0+$0xFFFFFFF0]  }
0x183: {  	[tilespmem:s0+$0xFFFFFF90] =	vst v0;
	v0 =	vmul.f32 $8.000000000e+00, v5;
	v5 =	vld [tilespmem:s0+$0x0]  }
0x184: {  	[tilespmem:s0+$0xFFFFFFA0] =	vst v1;
	v1 =	vmul.f32 $8.000000000e+00, v6;
	v6 =	vld [tilespmem:s0+$0x10]  }
0x185: {  	[tilespmem:s0+$0xFFFFFFB0] =	vst v0;
	v0 =	vmul.f32 $8.000000000e+00, v2;
	v2 =	vld [tilespmem:s0+$0x20]  }
0x186: {  	[tilespmem:s0+$0xFFFFFFC0] =	vst v1;
	v1 =	vmul.f32 $8.000000000e+00, v3;
	v3 =	vld [tilespmem:s0+$0x30]  }
0x187: {  	[tilespmem:s0+$0xFFFFFFD0] =	vst v0;
	v0 =	vmul.f32 $8.000000000e+00, v4;
	v4 =	vld [tilespmem:s0+$0x40]  }
0x188: {  	[tilespmem:s0+$0xFFFFFFE0] =	vst v1;
	v1 =	vmul.f32 $8.000000000e+00, v5;
	v5 =	vld [tilespmem:s0+$0x50]  }
0x189: {  	[tilespmem:s0+$0xFFFFFFF0] =	vst v0;
	v0 =	vmul.f32 $8.000000000e+00, v6;
	v6 =	vld [tilespmem:s0+$0x60]  }
0x18a: {  	[tilespmem:s0+$0x0] =	vst v1;
	v1 =	vmul.f32 $8.000000000e+00, v2;
	v2 =	vld [tilespmem:s0+$0x70]  }
0x18b: {  	[tilespmem:s0+$0x10] =	vst v0;
	v0 =	vmul.f32 $8.000000000e+00, v3;
	v3 =	vld [tilespmem:s0+$0x80]  }
0x18c: {  	[tilespmem:s0+$0x20] =	vst v1;
	v1 =	vmul.f32 $8.000000000e+00, v4;
	v4 =	vld [tilespmem:s0+$0x90]  }
0x18d: {  	v7 =	vld [tilespmem:s0+$0xA0];
	[tilespmem:s0+$0x30] =	vst v0;
	v5 =	vmul.f32 $8.000000000e+00, v5  }
0x18e: {  	v0 =	vld [tilespmem:s0+$0xB0];
	[tilespmem:s0+$0x40] =	vst v1;
	v6 =	vmul.f32 $8.000000000e+00, v6  }
0x18f: {  	v1 =	vld [tilespmem:s0+$0xC0];
	[tilespmem:s0+$0x50] =	vst v5;
	v5 =	vmul.f32 $8.000000000e+00, v2  }
0x190: {  	v2 =	vld [tilespmem:s0+$0xD0];
	[tilespmem:s0+$0x60] =	vst v6;
	v6 =	vmul.f32 $8.000000000e+00, v3  }
0x191: {  	v3 =	vld [tilespmem:s0+$0xE0];
	[tilespmem:s0+$0x70] =	vst v5;
	v5 =	vmul.f32 $8.000000000e+00, v4  }
0x192: {  	s20 =	simm.s32 $0x0;
	s1 =	simm.s32 $0xFD00;
	v4 =	vld [tilespmem:s0+$0xFFFFFF00];
	[tilespmem:s0+$0x80] =	vst v6;
	v6 =	vmul.f32 $8.000000000e+00, v7  }
.LBB2_8:
0x193: {  	v7 =	vld [tilespmem:s1+$0xF0];
	s20 =	sadd.s32 $0x8, s20;
	[tilespmem:s0+$0x90] =	vst v5;
	v0 =	vmul.f32 $8.000000000e+00, v0  }
0x194: {  	v5 =	vld [tilespmem:s1+$0xFFFFFF10];
	p0 =	slt.u32 s20, $0xC0;
	[tilespmem:s0+$0xA0] =	vst v6;
	v1 =	vmul.f32 $8.000000000e+00, v1  }
0x195: {  	v6 =	vld [tilespmem:s1+$0xFFFFFF20];
	[tilespmem:s0+$0xB0] =	vst v0;
	v0 =	vmul.f32 $8.000000000e+00, v2  }
0x196: {  	v2 =	vld [tilespmem:s1+$0xFFFFFF30];
	[tilespmem:s0+$0xC0] =	vst v1;
	v1 =	vmul.f32 $8.000000000e+00, v3  }
0x197: {  	v3 =	vld [tilespmem:s1+$0xFFFFFF40];
	v4 =	vmul.f32 $8.000000000e+00, v4;
	[tilespmem:s0+$0xD0] =	vst v0  }
0x198: {  	v0 =	vld [tilespmem:s1+$0xFFFFFF50];
	v7 =	vmul.f32 $8.000000000e+00, v7;
	[tilespmem:s0+$0xE0] =	vst v1  }
0x199: {  	v1 =	vmul.f32 $8.000000000e+00, v5;
	v5 =	vld [tilespmem:s1+$0xFFFFFF60];
	[tilespmem:s0+$0xFFFFFF00] =	vst v4;
	s0 =	smov.u32 s1  }
0x19a: {  	v4 =	vmul.f32 $8.000000000e+00, v6;
	v6 =	vld [tilespmem:s1+$0xFFFFFF70];
	[tilespmem:s1+$0xF0] =	vst v7  }
0x19b: {  	[tilespmem:s1+$0xFFFFFF10] =	vst v1;
	v1 =	vmul.f32 $8.000000000e+00, v2;
	v2 =	vld [tilespmem:s1+$0xFFFFFF80]  }
0x19c: {  	[tilespmem:s1+$0xFFFFFF20] =	vst v4;
	v3 =	vmul.f32 $8.000000000e+00, v3;
	v4 =	vld [tilespmem:s1+$0xFFFFFF90]  }
0x19d: {  	[tilespmem:s1+$0xFFFFFF30] =	vst v1;
	v0 =	vmul.f32 $8.000000000e+00, v0;
	v1 =	vld [tilespmem:s1+$0xFFFFFFA0]  }
0x19e: {  	[tilespmem:s1+$0xFFFFFF40] =	vst v3;
	v3 =	vmul.f32 $8.000000000e+00, v5;
	v5 =	vld [tilespmem:s1+$0xFFFFFFB0]  }
0x19f: {  	[tilespmem:s1+$0xFFFFFF50] =	vst v0;
	v0 =	vmul.f32 $8.000000000e+00, v6;
	v6 =	vld [tilespmem:s1+$0xFFFFFFC0]  }
0x1a0: {  	[tilespmem:s1+$0xFFFFFF60] =	vst v3;
	v2 =	vmul.f32 $8.000000000e+00, v2;
	v3 =	vld [tilespmem:s1+$0xFFFFFFD0]  }
0x1a1: {  	[tilespmem:s1+$0xFFFFFF70] =	vst v0;
	v0 =	vmul.f32 $8.000000000e+00, v4;
	v4 =	vld [tilespmem:s1+$0xFFFFFFE0]  }
0x1a2: {  	[tilespmem:s1+$0xFFFFFF80] =	vst v2;
	v1 =	vmul.f32 $8.000000000e+00, v1;
	v2 =	vld [tilespmem:s1+$0xFFFFFFF0]  }
0x1a3: {  	[tilespmem:s1+$0xFFFFFF90] =	vst v0;
	v0 =	vmul.f32 $8.000000000e+00, v5;
	v5 =	vld [tilespmem:s1+$0x0]  }
0x1a4: {  	[tilespmem:s1+$0xFFFFFFA0] =	vst v1;
	v1 =	vmul.f32 $8.000000000e+00, v6;
	v6 =	vld [tilespmem:s1+$0x10]  }
0x1a5: {  	[tilespmem:s1+$0xFFFFFFB0] =	vst v0;
	v0 =	vmul.f32 $8.000000000e+00, v3;
	v3 =	vld [tilespmem:s1+$0x20]  }
0x1a6: {  	[tilespmem:s1+$0xFFFFFFC0] =	vst v1;
	v1 =	vmul.f32 $8.000000000e+00, v4;
	v4 =	vld [tilespmem:s1+$0x30]  }
0x1a7: {  	[tilespmem:s1+$0xFFFFFFD0] =	vst v0;
	v0 =	vmul.f32 $8.000000000e+00, v2;
	v2 =	vld [tilespmem:s1+$0x40]  }
0x1a8: {  	[tilespmem:s1+$0xFFFFFFE0] =	vst v1;
	v1 =	vmul.f32 $8.000000000e+00, v5;
	v5 =	vld [tilespmem:s1+$0x50]  }
0x1a9: {  	[tilespmem:s1+$0xFFFFFFF0] =	vst v0;
	v0 =	vmul.f32 $8.000000000e+00, v6;
	v6 =	vld [tilespmem:s1+$0x60]  }
0x1aa: {  	[tilespmem:s1+$0x0] =	vst v1;
	v1 =	vmul.f32 $8.000000000e+00, v3;
	v3 =	vld [tilespmem:s1+$0x70]  }
0x1ab: {  	[tilespmem:s1+$0x10] =	vst v0;
	v0 =	vmul.f32 $8.000000000e+00, v4;
	v4 =	vld [tilespmem:s1+$0x80]  }
0x1ac: {  	[tilespmem:s1+$0x20] =	vst v1;
	v1 =	vmul.f32 $8.000000000e+00, v2;
	v7 =	vld [tilespmem:s1+$0x90]  }
0x1ad: {  	[tilespmem:s1+$0x30] =	vst v0;
	v2 =	vmul.f32 $8.000000000e+00, v5;
	v8 =	vld [tilespmem:s1+$0xA0]  }
.Ltmp3:
0x1ae: {  	[tilespmem:s1+$0x40] =	vst v1;
	v5 =	vmul.f32 $8.000000000e+00, v6;
	v0 =	vld [tilespmem:s1+$0xB0];
	(pc) =	sbr.rel @p0 .LBB2_8-.Ltmp3, $4  }
0x1af: {  	[tilespmem:s1+$0x50] =	vst v2;
	v3 =	vmul.f32 $8.000000000e+00, v3;
	v1 =	vld [tilespmem:s1+$0xC0]  }
0x1b0: {  	[tilespmem:s1+$0x60] =	vst v5;
	v6 =	vmul.f32 $8.000000000e+00, v4;
	v2 =	vld [tilespmem:s1+$0xD0]  }
0x1b1: {  	[tilespmem:s1+$0x70] =	vst v3;
	v5 =	vmul.f32 $8.000000000e+00, v7;
	v3 =	vld [tilespmem:s1+$0xE0]  }
0x1b2: {  	s1 =	sadd.s32 $0x200, s1;
	v4 =	vld [tilespmem:s0+$0xFFFFFF00];
	[tilespmem:s0+$0x80] =	vst v6;
	v6 =	vmul.f32 $8.000000000e+00, v8  }
0x1b3: {  	[tilespmem:s0+$0x90] =	vst v5;
	v0 =	vmul.f32 $8.000000000e+00, v0  }
0x1b4: {  	[tilespmem:s0+$0xA0] =	vst v6;
	v1 =	vmul.f32 $8.000000000e+00, v1  }
0x1b5: {  	[tilespmem:s0+$0xB0] =	vst v0;
	v61 =	vmul.f32 $8.000000000e+00, v2  }
0x1b6: {  	[tilespmem:s0+$0xC0] =	vst v1;
	v62 =	vmul.f32 $8.000000000e+00, v3  }
0x1b7: {  	v63 =	vmul.f32 $8.000000000e+00, v4;
	[tilespmem:s0+$0xD0] =	vst v61  }
0x1b8: {  	[tilespmem:s0+$0xE0] =	vst v62  }
0x1b9: {  	[tilespmem:s0+$0xFFFFFF00] =	vst v63  }
0x1ba: {  	s0 =	rddreg [dreg:$0x7]  }
0x1bb: {  	[hbm4b:s0+s7] =	stream.strided.scatter [tilespmem:s9], [sflag:$0x9], $0x3200, s8, s7, $0x38;
	[tilespmem:$0x12C00] =	vst v63  }
0x1bc: {  	_ =	swait.ge [sflag:s21], $0x3200  }
0x1bd: {  	[sflag:s21] =	ssyncset.done $0x0  }
0x1be: {  	s1 =	simm.s32 $0x4B0;
	[sflag:s21] =	ssyncadd.s32 $0xFFFFCE00  }
0x1bf: {  	[tilespmem:s29], [sflag:$0x4] =	stream.indirect.gather [hbm4b:s4+s17], $0x40, s1, s17, $0xb8;
	[tilespmem:$0x12C00] =	vst v63  }
0x1c0: {  	s20 =	simm.s32 $0xD200;
	s1 =	simm.s32 $0x4D8  }
0x1c1: {  	[tilespmem:s20], [sflag:$0x4] =	stream.indirect.gather [hbm4b:s4+s17], $0x40, s1, s17, $0xb8;
	[tilespmem:$0x12C00] =	vst v63  }
0x1c2: {  	s24 =	simm.s32 $0xDC00;
	s25 =	simm.s32 $0x500  }
0x1c3: {  	[tilespmem:s24], [sflag:$0x4] =	stream.indirect.gather [hbm4b:s4+s17], $0x40, s25, s17, $0xb8;
	[tilespmem:$0x12C00] =	vst v63  }
0x1c4: {  	s26 =	simm.s32 $0x528  }
0x1c5: {  	[tilespmem:s22], [sflag:$0x4] =	stream.indirect.gather [hbm4b:s4+s17], $0x40, s26, s17, $0xb8;
	[tilespmem:$0x12C00] =	vst v63  }
0x1c6: {  	s30 =	simm.s32 $0x550;
	s25 =	simm.s32 $0x1  }
0x1c7: {  	[tilespmem:s31], [sflag:$0x4] =	stream.indirect.gather [hbm4b:s4+s17], $0x40, s30, s17, $0xb8;
	[tilespmem:$0x12C00] =	vst v63  }
.LBB2_10:
0x1c8: {  	_ =	swait.ge [sflag:s2], $0xA00  }
0x1c9: {  	[sflag:s2] =	ssyncset.done $0x0  }
0x1ca: {  	[sflag:s2] =	ssyncadd.s32 $0xFFFFF600  }
0x1cb: {  	_ =	swait.ge [sflag:s2], $0xA00  }
0x1cc: {  	[sflag:s2] =	ssyncset.done $0x0  }
0x1cd: {  	[sflag:s2] =	ssyncadd.s32 $0xFFFFF600  }
0x1ce: {  	_ =	swait.ge [sflag:s2], $0xA00  }
0x1cf: {  	[sflag:s2] =	ssyncset.done $0x0  }
0x1d0: {  	[sflag:s2] =	ssyncadd.s32 $0xFFFFF600  }
0x1d1: {  	_ =	swait.ge [sflag:s2], $0xA00  }
0x1d2: {  	[sflag:s2] =	ssyncset.done $0x0  }
0x1d3: {  	[sflag:s2] =	ssyncadd.s32 $0xFFFFF600  }
0x1d4: {  	_ =	swait.ge [sflag:s2], $0xA00  }
0x1d5: {  	[sflag:s2] =	ssyncset.done $0x0  }
0x1d6: {  	s20 =	simm.s32 $0x6500;
	[sflag:s2] =	ssyncadd.s32 $0xFFFFF600  }
0x1d7: {  	v0 =	vld [tilespmem:s20+$0xF0]  }
0x1d8: {  	v1 =	vld [tilespmem:s20+$0xFFFFFF10]  }
0x1d9: {  	v2 =	vld [tilespmem:s20+$0xFFFFFF20]  }
0x1da: {  	v3 =	vld [tilespmem:s20+$0xFFFFFF30]  }
0x1db: {  	v4 =	vld [tilespmem:s20+$0xFFFFFF40]  }
0x1dc: {  	v5 =	vld [tilespmem:s20+$0xFFFFFF50];
	v0 =	vmul.f32 $8.000000000e+00, v0  }
0x1dd: {  	v6 =	vld [tilespmem:s20+$0xFFFFFF60];
	v1 =	vmul.f32 $8.000000000e+00, v1  }
0x1de: {  	v7 =	vld [tilespmem:s20+$0xFFFFFF70];
	v2 =	vmul.f32 $8.000000000e+00, v2;
	[tilespmem:s20+$0xF0] =	vst v0  }
0x1df: {  	[tilespmem:s20+$0xFFFFFF10] =	vst v1;
	v0 =	vmul.f32 $8.000000000e+00, v3;
	v1 =	vld [tilespmem:s20+$0xFFFFFF80]  }
0x1e0: {  	[tilespmem:s20+$0xFFFFFF20] =	vst v2;
	v2 =	vmul.f32 $8.000000000e+00, v4;
	v3 =	vld [tilespmem:s20+$0xFFFFFF90]  }
0x1e1: {  	v4 =	vld [tilespmem:s20+$0xFFFFFFA0];
	[tilespmem:s20+$0xFFFFFF30] =	vst v0;
	v0 =	vmul.f32 $8.000000000e+00, v5  }
0x1e2: {  	[tilespmem:s20+$0xFFFFFF40] =	vst v2;
	v2 =	vmul.f32 $8.000000000e+00, v6;
	v5 =	vld [tilespmem:s20+$0xFFFFFFB0]  }
0x1e3: {  	v6 =	vld [tilespmem:s20+$0xFFFFFFC0];
	[tilespmem:s20+$0xFFFFFF50] =	vst v0;
	v0 =	vmul.f32 $8.000000000e+00, v7  }
0x1e4: {  	[tilespmem:s20+$0xFFFFFF60] =	vst v2;
	v2 =	vld [tilespmem:s20+$0xFFFFFFD0];
	v1 =	vmul.f32 $8.000000000e+00, v1  }
0x1e5: {  	[tilespmem:s20+$0xFFFFFF70] =	vst v0;
	v0 =	vmul.f32 $8.000000000e+00, v3;
	v3 =	vld [tilespmem:s20+$0xFFFFFFE0]  }
0x1e6: {  	[tilespmem:s20+$0xFFFFFF80] =	vst v1;
	v1 =	vmul.f32 $8.000000000e+00, v4;
	v4 =	vld [tilespmem:s20+$0xFFFFFFF0]  }
0x1e7: {  	[tilespmem:s20+$0xFFFFFF90] =	vst v0;
	v0 =	vmul.f32 $8.000000000e+00, v5;
	v5 =	vld [tilespmem:s20+$0x0]  }
0x1e8: {  	[tilespmem:s20+$0xFFFFFFA0] =	vst v1;
	v1 =	vmul.f32 $8.000000000e+00, v6;
	v6 =	vld [tilespmem:s20+$0x10]  }
0x1e9: {  	[tilespmem:s20+$0xFFFFFFB0] =	vst v0;
	v0 =	vmul.f32 $8.000000000e+00, v2;
	v2 =	vld [tilespmem:s20+$0x20]  }
0x1ea: {  	[tilespmem:s20+$0xFFFFFFC0] =	vst v1;
	v1 =	vmul.f32 $8.000000000e+00, v3;
	v3 =	vld [tilespmem:s20+$0x30]  }
0x1eb: {  	[tilespmem:s20+$0xFFFFFFD0] =	vst v0;
	v0 =	vmul.f32 $8.000000000e+00, v4;
	v4 =	vld [tilespmem:s20+$0x40]  }
0x1ec: {  	[tilespmem:s20+$0xFFFFFFE0] =	vst v1;
	v1 =	vmul.f32 $8.000000000e+00, v5;
	v5 =	vld [tilespmem:s20+$0x50]  }
0x1ed: {  	[tilespmem:s20+$0xFFFFFFF0] =	vst v0;
	v0 =	vmul.f32 $8.000000000e+00, v6;
	v6 =	vld [tilespmem:s20+$0x60]  }
0x1ee: {  	[tilespmem:s20+$0x0] =	vst v1;
	v1 =	vmul.f32 $8.000000000e+00, v2;
	v2 =	vld [tilespmem:s20+$0x70]  }
0x1ef: {  	[tilespmem:s20+$0x10] =	vst v0;
	v0 =	vmul.f32 $8.000000000e+00, v3;
	v3 =	vld [tilespmem:s20+$0x80]  }
0x1f0: {  	v7 =	vld [tilespmem:s20+$0x90];
	[tilespmem:s20+$0x20] =	vst v1;
	v1 =	vmul.f32 $8.000000000e+00, v4  }
0x1f1: {  	v8 =	vld [tilespmem:s20+$0xA0];
	[tilespmem:s20+$0x30] =	vst v0;
	v4 =	vmul.f32 $8.000000000e+00, v5  }
0x1f2: {  	v0 =	vld [tilespmem:s20+$0xB0];
	[tilespmem:s20+$0x40] =	vst v1;
	v5 =	vmul.f32 $8.000000000e+00, v6  }
0x1f3: {  	v1 =	vld [tilespmem:s20+$0xC0];
	[tilespmem:s20+$0x50] =	vst v4;
	v2 =	vmul.f32 $8.000000000e+00, v2  }
0x1f4: {  	v4 =	vld [tilespmem:s20+$0xD0];
	[tilespmem:s20+$0x60] =	vst v5;
	v6 =	vmul.f32 $8.000000000e+00, v3  }
0x1f5: {  	v5 =	vmul.f32 $8.000000000e+00, v7;
	[tilespmem:s20+$0x70] =	vst v2;
	v2 =	vld [tilespmem:s20+$0xE0]  }
0x1f6: {  	s0 =	simm.s32 $0x0;
	s1 =	simm.s32 $0x6700;
	v3 =	vld [tilespmem:s20+$0xFFFFFF00];
	[tilespmem:s20+$0x80] =	vst v6;
	v6 =	vmul.f32 $8.000000000e+00, v8  }
.LBB2_11:
0x1f7: {  	v7 =	vld [tilespmem:s1+$0xF0];
	s0 =	sadd.s32 $0x8, s0;
	[tilespmem:s20+$0x90] =	vst v5;
	v0 =	vmul.f32 $8.000000000e+00, v0  }
0x1f8: {  	v5 =	vld [tilespmem:s1+$0xFFFFFF10];
	p0 =	slt.u32 s0, $0xC0;
	[tilespmem:s20+$0xA0] =	vst v6;
	v1 =	vmul.f32 $8.000000000e+00, v1  }
0x1f9: {  	v6 =	vld [tilespmem:s1+$0xFFFFFF20];
	[tilespmem:s20+$0xB0] =	vst v0;
	v0 =	vmul.f32 $8.000000000e+00, v4  }
0x1fa: {  	v4 =	vld [tilespmem:s1+$0xFFFFFF30];
	[tilespmem:s20+$0xC0] =	vst v1;
	v1 =	vmul.f32 $8.000000000e+00, v2  }
0x1fb: {  	v2 =	vld [tilespmem:s1+$0xFFFFFF40];
	v3 =	vmul.f32 $8.000000000e+00, v3;
	[tilespmem:s20+$0xD0] =	vst v0  }
0x1fc: {  	v0 =	vld [tilespmem:s1+$0xFFFFFF50];
	v7 =	vmul.f32 $8.000000000e+00, v7;
	[tilespmem:s20+$0xE0] =	vst v1  }
0x1fd: {  	v1 =	vmul.f32 $8.000000000e+00, v5;
	v5 =	vld [tilespmem:s1+$0xFFFFFF60];
	[tilespmem:s20+$0xFFFFFF00] =	vst v3;
	s20 =	smov.u32 s1  }
0x1fe: {  	v3 =	vmul.f32 $8.000000000e+00, v6;
	v6 =	vld [tilespmem:s1+$0xFFFFFF70];
	[tilespmem:s1+$0xF0] =	vst v7  }
0x1ff: {  	[tilespmem:s1+$0xFFFFFF10] =	vst v1;
	v1 =	vmul.f32 $8.000000000e+00, v4;
	v4 =	vld [tilespmem:s1+$0xFFFFFF80]  }
0x200: {  	[tilespmem:s1+$0xFFFFFF20] =	vst v3;
	v2 =	vmul.f32 $8.000000000e+00, v2;
	v3 =	vld [tilespmem:s1+$0xFFFFFF90]  }
0x201: {  	[tilespmem:s1+$0xFFFFFF30] =	vst v1;
	v0 =	vmul.f32 $8.000000000e+00, v0;
	v1 =	vld [tilespmem:s1+$0xFFFFFFA0]  }
0x202: {  	[tilespmem:s1+$0xFFFFFF40] =	vst v2;
	v2 =	vmul.f32 $8.000000000e+00, v5;
	v5 =	vld [tilespmem:s1+$0xFFFFFFB0]  }
0x203: {  	[tilespmem:s1+$0xFFFFFF50] =	vst v0;
	v0 =	vmul.f32 $8.000000000e+00, v6;
	v6 =	vld [tilespmem:s1+$0xFFFFFFC0]  }
0x204: {  	[tilespmem:s1+$0xFFFFFF60] =	vst v2;
	v2 =	vmul.f32 $8.000000000e+00, v4;
	v4 =	vld [tilespmem:s1+$0xFFFFFFD0]  }
0x205: {  	[tilespmem:s1+$0xFFFFFF70] =	vst v0;
	v0 =	vmul.f32 $8.000000000e+00, v3;
	v3 =	vld [tilespmem:s1+$0xFFFFFFE0]  }
0x206: {  	[tilespmem:s1+$0xFFFFFF80] =	vst v2;
	v1 =	vmul.f32 $8.000000000e+00, v1;
	v2 =	vld [tilespmem:s1+$0xFFFFFFF0]  }
0x207: {  	[tilespmem:s1+$0xFFFFFF90] =	vst v0;
	v0 =	vmul.f32 $8.000000000e+00, v5;
	v5 =	vld [tilespmem:s1+$0x0]  }
0x208: {  	[tilespmem:s1+$0xFFFFFFA0] =	vst v1;
	v1 =	vmul.f32 $8.000000000e+00, v6;
	v6 =	vld [tilespmem:s1+$0x10]  }
0x209: {  	[tilespmem:s1+$0xFFFFFFB0] =	vst v0;
	v0 =	vmul.f32 $8.000000000e+00, v4;
	v4 =	vld [tilespmem:s1+$0x20]  }
0x20a: {  	[tilespmem:s1+$0xFFFFFFC0] =	vst v1;
	v1 =	vmul.f32 $8.000000000e+00, v3;
	v3 =	vld [tilespmem:s1+$0x30]  }
0x20b: {  	[tilespmem:s1+$0xFFFFFFD0] =	vst v0;
	v0 =	vmul.f32 $8.000000000e+00, v2;
	v2 =	vld [tilespmem:s1+$0x40]  }
0x20c: {  	[tilespmem:s1+$0xFFFFFFE0] =	vst v1;
	v1 =	vmul.f32 $8.000000000e+00, v5;
	v5 =	vld [tilespmem:s1+$0x50]  }
0x20d: {  	[tilespmem:s1+$0xFFFFFFF0] =	vst v0;
	v0 =	vmul.f32 $8.000000000e+00, v6;
	v6 =	vld [tilespmem:s1+$0x60]  }
0x20e: {  	[tilespmem:s1+$0x0] =	vst v1;
	v1 =	vmul.f32 $8.000000000e+00, v4;
	v4 =	vld [tilespmem:s1+$0x70]  }
0x20f: {  	[tilespmem:s1+$0x10] =	vst v0;
	v0 =	vmul.f32 $8.000000000e+00, v3;
	v3 =	vld [tilespmem:s1+$0x80]  }
0x210: {  	[tilespmem:s1+$0x20] =	vst v1;
	v1 =	vmul.f32 $8.000000000e+00, v2;
	v2 =	vld [tilespmem:s1+$0x90]  }
0x211: {  	[tilespmem:s1+$0x30] =	vst v0;
	v5 =	vmul.f32 $8.000000000e+00, v5;
	v7 =	vld [tilespmem:s1+$0xA0]  }
.Ltmp4:
0x212: {  	[tilespmem:s1+$0x40] =	vst v1;
	v6 =	vmul.f32 $8.000000000e+00, v6;
	v0 =	vld [tilespmem:s1+$0xB0];
	(pc) =	sbr.rel @p0 .LBB2_11-.Ltmp4, $4  }
0x213: {  	[tilespmem:s1+$0x50] =	vst v5;
	v5 =	vmul.f32 $8.000000000e+00, v4;
	v1 =	vld [tilespmem:s1+$0xC0]  }
0x214: {  	[tilespmem:s1+$0x60] =	vst v6;
	v6 =	vmul.f32 $8.000000000e+00, v3;
	v4 =	vld [tilespmem:s1+$0xD0]  }
0x215: {  	[tilespmem:s1+$0x70] =	vst v5;
	v5 =	vmul.f32 $8.000000000e+00, v2;
	v2 =	vld [tilespmem:s1+$0xE0]  }
0x216: {  	s1 =	sadd.s32 $0x200, s1;
	v3 =	vld [tilespmem:s20+$0xFFFFFF00];
	[tilespmem:s20+$0x80] =	vst v6;
	v6 =	vmul.f32 $8.000000000e+00, v7  }
0x217: {  	[tilespmem:s20+$0x90] =	vst v5;
	v0 =	vmul.f32 $8.000000000e+00, v0  }
0x218: {  	[tilespmem:s20+$0xA0] =	vst v6;
	v1 =	vmul.f32 $8.000000000e+00, v1  }
0x219: {  	s0 =	sshll.u32 s25, $0x2;
	[tilespmem:s20+$0xB0] =	vst v0;
	v0 =	vmul.f32 $8.000000000e+00, v4  }
0x21a: {  	s1 =	sadd.s32 s3, s0;
	[tilespmem:s20+$0xC0] =	vst v1;
	v1 =	vmul.f32 $8.000000000e+00, v2  }
0x21b: {  	s1 =	smul.u32 $0xC80, s1;
	v2 =	vmul.f32 $8.000000000e+00, v3;
	[tilespmem:s20+$0xD0] =	vst v0  }
0x21c: {  	[tilespmem:s20+$0xE0] =	vst v1  }
0x21d: {  	s30 =	sshllo.u32 s25, $0x2;
	s1 =	sadd.s32 s5, s1;
	[tilespmem:s20+$0xFFFFFF00] =	vst v2  }
0x21e: {  	[hbm4b:s1+s7] =	stream.strided.scatter [tilespmem:s18], [sflag:$0x6], $0x3200, s8, s7, $0x38;
	[tilespmem:$0x12C00] =	vst v63  }
0x21f: {  	s24 =	smul.u32 $0x320, s30;
	_ =	swait.ge [sflag:s23], $0x3200  }
0x220: {  	[sflag:s23] =	ssyncset.done $0x0  }
0x221: {  	s1 =	sshra.s32 s24, $0x2;
	[sflag:s23] =	ssyncadd.s32 $0xFFFFCE00  }
0x222: {  	[tilespmem:s9], [sflag:$0x5] =	stream.indirect.gather [hbm4b:s4+s17], $0x40, s1, s17, $0xb8;
	[tilespmem:$0x12C00] =	vst v63  }
0x223: {  	s26 =	sadd.s32 $0x28, s1  }
0x224: {  	[tilespmem:s10], [sflag:$0x5] =	stream.indirect.gather [hbm4b:s4+s17], $0x40, s26, s17, $0xb8;
	[tilespmem:$0x12C00] =	vst v63  }
0x225: {  	s24 =	sadd.s32 $0x50, s1  }
0x226: {  	[tilespmem:s11], [sflag:$0x5] =	stream.indirect.gather [hbm4b:s4+s17], $0x40, s24, s17, $0xb8;
	[tilespmem:$0x12C00] =	vst v63  }
0x227: {  	s26 =	sadd.s32 $0x78, s1  }
0x228: {  	[tilespmem:s12], [sflag:$0x5] =	stream.indirect.gather [hbm4b:s4+s17], $0x40, s26, s17, $0xb8;
	[tilespmem:$0x12C00] =	vst v63  }
0x229: {  	s1 =	sadd.s32 $0xA0, s1  }
0x22a: {  	[tilespmem:s13], [sflag:$0x5] =	stream.indirect.gather [hbm4b:s4+s17], $0x40, s1, s17, $0xb8;
	[tilespmem:$0x12C00] =	vst v63  }
0x22b: {  	_ =	swait.ge [sflag:s14], $0xA00  }
0x22c: {  	[sflag:s14] =	ssyncset.done $0x0  }
0x22d: {  	[sflag:s14] =	ssyncadd.s32 $0xFFFFF600  }
0x22e: {  	_ =	swait.ge [sflag:s14], $0xA00  }
0x22f: {  	[sflag:s14] =	ssyncset.done $0x0  }
0x230: {  	[sflag:s14] =	ssyncadd.s32 $0xFFFFF600  }
0x231: {  	_ =	swait.ge [sflag:s14], $0xA00  }
0x232: {  	[sflag:s14] =	ssyncset.done $0x0  }
0x233: {  	[sflag:s14] =	ssyncadd.s32 $0xFFFFF600  }
0x234: {  	_ =	swait.ge [sflag:s14], $0xA00  }
0x235: {  	[sflag:s14] =	ssyncset.done $0x0  }
0x236: {  	[sflag:s14] =	ssyncadd.s32 $0xFFFFF600  }
0x237: {  	_ =	swait.ge [sflag:s14], $0xA00  }
0x238: {  	[sflag:s14] =	ssyncset.done $0x0  }
0x239: {  	s24 =	simm.s32 $0x9700;
	[sflag:s14] =	ssyncadd.s32 $0xFFFFF600  }
0x23a: {  	v0 =	vld [tilespmem:s24+$0xF0]  }
0x23b: {  	v1 =	vld [tilespmem:s24+$0xFFFFFF10]  }
0x23c: {  	v2 =	vld [tilespmem:s24+$0xFFFFFF20]  }
0x23d: {  	v3 =	vld [tilespmem:s24+$0xFFFFFF30]  }
0x23e: {  	v4 =	vld [tilespmem:s24+$0xFFFFFF40]  }
0x23f: {  	v5 =	vld [tilespmem:s24+$0xFFFFFF50];
	v0 =	vmul.f32 $8.000000000e+00, v0  }
0x240: {  	v6 =	vld [tilespmem:s24+$0xFFFFFF60];
	v1 =	vmul.f32 $8.000000000e+00, v1  }
0x241: {  	v7 =	vld [tilespmem:s24+$0xFFFFFF70];
	v2 =	vmul.f32 $8.000000000e+00, v2;
	[tilespmem:s24+$0xF0] =	vst v0  }
0x242: {  	[tilespmem:s24+$0xFFFFFF10] =	vst v1;
	v0 =	vmul.f32 $8.000000000e+00, v3;
	v1 =	vld [tilespmem:s24+$0xFFFFFF80]  }
0x243: {  	[tilespmem:s24+$0xFFFFFF20] =	vst v2;
	v2 =	vmul.f32 $8.000000000e+00, v4;
	v3 =	vld [tilespmem:s24+$0xFFFFFF90]  }
0x244: {  	v4 =	vld [tilespmem:s24+$0xFFFFFFA0];
	[tilespmem:s24+$0xFFFFFF30] =	vst v0;
	v0 =	vmul.f32 $8.000000000e+00, v5  }
0x245: {  	[tilespmem:s24+$0xFFFFFF40] =	vst v2;
	v2 =	vmul.f32 $8.000000000e+00, v6;
	v5 =	vld [tilespmem:s24+$0xFFFFFFB0]  }
0x246: {  	v6 =	vld [tilespmem:s24+$0xFFFFFFC0];
	[tilespmem:s24+$0xFFFFFF50] =	vst v0;
	v0 =	vmul.f32 $8.000000000e+00, v7  }
0x247: {  	[tilespmem:s24+$0xFFFFFF60] =	vst v2;
	v2 =	vld [tilespmem:s24+$0xFFFFFFD0];
	v1 =	vmul.f32 $8.000000000e+00, v1  }
0x248: {  	[tilespmem:s24+$0xFFFFFF70] =	vst v0;
	v0 =	vmul.f32 $8.000000000e+00, v3;
	v3 =	vld [tilespmem:s24+$0xFFFFFFE0]  }
0x249: {  	[tilespmem:s24+$0xFFFFFF80] =	vst v1;
	v1 =	vmul.f32 $8.000000000e+00, v4;
	v4 =	vld [tilespmem:s24+$0xFFFFFFF0]  }
0x24a: {  	[tilespmem:s24+$0xFFFFFF90] =	vst v0;
	v0 =	vmul.f32 $8.000000000e+00, v5;
	v5 =	vld [tilespmem:s24+$0x0]  }
0x24b: {  	[tilespmem:s24+$0xFFFFFFA0] =	vst v1;
	v1 =	vmul.f32 $8.000000000e+00, v6;
	v6 =	vld [tilespmem:s24+$0x10]  }
0x24c: {  	[tilespmem:s24+$0xFFFFFFB0] =	vst v0;
	v0 =	vmul.f32 $8.000000000e+00, v2;
	v2 =	vld [tilespmem:s24+$0x20]  }
0x24d: {  	[tilespmem:s24+$0xFFFFFFC0] =	vst v1;
	v1 =	vmul.f32 $8.000000000e+00, v3;
	v3 =	vld [tilespmem:s24+$0x30]  }
0x24e: {  	[tilespmem:s24+$0xFFFFFFD0] =	vst v0;
	v0 =	vmul.f32 $8.000000000e+00, v4;
	v4 =	vld [tilespmem:s24+$0x40]  }
0x24f: {  	[tilespmem:s24+$0xFFFFFFE0] =	vst v1;
	v1 =	vmul.f32 $8.000000000e+00, v5;
	v5 =	vld [tilespmem:s24+$0x50]  }
0x250: {  	[tilespmem:s24+$0xFFFFFFF0] =	vst v0;
	v0 =	vmul.f32 $8.000000000e+00, v6;
	v6 =	vld [tilespmem:s24+$0x60]  }
0x251: {  	[tilespmem:s24+$0x0] =	vst v1;
	v1 =	vmul.f32 $8.000000000e+00, v2;
	v2 =	vld [tilespmem:s24+$0x70]  }
0x252: {  	[tilespmem:s24+$0x10] =	vst v0;
	v0 =	vmul.f32 $8.000000000e+00, v3;
	v3 =	vld [tilespmem:s24+$0x80]  }
0x253: {  	v7 =	vld [tilespmem:s24+$0x90];
	[tilespmem:s24+$0x20] =	vst v1;
	v1 =	vmul.f32 $8.000000000e+00, v4  }
0x254: {  	v8 =	vld [tilespmem:s24+$0xA0];
	[tilespmem:s24+$0x30] =	vst v0;
	v4 =	vmul.f32 $8.000000000e+00, v5  }
0x255: {  	v0 =	vld [tilespmem:s24+$0xB0];
	[tilespmem:s24+$0x40] =	vst v1;
	v5 =	vmul.f32 $8.000000000e+00, v6  }
0x256: {  	v1 =	vld [tilespmem:s24+$0xC0];
	[tilespmem:s24+$0x50] =	vst v4;
	v2 =	vmul.f32 $8.000000000e+00, v2  }
0x257: {  	v4 =	vld [tilespmem:s24+$0xD0];
	[tilespmem:s24+$0x60] =	vst v5;
	v6 =	vmul.f32 $8.000000000e+00, v3  }
0x258: {  	v5 =	vmul.f32 $8.000000000e+00, v7;
	[tilespmem:s24+$0x70] =	vst v2;
	v2 =	vld [tilespmem:s24+$0xE0]  }
0x259: {  	s20 =	simm.s32 $0x0;
	s1 =	simm.s32 $0x9900;
	v3 =	vld [tilespmem:s24+$0xFFFFFF00];
	[tilespmem:s24+$0x80] =	vst v6;
	v6 =	vmul.f32 $8.000000000e+00, v8  }
.LBB2_13:
0x25a: {  	v7 =	vld [tilespmem:s1+$0xF0];
	s20 =	sadd.s32 $0x8, s20;
	[tilespmem:s24+$0x90] =	vst v5;
	v0 =	vmul.f32 $8.000000000e+00, v0  }
0x25b: {  	v5 =	vld [tilespmem:s1+$0xFFFFFF10];
	p0 =	slt.u32 s20, $0xC0;
	[tilespmem:s24+$0xA0] =	vst v6;
	v1 =	vmul.f32 $8.000000000e+00, v1  }
0x25c: {  	v6 =	vld [tilespmem:s1+$0xFFFFFF20];
	[tilespmem:s24+$0xB0] =	vst v0;
	v0 =	vmul.f32 $8.000000000e+00, v4  }
0x25d: {  	v4 =	vld [tilespmem:s1+$0xFFFFFF30];
	[tilespmem:s24+$0xC0] =	vst v1;
	v1 =	vmul.f32 $8.000000000e+00, v2  }
0x25e: {  	v2 =	vld [tilespmem:s1+$0xFFFFFF40];
	v3 =	vmul.f32 $8.000000000e+00, v3;
	[tilespmem:s24+$0xD0] =	vst v0  }
0x25f: {  	v0 =	vld [tilespmem:s1+$0xFFFFFF50];
	v7 =	vmul.f32 $8.000000000e+00, v7;
	[tilespmem:s24+$0xE0] =	vst v1  }
0x260: {  	v1 =	vmul.f32 $8.000000000e+00, v5;
	v5 =	vld [tilespmem:s1+$0xFFFFFF60];
	[tilespmem:s24+$0xFFFFFF00] =	vst v3;
	s24 =	smov.u32 s1  }
0x261: {  	v3 =	vmul.f32 $8.000000000e+00, v6;
	v6 =	vld [tilespmem:s1+$0xFFFFFF70];
	[tilespmem:s1+$0xF0] =	vst v7  }
0x262: {  	[tilespmem:s1+$0xFFFFFF10] =	vst v1;
	v1 =	vmul.f32 $8.000000000e+00, v4;
	v4 =	vld [tilespmem:s1+$0xFFFFFF80]  }
0x263: {  	[tilespmem:s1+$0xFFFFFF20] =	vst v3;
	v2 =	vmul.f32 $8.000000000e+00, v2;
	v3 =	vld [tilespmem:s1+$0xFFFFFF90]  }
0x264: {  	[tilespmem:s1+$0xFFFFFF30] =	vst v1;
	v0 =	vmul.f32 $8.000000000e+00, v0;
	v1 =	vld [tilespmem:s1+$0xFFFFFFA0]  }
0x265: {  	[tilespmem:s1+$0xFFFFFF40] =	vst v2;
	v2 =	vmul.f32 $8.000000000e+00, v5;
	v5 =	vld [tilespmem:s1+$0xFFFFFFB0]  }
0x266: {  	[tilespmem:s1+$0xFFFFFF50] =	vst v0;
	v0 =	vmul.f32 $8.000000000e+00, v6;
	v6 =	vld [tilespmem:s1+$0xFFFFFFC0]  }
0x267: {  	[tilespmem:s1+$0xFFFFFF60] =	vst v2;
	v2 =	vmul.f32 $8.000000000e+00, v4;
	v4 =	vld [tilespmem:s1+$0xFFFFFFD0]  }
0x268: {  	[tilespmem:s1+$0xFFFFFF70] =	vst v0;
	v0 =	vmul.f32 $8.000000000e+00, v3;
	v3 =	vld [tilespmem:s1+$0xFFFFFFE0]  }
0x269: {  	[tilespmem:s1+$0xFFFFFF80] =	vst v2;
	v1 =	vmul.f32 $8.000000000e+00, v1;
	v2 =	vld [tilespmem:s1+$0xFFFFFFF0]  }
0x26a: {  	[tilespmem:s1+$0xFFFFFF90] =	vst v0;
	v0 =	vmul.f32 $8.000000000e+00, v5;
	v5 =	vld [tilespmem:s1+$0x0]  }
0x26b: {  	[tilespmem:s1+$0xFFFFFFA0] =	vst v1;
	v1 =	vmul.f32 $8.000000000e+00, v6;
	v6 =	vld [tilespmem:s1+$0x10]  }
0x26c: {  	[tilespmem:s1+$0xFFFFFFB0] =	vst v0;
	v0 =	vmul.f32 $8.000000000e+00, v4;
	v4 =	vld [tilespmem:s1+$0x20]  }
0x26d: {  	[tilespmem:s1+$0xFFFFFFC0] =	vst v1;
	v1 =	vmul.f32 $8.000000000e+00, v3;
	v3 =	vld [tilespmem:s1+$0x30]  }
0x26e: {  	[tilespmem:s1+$0xFFFFFFD0] =	vst v0;
	v0 =	vmul.f32 $8.000000000e+00, v2;
	v2 =	vld [tilespmem:s1+$0x40]  }
0x26f: {  	[tilespmem:s1+$0xFFFFFFE0] =	vst v1;
	v1 =	vmul.f32 $8.000000000e+00, v5;
	v5 =	vld [tilespmem:s1+$0x50]  }
0x270: {  	[tilespmem:s1+$0xFFFFFFF0] =	vst v0;
	v0 =	vmul.f32 $8.000000000e+00, v6;
	v6 =	vld [tilespmem:s1+$0x60]  }
0x271: {  	[tilespmem:s1+$0x0] =	vst v1;
	v1 =	vmul.f32 $8.000000000e+00, v4;
	v4 =	vld [tilespmem:s1+$0x70]  }
0x272: {  	[tilespmem:s1+$0x10] =	vst v0;
	v0 =	vmul.f32 $8.000000000e+00, v3;
	v3 =	vld [tilespmem:s1+$0x80]  }
0x273: {  	[tilespmem:s1+$0x20] =	vst v1;
	v1 =	vmul.f32 $8.000000000e+00, v2;
	v2 =	vld [tilespmem:s1+$0x90]  }
0x274: {  	[tilespmem:s1+$0x30] =	vst v0;
	v5 =	vmul.f32 $8.000000000e+00, v5;
	v7 =	vld [tilespmem:s1+$0xA0]  }
.Ltmp5:
0x275: {  	[tilespmem:s1+$0x40] =	vst v1;
	v6 =	vmul.f32 $8.000000000e+00, v6;
	v0 =	vld [tilespmem:s1+$0xB0];
	(pc) =	sbr.rel @p0 .LBB2_13-.Ltmp5, $4  }
0x276: {  	[tilespmem:s1+$0x50] =	vst v5;
	v5 =	vmul.f32 $8.000000000e+00, v4;
	v1 =	vld [tilespmem:s1+$0xC0]  }
0x277: {  	[tilespmem:s1+$0x60] =	vst v6;
	v6 =	vmul.f32 $8.000000000e+00, v3;
	v4 =	vld [tilespmem:s1+$0xD0]  }
0x278: {  	[tilespmem:s1+$0x70] =	vst v5;
	v5 =	vmul.f32 $8.000000000e+00, v2;
	v2 =	vld [tilespmem:s1+$0xE0]  }
0x279: {  	s1 =	sadd.s32 $0x200, s1;
	v3 =	vld [tilespmem:s24+$0xFFFFFF00];
	[tilespmem:s24+$0x80] =	vst v6;
	v6 =	vmul.f32 $8.000000000e+00, v7  }
0x27a: {  	[tilespmem:s24+$0x90] =	vst v5;
	v0 =	vmul.f32 $8.000000000e+00, v0  }
0x27b: {  	[tilespmem:s24+$0xA0] =	vst v6;
	v1 =	vmul.f32 $8.000000000e+00, v1  }
0x27c: {  	s0 =	sadd.s32 s0, s3;
	[tilespmem:s24+$0xB0] =	vst v0;
	v0 =	vmul.f32 $8.000000000e+00, v4  }
0x27d: {  	s0 =	smul.u32 $0xC80, s0;
	[tilespmem:s24+$0xC0] =	vst v1;
	v1 =	vmul.f32 $8.000000000e+00, v2  }
0x27e: {  	v2 =	vmul.f32 $8.000000000e+00, v3;
	[tilespmem:s24+$0xD0] =	vst v0  }
0x27f: {  	s20 =	sadd.s32 s5, s0;
	[tilespmem:s24+$0xE0] =	vst v1  }
0x280: {  	s1 =	smul.u32 $0xC80, s25;
	s0 =	sadd.s32 $0xC80, s20;
	[tilespmem:s24+$0xFFFFFF00] =	vst v2  }
0x281: {  	[hbm4b:s0+s7] =	stream.strided.scatter [tilespmem:s28], [sflag:$0x7], $0x3200, s8, s7, $0x38;
	[tilespmem:$0x12C00] =	vst v63  }
0x282: {  	_ =	swait.ge [sflag:s15], $0x3200  }
0x283: {  	s0 =	sshra.s32 s1, $0x2;
	[sflag:s15] =	ssyncset.done $0x0  }
0x284: {  	s1 =	sadd.s32 $0x320, s0;
	[sflag:s15] =	ssyncadd.s32 $0xFFFFCE00  }
0x285: {  	[tilespmem:s18], [sflag:$0x2] =	stream.indirect.gather [hbm4b:s4+s17], $0x40, s1, s17, $0xb8;
	[tilespmem:$0x12C00] =	vst v63  }
0x286: {  	s26 =	simm.s32 $0x6E00;
	s24 =	sadd.s32 $0x348, s0  }
0x287: {  	[tilespmem:s26], [sflag:$0x2] =	stream.indirect.gather [hbm4b:s4+s17], $0x40, s24, s17, $0xb8;
	[tilespmem:$0x12C00] =	vst v63  }
0x288: {  	s24 =	sadd.s32 $0x370, s0;
	s26 =	simm.s32 $0x7800  }
0x289: {  	[tilespmem:s26], [sflag:$0x2] =	stream.indirect.gather [hbm4b:s4+s17], $0x40, s24, s17, $0xb8;
	[tilespmem:$0x12C00] =	vst v63  }
0x28a: {  	s24 =	sadd.s32 $0x398, s0;
	s26 =	simm.s32 $0x8200  }
0x28b: {  	[tilespmem:s26], [sflag:$0x2] =	stream.indirect.gather [hbm4b:s4+s17], $0x40, s24, s17, $0xb8;
	[tilespmem:$0x12C00] =	vst v63  }
0x28c: {  	s24 =	sadd.s32 $0x3C0, s0;
	s26 =	simm.s32 $0x8C00  }
0x28d: {  	[tilespmem:s26], [sflag:$0x2] =	stream.indirect.gather [hbm4b:s4+s17], $0x40, s24, s17, $0xb8;
	[tilespmem:$0x12C00] =	vst v63  }
0x28e: {  	_ =	swait.ge [sflag:s6], $0xA00  }
0x28f: {  	[sflag:s6] =	ssyncset.done $0x0  }
0x290: {  	[sflag:s6] =	ssyncadd.s32 $0xFFFFF600  }
0x291: {  	_ =	swait.ge [sflag:s6], $0xA00  }
0x292: {  	[sflag:s6] =	ssyncset.done $0x0  }
0x293: {  	[sflag:s6] =	ssyncadd.s32 $0xFFFFF600  }
0x294: {  	_ =	swait.ge [sflag:s6], $0xA00  }
0x295: {  	[sflag:s6] =	ssyncset.done $0x0  }
0x296: {  	[sflag:s6] =	ssyncadd.s32 $0xFFFFF600  }
0x297: {  	_ =	swait.ge [sflag:s6], $0xA00  }
0x298: {  	[sflag:s6] =	ssyncset.done $0x0  }
0x299: {  	[sflag:s6] =	ssyncadd.s32 $0xFFFFF600  }
0x29a: {  	_ =	swait.ge [sflag:s6], $0xA00  }
0x29b: {  	[sflag:s6] =	ssyncset.done $0x0  }
0x29c: {  	s24 =	simm.s32 $0xC900;
	[sflag:s6] =	ssyncadd.s32 $0xFFFFF600  }
0x29d: {  	v0 =	vld [tilespmem:s24+$0xF0]  }
0x29e: {  	v1 =	vld [tilespmem:s24+$0xFFFFFF10]  }
0x29f: {  	v2 =	vld [tilespmem:s24+$0xFFFFFF20]  }
0x2a0: {  	v3 =	vld [tilespmem:s24+$0xFFFFFF30]  }
0x2a1: {  	v4 =	vld [tilespmem:s24+$0xFFFFFF40]  }
0x2a2: {  	v5 =	vld [tilespmem:s24+$0xFFFFFF50];
	v0 =	vmul.f32 $8.000000000e+00, v0  }
0x2a3: {  	v6 =	vld [tilespmem:s24+$0xFFFFFF60];
	v1 =	vmul.f32 $8.000000000e+00, v1  }
0x2a4: {  	v7 =	vld [tilespmem:s24+$0xFFFFFF70];
	v2 =	vmul.f32 $8.000000000e+00, v2;
	[tilespmem:s24+$0xF0] =	vst v0  }
0x2a5: {  	[tilespmem:s24+$0xFFFFFF10] =	vst v1;
	v0 =	vmul.f32 $8.000000000e+00, v3;
	v1 =	vld [tilespmem:s24+$0xFFFFFF80]  }
0x2a6: {  	[tilespmem:s24+$0xFFFFFF20] =	vst v2;
	v2 =	vmul.f32 $8.000000000e+00, v4;
	v3 =	vld [tilespmem:s24+$0xFFFFFF90]  }
0x2a7: {  	v4 =	vld [tilespmem:s24+$0xFFFFFFA0];
	[tilespmem:s24+$0xFFFFFF30] =	vst v0;
	v0 =	vmul.f32 $8.000000000e+00, v5  }
0x2a8: {  	[tilespmem:s24+$0xFFFFFF40] =	vst v2;
	v2 =	vmul.f32 $8.000000000e+00, v6;
	v5 =	vld [tilespmem:s24+$0xFFFFFFB0]  }
0x2a9: {  	v6 =	vld [tilespmem:s24+$0xFFFFFFC0];
	[tilespmem:s24+$0xFFFFFF50] =	vst v0;
	v0 =	vmul.f32 $8.000000000e+00, v7  }
0x2aa: {  	[tilespmem:s24+$0xFFFFFF60] =	vst v2;
	v2 =	vld [tilespmem:s24+$0xFFFFFFD0];
	v1 =	vmul.f32 $8.000000000e+00, v1  }
0x2ab: {  	[tilespmem:s24+$0xFFFFFF70] =	vst v0;
	v0 =	vmul.f32 $8.000000000e+00, v3;
	v3 =	vld [tilespmem:s24+$0xFFFFFFE0]  }
0x2ac: {  	[tilespmem:s24+$0xFFFFFF80] =	vst v1;
	v1 =	vmul.f32 $8.000000000e+00, v4;
	v4 =	vld [tilespmem:s24+$0xFFFFFFF0]  }
0x2ad: {  	[tilespmem:s24+$0xFFFFFF90] =	vst v0;
	v0 =	vmul.f32 $8.000000000e+00, v5;
	v5 =	vld [tilespmem:s24+$0x0]  }
0x2ae: {  	[tilespmem:s24+$0xFFFFFFA0] =	vst v1;
	v1 =	vmul.f32 $8.000000000e+00, v6;
	v6 =	vld [tilespmem:s24+$0x10]  }
0x2af: {  	[tilespmem:s24+$0xFFFFFFB0] =	vst v0;
	v0 =	vmul.f32 $8.000000000e+00, v2;
	v2 =	vld [tilespmem:s24+$0x20]  }
0x2b0: {  	[tilespmem:s24+$0xFFFFFFC0] =	vst v1;
	v1 =	vmul.f32 $8.000000000e+00, v3;
	v3 =	vld [tilespmem:s24+$0x30]  }
0x2b1: {  	[tilespmem:s24+$0xFFFFFFD0] =	vst v0;
	v0 =	vmul.f32 $8.000000000e+00, v4;
	v4 =	vld [tilespmem:s24+$0x40]  }
0x2b2: {  	[tilespmem:s24+$0xFFFFFFE0] =	vst v1;
	v1 =	vmul.f32 $8.000000000e+00, v5;
	v5 =	vld [tilespmem:s24+$0x50]  }
0x2b3: {  	[tilespmem:s24+$0xFFFFFFF0] =	vst v0;
	v0 =	vmul.f32 $8.000000000e+00, v6;
	v6 =	vld [tilespmem:s24+$0x60]  }
0x2b4: {  	[tilespmem:s24+$0x0] =	vst v1;
	v1 =	vmul.f32 $8.000000000e+00, v2;
	v2 =	vld [tilespmem:s24+$0x70]  }
0x2b5: {  	[tilespmem:s24+$0x10] =	vst v0;
	v0 =	vmul.f32 $8.000000000e+00, v3;
	v3 =	vld [tilespmem:s24+$0x80]  }
0x2b6: {  	[tilespmem:s24+$0x20] =	vst v1;
	v1 =	vmul.f32 $8.000000000e+00, v4;
	v4 =	vld [tilespmem:s24+$0x90]  }
0x2b7: {  	v7 =	vld [tilespmem:s24+$0xA0];
	[tilespmem:s24+$0x30] =	vst v0;
	v5 =	vmul.f32 $8.000000000e+00, v5  }
0x2b8: {  	v0 =	vld [tilespmem:s24+$0xB0];
	[tilespmem:s24+$0x40] =	vst v1;
	v6 =	vmul.f32 $8.000000000e+00, v6  }
0x2b9: {  	v1 =	vld [tilespmem:s24+$0xC0];
	[tilespmem:s24+$0x50] =	vst v5;
	v5 =	vmul.f32 $8.000000000e+00, v2  }
0x2ba: {  	v2 =	vld [tilespmem:s24+$0xD0];
	[tilespmem:s24+$0x60] =	vst v6;
	v6 =	vmul.f32 $8.000000000e+00, v3  }
0x2bb: {  	v3 =	vld [tilespmem:s24+$0xE0];
	[tilespmem:s24+$0x70] =	vst v5;
	v5 =	vmul.f32 $8.000000000e+00, v4  }
0x2bc: {  	s1 =	simm.s32 $0x0;
	s26 =	simm.s32 $0xCB00;
	v4 =	vld [tilespmem:s24+$0xFFFFFF00];
	[tilespmem:s24+$0x80] =	vst v6;
	v6 =	vmul.f32 $8.000000000e+00, v7  }
.LBB2_15:
0x2bd: {  	v7 =	vld [tilespmem:s26+$0xF0];
	s1 =	sadd.s32 $0x8, s1;
	[tilespmem:s24+$0x90] =	vst v5;
	v0 =	vmul.f32 $8.000000000e+00, v0  }
0x2be: {  	v5 =	vld [tilespmem:s26+$0xFFFFFF10];
	p0 =	slt.u32 s1, $0xC0;
	[tilespmem:s24+$0xA0] =	vst v6;
	v1 =	vmul.f32 $8.000000000e+00, v1  }
0x2bf: {  	v6 =	vld [tilespmem:s26+$0xFFFFFF20];
	[tilespmem:s24+$0xB0] =	vst v0;
	v0 =	vmul.f32 $8.000000000e+00, v2  }
0x2c0: {  	v2 =	vld [tilespmem:s26+$0xFFFFFF30];
	[tilespmem:s24+$0xC0] =	vst v1;
	v1 =	vmul.f32 $8.000000000e+00, v3  }
0x2c1: {  	v3 =	vld [tilespmem:s26+$0xFFFFFF40];
	v4 =	vmul.f32 $8.000000000e+00, v4;
	[tilespmem:s24+$0xD0] =	vst v0  }
0x2c2: {  	v0 =	vld [tilespmem:s26+$0xFFFFFF50];
	v7 =	vmul.f32 $8.000000000e+00, v7;
	[tilespmem:s24+$0xE0] =	vst v1  }
0x2c3: {  	v1 =	vmul.f32 $8.000000000e+00, v5;
	v5 =	vld [tilespmem:s26+$0xFFFFFF60];
	[tilespmem:s24+$0xFFFFFF00] =	vst v4;
	s24 =	smov.u32 s26  }
0x2c4: {  	v4 =	vmul.f32 $8.000000000e+00, v6;
	v6 =	vld [tilespmem:s26+$0xFFFFFF70];
	[tilespmem:s26+$0xF0] =	vst v7  }
0x2c5: {  	[tilespmem:s26+$0xFFFFFF10] =	vst v1;
	v1 =	vmul.f32 $8.000000000e+00, v2;
	v2 =	vld [tilespmem:s26+$0xFFFFFF80]  }
0x2c6: {  	[tilespmem:s26+$0xFFFFFF20] =	vst v4;
	v3 =	vmul.f32 $8.000000000e+00, v3;
	v4 =	vld [tilespmem:s26+$0xFFFFFF90]  }
0x2c7: {  	[tilespmem:s26+$0xFFFFFF30] =	vst v1;
	v0 =	vmul.f32 $8.000000000e+00, v0;
	v1 =	vld [tilespmem:s26+$0xFFFFFFA0]  }
0x2c8: {  	[tilespmem:s26+$0xFFFFFF40] =	vst v3;
	v3 =	vmul.f32 $8.000000000e+00, v5;
	v5 =	vld [tilespmem:s26+$0xFFFFFFB0]  }
0x2c9: {  	[tilespmem:s26+$0xFFFFFF50] =	vst v0;
	v0 =	vmul.f32 $8.000000000e+00, v6;
	v6 =	vld [tilespmem:s26+$0xFFFFFFC0]  }
0x2ca: {  	[tilespmem:s26+$0xFFFFFF60] =	vst v3;
	v2 =	vmul.f32 $8.000000000e+00, v2;
	v3 =	vld [tilespmem:s26+$0xFFFFFFD0]  }
0x2cb: {  	[tilespmem:s26+$0xFFFFFF70] =	vst v0;
	v0 =	vmul.f32 $8.000000000e+00, v4;
	v4 =	vld [tilespmem:s26+$0xFFFFFFE0]  }
0x2cc: {  	[tilespmem:s26+$0xFFFFFF80] =	vst v2;
	v1 =	vmul.f32 $8.000000000e+00, v1;
	v2 =	vld [tilespmem:s26+$0xFFFFFFF0]  }
0x2cd: {  	[tilespmem:s26+$0xFFFFFF90] =	vst v0;
	v0 =	vmul.f32 $8.000000000e+00, v5;
	v5 =	vld [tilespmem:s26+$0x0]  }
0x2ce: {  	[tilespmem:s26+$0xFFFFFFA0] =	vst v1;
	v1 =	vmul.f32 $8.000000000e+00, v6;
	v6 =	vld [tilespmem:s26+$0x10]  }
0x2cf: {  	[tilespmem:s26+$0xFFFFFFB0] =	vst v0;
	v0 =	vmul.f32 $8.000000000e+00, v3;
	v3 =	vld [tilespmem:s26+$0x20]  }
0x2d0: {  	[tilespmem:s26+$0xFFFFFFC0] =	vst v1;
	v1 =	vmul.f32 $8.000000000e+00, v4;
	v4 =	vld [tilespmem:s26+$0x30]  }
0x2d1: {  	[tilespmem:s26+$0xFFFFFFD0] =	vst v0;
	v0 =	vmul.f32 $8.000000000e+00, v2;
	v2 =	vld [tilespmem:s26+$0x40]  }
0x2d2: {  	[tilespmem:s26+$0xFFFFFFE0] =	vst v1;
	v1 =	vmul.f32 $8.000000000e+00, v5;
	v5 =	vld [tilespmem:s26+$0x50]  }
0x2d3: {  	[tilespmem:s26+$0xFFFFFFF0] =	vst v0;
	v0 =	vmul.f32 $8.000000000e+00, v6;
	v6 =	vld [tilespmem:s26+$0x60]  }
0x2d4: {  	[tilespmem:s26+$0x0] =	vst v1;
	v1 =	vmul.f32 $8.000000000e+00, v3;
	v3 =	vld [tilespmem:s26+$0x70]  }
0x2d5: {  	[tilespmem:s26+$0x10] =	vst v0;
	v0 =	vmul.f32 $8.000000000e+00, v4;
	v4 =	vld [tilespmem:s26+$0x80]  }
0x2d6: {  	[tilespmem:s26+$0x20] =	vst v1;
	v1 =	vmul.f32 $8.000000000e+00, v2;
	v7 =	vld [tilespmem:s26+$0x90]  }
0x2d7: {  	[tilespmem:s26+$0x30] =	vst v0;
	v2 =	vmul.f32 $8.000000000e+00, v5;
	v8 =	vld [tilespmem:s26+$0xA0]  }
.Ltmp6:
0x2d8: {  	[tilespmem:s26+$0x40] =	vst v1;
	v5 =	vmul.f32 $8.000000000e+00, v6;
	v0 =	vld [tilespmem:s26+$0xB0];
	(pc) =	sbr.rel @p0 .LBB2_15-.Ltmp6, $4  }
0x2d9: {  	[tilespmem:s26+$0x50] =	vst v2;
	v3 =	vmul.f32 $8.000000000e+00, v3;
	v1 =	vld [tilespmem:s26+$0xC0]  }
0x2da: {  	[tilespmem:s26+$0x60] =	vst v5;
	v6 =	vmul.f32 $8.000000000e+00, v4;
	v2 =	vld [tilespmem:s26+$0xD0]  }
0x2db: {  	[tilespmem:s26+$0x70] =	vst v3;
	v5 =	vmul.f32 $8.000000000e+00, v7;
	v3 =	vld [tilespmem:s26+$0xE0]  }
0x2dc: {  	s26 =	sadd.s32 $0x200, s26;
	v4 =	vld [tilespmem:s24+$0xFFFFFF00];
	[tilespmem:s24+$0x80] =	vst v6;
	v6 =	vmul.f32 $8.000000000e+00, v8  }
0x2dd: {  	[tilespmem:s24+$0x90] =	vst v5;
	v0 =	vmul.f32 $8.000000000e+00, v0  }
0x2de: {  	[tilespmem:s24+$0xA0] =	vst v6;
	v1 =	vmul.f32 $8.000000000e+00, v1  }
0x2df: {  	[tilespmem:s24+$0xB0] =	vst v0;
	v0 =	vmul.f32 $8.000000000e+00, v2  }
0x2e0: {  	[tilespmem:s24+$0xC0] =	vst v1;
	v1 =	vmul.f32 $8.000000000e+00, v3  }
0x2e1: {  	v2 =	vmul.f32 $8.000000000e+00, v4;
	[tilespmem:s24+$0xD0] =	vst v0  }
0x2e2: {  	[tilespmem:s24+$0xE0] =	vst v1  }
0x2e3: {  	s1 =	sadd.s32 $0x1900, s20;
	[tilespmem:s24+$0xFFFFFF00] =	vst v2  }
0x2e4: {  	[hbm4b:s1+s7] =	stream.strided.scatter [tilespmem:s29], [sflag:$0x8], $0x3200, s8, s7, $0x38;
	[tilespmem:$0x12C00] =	vst v63  }
0x2e5: {  	_ =	swait.ge [sflag:s16], $0x3200  }
0x2e6: {  	[sflag:s16] =	ssyncset.done $0x0  }
0x2e7: {  	s20 =	sadd.s32 $0x3E8, s0;
	[sflag:s16] =	ssyncadd.s32 $0xFFFFCE00  }
0x2e8: {  	[tilespmem:s28], [sflag:$0x3] =	stream.indirect.gather [hbm4b:s4+s17], $0x40, s20, s17, $0xb8;
	[tilespmem:$0x12C00] =	vst v63  }
0x2e9: {  	s26 =	simm.s32 $0xA000;
	s24 =	sadd.s32 $0x410, s0  }
0x2ea: {  	[tilespmem:s26], [sflag:$0x3] =	stream.indirect.gather [hbm4b:s4+s17], $0x40, s24, s17, $0xb8;
	[tilespmem:$0x12C00] =	vst v63  }
0x2eb: {  	s24 =	sadd.s32 $0x438, s0;
	s26 =	simm.s32 $0xAA00  }
0x2ec: {  	[tilespmem:s26], [sflag:$0x3] =	stream.indirect.gather [hbm4b:s4+s17], $0x40, s24, s17, $0xb8;
	[tilespmem:$0x12C00] =	vst v63  }
0x2ed: {  	s24 =	sadd.s32 $0x460, s0;
	s26 =	simm.s32 $0xB400  }
0x2ee: {  	[tilespmem:s26], [sflag:$0x3] =	stream.indirect.gather [hbm4b:s4+s17], $0x40, s24, s17, $0xb8;
	[tilespmem:$0x12C00] =	vst v63  }
0x2ef: {  	s24 =	sadd.s32 $0x488, s0;
	s26 =	simm.s32 $0xBE00  }
0x2f0: {  	[tilespmem:s26], [sflag:$0x3] =	stream.indirect.gather [hbm4b:s4+s17], $0x40, s24, s17, $0xb8;
	[tilespmem:$0x12C00] =	vst v63  }
0x2f1: {  	_ =	swait.ge [sflag:s19], $0xA00  }
0x2f2: {  	[sflag:s19] =	ssyncset.done $0x0  }
0x2f3: {  	[sflag:s19] =	ssyncadd.s32 $0xFFFFF600  }
0x2f4: {  	_ =	swait.ge [sflag:s19], $0xA00  }
0x2f5: {  	[sflag:s19] =	ssyncset.done $0x0  }
0x2f6: {  	[sflag:s19] =	ssyncadd.s32 $0xFFFFF600  }
0x2f7: {  	_ =	swait.ge [sflag:s19], $0xA00  }
0x2f8: {  	[sflag:s19] =	ssyncset.done $0x0  }
0x2f9: {  	[sflag:s19] =	ssyncadd.s32 $0xFFFFF600  }
0x2fa: {  	_ =	swait.ge [sflag:s19], $0xA00  }
0x2fb: {  	[sflag:s19] =	ssyncset.done $0x0  }
0x2fc: {  	[sflag:s19] =	ssyncadd.s32 $0xFFFFF600  }
0x2fd: {  	_ =	swait.ge [sflag:s19], $0xA00  }
0x2fe: {  	[sflag:s19] =	ssyncset.done $0x0  }
0x2ff: {  	s20 =	simm.s32 $0xFB00;
	[sflag:s19] =	ssyncadd.s32 $0xFFFFF600  }
0x300: {  	v0 =	vld [tilespmem:s20+$0xF0]  }
0x301: {  	v1 =	vld [tilespmem:s20+$0xFFFFFF10]  }
0x302: {  	v2 =	vld [tilespmem:s20+$0xFFFFFF20]  }
0x303: {  	v3 =	vld [tilespmem:s20+$0xFFFFFF30]  }
0x304: {  	v4 =	vld [tilespmem:s20+$0xFFFFFF40]  }
0x305: {  	v5 =	vld [tilespmem:s20+$0xFFFFFF50];
	v0 =	vmul.f32 $8.000000000e+00, v0  }
0x306: {  	v6 =	vld [tilespmem:s20+$0xFFFFFF60];
	v1 =	vmul.f32 $8.000000000e+00, v1  }
0x307: {  	v7 =	vld [tilespmem:s20+$0xFFFFFF70];
	v2 =	vmul.f32 $8.000000000e+00, v2;
	[tilespmem:s20+$0xF0] =	vst v0  }
0x308: {  	[tilespmem:s20+$0xFFFFFF10] =	vst v1;
	v0 =	vmul.f32 $8.000000000e+00, v3;
	v1 =	vld [tilespmem:s20+$0xFFFFFF80]  }
0x309: {  	[tilespmem:s20+$0xFFFFFF20] =	vst v2;
	v2 =	vmul.f32 $8.000000000e+00, v4;
	v3 =	vld [tilespmem:s20+$0xFFFFFF90]  }
0x30a: {  	v4 =	vld [tilespmem:s20+$0xFFFFFFA0];
	[tilespmem:s20+$0xFFFFFF30] =	vst v0;
	v0 =	vmul.f32 $8.000000000e+00, v5  }
0x30b: {  	[tilespmem:s20+$0xFFFFFF40] =	vst v2;
	v2 =	vmul.f32 $8.000000000e+00, v6;
	v5 =	vld [tilespmem:s20+$0xFFFFFFB0]  }
0x30c: {  	v6 =	vld [tilespmem:s20+$0xFFFFFFC0];
	[tilespmem:s20+$0xFFFFFF50] =	vst v0;
	v0 =	vmul.f32 $8.000000000e+00, v7  }
0x30d: {  	[tilespmem:s20+$0xFFFFFF60] =	vst v2;
	v2 =	vld [tilespmem:s20+$0xFFFFFFD0];
	v1 =	vmul.f32 $8.000000000e+00, v1  }
0x30e: {  	[tilespmem:s20+$0xFFFFFF70] =	vst v0;
	v0 =	vmul.f32 $8.000000000e+00, v3;
	v3 =	vld [tilespmem:s20+$0xFFFFFFE0]  }
0x30f: {  	[tilespmem:s20+$0xFFFFFF80] =	vst v1;
	v1 =	vmul.f32 $8.000000000e+00, v4;
	v4 =	vld [tilespmem:s20+$0xFFFFFFF0]  }
0x310: {  	[tilespmem:s20+$0xFFFFFF90] =	vst v0;
	v0 =	vmul.f32 $8.000000000e+00, v5;
	v5 =	vld [tilespmem:s20+$0x0]  }
0x311: {  	[tilespmem:s20+$0xFFFFFFA0] =	vst v1;
	v1 =	vmul.f32 $8.000000000e+00, v6;
	v6 =	vld [tilespmem:s20+$0x10]  }
0x312: {  	[tilespmem:s20+$0xFFFFFFB0] =	vst v0;
	v0 =	vmul.f32 $8.000000000e+00, v2;
	v2 =	vld [tilespmem:s20+$0x20]  }
0x313: {  	[tilespmem:s20+$0xFFFFFFC0] =	vst v1;
	v1 =	vmul.f32 $8.000000000e+00, v3;
	v3 =	vld [tilespmem:s20+$0x30]  }
0x314: {  	[tilespmem:s20+$0xFFFFFFD0] =	vst v0;
	v0 =	vmul.f32 $8.000000000e+00, v4;
	v4 =	vld [tilespmem:s20+$0x40]  }
0x315: {  	[tilespmem:s20+$0xFFFFFFE0] =	vst v1;
	v1 =	vmul.f32 $8.000000000e+00, v5;
	v5 =	vld [tilespmem:s20+$0x50]  }
0x316: {  	[tilespmem:s20+$0xFFFFFFF0] =	vst v0;
	v0 =	vmul.f32 $8.000000000e+00, v6;
	v6 =	vld [tilespmem:s20+$0x60]  }
0x317: {  	[tilespmem:s20+$0x0] =	vst v1;
	v1 =	vmul.f32 $8.000000000e+00, v2;
	v2 =	vld [tilespmem:s20+$0x70]  }
0x318: {  	[tilespmem:s20+$0x10] =	vst v0;
	v0 =	vmul.f32 $8.000000000e+00, v3;
	v3 =	vld [tilespmem:s20+$0x80]  }
0x319: {  	[tilespmem:s20+$0x20] =	vst v1;
	v1 =	vmul.f32 $8.000000000e+00, v4;
	v4 =	vld [tilespmem:s20+$0x90]  }
0x31a: {  	v7 =	vld [tilespmem:s20+$0xA0];
	[tilespmem:s20+$0x30] =	vst v0;
	v5 =	vmul.f32 $8.000000000e+00, v5  }
0x31b: {  	v0 =	vld [tilespmem:s20+$0xB0];
	[tilespmem:s20+$0x40] =	vst v1;
	v6 =	vmul.f32 $8.000000000e+00, v6  }
0x31c: {  	v1 =	vld [tilespmem:s20+$0xC0];
	[tilespmem:s20+$0x50] =	vst v5;
	v5 =	vmul.f32 $8.000000000e+00, v2  }
0x31d: {  	v2 =	vld [tilespmem:s20+$0xD0];
	[tilespmem:s20+$0x60] =	vst v6;
	v6 =	vmul.f32 $8.000000000e+00, v3  }
0x31e: {  	v3 =	vld [tilespmem:s20+$0xE0];
	[tilespmem:s20+$0x70] =	vst v5;
	v5 =	vmul.f32 $8.000000000e+00, v4  }
0x31f: {  	s1 =	simm.s32 $0x0;
	s24 =	simm.s32 $0xFD00;
	v4 =	vld [tilespmem:s20+$0xFFFFFF00];
	[tilespmem:s20+$0x80] =	vst v6;
	v6 =	vmul.f32 $8.000000000e+00, v7  }
.LBB2_17:
0x320: {  	v7 =	vld [tilespmem:s24+$0xF0];
	s1 =	sadd.s32 $0x8, s1;
	[tilespmem:s20+$0x90] =	vst v5;
	v0 =	vmul.f32 $8.000000000e+00, v0  }
0x321: {  	v5 =	vld [tilespmem:s24+$0xFFFFFF10];
	p0 =	slt.u32 s1, $0xC0;
	[tilespmem:s20+$0xA0] =	vst v6;
	v1 =	vmul.f32 $8.000000000e+00, v1  }
0x322: {  	v6 =	vld [tilespmem:s24+$0xFFFFFF20];
	[tilespmem:s20+$0xB0] =	vst v0;
	v0 =	vmul.f32 $8.000000000e+00, v2  }
0x323: {  	v2 =	vld [tilespmem:s24+$0xFFFFFF30];
	[tilespmem:s20+$0xC0] =	vst v1;
	v1 =	vmul.f32 $8.000000000e+00, v3  }
0x324: {  	v3 =	vld [tilespmem:s24+$0xFFFFFF40];
	v4 =	vmul.f32 $8.000000000e+00, v4;
	[tilespmem:s20+$0xD0] =	vst v0  }
0x325: {  	v0 =	vld [tilespmem:s24+$0xFFFFFF50];
	v7 =	vmul.f32 $8.000000000e+00, v7;
	[tilespmem:s20+$0xE0] =	vst v1  }
0x326: {  	v1 =	vmul.f32 $8.000000000e+00, v5;
	v5 =	vld [tilespmem:s24+$0xFFFFFF60];
	[tilespmem:s20+$0xFFFFFF00] =	vst v4;
	s20 =	smov.u32 s24  }
0x327: {  	v4 =	vmul.f32 $8.000000000e+00, v6;
	v6 =	vld [tilespmem:s24+$0xFFFFFF70];
	[tilespmem:s24+$0xF0] =	vst v7  }
0x328: {  	[tilespmem:s24+$0xFFFFFF10] =	vst v1;
	v1 =	vmul.f32 $8.000000000e+00, v2;
	v2 =	vld [tilespmem:s24+$0xFFFFFF80]  }
0x329: {  	[tilespmem:s24+$0xFFFFFF20] =	vst v4;
	v3 =	vmul.f32 $8.000000000e+00, v3;
	v4 =	vld [tilespmem:s24+$0xFFFFFF90]  }
0x32a: {  	[tilespmem:s24+$0xFFFFFF30] =	vst v1;
	v0 =	vmul.f32 $8.000000000e+00, v0;
	v1 =	vld [tilespmem:s24+$0xFFFFFFA0]  }
0x32b: {  	[tilespmem:s24+$0xFFFFFF40] =	vst v3;
	v3 =	vmul.f32 $8.000000000e+00, v5;
	v5 =	vld [tilespmem:s24+$0xFFFFFFB0]  }
0x32c: {  	[tilespmem:s24+$0xFFFFFF50] =	vst v0;
	v0 =	vmul.f32 $8.000000000e+00, v6;
	v6 =	vld [tilespmem:s24+$0xFFFFFFC0]  }
0x32d: {  	[tilespmem:s24+$0xFFFFFF60] =	vst v3;
	v2 =	vmul.f32 $8.000000000e+00, v2;
	v3 =	vld [tilespmem:s24+$0xFFFFFFD0]  }
0x32e: {  	[tilespmem:s24+$0xFFFFFF70] =	vst v0;
	v0 =	vmul.f32 $8.000000000e+00, v4;
	v4 =	vld [tilespmem:s24+$0xFFFFFFE0]  }
0x32f: {  	[tilespmem:s24+$0xFFFFFF80] =	vst v2;
	v1 =	vmul.f32 $8.000000000e+00, v1;
	v2 =	vld [tilespmem:s24+$0xFFFFFFF0]  }
0x330: {  	[tilespmem:s24+$0xFFFFFF90] =	vst v0;
	v0 =	vmul.f32 $8.000000000e+00, v5;
	v5 =	vld [tilespmem:s24+$0x0]  }
0x331: {  	[tilespmem:s24+$0xFFFFFFA0] =	vst v1;
	v1 =	vmul.f32 $8.000000000e+00, v6;
	v6 =	vld [tilespmem:s24+$0x10]  }
0x332: {  	[tilespmem:s24+$0xFFFFFFB0] =	vst v0;
	v0 =	vmul.f32 $8.000000000e+00, v3;
	v3 =	vld [tilespmem:s24+$0x20]  }
0x333: {  	[tilespmem:s24+$0xFFFFFFC0] =	vst v1;
	v1 =	vmul.f32 $8.000000000e+00, v4;
	v4 =	vld [tilespmem:s24+$0x30]  }
0x334: {  	[tilespmem:s24+$0xFFFFFFD0] =	vst v0;
	v0 =	vmul.f32 $8.000000000e+00, v2;
	v2 =	vld [tilespmem:s24+$0x40]  }
0x335: {  	[tilespmem:s24+$0xFFFFFFE0] =	vst v1;
	v1 =	vmul.f32 $8.000000000e+00, v5;
	v5 =	vld [tilespmem:s24+$0x50]  }
0x336: {  	[tilespmem:s24+$0xFFFFFFF0] =	vst v0;
	v0 =	vmul.f32 $8.000000000e+00, v6;
	v6 =	vld [tilespmem:s24+$0x60]  }
0x337: {  	[tilespmem:s24+$0x0] =	vst v1;
	v1 =	vmul.f32 $8.000000000e+00, v3;
	v3 =	vld [tilespmem:s24+$0x70]  }
0x338: {  	[tilespmem:s24+$0x10] =	vst v0;
	v0 =	vmul.f32 $8.000000000e+00, v4;
	v4 =	vld [tilespmem:s24+$0x80]  }
0x339: {  	[tilespmem:s24+$0x20] =	vst v1;
	v1 =	vmul.f32 $8.000000000e+00, v2;
	v7 =	vld [tilespmem:s24+$0x90]  }
0x33a: {  	[tilespmem:s24+$0x30] =	vst v0;
	v2 =	vmul.f32 $8.000000000e+00, v5;
	v8 =	vld [tilespmem:s24+$0xA0]  }
.Ltmp7:
0x33b: {  	[tilespmem:s24+$0x40] =	vst v1;
	v5 =	vmul.f32 $8.000000000e+00, v6;
	v0 =	vld [tilespmem:s24+$0xB0];
	(pc) =	sbr.rel @p0 .LBB2_17-.Ltmp7, $4  }
0x33c: {  	[tilespmem:s24+$0x50] =	vst v2;
	v3 =	vmul.f32 $8.000000000e+00, v3;
	v1 =	vld [tilespmem:s24+$0xC0]  }
0x33d: {  	[tilespmem:s24+$0x60] =	vst v5;
	v6 =	vmul.f32 $8.000000000e+00, v4;
	v2 =	vld [tilespmem:s24+$0xD0]  }
0x33e: {  	[tilespmem:s24+$0x70] =	vst v3;
	v5 =	vmul.f32 $8.000000000e+00, v7;
	v3 =	vld [tilespmem:s24+$0xE0]  }
0x33f: {  	s24 =	sadd.s32 $0x200, s24;
	v4 =	vld [tilespmem:s20+$0xFFFFFF00];
	[tilespmem:s20+$0x80] =	vst v6;
	v6 =	vmul.f32 $8.000000000e+00, v8  }
0x340: {  	[tilespmem:s20+$0x90] =	vst v5;
	v0 =	vmul.f32 $8.000000000e+00, v0  }
0x341: {  	[tilespmem:s20+$0xA0] =	vst v6;
	v1 =	vmul.f32 $8.000000000e+00, v1  }
0x342: {  	[tilespmem:s20+$0xB0] =	vst v0;
	v61 =	vmul.f32 $8.000000000e+00, v2  }
0x343: {  	s1 =	sadd.s32 s3, s30;
	[tilespmem:s20+$0xC0] =	vst v1;
	v62 =	vmul.f32 $8.000000000e+00, v3  }
0x344: {  	s1 =	smul.u32 $0xC80, s1;
	v63 =	vmul.f32 $8.000000000e+00, v4;
	[tilespmem:s20+$0xD0] =	vst v61  }
0x345: {  	[tilespmem:s20+$0xE0] =	vst v62  }
0x346: {  	s1 =	sadd.s32 s5, s1;
	[tilespmem:s20+$0xFFFFFF00] =	vst v63  }
0x347: {  	[hbm4b:s1+s7] =	stream.strided.scatter [tilespmem:s9], [sflag:$0x9], $0x3200, s8, s7, $0x38;
	[tilespmem:$0x12C00] =	vst v63  }
0x348: {  	_ =	swait.ge [sflag:s21], $0x3200  }
0x349: {  	[sflag:s21] =	ssyncset.done $0x0  }
0x34a: {  	s24 =	sadd.s32 $0x4B0, s0;
	[sflag:s21] =	ssyncadd.s32 $0xFFFFCE00  }
0x34b: {  	[tilespmem:s29], [sflag:$0x4] =	stream.indirect.gather [hbm4b:s4+s17], $0x40, s24, s17, $0xb8;
	[tilespmem:$0x12C00] =	vst v63  }
0x34c: {  	s26 =	sadd.s32 $0x4D8, s0;
	s30 =	simm.s32 $0xD200;
	s25 =	sadd.s32 $0x1, s25  }
0x34d: {  	[tilespmem:s30], [sflag:$0x4] =	stream.indirect.gather [hbm4b:s4+s17], $0x40, s26, s17, $0xb8;
	[tilespmem:$0x12C00] =	vst v63  }
0x34e: {  	p0 =	sne.s32 s25, $0x1F;
	s20 =	sadd.s32 $0x500, s0;
	s24 =	simm.s32 $0xDC00  }
0x34f: {  	[tilespmem:s24], [sflag:$0x4] =	stream.indirect.gather [hbm4b:s4+s17], $0x40, s20, s17, $0xb8;
	[tilespmem:$0x12C00] =	vst v63  }
.Ltmp8:
0x350: {  	_ = 	snop;
	(pc) =	sbr.rel @p0 .LBB2_10-.Ltmp8, $4  }
0x351: {  	s26 =	sadd.s32 $0x528, s0  }
0x352: {  	[tilespmem:s22], [sflag:$0x4] =	stream.indirect.gather [hbm4b:s4+s17], $0x40, s26, s17, $0xb8;
	[tilespmem:$0x12C00] =	vst v63  }
0x353: {  	s30 =	sadd.s32 $0x550, s0  }
0x354: {  	[tilespmem:s31], [sflag:$0x4] =	stream.indirect.gather [hbm4b:s4+s17], $0x40, s30, s17, $0xb8;
	[tilespmem:$0x12C00] =	vst v63  }
0x355: {  	_ =	swait.ge [sflag:s2], $0xA00  }
0x356: {  	[sflag:s2] =	ssyncset.done $0x0  }
0x357: {  	[sflag:s2] =	ssyncadd.s32 $0xFFFFF600  }
0x358: {  	_ =	swait.ge [sflag:s2], $0xA00  }
0x359: {  	[sflag:s2] =	ssyncset.done $0x0  }
0x35a: {  	[sflag:s2] =	ssyncadd.s32 $0xFFFFF600  }
0x35b: {  	_ =	swait.ge [sflag:s2], $0xA00  }
0x35c: {  	[sflag:s2] =	ssyncset.done $0x0  }
0x35d: {  	[sflag:s2] =	ssyncadd.s32 $0xFFFFF600  }
0x35e: {  	_ =	swait.ge [sflag:s2], $0xA00  }
0x35f: {  	[sflag:s2] =	ssyncset.done $0x0  }
0x360: {  	[sflag:s2] =	ssyncadd.s32 $0xFFFFF600  }
0x361: {  	_ =	swait.ge [sflag:s2], $0xA00  }
0x362: {  	[sflag:s2] =	ssyncset.done $0x0  }
0x363: {  	s0 =	simm.s32 $0x6500;
	[sflag:s2] =	ssyncadd.s32 $0xFFFFF600  }
0x364: {  	v0 =	vld [tilespmem:s0+$0xF0]  }
0x365: {  	v1 =	vld [tilespmem:s0+$0xFFFFFF10]  }
0x366: {  	v2 =	vld [tilespmem:s0+$0xFFFFFF20]  }
0x367: {  	v3 =	vld [tilespmem:s0+$0xFFFFFF30]  }
0x368: {  	v4 =	vld [tilespmem:s0+$0xFFFFFF40]  }
0x369: {  	v5 =	vld [tilespmem:s0+$0xFFFFFF50];
	v0 =	vmul.f32 $8.000000000e+00, v0  }
0x36a: {  	v6 =	vld [tilespmem:s0+$0xFFFFFF60];
	v1 =	vmul.f32 $8.000000000e+00, v1  }
0x36b: {  	v7 =	vld [tilespmem:s0+$0xFFFFFF70];
	v2 =	vmul.f32 $8.000000000e+00, v2;
	[tilespmem:s0+$0xF0] =	vst v0  }
0x36c: {  	[tilespmem:s0+$0xFFFFFF10] =	vst v1;
	v0 =	vmul.f32 $8.000000000e+00, v3;
	v1 =	vld [tilespmem:s0+$0xFFFFFF80]  }
0x36d: {  	[tilespmem:s0+$0xFFFFFF20] =	vst v2;
	v2 =	vmul.f32 $8.000000000e+00, v4;
	v3 =	vld [tilespmem:s0+$0xFFFFFF90]  }
0x36e: {  	v4 =	vld [tilespmem:s0+$0xFFFFFFA0];
	[tilespmem:s0+$0xFFFFFF30] =	vst v0;
	v0 =	vmul.f32 $8.000000000e+00, v5  }
0x36f: {  	[tilespmem:s0+$0xFFFFFF40] =	vst v2;
	v2 =	vmul.f32 $8.000000000e+00, v6;
	v5 =	vld [tilespmem:s0+$0xFFFFFFB0]  }
0x370: {  	v6 =	vld [tilespmem:s0+$0xFFFFFFC0];
	[tilespmem:s0+$0xFFFFFF50] =	vst v0;
	v0 =	vmul.f32 $8.000000000e+00, v7  }
0x371: {  	[tilespmem:s0+$0xFFFFFF60] =	vst v2;
	v2 =	vld [tilespmem:s0+$0xFFFFFFD0];
	v1 =	vmul.f32 $8.000000000e+00, v1  }
0x372: {  	[tilespmem:s0+$0xFFFFFF70] =	vst v0;
	v0 =	vmul.f32 $8.000000000e+00, v3;
	v3 =	vld [tilespmem:s0+$0xFFFFFFE0]  }
0x373: {  	[tilespmem:s0+$0xFFFFFF80] =	vst v1;
	v1 =	vmul.f32 $8.000000000e+00, v4;
	v4 =	vld [tilespmem:s0+$0xFFFFFFF0]  }
0x374: {  	[tilespmem:s0+$0xFFFFFF90] =	vst v0;
	v0 =	vmul.f32 $8.000000000e+00, v5;
	v5 =	vld [tilespmem:s0+$0x0]  }
0x375: {  	[tilespmem:s0+$0xFFFFFFA0] =	vst v1;
	v1 =	vmul.f32 $8.000000000e+00, v6;
	v6 =	vld [tilespmem:s0+$0x10]  }
0x376: {  	[tilespmem:s0+$0xFFFFFFB0] =	vst v0;
	v0 =	vmul.f32 $8.000000000e+00, v2;
	v2 =	vld [tilespmem:s0+$0x20]  }
0x377: {  	[tilespmem:s0+$0xFFFFFFC0] =	vst v1;
	v1 =	vmul.f32 $8.000000000e+00, v3;
	v3 =	vld [tilespmem:s0+$0x30]  }
0x378: {  	[tilespmem:s0+$0xFFFFFFD0] =	vst v0;
	v0 =	vmul.f32 $8.000000000e+00, v4;
	v4 =	vld [tilespmem:s0+$0x40]  }
0x379: {  	[tilespmem:s0+$0xFFFFFFE0] =	vst v1;
	v1 =	vmul.f32 $8.000000000e+00, v5;
	v5 =	vld [tilespmem:s0+$0x50]  }
0x37a: {  	[tilespmem:s0+$0xFFFFFFF0] =	vst v0;
	v0 =	vmul.f32 $8.000000000e+00, v6;
	v6 =	vld [tilespmem:s0+$0x60]  }
0x37b: {  	[tilespmem:s0+$0x0] =	vst v1;
	v1 =	vmul.f32 $8.000000000e+00, v2;
	v2 =	vld [tilespmem:s0+$0x70]  }
0x37c: {  	[tilespmem:s0+$0x10] =	vst v0;
	v0 =	vmul.f32 $8.000000000e+00, v3;
	v3 =	vld [tilespmem:s0+$0x80]  }
0x37d: {  	[tilespmem:s0+$0x20] =	vst v1;
	v1 =	vmul.f32 $8.000000000e+00, v4;
	v4 =	vld [tilespmem:s0+$0x90]  }
0x37e: {  	v7 =	vld [tilespmem:s0+$0xA0];
	[tilespmem:s0+$0x30] =	vst v0;
	v5 =	vmul.f32 $8.000000000e+00, v5  }
0x37f: {  	v0 =	vld [tilespmem:s0+$0xB0];
	[tilespmem:s0+$0x40] =	vst v1;
	v6 =	vmul.f32 $8.000000000e+00, v6  }
0x380: {  	v1 =	vld [tilespmem:s0+$0xC0];
	[tilespmem:s0+$0x50] =	vst v5;
	v5 =	vmul.f32 $8.000000000e+00, v2  }
0x381: {  	v2 =	vld [tilespmem:s0+$0xD0];
	[tilespmem:s0+$0x60] =	vst v6;
	v6 =	vmul.f32 $8.000000000e+00, v3  }
0x382: {  	v3 =	vld [tilespmem:s0+$0xE0];
	[tilespmem:s0+$0x70] =	vst v5;
	v5 =	vmul.f32 $8.000000000e+00, v4  }
0x383: {  	s1 =	simm.s32 $0x0;
	s20 =	simm.s32 $0x6700;
	v4 =	vld [tilespmem:s0+$0xFFFFFF00];
	[tilespmem:s0+$0x80] =	vst v6;
	v6 =	vmul.f32 $8.000000000e+00, v7  }
.LBB2_20:
0x384: {  	v7 =	vld [tilespmem:s20+$0xF0];
	s1 =	sadd.s32 $0x8, s1;
	[tilespmem:s0+$0x90] =	vst v5;
	v0 =	vmul.f32 $8.000000000e+00, v0  }
0x385: {  	v5 =	vld [tilespmem:s20+$0xFFFFFF10];
	p0 =	slt.u32 s1, $0xC0;
	[tilespmem:s0+$0xA0] =	vst v6;
	v1 =	vmul.f32 $8.000000000e+00, v1  }
0x386: {  	v6 =	vld [tilespmem:s20+$0xFFFFFF20];
	[tilespmem:s0+$0xB0] =	vst v0;
	v0 =	vmul.f32 $8.000000000e+00, v2  }
0x387: {  	v2 =	vld [tilespmem:s20+$0xFFFFFF30];
	[tilespmem:s0+$0xC0] =	vst v1;
	v1 =	vmul.f32 $8.000000000e+00, v3  }
0x388: {  	v3 =	vld [tilespmem:s20+$0xFFFFFF40];
	v4 =	vmul.f32 $8.000000000e+00, v4;
	[tilespmem:s0+$0xD0] =	vst v0  }
0x389: {  	v0 =	vld [tilespmem:s20+$0xFFFFFF50];
	v7 =	vmul.f32 $8.000000000e+00, v7;
	[tilespmem:s0+$0xE0] =	vst v1  }
0x38a: {  	v1 =	vmul.f32 $8.000000000e+00, v5;
	v5 =	vld [tilespmem:s20+$0xFFFFFF60];
	[tilespmem:s0+$0xFFFFFF00] =	vst v4;
	s0 =	smov.u32 s20  }
0x38b: {  	v4 =	vmul.f32 $8.000000000e+00, v6;
	v6 =	vld [tilespmem:s20+$0xFFFFFF70];
	[tilespmem:s20+$0xF0] =	vst v7  }
0x38c: {  	[tilespmem:s20+$0xFFFFFF10] =	vst v1;
	v1 =	vmul.f32 $8.000000000e+00, v2;
	v2 =	vld [tilespmem:s20+$0xFFFFFF80]  }
0x38d: {  	[tilespmem:s20+$0xFFFFFF20] =	vst v4;
	v3 =	vmul.f32 $8.000000000e+00, v3;
	v4 =	vld [tilespmem:s20+$0xFFFFFF90]  }
0x38e: {  	[tilespmem:s20+$0xFFFFFF30] =	vst v1;
	v0 =	vmul.f32 $8.000000000e+00, v0;
	v1 =	vld [tilespmem:s20+$0xFFFFFFA0]  }
0x38f: {  	[tilespmem:s20+$0xFFFFFF40] =	vst v3;
	v3 =	vmul.f32 $8.000000000e+00, v5;
	v5 =	vld [tilespmem:s20+$0xFFFFFFB0]  }
0x390: {  	[tilespmem:s20+$0xFFFFFF50] =	vst v0;
	v0 =	vmul.f32 $8.000000000e+00, v6;
	v6 =	vld [tilespmem:s20+$0xFFFFFFC0]  }
0x391: {  	[tilespmem:s20+$0xFFFFFF60] =	vst v3;
	v2 =	vmul.f32 $8.000000000e+00, v2;
	v3 =	vld [tilespmem:s20+$0xFFFFFFD0]  }
0x392: {  	[tilespmem:s20+$0xFFFFFF70] =	vst v0;
	v0 =	vmul.f32 $8.000000000e+00, v4;
	v4 =	vld [tilespmem:s20+$0xFFFFFFE0]  }
0x393: {  	[tilespmem:s20+$0xFFFFFF80] =	vst v2;
	v1 =	vmul.f32 $8.000000000e+00, v1;
	v2 =	vld [tilespmem:s20+$0xFFFFFFF0]  }
0x394: {  	[tilespmem:s20+$0xFFFFFF90] =	vst v0;
	v0 =	vmul.f32 $8.000000000e+00, v5;
	v5 =	vld [tilespmem:s20+$0x0]  }
0x395: {  	[tilespmem:s20+$0xFFFFFFA0] =	vst v1;
	v1 =	vmul.f32 $8.000000000e+00, v6;
	v6 =	vld [tilespmem:s20+$0x10]  }
0x396: {  	[tilespmem:s20+$0xFFFFFFB0] =	vst v0;
	v0 =	vmul.f32 $8.000000000e+00, v3;
	v3 =	vld [tilespmem:s20+$0x20]  }
0x397: {  	[tilespmem:s20+$0xFFFFFFC0] =	vst v1;
	v1 =	vmul.f32 $8.000000000e+00, v4;
	v4 =	vld [tilespmem:s20+$0x30]  }
0x398: {  	[tilespmem:s20+$0xFFFFFFD0] =	vst v0;
	v0 =	vmul.f32 $8.000000000e+00, v2;
	v2 =	vld [tilespmem:s20+$0x40]  }
0x399: {  	[tilespmem:s20+$0xFFFFFFE0] =	vst v1;
	v1 =	vmul.f32 $8.000000000e+00, v5;
	v5 =	vld [tilespmem:s20+$0x50]  }
0x39a: {  	[tilespmem:s20+$0xFFFFFFF0] =	vst v0;
	v0 =	vmul.f32 $8.000000000e+00, v6;
	v6 =	vld [tilespmem:s20+$0x60]  }
0x39b: {  	[tilespmem:s20+$0x0] =	vst v1;
	v1 =	vmul.f32 $8.000000000e+00, v3;
	v3 =	vld [tilespmem:s20+$0x70]  }
0x39c: {  	[tilespmem:s20+$0x10] =	vst v0;
	v0 =	vmul.f32 $8.000000000e+00, v4;
	v4 =	vld [tilespmem:s20+$0x80]  }
0x39d: {  	[tilespmem:s20+$0x20] =	vst v1;
	v1 =	vmul.f32 $8.000000000e+00, v2;
	v7 =	vld [tilespmem:s20+$0x90]  }
0x39e: {  	[tilespmem:s20+$0x30] =	vst v0;
	v2 =	vmul.f32 $8.000000000e+00, v5;
	v8 =	vld [tilespmem:s20+$0xA0]  }
.Ltmp9:
0x39f: {  	[tilespmem:s20+$0x40] =	vst v1;
	v5 =	vmul.f32 $8.000000000e+00, v6;
	v0 =	vld [tilespmem:s20+$0xB0];
	(pc) =	sbr.rel @p0 .LBB2_20-.Ltmp9, $4  }
0x3a0: {  	[tilespmem:s20+$0x50] =	vst v2;
	v3 =	vmul.f32 $8.000000000e+00, v3;
	v1 =	vld [tilespmem:s20+$0xC0]  }
0x3a1: {  	[tilespmem:s20+$0x60] =	vst v5;
	v6 =	vmul.f32 $8.000000000e+00, v4;
	v2 =	vld [tilespmem:s20+$0xD0]  }
0x3a2: {  	[tilespmem:s20+$0x70] =	vst v3;
	v5 =	vmul.f32 $8.000000000e+00, v7;
	v3 =	vld [tilespmem:s20+$0xE0]  }
0x3a3: {  	s20 =	sadd.s32 $0x200, s20;
	v4 =	vld [tilespmem:s0+$0xFFFFFF00];
	[tilespmem:s0+$0x80] =	vst v6;
	v6 =	vmul.f32 $8.000000000e+00, v8  }
0x3a4: {  	[tilespmem:s0+$0x90] =	vst v5;
	v0 =	vmul.f32 $8.000000000e+00, v0  }
0x3a5: {  	[tilespmem:s0+$0xA0] =	vst v6;
	v1 =	vmul.f32 $8.000000000e+00, v1  }
0x3a6: {  	[tilespmem:s0+$0xB0] =	vst v0;
	v0 =	vmul.f32 $8.000000000e+00, v2  }
0x3a7: {  	[tilespmem:s0+$0xC0] =	vst v1;
	v1 =	vmul.f32 $8.000000000e+00, v3  }
0x3a8: {  	v2 =	vmul.f32 $8.000000000e+00, v4;
	[tilespmem:s0+$0xD0] =	vst v0  }
0x3a9: {  	[tilespmem:s0+$0xE0] =	vst v1  }
0x3aa: {  	[tilespmem:s0+$0xFFFFFF00] =	vst v2  }
0x3ab: {  	s0 =	rddreg [dreg:$0x8]  }
0x3ac: {  	[hbm4b:s0+s7] =	stream.strided.scatter [tilespmem:s18], [sflag:$0x6], $0x3200, s8, s7, $0x38;
	[tilespmem:$0x12C00] =	vst v63  }
0x3ad: {  	_ =	swait.ge [sflag:s23], $0x3200  }
0x3ae: {  	[sflag:s23] =	ssyncset.done $0x0  }
0x3af: {  	s20 =	simm.s32 $0x6338;
	[sflag:s23] =	ssyncadd.s32 $0xFFFFCE00  }
0x3b0: {  	[tilespmem:s9], [sflag:$0x5] =	stream.indirect.gather [hbm4b:s4+s17], $0x40, s20, s17, $0xb8;
	[tilespmem:$0x12C00] =	vst v63  }
0x3b1: {  	s24 =	simm.s32 $0x6360  }
0x3b2: {  	[tilespmem:s10], [sflag:$0x5] =	stream.indirect.gather [hbm4b:s4+s17], $0x40, s24, s17, $0xb8;
	[tilespmem:$0x12C00] =	vst v63  }
0x3b3: {  	s25 =	simm.s32 $0x6388  }
0x3b4: {  	[tilespmem:s11], [sflag:$0x5] =	stream.indirect.gather [hbm4b:s4+s17], $0x40, s25, s17, $0xb8;
	[tilespmem:$0x12C00] =	vst v63  }
0x3b5: {  	s26 =	simm.s32 $0x63B0  }
0x3b6: {  	[tilespmem:s12], [sflag:$0x5] =	stream.indirect.gather [hbm4b:s4+s17], $0x40, s26, s17, $0xb8;
	[tilespmem:$0x12C00] =	vst v63  }
0x3b7: {  	s30 =	simm.s32 $0x63D8  }
0x3b8: {  	[tilespmem:s13], [sflag:$0x5] =	stream.indirect.gather [hbm4b:s4+s17], $0x40, s30, s17, $0xb8;
	[tilespmem:$0x12C00] =	vst v63  }
0x3b9: {  	_ =	swait.ge [sflag:s14], $0xA00  }
0x3ba: {  	[sflag:s14] =	ssyncset.done $0x0  }
0x3bb: {  	[sflag:s14] =	ssyncadd.s32 $0xFFFFF600  }
0x3bc: {  	_ =	swait.ge [sflag:s14], $0xA00  }
0x3bd: {  	[sflag:s14] =	ssyncset.done $0x0  }
0x3be: {  	[sflag:s14] =	ssyncadd.s32 $0xFFFFF600  }
0x3bf: {  	_ =	swait.ge [sflag:s14], $0xA00  }
0x3c0: {  	[sflag:s14] =	ssyncset.done $0x0  }
0x3c1: {  	[sflag:s14] =	ssyncadd.s32 $0xFFFFF600  }
0x3c2: {  	_ =	swait.ge [sflag:s14], $0xA00  }
0x3c3: {  	[sflag:s14] =	ssyncset.done $0x0  }
0x3c4: {  	[sflag:s14] =	ssyncadd.s32 $0xFFFFF600  }
0x3c5: {  	_ =	swait.ge [sflag:s14], $0xA00  }
0x3c6: {  	[sflag:s14] =	ssyncset.done $0x0  }
0x3c7: {  	s0 =	simm.s32 $0x9700;
	[sflag:s14] =	ssyncadd.s32 $0xFFFFF600  }
0x3c8: {  	v0 =	vld [tilespmem:s0+$0xF0]  }
0x3c9: {  	v1 =	vld [tilespmem:s0+$0xFFFFFF10]  }
0x3ca: {  	v2 =	vld [tilespmem:s0+$0xFFFFFF20]  }
0x3cb: {  	v3 =	vld [tilespmem:s0+$0xFFFFFF30]  }
0x3cc: {  	v4 =	vld [tilespmem:s0+$0xFFFFFF40]  }
0x3cd: {  	v5 =	vld [tilespmem:s0+$0xFFFFFF50];
	v0 =	vmul.f32 $8.000000000e+00, v0  }
0x3ce: {  	v6 =	vld [tilespmem:s0+$0xFFFFFF60];
	v1 =	vmul.f32 $8.000000000e+00, v1  }
0x3cf: {  	v7 =	vld [tilespmem:s0+$0xFFFFFF70];
	v2 =	vmul.f32 $8.000000000e+00, v2;
	[tilespmem:s0+$0xF0] =	vst v0  }
0x3d0: {  	[tilespmem:s0+$0xFFFFFF10] =	vst v1;
	v0 =	vmul.f32 $8.000000000e+00, v3;
	v1 =	vld [tilespmem:s0+$0xFFFFFF80]  }
0x3d1: {  	[tilespmem:s0+$0xFFFFFF20] =	vst v2;
	v2 =	vmul.f32 $8.000000000e+00, v4;
	v3 =	vld [tilespmem:s0+$0xFFFFFF90]  }
0x3d2: {  	v4 =	vld [tilespmem:s0+$0xFFFFFFA0];
	[tilespmem:s0+$0xFFFFFF30] =	vst v0;
	v0 =	vmul.f32 $8.000000000e+00, v5  }
0x3d3: {  	[tilespmem:s0+$0xFFFFFF40] =	vst v2;
	v2 =	vmul.f32 $8.000000000e+00, v6;
	v5 =	vld [tilespmem:s0+$0xFFFFFFB0]  }
0x3d4: {  	v6 =	vld [tilespmem:s0+$0xFFFFFFC0];
	[tilespmem:s0+$0xFFFFFF50] =	vst v0;
	v0 =	vmul.f32 $8.000000000e+00, v7  }
0x3d5: {  	[tilespmem:s0+$0xFFFFFF60] =	vst v2;
	v2 =	vld [tilespmem:s0+$0xFFFFFFD0];
	v1 =	vmul.f32 $8.000000000e+00, v1  }
0x3d6: {  	[tilespmem:s0+$0xFFFFFF70] =	vst v0;
	v0 =	vmul.f32 $8.000000000e+00, v3;
	v3 =	vld [tilespmem:s0+$0xFFFFFFE0]  }
0x3d7: {  	[tilespmem:s0+$0xFFFFFF80] =	vst v1;
	v1 =	vmul.f32 $8.000000000e+00, v4;
	v4 =	vld [tilespmem:s0+$0xFFFFFFF0]  }
0x3d8: {  	[tilespmem:s0+$0xFFFFFF90] =	vst v0;
	v0 =	vmul.f32 $8.000000000e+00, v5;
	v5 =	vld [tilespmem:s0+$0x0]  }
0x3d9: {  	[tilespmem:s0+$0xFFFFFFA0] =	vst v1;
	v1 =	vmul.f32 $8.000000000e+00, v6;
	v6 =	vld [tilespmem:s0+$0x10]  }
0x3da: {  	[tilespmem:s0+$0xFFFFFFB0] =	vst v0;
	v0 =	vmul.f32 $8.000000000e+00, v2;
	v2 =	vld [tilespmem:s0+$0x20]  }
0x3db: {  	[tilespmem:s0+$0xFFFFFFC0] =	vst v1;
	v1 =	vmul.f32 $8.000000000e+00, v3;
	v3 =	vld [tilespmem:s0+$0x30]  }
0x3dc: {  	[tilespmem:s0+$0xFFFFFFD0] =	vst v0;
	v0 =	vmul.f32 $8.000000000e+00, v4;
	v4 =	vld [tilespmem:s0+$0x40]  }
0x3dd: {  	[tilespmem:s0+$0xFFFFFFE0] =	vst v1;
	v1 =	vmul.f32 $8.000000000e+00, v5;
	v5 =	vld [tilespmem:s0+$0x50]  }
0x3de: {  	[tilespmem:s0+$0xFFFFFFF0] =	vst v0;
	v0 =	vmul.f32 $8.000000000e+00, v6;
	v6 =	vld [tilespmem:s0+$0x60]  }
0x3df: {  	[tilespmem:s0+$0x0] =	vst v1;
	v1 =	vmul.f32 $8.000000000e+00, v2;
	v2 =	vld [tilespmem:s0+$0x70]  }
0x3e0: {  	[tilespmem:s0+$0x10] =	vst v0;
	v0 =	vmul.f32 $8.000000000e+00, v3;
	v3 =	vld [tilespmem:s0+$0x80]  }
0x3e1: {  	[tilespmem:s0+$0x20] =	vst v1;
	v1 =	vmul.f32 $8.000000000e+00, v4;
	v4 =	vld [tilespmem:s0+$0x90]  }
0x3e2: {  	v7 =	vld [tilespmem:s0+$0xA0];
	[tilespmem:s0+$0x30] =	vst v0;
	v5 =	vmul.f32 $8.000000000e+00, v5  }
0x3e3: {  	v0 =	vld [tilespmem:s0+$0xB0];
	[tilespmem:s0+$0x40] =	vst v1;
	v6 =	vmul.f32 $8.000000000e+00, v6  }
0x3e4: {  	v1 =	vld [tilespmem:s0+$0xC0];
	[tilespmem:s0+$0x50] =	vst v5;
	v5 =	vmul.f32 $8.000000000e+00, v2  }
0x3e5: {  	v2 =	vld [tilespmem:s0+$0xD0];
	[tilespmem:s0+$0x60] =	vst v6;
	v6 =	vmul.f32 $8.000000000e+00, v3  }
0x3e6: {  	v3 =	vld [tilespmem:s0+$0xE0];
	[tilespmem:s0+$0x70] =	vst v5;
	v5 =	vmul.f32 $8.000000000e+00, v4  }
0x3e7: {  	s1 =	simm.s32 $0x0;
	s20 =	simm.s32 $0x9900;
	v4 =	vld [tilespmem:s0+$0xFFFFFF00];
	[tilespmem:s0+$0x80] =	vst v6;
	v6 =	vmul.f32 $8.000000000e+00, v7  }
.LBB2_22:
0x3e8: {  	v7 =	vld [tilespmem:s20+$0xF0];
	s1 =	sadd.s32 $0x8, s1;
	[tilespmem:s0+$0x90] =	vst v5;
	v0 =	vmul.f32 $8.000000000e+00, v0  }
0x3e9: {  	v5 =	vld [tilespmem:s20+$0xFFFFFF10];
	p0 =	slt.u32 s1, $0xC0;
	[tilespmem:s0+$0xA0] =	vst v6;
	v1 =	vmul.f32 $8.000000000e+00, v1  }
0x3ea: {  	v6 =	vld [tilespmem:s20+$0xFFFFFF20];
	[tilespmem:s0+$0xB0] =	vst v0;
	v0 =	vmul.f32 $8.000000000e+00, v2  }
0x3eb: {  	v2 =	vld [tilespmem:s20+$0xFFFFFF30];
	[tilespmem:s0+$0xC0] =	vst v1;
	v1 =	vmul.f32 $8.000000000e+00, v3  }
0x3ec: {  	v3 =	vld [tilespmem:s20+$0xFFFFFF40];
	v4 =	vmul.f32 $8.000000000e+00, v4;
	[tilespmem:s0+$0xD0] =	vst v0  }
0x3ed: {  	v0 =	vld [tilespmem:s20+$0xFFFFFF50];
	v7 =	vmul.f32 $8.000000000e+00, v7;
	[tilespmem:s0+$0xE0] =	vst v1  }
0x3ee: {  	v1 =	vmul.f32 $8.000000000e+00, v5;
	v5 =	vld [tilespmem:s20+$0xFFFFFF60];
	[tilespmem:s0+$0xFFFFFF00] =	vst v4;
	s0 =	smov.u32 s20  }
0x3ef: {  	v4 =	vmul.f32 $8.000000000e+00, v6;
	v6 =	vld [tilespmem:s20+$0xFFFFFF70];
	[tilespmem:s20+$0xF0] =	vst v7  }
0x3f0: {  	[tilespmem:s20+$0xFFFFFF10] =	vst v1;
	v1 =	vmul.f32 $8.000000000e+00, v2;
	v2 =	vld [tilespmem:s20+$0xFFFFFF80]  }
0x3f1: {  	[tilespmem:s20+$0xFFFFFF20] =	vst v4;
	v3 =	vmul.f32 $8.000000000e+00, v3;
	v4 =	vld [tilespmem:s20+$0xFFFFFF90]  }
0x3f2: {  	[tilespmem:s20+$0xFFFFFF30] =	vst v1;
	v0 =	vmul.f32 $8.000000000e+00, v0;
	v1 =	vld [tilespmem:s20+$0xFFFFFFA0]  }
0x3f3: {  	[tilespmem:s20+$0xFFFFFF40] =	vst v3;
	v3 =	vmul.f32 $8.000000000e+00, v5;
	v5 =	vld [tilespmem:s20+$0xFFFFFFB0]  }
0x3f4: {  	[tilespmem:s20+$0xFFFFFF50] =	vst v0;
	v0 =	vmul.f32 $8.000000000e+00, v6;
	v6 =	vld [tilespmem:s20+$0xFFFFFFC0]  }
0x3f5: {  	[tilespmem:s20+$0xFFFFFF60] =	vst v3;
	v2 =	vmul.f32 $8.000000000e+00, v2;
	v3 =	vld [tilespmem:s20+$0xFFFFFFD0]  }
0x3f6: {  	[tilespmem:s20+$0xFFFFFF70] =	vst v0;
	v0 =	vmul.f32 $8.000000000e+00, v4;
	v4 =	vld [tilespmem:s20+$0xFFFFFFE0]  }
0x3f7: {  	[tilespmem:s20+$0xFFFFFF80] =	vst v2;
	v1 =	vmul.f32 $8.000000000e+00, v1;
	v2 =	vld [tilespmem:s20+$0xFFFFFFF0]  }
0x3f8: {  	[tilespmem:s20+$0xFFFFFF90] =	vst v0;
	v0 =	vmul.f32 $8.000000000e+00, v5;
	v5 =	vld [tilespmem:s20+$0x0]  }
0x3f9: {  	[tilespmem:s20+$0xFFFFFFA0] =	vst v1;
	v1 =	vmul.f32 $8.000000000e+00, v6;
	v6 =	vld [tilespmem:s20+$0x10]  }
0x3fa: {  	[tilespmem:s20+$0xFFFFFFB0] =	vst v0;
	v0 =	vmul.f32 $8.000000000e+00, v3;
	v3 =	vld [tilespmem:s20+$0x20]  }
0x3fb: {  	[tilespmem:s20+$0xFFFFFFC0] =	vst v1;
	v1 =	vmul.f32 $8.000000000e+00, v4;
	v4 =	vld [tilespmem:s20+$0x30]  }
0x3fc: {  	[tilespmem:s20+$0xFFFFFFD0] =	vst v0;
	v0 =	vmul.f32 $8.000000000e+00, v2;
	v2 =	vld [tilespmem:s20+$0x40]  }
0x3fd: {  	[tilespmem:s20+$0xFFFFFFE0] =	vst v1;
	v1 =	vmul.f32 $8.000000000e+00, v5;
	v5 =	vld [tilespmem:s20+$0x50]  }
0x3fe: {  	[tilespmem:s20+$0xFFFFFFF0] =	vst v0;
	v0 =	vmul.f32 $8.000000000e+00, v6;
	v6 =	vld [tilespmem:s20+$0x60]  }
0x3ff: {  	[tilespmem:s20+$0x0] =	vst v1;
	v1 =	vmul.f32 $8.000000000e+00, v3;
	v3 =	vld [tilespmem:s20+$0x70]  }
0x400: {  	[tilespmem:s20+$0x10] =	vst v0;
	v0 =	vmul.f32 $8.000000000e+00, v4;
	v4 =	vld [tilespmem:s20+$0x80]  }
0x401: {  	[tilespmem:s20+$0x20] =	vst v1;
	v1 =	vmul.f32 $8.000000000e+00, v2;
	v7 =	vld [tilespmem:s20+$0x90]  }
0x402: {  	[tilespmem:s20+$0x30] =	vst v0;
	v2 =	vmul.f32 $8.000000000e+00, v5;
	v8 =	vld [tilespmem:s20+$0xA0]  }
.Ltmp10:
0x403: {  	[tilespmem:s20+$0x40] =	vst v1;
	v5 =	vmul.f32 $8.000000000e+00, v6;
	v0 =	vld [tilespmem:s20+$0xB0];
	(pc) =	sbr.rel @p0 .LBB2_22-.Ltmp10, $4  }
0x404: {  	[tilespmem:s20+$0x50] =	vst v2;
	v3 =	vmul.f32 $8.000000000e+00, v3;
	v1 =	vld [tilespmem:s20+$0xC0]  }
0x405: {  	[tilespmem:s20+$0x60] =	vst v5;
	v6 =	vmul.f32 $8.000000000e+00, v4;
	v2 =	vld [tilespmem:s20+$0xD0]  }
0x406: {  	[tilespmem:s20+$0x70] =	vst v3;
	v5 =	vmul.f32 $8.000000000e+00, v7;
	v3 =	vld [tilespmem:s20+$0xE0]  }
0x407: {  	s20 =	sadd.s32 $0x200, s20;
	v4 =	vld [tilespmem:s0+$0xFFFFFF00];
	[tilespmem:s0+$0x80] =	vst v6;
	v6 =	vmul.f32 $8.000000000e+00, v8  }
0x408: {  	[tilespmem:s0+$0x90] =	vst v5;
	v0 =	vmul.f32 $8.000000000e+00, v0  }
0x409: {  	[tilespmem:s0+$0xA0] =	vst v6;
	v1 =	vmul.f32 $8.000000000e+00, v1  }
0x40a: {  	[tilespmem:s0+$0xB0] =	vst v0;
	v0 =	vmul.f32 $8.000000000e+00, v2  }
0x40b: {  	[tilespmem:s0+$0xC0] =	vst v1;
	v1 =	vmul.f32 $8.000000000e+00, v3  }
0x40c: {  	v2 =	vmul.f32 $8.000000000e+00, v4;
	[tilespmem:s0+$0xD0] =	vst v0  }
0x40d: {  	[tilespmem:s0+$0xE0] =	vst v1  }
0x40e: {  	[tilespmem:s0+$0xFFFFFF00] =	vst v2  }
0x40f: {  	s0 =	rddreg [dreg:$0x9]  }
0x410: {  	[hbm4b:s0+s7] =	stream.strided.scatter [tilespmem:s28], [sflag:$0x7], $0x3200, s8, s7, $0x38;
	[tilespmem:$0x12C00] =	vst v63  }
0x411: {  	_ =	swait.ge [sflag:s6], $0xA00  }
0x412: {  	[sflag:s6] =	ssyncset.done $0x0  }
0x413: {  	[sflag:s6] =	ssyncadd.s32 $0xFFFFF600  }
0x414: {  	_ =	swait.ge [sflag:s6], $0xA00  }
0x415: {  	[sflag:s6] =	ssyncset.done $0x0  }
0x416: {  	[sflag:s6] =	ssyncadd.s32 $0xFFFFF600  }
0x417: {  	_ =	swait.ge [sflag:s6], $0xA00  }
0x418: {  	[sflag:s6] =	ssyncset.done $0x0  }
0x419: {  	[sflag:s6] =	ssyncadd.s32 $0xFFFFF600  }
0x41a: {  	_ =	swait.ge [sflag:s6], $0xA00  }
0x41b: {  	[sflag:s6] =	ssyncset.done $0x0  }
0x41c: {  	[sflag:s6] =	ssyncadd.s32 $0xFFFFF600  }
0x41d: {  	_ =	swait.ge [sflag:s6], $0xA00  }
0x41e: {  	[sflag:s6] =	ssyncset.done $0x0  }
0x41f: {  	s0 =	simm.s32 $0xC900;
	[sflag:s6] =	ssyncadd.s32 $0xFFFFF600  }
0x420: {  	v0 =	vld [tilespmem:s0+$0xF0]  }
0x421: {  	v1 =	vld [tilespmem:s0+$0xFFFFFF10]  }
0x422: {  	v2 =	vld [tilespmem:s0+$0xFFFFFF20]  }
0x423: {  	v3 =	vld [tilespmem:s0+$0xFFFFFF30]  }
0x424: {  	v4 =	vld [tilespmem:s0+$0xFFFFFF40]  }
0x425: {  	v5 =	vld [tilespmem:s0+$0xFFFFFF50];
	v0 =	vmul.f32 $8.000000000e+00, v0  }
0x426: {  	v6 =	vld [tilespmem:s0+$0xFFFFFF60];
	v1 =	vmul.f32 $8.000000000e+00, v1  }
0x427: {  	v7 =	vld [tilespmem:s0+$0xFFFFFF70];
	v2 =	vmul.f32 $8.000000000e+00, v2;
	[tilespmem:s0+$0xF0] =	vst v0  }
0x428: {  	[tilespmem:s0+$0xFFFFFF10] =	vst v1;
	v0 =	vmul.f32 $8.000000000e+00, v3;
	v1 =	vld [tilespmem:s0+$0xFFFFFF80]  }
0x429: {  	[tilespmem:s0+$0xFFFFFF20] =	vst v2;
	v2 =	vmul.f32 $8.000000000e+00, v4;
	v3 =	vld [tilespmem:s0+$0xFFFFFF90]  }
0x42a: {  	v4 =	vld [tilespmem:s0+$0xFFFFFFA0];
	[tilespmem:s0+$0xFFFFFF30] =	vst v0;
	v0 =	vmul.f32 $8.000000000e+00, v5  }
0x42b: {  	[tilespmem:s0+$0xFFFFFF40] =	vst v2;
	v2 =	vmul.f32 $8.000000000e+00, v6;
	v5 =	vld [tilespmem:s0+$0xFFFFFFB0]  }
0x42c: {  	v6 =	vld [tilespmem:s0+$0xFFFFFFC0];
	[tilespmem:s0+$0xFFFFFF50] =	vst v0;
	v0 =	vmul.f32 $8.000000000e+00, v7  }
0x42d: {  	[tilespmem:s0+$0xFFFFFF60] =	vst v2;
	v2 =	vld [tilespmem:s0+$0xFFFFFFD0];
	v1 =	vmul.f32 $8.000000000e+00, v1  }
0x42e: {  	[tilespmem:s0+$0xFFFFFF70] =	vst v0;
	v0 =	vmul.f32 $8.000000000e+00, v3;
	v3 =	vld [tilespmem:s0+$0xFFFFFFE0]  }
0x42f: {  	[tilespmem:s0+$0xFFFFFF80] =	vst v1;
	v1 =	vmul.f32 $8.000000000e+00, v4;
	v4 =	vld [tilespmem:s0+$0xFFFFFFF0]  }
0x430: {  	[tilespmem:s0+$0xFFFFFF90] =	vst v0;
	v0 =	vmul.f32 $8.000000000e+00, v5;
	v5 =	vld [tilespmem:s0+$0x0]  }
0x431: {  	[tilespmem:s0+$0xFFFFFFA0] =	vst v1;
	v1 =	vmul.f32 $8.000000000e+00, v6;
	v6 =	vld [tilespmem:s0+$0x10]  }
0x432: {  	[tilespmem:s0+$0xFFFFFFB0] =	vst v0;
	v0 =	vmul.f32 $8.000000000e+00, v2;
	v2 =	vld [tilespmem:s0+$0x20]  }
0x433: {  	[tilespmem:s0+$0xFFFFFFC0] =	vst v1;
	v1 =	vmul.f32 $8.000000000e+00, v3;
	v3 =	vld [tilespmem:s0+$0x30]  }
0x434: {  	[tilespmem:s0+$0xFFFFFFD0] =	vst v0;
	v0 =	vmul.f32 $8.000000000e+00, v4;
	v4 =	vld [tilespmem:s0+$0x40]  }
0x435: {  	[tilespmem:s0+$0xFFFFFFE0] =	vst v1;
	v1 =	vmul.f32 $8.000000000e+00, v5;
	v5 =	vld [tilespmem:s0+$0x50]  }
0x436: {  	[tilespmem:s0+$0xFFFFFFF0] =	vst v0;
	v0 =	vmul.f32 $8.000000000e+00, v6;
	v6 =	vld [tilespmem:s0+$0x60]  }
0x437: {  	[tilespmem:s0+$0x0] =	vst v1;
	v1 =	vmul.f32 $8.000000000e+00, v2;
	v2 =	vld [tilespmem:s0+$0x70]  }
0x438: {  	[tilespmem:s0+$0x10] =	vst v0;
	v0 =	vmul.f32 $8.000000000e+00, v3;
	v3 =	vld [tilespmem:s0+$0x80]  }
0x439: {  	[tilespmem:s0+$0x20] =	vst v1;
	v1 =	vmul.f32 $8.000000000e+00, v4;
	v4 =	vld [tilespmem:s0+$0x90]  }
0x43a: {  	v7 =	vld [tilespmem:s0+$0xA0];
	[tilespmem:s0+$0x30] =	vst v0;
	v5 =	vmul.f32 $8.000000000e+00, v5  }
0x43b: {  	v0 =	vld [tilespmem:s0+$0xB0];
	[tilespmem:s0+$0x40] =	vst v1;
	v6 =	vmul.f32 $8.000000000e+00, v6  }
0x43c: {  	v1 =	vld [tilespmem:s0+$0xC0];
	[tilespmem:s0+$0x50] =	vst v5;
	v5 =	vmul.f32 $8.000000000e+00, v2  }
0x43d: {  	v2 =	vld [tilespmem:s0+$0xD0];
	[tilespmem:s0+$0x60] =	vst v6;
	v6 =	vmul.f32 $8.000000000e+00, v3  }
0x43e: {  	v3 =	vld [tilespmem:s0+$0xE0];
	[tilespmem:s0+$0x70] =	vst v5;
	v5 =	vmul.f32 $8.000000000e+00, v4  }
0x43f: {  	s1 =	simm.s32 $0x0;
	s20 =	simm.s32 $0xCB00;
	v4 =	vld [tilespmem:s0+$0xFFFFFF00];
	[tilespmem:s0+$0x80] =	vst v6;
	v6 =	vmul.f32 $8.000000000e+00, v7  }
.LBB2_24:
0x440: {  	v7 =	vld [tilespmem:s20+$0xF0];
	s1 =	sadd.s32 $0x8, s1;
	[tilespmem:s0+$0x90] =	vst v5;
	v0 =	vmul.f32 $8.000000000e+00, v0  }
0x441: {  	v5 =	vld [tilespmem:s20+$0xFFFFFF10];
	p0 =	slt.u32 s1, $0xC0;
	[tilespmem:s0+$0xA0] =	vst v6;
	v1 =	vmul.f32 $8.000000000e+00, v1  }
0x442: {  	v6 =	vld [tilespmem:s20+$0xFFFFFF20];
	[tilespmem:s0+$0xB0] =	vst v0;
	v0 =	vmul.f32 $8.000000000e+00, v2  }
0x443: {  	v2 =	vld [tilespmem:s20+$0xFFFFFF30];
	[tilespmem:s0+$0xC0] =	vst v1;
	v1 =	vmul.f32 $8.000000000e+00, v3  }
0x444: {  	v3 =	vld [tilespmem:s20+$0xFFFFFF40];
	v4 =	vmul.f32 $8.000000000e+00, v4;
	[tilespmem:s0+$0xD0] =	vst v0  }
0x445: {  	v0 =	vld [tilespmem:s20+$0xFFFFFF50];
	v7 =	vmul.f32 $8.000000000e+00, v7;
	[tilespmem:s0+$0xE0] =	vst v1  }
0x446: {  	v1 =	vmul.f32 $8.000000000e+00, v5;
	v5 =	vld [tilespmem:s20+$0xFFFFFF60];
	[tilespmem:s0+$0xFFFFFF00] =	vst v4;
	s0 =	smov.u32 s20  }
0x447: {  	v4 =	vmul.f32 $8.000000000e+00, v6;
	v6 =	vld [tilespmem:s20+$0xFFFFFF70];
	[tilespmem:s20+$0xF0] =	vst v7  }
0x448: {  	[tilespmem:s20+$0xFFFFFF10] =	vst v1;
	v1 =	vmul.f32 $8.000000000e+00, v2;
	v2 =	vld [tilespmem:s20+$0xFFFFFF80]  }
0x449: {  	[tilespmem:s20+$0xFFFFFF20] =	vst v4;
	v3 =	vmul.f32 $8.000000000e+00, v3;
	v4 =	vld [tilespmem:s20+$0xFFFFFF90]  }
0x44a: {  	[tilespmem:s20+$0xFFFFFF30] =	vst v1;
	v0 =	vmul.f32 $8.000000000e+00, v0;
	v1 =	vld [tilespmem:s20+$0xFFFFFFA0]  }
0x44b: {  	[tilespmem:s20+$0xFFFFFF40] =	vst v3;
	v3 =	vmul.f32 $8.000000000e+00, v5;
	v5 =	vld [tilespmem:s20+$0xFFFFFFB0]  }
0x44c: {  	[tilespmem:s20+$0xFFFFFF50] =	vst v0;
	v0 =	vmul.f32 $8.000000000e+00, v6;
	v6 =	vld [tilespmem:s20+$0xFFFFFFC0]  }
0x44d: {  	[tilespmem:s20+$0xFFFFFF60] =	vst v3;
	v2 =	vmul.f32 $8.000000000e+00, v2;
	v3 =	vld [tilespmem:s20+$0xFFFFFFD0]  }
0x44e: {  	[tilespmem:s20+$0xFFFFFF70] =	vst v0;
	v0 =	vmul.f32 $8.000000000e+00, v4;
	v4 =	vld [tilespmem:s20+$0xFFFFFFE0]  }
0x44f: {  	[tilespmem:s20+$0xFFFFFF80] =	vst v2;
	v1 =	vmul.f32 $8.000000000e+00, v1;
	v2 =	vld [tilespmem:s20+$0xFFFFFFF0]  }
0x450: {  	[tilespmem:s20+$0xFFFFFF90] =	vst v0;
	v0 =	vmul.f32 $8.000000000e+00, v5;
	v5 =	vld [tilespmem:s20+$0x0]  }
0x451: {  	[tilespmem:s20+$0xFFFFFFA0] =	vst v1;
	v1 =	vmul.f32 $8.000000000e+00, v6;
	v6 =	vld [tilespmem:s20+$0x10]  }
0x452: {  	[tilespmem:s20+$0xFFFFFFB0] =	vst v0;
	v0 =	vmul.f32 $8.000000000e+00, v3;
	v3 =	vld [tilespmem:s20+$0x20]  }
0x453: {  	[tilespmem:s20+$0xFFFFFFC0] =	vst v1;
	v1 =	vmul.f32 $8.000000000e+00, v4;
	v4 =	vld [tilespmem:s20+$0x30]  }
0x454: {  	[tilespmem:s20+$0xFFFFFFD0] =	vst v0;
	v0 =	vmul.f32 $8.000000000e+00, v2;
	v2 =	vld [tilespmem:s20+$0x40]  }
0x455: {  	[tilespmem:s20+$0xFFFFFFE0] =	vst v1;
	v1 =	vmul.f32 $8.000000000e+00, v5;
	v5 =	vld [tilespmem:s20+$0x50]  }
0x456: {  	[tilespmem:s20+$0xFFFFFFF0] =	vst v0;
	v0 =	vmul.f32 $8.000000000e+00, v6;
	v6 =	vld [tilespmem:s20+$0x60]  }
0x457: {  	[tilespmem:s20+$0x0] =	vst v1;
	v1 =	vmul.f32 $8.000000000e+00, v3;
	v3 =	vld [tilespmem:s20+$0x70]  }
0x458: {  	[tilespmem:s20+$0x10] =	vst v0;
	v0 =	vmul.f32 $8.000000000e+00, v4;
	v4 =	vld [tilespmem:s20+$0x80]  }
0x459: {  	[tilespmem:s20+$0x20] =	vst v1;
	v1 =	vmul.f32 $8.000000000e+00, v2;
	v7 =	vld [tilespmem:s20+$0x90]  }
0x45a: {  	[tilespmem:s20+$0x30] =	vst v0;
	v2 =	vmul.f32 $8.000000000e+00, v5;
	v8 =	vld [tilespmem:s20+$0xA0]  }
.Ltmp11:
0x45b: {  	[tilespmem:s20+$0x40] =	vst v1;
	v5 =	vmul.f32 $8.000000000e+00, v6;
	v0 =	vld [tilespmem:s20+$0xB0];
	(pc) =	sbr.rel @p0 .LBB2_24-.Ltmp11, $4  }
0x45c: {  	[tilespmem:s20+$0x50] =	vst v2;
	v3 =	vmul.f32 $8.000000000e+00, v3;
	v1 =	vld [tilespmem:s20+$0xC0]  }
0x45d: {  	[tilespmem:s20+$0x60] =	vst v5;
	v6 =	vmul.f32 $8.000000000e+00, v4;
	v2 =	vld [tilespmem:s20+$0xD0]  }
0x45e: {  	[tilespmem:s20+$0x70] =	vst v3;
	v5 =	vmul.f32 $8.000000000e+00, v7;
	v3 =	vld [tilespmem:s20+$0xE0]  }
0x45f: {  	s20 =	sadd.s32 $0x200, s20;
	v4 =	vld [tilespmem:s0+$0xFFFFFF00];
	[tilespmem:s0+$0x80] =	vst v6;
	v6 =	vmul.f32 $8.000000000e+00, v8  }
0x460: {  	[tilespmem:s0+$0x90] =	vst v5;
	v0 =	vmul.f32 $8.000000000e+00, v0  }
0x461: {  	[tilespmem:s0+$0xA0] =	vst v6;
	v1 =	vmul.f32 $8.000000000e+00, v1  }
0x462: {  	[tilespmem:s0+$0xB0] =	vst v0;
	v0 =	vmul.f32 $8.000000000e+00, v2  }
0x463: {  	[tilespmem:s0+$0xC0] =	vst v1;
	v1 =	vmul.f32 $8.000000000e+00, v3  }
0x464: {  	v2 =	vmul.f32 $8.000000000e+00, v4;
	[tilespmem:s0+$0xD0] =	vst v0  }
0x465: {  	[tilespmem:s0+$0xE0] =	vst v1  }
0x466: {  	[tilespmem:s0+$0xFFFFFF00] =	vst v2  }
0x467: {  	s0 =	rddreg [dreg:$0xa]  }
0x468: {  	[hbm4b:s0+s7] =	stream.strided.scatter [tilespmem:s29], [sflag:$0x8], $0x3200, s8, s7, $0x38;
	[tilespmem:$0x12C00] =	vst v63  }
0x469: {  	_ =	swait.ge [sflag:s19], $0xA00  }
0x46a: {  	[sflag:s19] =	ssyncset.done $0x0  }
0x46b: {  	[sflag:s19] =	ssyncadd.s32 $0xFFFFF600  }
0x46c: {  	_ =	swait.ge [sflag:s19], $0xA00  }
0x46d: {  	[sflag:s19] =	ssyncset.done $0x0  }
0x46e: {  	[sflag:s19] =	ssyncadd.s32 $0xFFFFF600  }
0x46f: {  	_ =	swait.ge [sflag:s19], $0xA00  }
0x470: {  	[sflag:s19] =	ssyncset.done $0x0  }
0x471: {  	[sflag:s19] =	ssyncadd.s32 $0xFFFFF600  }
0x472: {  	_ =	swait.ge [sflag:s19], $0xA00  }
0x473: {  	[sflag:s19] =	ssyncset.done $0x0  }
0x474: {  	[sflag:s19] =	ssyncadd.s32 $0xFFFFF600  }
0x475: {  	_ =	swait.ge [sflag:s19], $0xA00  }
0x476: {  	[sflag:s19] =	ssyncset.done $0x0  }
0x477: {  	s0 =	simm.s32 $0xFB00;
	[sflag:s19] =	ssyncadd.s32 $0xFFFFF600  }
0x478: {  	v0 =	vld [tilespmem:s0+$0xF0]  }
0x479: {  	v1 =	vld [tilespmem:s0+$0xFFFFFF10]  }
0x47a: {  	v2 =	vld [tilespmem:s0+$0xFFFFFF20]  }
0x47b: {  	v3 =	vld [tilespmem:s0+$0xFFFFFF30]  }
0x47c: {  	v4 =	vld [tilespmem:s0+$0xFFFFFF40]  }
0x47d: {  	v5 =	vld [tilespmem:s0+$0xFFFFFF50];
	v0 =	vmul.f32 $8.000000000e+00, v0  }
0x47e: {  	v6 =	vld [tilespmem:s0+$0xFFFFFF60];
	v1 =	vmul.f32 $8.000000000e+00, v1  }
0x47f: {  	v7 =	vld [tilespmem:s0+$0xFFFFFF70];
	v2 =	vmul.f32 $8.000000000e+00, v2;
	[tilespmem:s0+$0xF0] =	vst v0  }
0x480: {  	[tilespmem:s0+$0xFFFFFF10] =	vst v1;
	v0 =	vmul.f32 $8.000000000e+00, v3;
	v1 =	vld [tilespmem:s0+$0xFFFFFF80]  }
0x481: {  	[tilespmem:s0+$0xFFFFFF20] =	vst v2;
	v2 =	vmul.f32 $8.000000000e+00, v4;
	v3 =	vld [tilespmem:s0+$0xFFFFFF90]  }
0x482: {  	v4 =	vld [tilespmem:s0+$0xFFFFFFA0];
	[tilespmem:s0+$0xFFFFFF30] =	vst v0;
	v0 =	vmul.f32 $8.000000000e+00, v5  }
0x483: {  	[tilespmem:s0+$0xFFFFFF40] =	vst v2;
	v2 =	vmul.f32 $8.000000000e+00, v6;
	v5 =	vld [tilespmem:s0+$0xFFFFFFB0]  }
0x484: {  	v6 =	vld [tilespmem:s0+$0xFFFFFFC0];
	[tilespmem:s0+$0xFFFFFF50] =	vst v0;
	v0 =	vmul.f32 $8.000000000e+00, v7  }
0x485: {  	[tilespmem:s0+$0xFFFFFF60] =	vst v2;
	v2 =	vld [tilespmem:s0+$0xFFFFFFD0];
	v1 =	vmul.f32 $8.000000000e+00, v1  }
0x486: {  	[tilespmem:s0+$0xFFFFFF70] =	vst v0;
	v0 =	vmul.f32 $8.000000000e+00, v3;
	v3 =	vld [tilespmem:s0+$0xFFFFFFE0]  }
0x487: {  	[tilespmem:s0+$0xFFFFFF80] =	vst v1;
	v1 =	vmul.f32 $8.000000000e+00, v4;
	v4 =	vld [tilespmem:s0+$0xFFFFFFF0]  }
0x488: {  	[tilespmem:s0+$0xFFFFFF90] =	vst v0;
	v0 =	vmul.f32 $8.000000000e+00, v5;
	v5 =	vld [tilespmem:s0+$0x0]  }
0x489: {  	[tilespmem:s0+$0xFFFFFFA0] =	vst v1;
	v1 =	vmul.f32 $8.000000000e+00, v6;
	v6 =	vld [tilespmem:s0+$0x10]  }
0x48a: {  	[tilespmem:s0+$0xFFFFFFB0] =	vst v0;
	v0 =	vmul.f32 $8.000000000e+00, v2;
	v2 =	vld [tilespmem:s0+$0x20]  }
0x48b: {  	[tilespmem:s0+$0xFFFFFFC0] =	vst v1;
	v1 =	vmul.f32 $8.000000000e+00, v3;
	v3 =	vld [tilespmem:s0+$0x30]  }
0x48c: {  	[tilespmem:s0+$0xFFFFFFD0] =	vst v0;
	v0 =	vmul.f32 $8.000000000e+00, v4;
	v4 =	vld [tilespmem:s0+$0x40]  }
0x48d: {  	[tilespmem:s0+$0xFFFFFFE0] =	vst v1;
	v1 =	vmul.f32 $8.000000000e+00, v5;
	v5 =	vld [tilespmem:s0+$0x50]  }
0x48e: {  	[tilespmem:s0+$0xFFFFFFF0] =	vst v0;
	v0 =	vmul.f32 $8.000000000e+00, v6;
	v6 =	vld [tilespmem:s0+$0x60]  }
0x48f: {  	[tilespmem:s0+$0x0] =	vst v1;
	v1 =	vmul.f32 $8.000000000e+00, v2;
	v2 =	vld [tilespmem:s0+$0x70]  }
0x490: {  	[tilespmem:s0+$0x10] =	vst v0;
	v0 =	vmul.f32 $8.000000000e+00, v3;
	v3 =	vld [tilespmem:s0+$0x80]  }
0x491: {  	[tilespmem:s0+$0x20] =	vst v1;
	v1 =	vmul.f32 $8.000000000e+00, v4;
	v4 =	vld [tilespmem:s0+$0x90]  }
0x492: {  	v7 =	vld [tilespmem:s0+$0xA0];
	[tilespmem:s0+$0x30] =	vst v0;
	v5 =	vmul.f32 $8.000000000e+00, v5  }
0x493: {  	v0 =	vld [tilespmem:s0+$0xB0];
	[tilespmem:s0+$0x40] =	vst v1;
	v6 =	vmul.f32 $8.000000000e+00, v6  }
0x494: {  	v1 =	vld [tilespmem:s0+$0xC0];
	[tilespmem:s0+$0x50] =	vst v5;
	v5 =	vmul.f32 $8.000000000e+00, v2  }
0x495: {  	v2 =	vld [tilespmem:s0+$0xD0];
	[tilespmem:s0+$0x60] =	vst v6;
	v6 =	vmul.f32 $8.000000000e+00, v3  }
0x496: {  	v3 =	vld [tilespmem:s0+$0xE0];
	[tilespmem:s0+$0x70] =	vst v5;
	v5 =	vmul.f32 $8.000000000e+00, v4  }
0x497: {  	s1 =	simm.s32 $0x0;
	s20 =	simm.s32 $0xFD00;
	v4 =	vld [tilespmem:s0+$0xFFFFFF00];
	[tilespmem:s0+$0x80] =	vst v6;
	v6 =	vmul.f32 $8.000000000e+00, v7  }
.LBB2_26:
0x498: {  	v7 =	vld [tilespmem:s20+$0xF0];
	s1 =	sadd.s32 $0x8, s1;
	[tilespmem:s0+$0x90] =	vst v5;
	v0 =	vmul.f32 $8.000000000e+00, v0  }
0x499: {  	v5 =	vld [tilespmem:s20+$0xFFFFFF10];
	p0 =	slt.u32 s1, $0xC0;
	[tilespmem:s0+$0xA0] =	vst v6;
	v1 =	vmul.f32 $8.000000000e+00, v1  }
0x49a: {  	v6 =	vld [tilespmem:s20+$0xFFFFFF20];
	[tilespmem:s0+$0xB0] =	vst v0;
	v0 =	vmul.f32 $8.000000000e+00, v2  }
0x49b: {  	v2 =	vld [tilespmem:s20+$0xFFFFFF30];
	[tilespmem:s0+$0xC0] =	vst v1;
	v1 =	vmul.f32 $8.000000000e+00, v3  }
0x49c: {  	v3 =	vld [tilespmem:s20+$0xFFFFFF40];
	v4 =	vmul.f32 $8.000000000e+00, v4;
	[tilespmem:s0+$0xD0] =	vst v0  }
0x49d: {  	v0 =	vld [tilespmem:s20+$0xFFFFFF50];
	v7 =	vmul.f32 $8.000000000e+00, v7;
	[tilespmem:s0+$0xE0] =	vst v1  }
0x49e: {  	v1 =	vmul.f32 $8.000000000e+00, v5;
	v5 =	vld [tilespmem:s20+$0xFFFFFF60];
	[tilespmem:s0+$0xFFFFFF00] =	vst v4;
	s0 =	smov.u32 s20  }
0x49f: {  	v4 =	vmul.f32 $8.000000000e+00, v6;
	v6 =	vld [tilespmem:s20+$0xFFFFFF70];
	[tilespmem:s20+$0xF0] =	vst v7  }
0x4a0: {  	[tilespmem:s20+$0xFFFFFF10] =	vst v1;
	v1 =	vmul.f32 $8.000000000e+00, v2;
	v2 =	vld [tilespmem:s20+$0xFFFFFF80]  }
0x4a1: {  	[tilespmem:s20+$0xFFFFFF20] =	vst v4;
	v3 =	vmul.f32 $8.000000000e+00, v3;
	v4 =	vld [tilespmem:s20+$0xFFFFFF90]  }
0x4a2: {  	[tilespmem:s20+$0xFFFFFF30] =	vst v1;
	v0 =	vmul.f32 $8.000000000e+00, v0;
	v1 =	vld [tilespmem:s20+$0xFFFFFFA0]  }
0x4a3: {  	[tilespmem:s20+$0xFFFFFF40] =	vst v3;
	v3 =	vmul.f32 $8.000000000e+00, v5;
	v5 =	vld [tilespmem:s20+$0xFFFFFFB0]  }
0x4a4: {  	[tilespmem:s20+$0xFFFFFF50] =	vst v0;
	v0 =	vmul.f32 $8.000000000e+00, v6;
	v6 =	vld [tilespmem:s20+$0xFFFFFFC0]  }
0x4a5: {  	[tilespmem:s20+$0xFFFFFF60] =	vst v3;
	v2 =	vmul.f32 $8.000000000e+00, v2;
	v3 =	vld [tilespmem:s20+$0xFFFFFFD0]  }
0x4a6: {  	[tilespmem:s20+$0xFFFFFF70] =	vst v0;
	v0 =	vmul.f32 $8.000000000e+00, v4;
	v4 =	vld [tilespmem:s20+$0xFFFFFFE0]  }
0x4a7: {  	[tilespmem:s20+$0xFFFFFF80] =	vst v2;
	v1 =	vmul.f32 $8.000000000e+00, v1;
	v2 =	vld [tilespmem:s20+$0xFFFFFFF0]  }
0x4a8: {  	[tilespmem:s20+$0xFFFFFF90] =	vst v0;
	v0 =	vmul.f32 $8.000000000e+00, v5;
	v5 =	vld [tilespmem:s20+$0x0]  }
0x4a9: {  	[tilespmem:s20+$0xFFFFFFA0] =	vst v1;
	v1 =	vmul.f32 $8.000000000e+00, v6;
	v6 =	vld [tilespmem:s20+$0x10]  }
0x4aa: {  	[tilespmem:s20+$0xFFFFFFB0] =	vst v0;
	v0 =	vmul.f32 $8.000000000e+00, v3;
	v3 =	vld [tilespmem:s20+$0x20]  }
0x4ab: {  	[tilespmem:s20+$0xFFFFFFC0] =	vst v1;
	v1 =	vmul.f32 $8.000000000e+00, v4;
	v4 =	vld [tilespmem:s20+$0x30]  }
0x4ac: {  	[tilespmem:s20+$0xFFFFFFD0] =	vst v0;
	v0 =	vmul.f32 $8.000000000e+00, v2;
	v2 =	vld [tilespmem:s20+$0x40]  }
0x4ad: {  	[tilespmem:s20+$0xFFFFFFE0] =	vst v1;
	v1 =	vmul.f32 $8.000000000e+00, v5;
	v5 =	vld [tilespmem:s20+$0x50]  }
0x4ae: {  	[tilespmem:s20+$0xFFFFFFF0] =	vst v0;
	v0 =	vmul.f32 $8.000000000e+00, v6;
	v6 =	vld [tilespmem:s20+$0x60]  }
0x4af: {  	[tilespmem:s20+$0x0] =	vst v1;
	v1 =	vmul.f32 $8.000000000e+00, v3;
	v3 =	vld [tilespmem:s20+$0x70]  }
0x4b0: {  	[tilespmem:s20+$0x10] =	vst v0;
	v0 =	vmul.f32 $8.000000000e+00, v4;
	v4 =	vld [tilespmem:s20+$0x80]  }
0x4b1: {  	[tilespmem:s20+$0x20] =	vst v1;
	v1 =	vmul.f32 $8.000000000e+00, v2;
	v7 =	vld [tilespmem:s20+$0x90]  }
0x4b2: {  	[tilespmem:s20+$0x30] =	vst v0;
	v2 =	vmul.f32 $8.000000000e+00, v5;
	v8 =	vld [tilespmem:s20+$0xA0]  }
.Ltmp12:
0x4b3: {  	[tilespmem:s20+$0x40] =	vst v1;
	v5 =	vmul.f32 $8.000000000e+00, v6;
	v0 =	vld [tilespmem:s20+$0xB0];
	(pc) =	sbr.rel @p0 .LBB2_26-.Ltmp12, $4  }
0x4b4: {  	[tilespmem:s20+$0x50] =	vst v2;
	v3 =	vmul.f32 $8.000000000e+00, v3;
	v1 =	vld [tilespmem:s20+$0xC0]  }
0x4b5: {  	[tilespmem:s20+$0x60] =	vst v5;
	v6 =	vmul.f32 $8.000000000e+00, v4;
	v2 =	vld [tilespmem:s20+$0xD0]  }
0x4b6: {  	[tilespmem:s20+$0x70] =	vst v3;
	v5 =	vmul.f32 $8.000000000e+00, v7;
	v3 =	vld [tilespmem:s20+$0xE0]  }
0x4b7: {  	s20 =	sadd.s32 $0x200, s20;
	v4 =	vld [tilespmem:s0+$0xFFFFFF00];
	[tilespmem:s0+$0x80] =	vst v6;
	v6 =	vmul.f32 $8.000000000e+00, v8  }
0x4b8: {  	[tilespmem:s0+$0x90] =	vst v5;
	v0 =	vmul.f32 $8.000000000e+00, v0  }
0x4b9: {  	[tilespmem:s0+$0xA0] =	vst v6;
	v1 =	vmul.f32 $8.000000000e+00, v1  }
0x4ba: {  	[tilespmem:s0+$0xB0] =	vst v0;
	v61 =	vmul.f32 $8.000000000e+00, v2  }
0x4bb: {  	[tilespmem:s0+$0xC0] =	vst v1;
	v62 =	vmul.f32 $8.000000000e+00, v3  }
0x4bc: {  	v63 =	vmul.f32 $8.000000000e+00, v4;
	[tilespmem:s0+$0xD0] =	vst v61  }
0x4bd: {  	[tilespmem:s0+$0xE0] =	vst v62  }
0x4be: {  	[tilespmem:s0+$0xFFFFFF00] =	vst v63  }
0x4bf: {  	s0 =	rddreg [dreg:$0xb]  }
0x4c0: {  	[hbm4b:s0+s7] =	stream.strided.scatter [tilespmem:s9], [sflag:$0x9], $0x3200, s8, s7, $0x38;
	[tilespmem:$0x12C00] =	vst v63  }
0x4c1: {  	_ =	swait.ge [sflag:s15], $0x3200  }
0x4c2: {  	[sflag:s15] =	ssyncset.done $0x0  }
0x4c3: {  	[sflag:s15] =	ssyncadd.s32 $0xFFFFCE00  }
0x4c4: {  	_ =	swait.ge [sflag:s16], $0x3200  }
0x4c5: {  	[sflag:s16] =	ssyncset.done $0x0  }
0x4c6: {  	[sflag:s16] =	ssyncadd.s32 $0xFFFFCE00  }
0x4c7: {  	_ =	swait.ge [sflag:s21], $0x3200  }
0x4c8: {  	[sflag:s21] =	ssyncset.done $0x0  }
0x4c9: {  	[sflag:s21] =	ssyncadd.s32 $0xFFFFCE00  }
0x4ca: {  	_ =	swait.ge [sflag:s23], $0x3200  }
0x4cb: {  	s1 =	rddreg [dreg:$0xd]  }
0x4cc: {  	s30 =	rddreg [dreg:$0xc];
	s1 =	sadd.s32 $0x1, s1  }
0x4cd: {  	p0 =	sne.s32 s1, s30  }
.Ltmp13:
0x4ce: {  	_ = 	snop;
	(pc) =	sbr.rel @p0 .LBB2_1-.Ltmp13, $3  }
0x4cf: {  	_ =	sdelay $0x1  }
0x4d0: {  	[sflag:s23] =	ssyncset.done $0x0  }
0x4d1: {  	[sflag:s23] =	ssyncadd.s32 $0xFFFFCE00  }
0x4d2: {  	_ =	sfence.sel $0x180000  }
0x4d3: {  	[bflag:$0x0] =	sbarrier.arrive $0xFFFF  }
0x4d4: {  	_ =	strace $0x9000004A  }
0x4d5: {  	s0 =	stileid.u32;
	[bflag:$0x2] =	sbarrier.arrive $0xFFFF  }
0x4d6: {  	p0 =	sne.s32 s0, $0x0;
	s0 =	rddreg [dreg:$0x2]  }
0x4d7: {  	s0 =	sadd.s32 @!p0 $0x100000, s0  }
0x4d8: {  	[sflag:s0] =	ssyncadd.tile.s32 @!p0 $0x1;
	_ =	shalt  }
.Lfunc_end2:
_tile_overlayer_lowered:
.L_overlay_start_2:
0x4d9: {  	(tag) =	ssettag $0x2  }
0x4da: {  	s0 =	rddreg [dreg:$0x0];
	s2 =	stileid.u32  }
0x4db: {  	s1 =	rddreg [dreg:$0x1];
	p0 =	sne.s32 s2, $0x0  }
0x4dc: {  	s3 =	rddreg [dreg:$0x2];
	[bflag:$0x3] =	sbarrier.arrive $0xFFFF;
	s2 =	simm.s32 @!p0 $0x1C0A  }
0x4dd: {  	[timem:s3], [sflag:s2] =	dma.local @!p0 [hbm:s0], s1  }
0x4de: {  	s0 =	simm.s32 @!p0 $0xA  }
0x4df: {  	_ =	swait.ge @!p0 [sflag:s0], s1  }
0x4e0: {  	s1 =	ssub.s32 @!p0 $0x0, s1;
	[sflag:s0] =	ssyncset.done @!p0 $0x0  }
0x4e1: {  	[sflag:s0] =	ssyncadd.s32 @!p0 s1  }
0x4e2: {  	[bflag:$0x3] =	sbarrier.arrive $0xFFFF  }
0x4e3: {  	_ =	shalt  }

// kernel: sparse-core-data-format-call.1.cloned.1.call-start
scs
called_computation.1_lowered:
.L_overlay_start_0:
0x0: {  	s2 =	sld [smem:$0x3FD9]  }
0x1: {  	s3 =	sld [smem:$0x3FFE];
	_ =	sdelay $0x1  }
0x2: {  	s1 =	srdreg.scid  }
0x3: {  	s0 =	sand.u32 $0x1, s1  }
0x4: {  	s18 =	sshll.u32 s0, $0xA;
	s2 =	sadd.s32 s3, s2  }
0x5: {  	s2 =	sadd.s32 s2, s18  }
0x6: {  	[smem:$0x3FC6] =	sst s2  }
0x7: {  	_ = 	snop  }
0x8: {  	s2 =	sld [smem:$0x3FC8];
	(tm) =	ssettm $0x1  }
0x9: {  	s19 =	sld [smem:$0x3FFB];
	_ =	sdelay $0x3  }
0xa: {  	_ =	strace s19  }
0xb: {  	s3 =	sld [smem:$0x3FFC];
	_ =	sdelay $0x3  }
0xc: {  	_ =	strace s3  }
0xd: {  	s3 =	sld [smem:$0x3FFD];
	_ =	sdelay $0x3  }
0xe: {  	_ =	strace s3  }
0xf: {  	_ =	strace $0x8FFFFFFF  }
0x10: {  	s20 =	sld [smem:$0x3FDB];
	_ =	sdelay $0x1  }
0x11: {  	s4 =	simm.s32 $_scs_section_size  }
0x12: {  	s5 =	simm.s32 $_size__tile_overlayer_lowered;
	s6 =	simm.s32 $_tile_overlayer_lowered  }
0x13: {  	s23 =	simm.s32 $0x1BFF;
	s22 =	sshll.u32 s6, $0x1;
	s3 =	sadd.s32 s4, s20  }
0x14: {  	s7 =	simm.s32 $0x0;
	s21 =	sshll.u32 s5, $0x1;
	s5 =	sadd.s32 s22, s3  }
0x15: {  	[timem:s7], [sflag:s23] =	dma.local [hbm:s5], s21  }
0x16: {  	_ =	swait.ge [sflag:s23], s21  }
0x17: {  	s4 =	ssub.s32 $0x0, s21;
	[sflag:s23] =	ssyncset.done $0x0  }
0x18: {  	[sflag:s23] =	ssyncadd.s32 s4;
	_ =	sdelay $0x1  }
0x19: {  	s24 =	simm.s32 $0x1B8B  }
0x1a: {  	_ =	swait.ge [sflag:s24], $0x1  }
0x1b: {  	[sflag:s24] =	ssyncset.done $0x0  }
0x1c: {  	s26 =	simm.s32 $0x1B8E;
	s25 =	sld [smem:$0x3FFE];
	[sflag:s24] =	ssyncadd.s32 $0xFFFFFFFF  }
0x1d: {  	s27 =	simm.s32 $execute0_lowered;
	[smem:$0x3FD2] =	sst s26  }
0x1e: {  	s5 =	sshll.u32 s27, $0x1;
	_ =	strace $0x80000046;
	[dreg:$0x1] =	wrdreg $0xFFFFFFFF  }
0x1f: {  	s28 =	simm.s32 $_size_execute0_lowered;
	s3 =	sadd.s32 s3, s5;
	[dreg:$0x0] =	wrdreg $0x0  }
0x20: {  	s5 =	sshll.u32 s28, $0x1;
	[dreg:$0x2] =	wrdreg s3  }
0x21: {  	[dreg:$0x3] =	wrdreg s5  }
0x22: {  	[dreg:$0x4] =	wrdreg $0xC0  }
0x23: {  	_ =	task [dreg:s7], $0x5FFFF  }
0x24: {  	[dreg:$0x1] =	wrdreg $0xFFFFFFFF  }
0x25: {  	[dreg:$0x0] =	wrdreg $0x60  }
0x26: {  	[dreg:$0x2] =	wrdreg s2  }
0x27: {  	[dreg:$0x3] =	wrdreg s25  }
0x28: {  	[dreg:$0x4] =	wrdreg $0x9  }
0x29: {  	_ =	task.clear_ibuf [dreg:s7], $0x5FFFF;
	_ =	strace $0x90000046  }
0x2a: {  	s29 =	simm.s32 $0x9;
	_ =	strace $0x80000048  }
0x2b: {  	_ =	swait.ge [sflag:s29], $0x1  }
0x2c: {  	[sflag:s29] =	ssyncadd.s32 $0xFFFFFFFF  }
0x2d: {  	_ =	strace $0x90000048  }
0x2e: {  	_ =	sfence  }
0x2f: {  	s30 =	sld [smem:$0x0];
	_ =	sdelay $0x2  }
0x30: {  	s31 =	sshll.u32 s1, $0xD;
	s1 =	sshrl.u32 s1, $0x2  }
0x31: {  	s3 =	sand.u32 $0x4000, s31;
	s1 =	sadd.s32 s1, s30  }
0x32: {  	s0 =	sor.u32 s3, s0;
	s1 =	sshll.u32 s1, $0x11  }
0x33: {  	s0 =	sor.u32 s1, s0  }
0x34: {  	s0 =	sadd.s32 $0x8F2B, s0  }
0x35: {  	[sflag:s0] =	ssyncadd.remote.s32 $0x1  }
0x36: {  	_ =	sfence.sel $0xFFFF  }
0x37: {  	[dreg:$0x0] =	wrdreg $0xFFFFFFFF;
	(pc) =	sbr.abs _section_cstart, $3  }
0x38: {  	[dreg:$0x1] =	wrdreg $0xFFFFFFFF  }
0x39: {  	_ =	task.clear_ibuf [dreg:s7], $0x2FFFF;
	_ =	strace $0x9FFFFFFF  }
0x3a: {  	(tm) =	ssettm $0x7FFFFFFF  }
0x3b: {  	_ =	shalt  }
tec
execute0_lowered:
.L_overlay_start_1:
0x0: {  	(tag) =	ssettag $0x1  }
0x1: {  	s0 =	srdreg.scid;
	s2 =	rddreg [dreg:$0x0]  }
0x2: {  	s5 =	rddreg [dreg:$0x1];
	s1 =	stileid.u32  }
0x3: {  	s4 =	simm.s32 $0x1;
	s6 =	simm.s32 $0x2;
	s15 =	simm.s32 $0x0  }
0x4: {  	p0 =	por $0x0, $0x0;
	s8 =	simm.s32 $0x80;
	s0 =	sshll.u32 s0, $0x4  }
0x5: {  	s14 =	simm.s32 $0x0;
	s9 =	simm.s32 $0x0;
	s3 =	sand.u32 $0x10, s0  }
.Ltmp0:
0x6: {  	s10 =	simm.s32 $0x0;
	s3 =	sor.u32 s1, s3;
	(pc) =	sbr.rel .LBB1_1-.Ltmp0, $4  }
0x7: {  	s0 =	rddreg [dreg:$0x2];
	_ =	strace $0x80000047;
	s3 =	sshll.u32 s3, $0x7  }
0x8: {  	s12 =	simm.s32 $0x0;
	[sflag:s4] =	ssyncpa.u1 $0x0;
	s7 =	ssub.s32 $0xF4200, s3  }
0x9: {  	s13 =	simm.s32 $0x0;
	[sflag:s6] =	ssyncpa.u1 $0x0;
	s6 =	sshrl.u32 s7, $0xC  }
0xa: {  	s5 =	sadd.s32 $0xE00, s5;
	s11 =	smov.u32 s3;
	s7 =	sadd.s32 $0x2, s6  }
.LBB1_5:
0xb: {  	p1 =	slt.u32 s13, $0x2  }
0xc: {  	s17 =	smov.u32 s15;
	p2 =	sgt.s32 @!p1 s15, $0xF41C0;
	s16 =	sshra.s32 @!p1 s15, $0x1F  }
0xd: {  	p3 =	sgt.s32 @!p1 s14, $0x40;
	s18 =	sshra.s32 @!p1 s14, $0x1F;
	p2 =	por !p2, p1  }
0xe: {  	s15 =	sand.u32 @!p1 s16, s15;
	p3 =	por !p3, p1;
	s16 =	smov.u32 s14  }
0xf: {  	s14 =	sand.u32 @!p1 s18, s14;
	s17 =	simm.s32 @p2 $0xF41C0;
	s16 =	simm.s32 @p3 $0x40  }
0x10: {  	s15 =	ssub.s32 @!p1 s17, s15;
	s14 =	ssub.s32 @!p1 s16, s14  }
0x11: {  	s18 =	smov.u32 s12;
	s16 =	sadd.s32 @!p1 $0xFFF0BE40, s15;
	s17 =	sadd.s32 @!p1 $0xFFFFFFC0, s14  }
0x12: {  	s15 =	ssub.s32 @!p1 $0xF4240, s15;
	p2 =	sgt.s32 @!p1 s16, $0x7F;
	p3 =	sgt.s32 @!p1 s17, $0x3F  }
0x13: {  	s14 =	ssub.s32 @!p1 $0x80, s14;
	p2 =	por !p2, p1;
	p3 =	por !p3, p1  }
0x14: {  	s16 =	sadd.s32 $0x1000, s11;
	s15 =	simm.s32 @!p2 $0x0;
	s14 =	simm.s32 @!p3 $0x0  }
0x15: {  	p2 =	sgt.s32 s16, $0xF423F;
	s14 =	smul.u32 @!p1 s14, s15;
	s15 =	sadd.s32 $0x40, s12  }
0x16: {  	s18 =	smov.u32 @p2 s15  }
0x17: {  	s16 =	smov.u32 @p2 s3;
	p2 =	sgt.s32 s18, $0x3F  }
0x18: {  	s18 =	simm.s32 @p2 $0x0;
	p2 =	sne.s32 s13, s7  }
.Ltmp1:
0x19: {  	p0 =	por !p0, !p0;
	s17 =	simm.s32 @!p1 $0x2;
	(pc) =	sbr.rel @!p2 .LBB1_6-.Ltmp1, $4  }
0x1a: {  	s15 =	smov.u32 s9;
	s9 =	smov.u32 s11;
	s14 =	sand.u32 @!p1 $0x3FFFFFFF, s14  }
0x1b: {  	s11 =	smov.u32 s16;
	_ =	swait.ge @!p1 [sflag:s17], s14;
	s19 =	ssub.s32 @!p1 $0x0, s14  }
0x1c: {  	s14 =	smov.u32 s10;
	s13 =	sadd.s32 $0x1, s13;
	[sflag:s17] =	ssyncset.done @!p1 $0x0  }
0x1d: {  	s10 =	smov.u32 s12;
	s12 =	smov.u32 s18;
	[sflag:s17] =	ssyncadd.s32 @!p1 s19  }
.LBB1_1:
0x1e: {  	p1 =	sgt.u32 s13, s6  }
0x1f: {  	s16 =	sshrl.u32 @!p1 s12, $0x3  }
0x20: {  	s17 =	sshll.u32 @!p1 s11, $0x3;
	s16 =	smul.u32 @!p1 $0x7A1400, s16  }
0x21: {  	s18 =	sshll.u32 @!p1 s12, $0x7;
	s17 =	sand.u32 @!p1 $0xFFFFFC00, s17  }
0x22: {  	s16 =	sadd.s32 @!p1 s16, s17;
	s17 =	sand.u32 @!p1 $0x380, s18  }
0x23: {  	s18 =	sand.u32 @!p1 $0x7F, s11;
	s16 =	sor.u32 @!p1 s17, s16  }
0x24: {  	s17 =	sor.u32 @!p1 s18, s16  }
0x25: {  	s18 =	smulhi.u32 @!p1 $0x218D6287, s17;
	_ =	sdelay $0x1  }
0x26: {  	s16 =	smulhi.u32 @!p1 $0x218D6287, s16;
	s18 =	sshrl.u32 @!p1 s18, $0x11  }
0x27: {  	s18 =	smul.u32 @!p1 $0xF4280, s18  }
0x28: {  	s19 =	sxor.u32 @!p1 $0xFFFFFFFF, s13;
	s16 =	sshrl.u32 @!p1 s16, $0x11  }
0x29: {  	s19 =	sshll.u32 @!p1 s19, $0xD;
	s16 =	sand.u32 @!p1 $0x3F, s16;
	s17 =	ssub.s32 @!p1 s17, s18  }
0x2a: {  	s16 =	smul.u32 @!p1 $0x1E850, s16;
	s18 =	sshrl.u32 @!p1 s17, $0x3;
	s17 =	sand.u32 @!p1 $0x7, s17  }
0x2b: {  	s19 =	sand.u32 @!p1 $0x2000, s19;
	s18 =	sadd.s32 @!p1 s2, s18;
	s17 =	sshll.u32 @!p1 s17, $0x12  }
0x2c: {  	s16 =	sadd.s32 @!p1 s16, s18;
	s17 =	sor.u32 @!p1 $0x400, s17;
	s18 =	simm.s32 @!p1 $0x7A1400  }
0x2d: {  	[tilespmem:s19], [sflag:$0x1] =	stream.strided.gather @!p1 [hbm4b:s16+s17], $0x2000, s18, s17, $0x38;
	[tilespmem:$0x8100] =	vst v63  }
0x2e: {  	p1 =	seq.s32 s13, $0x0  }
0x2f: {  	p2 =	sge.u32 @!p1 s13, s7  }
0x30: {  	p1 =	por p1, p2  }
.Ltmp2:
0x31: {  	_ = 	snop;
	(pc) =	sbr.rel @p1 .LBB1_5-.Ltmp2, $1  }
0x32: {  	_ =	sdelay $0x3  }
0x33: {  	s16 =	simm.s32 $0x1  }
0x34: {  	_ =	swait.ge [sflag:s4], $0x2000;
	s16 =	simm.s32 @!p0 $0x0  }
0x35: {  	[sflag:s4] =	ssyncset.done $0x0;
	s17 =	sshll.u32 s16, $0xD  }
0x36: {  	[sflag:s4] =	ssyncadd.s32 $0xFFFFE000;
	s17 =	sor.u32 $0x40, s17  }
0x37: {  	s16 =	smul.u32 $0x8200, s16;
	v0 =	vld [tilespmem:s17+$0x30]  }
0x38: {  	v1 =	vld [tilespmem:s17+$0xFFFFFFD0]  }
0x39: {  	s16 =	sshrl.u32 s16, $0x2;
	v5 =	vld [tilespmem:s17+$0xFFFFFFE0]  }
0x3a: {  	v6 =	vld [tilespmem:s17+$0xFFFFFFF0];
	s19 =	sor.u32 $0x4000, s16  }
0x3b: {  	s31 =	sand.u32 $0x1, s13;
	v4 =	vld [tilespmem:s17+$0x0];
	s18 =	sadd.s32 $0x0, s19  }
0x3c: {  	v3 =	vld [tilespmem:s17+$0x10];
	s16 =	smul.u32 $0x8200, s31;
	[tilespmem:s18+$0x1C70 ss:$0x41] =	vst.msk $0xffff, v0  }
0x3d: {  	v2 =	vld [tilespmem:s17+$0x20];
	[tilespmem:s18+$0x410 ss:$0x41] =	vst.msk $0xffff, v1  }
0x3e: {  	s16 =	sshrl.u32 s16, $0x2;
	v1 =	vld [tilespmem:s17+$0xFFFFFFC0];
	[tilespmem:s18+$0x820 ss:$0x41] =	vst.msk $0xffff, v5;
	s17 =	sadd.s32 $0x80, s17  }
0x3f: {  	s20 =	simm.s32 $0x4;
	s21 =	simm.s32 $0x8;
	s16 =	sor.u32 $0x4000, s16;
	[tilespmem:s18+$0xC30 ss:$0x41] =	vst.msk $0xffff, v6;
	v0 =	vld [tilespmem:s17+$0x30]  }
.LBB1_3:
0x40: {  	p1 =	sne.s32 s21, $0xFC;
	v5 =	vld [tilespmem:s17+$0xFFFFFFD0];
	[tilespmem:s18+$0x1040 ss:$0x41] =	vst.msk $0xffff, v4  }
0x41: {  	v6 =	vld [tilespmem:s17+$0xFFFFFFE0];
	[tilespmem:s18+$0x1450 ss:$0x41] =	vst.msk $0xffff, v3  }
0x42: {  	s22 =	sshra.s32 s20, $0x2;
	s20 =	smov.u32 s21;
	v7 =	vld [tilespmem:s17+$0xFFFFFFF0];
	[tilespmem:s18+$0x1860 ss:$0x41] =	vst.msk $0xffff, v2  }
.Ltmp3:
0x43: {  	v4 =	vld [tilespmem:s17+$0x0];
	[tilespmem:s18+$0x0 ss:$0x41] =	vst.msk $0xffff, v1;
	s18 =	sadd.s32 s22, s19;
	(pc) =	sbr.rel @p1 .LBB1_3-.Ltmp3, $4  }
0x44: {  	v3 =	vld [tilespmem:s17+$0x10];
	[tilespmem:s18+$0x1C70 ss:$0x41] =	vst.msk $0xffff, v0  }
0x45: {  	[tilespmem:s18+$0x410 ss:$0x41] =	vst.msk $0xffff, v5;
	v2 =	vld [tilespmem:s17+$0x20]  }
0x46: {  	v1 =	vld [tilespmem:s17+$0xFFFFFFC0];
	[tilespmem:s18+$0x820 ss:$0x41] =	vst.msk $0xffff, v6;
	s17 =	sadd.s32 $0x80, s17  }
0x47: {  	s21 =	sadd.s32 $0x4, s21;
	v0 =	vld [tilespmem:s17+$0x30];
	[tilespmem:s18+$0xC30 ss:$0x41] =	vst.msk $0xffff, v7  }
0x48: {  	s21 =	sshll.u32 s9, $0x7;
	s22 =	sshll.u32 s10, $0x3;
	s20 =	sshra.s32 s20, $0x2  }
0x49: {  	p1 =	sgt.s32 s9, $0xF41C0;
	s30 =	sshra.s32 s9, $0x1F;
	s25 =	sshra.s32 s10, $0x1F  }
0x4a: {  	v5 =	vld [tilespmem:s17+$0xFFFFFFD0];
	s28 =	sshrl.u32 s10, $0x3;
	s23 =	sand.u32 $0xFFFFFC00, s21;
	s22 =	sand.u32 $0xFFFFFC00, s22  }
0x4b: {  	[tilespmem:s18+$0x1040 ss:$0x41] =	vst.msk $0xffff, v4;
	v58 =	vld [tilespmem:s17+$0xFFFFFFE0];
	s21 =	sand.u32 $0x380, s21;
	s19 =	sadd.s32 s20, s19;
	s22 =	sadd.s32 s22, s23  }
0x4c: {  	v59 =	vld [tilespmem:s17+$0xFFFFFFF0];
	[tilespmem:s18+$0x1450 ss:$0x41] =	vst.msk $0xffff, v3;
	s29 =	sor.u32 s21, s22;
	s21 =	smov.u32 s9;
	s22 =	sand.u32 s30, s9  }
0x4d: {  	v60 =	vld [tilespmem:s17+$0x0];
	[tilespmem:s18+$0x1860 ss:$0x41] =	vst.msk $0xffff, v2;
	s30 =	sand.u32 $0x7, s10;
	s20 =	sshrl.u32 s29, $0x7;
	s21 =	simm.s32 @!p1 $0xF41C0  }
0x4e: {  	v61 =	vld [tilespmem:s17+$0x10];
	[tilespmem:s18+$0x0 ss:$0x41] =	vst.msk $0xffff, v1;
	p1 =	sgt.s32 s10, $0x40;
	s24 =	ssub.s32 s21, s22;
	s21 =	smov.u32 s10  }
0x4f: {  	v62 =	vld [tilespmem:s17+$0x20];
	[tilespmem:s19+$0x1C70 ss:$0x41] =	vst.msk $0xffff, v0;
	s31 =	smulhi.u32 $0x218DEF5, s20;
	s22 =	sand.u32 s25, s10;
	s21 =	simm.s32 @!p1 $0x40  }
0x50: {  	v63 =	vld [tilespmem:s17+$0xFFFFFFC0];
	[tilespmem:s19+$0x410 ss:$0x41] =	vst.msk $0xffff, v5;
	s26 =	sadd.s32 $0xFFF0BE40, s24;
	s17 =	ssub.s32 $0xF4240, s24;
	s21 =	ssub.s32 s21, s22  }
0x51: {  	[tilespmem:s19+$0x820 ss:$0x41] =	vst.msk $0xffff, v58;
	s23 =	sshrl.u32 s31, $0xD;
	p1 =	sgt.s32 s26, $0x7F;
	s27 =	sadd.s32 $0xFFFFFFC0, s21  }
0x52: {  	[tilespmem:s19+$0xC30 ss:$0x41] =	vst.msk $0xffff, v59;
	s23 =	smul.u32 $0xF4240, s23;
	s18 =	ssub.s32 $0x80, s21;
	p2 =	sgt.s32 s27, $0x3F  }
.Ltmp4:
0x53: {  	[tilespmem:s19+$0x1040 ss:$0x41] =	vst.msk $0xffff, v60;
	s17 =	simm.s32 @p1 $0x0;
	s18 =	simm.s32 @p2 $0x0;
	(pc) =	sbr.rel .LBB1_5-.Ltmp4, $4  }
0x54: {  	s29 =	sand.u32 $0xF, s28;
	[tilespmem:s19+$0x1450 ss:$0x41] =	vst.msk $0xffff, v61;
	s20 =	ssub.s32 s20, s23;
	s17 =	smul.u32 s18, s17  }
0x55: {  	[tilespmem:s19+$0x1860 ss:$0x41] =	vst.msk $0xffff, v62;
	s21 =	sshll.u32 s30, $0x12;
	s20 =	sshll.u32 s20, $0x4;
	s18 =	sadd.s32 s5, s29  }
0x56: {  	[tilespmem:s19+$0x0 ss:$0x41] =	vst.msk $0xffff, v63;
	s31 =	sor.u32 $0x40, s21;
	s18 =	sadd.s32 s20, s18;
	s17 =	sand.u32 $0x3FFFFFFF, s17  }
0x57: {  	[hbm4b:s18+s31] =	stream.strided.scatter [tilespmem:s16], [sflag:$0x2], s17, s8, s31, $0x18;
	[tilespmem:$0x8100] =	vst v63  }
.LBB1_6:
0x58: {  	_ =	sfence.sel $0x180000  }
0x59: {  	s2 =	simm.s32 $0x1;
	[bflag:$0x0] =	sbarrier.arrive $0xFFFF  }
0x5a: {  	s31 =	simm.s32 $0x2;
	[sflag:s2] =	ssyncpa.u1 $0x1  }
0x5b: {  	[sflag:s31] =	ssyncpa.u1 $0x1  }
0x5c: {  	p0 =	sne.s32 s1, $0x0;
	_ =	strace $0x90000047  }
0x5d: {  	s0 =	sadd.s32 @!p0 $0x100000, s0;
	[bflag:$0x2] =	sbarrier.arrive $0xFFFF  }
0x5e: {  	[sflag:s0] =	ssyncadd.tile.s32 @!p0 $0x1;
	_ =	shalt  }
.Lfunc_end1:
_tile_overlayer_lowered:
.L_overlay_start_2:
0x5f: {  	(tag) =	ssettag $0x2  }
0x60: {  	s0 =	rddreg [dreg:$0x0];
	s2 =	stileid.u32  }
0x61: {  	s1 =	rddreg [dreg:$0x1];
	p0 =	sne.s32 s2, $0x0  }
0x62: {  	s3 =	rddreg [dreg:$0x2];
	[bflag:$0x3] =	sbarrier.arrive $0xFFFF;
	s2 =	simm.s32 @!p0 $0x1C01  }
0x63: {  	[timem:s3], [sflag:s2] =	dma.local @!p0 [hbm:s0], s1  }
0x64: {  	s0 =	simm.s32 @!p0 $0x1  }
0x65: {  	_ =	swait.ge @!p0 [sflag:s0], s1  }
0x66: {  	s1 =	ssub.s32 @!p0 $0x0, s1;
	[sflag:s0] =	ssyncset.done @!p0 $0x0  }
0x67: {  	[sflag:s0] =	ssyncadd.s32 @!p0 s1  }
0x68: {  	[bflag:$0x3] =	sbarrier.arrive $0xFFFF  }
0x69: {  	_ =	shalt  }

// kernel: sparse-core-data-format-call.cloned.1.call-start
scs
called_computation_lowered:
.L_overlay_start_0:
0x0: {  	s2 =	sld [smem:$0x3FD9]  }
0x1: {  	s3 =	sld [smem:$0x3FFE];
	_ =	sdelay $0x1  }
0x2: {  	s1 =	srdreg.scid  }
0x3: {  	s0 =	sand.u32 $0x1, s1  }
0x4: {  	s18 =	sshll.u32 s0, $0xA;
	s2 =	sadd.s32 s3, s2  }
0x5: {  	s2 =	sadd.s32 s2, s18  }
0x6: {  	[smem:$0x3FC6] =	sst s2  }
0x7: {  	_ = 	snop  }
0x8: {  	s2 =	sld [smem:$0x3FD0];
	(tm) =	ssettm $0x1  }
0x9: {  	s19 =	sld [smem:$0x3FFB];
	_ =	sdelay $0x3  }
0xa: {  	_ =	strace s19  }
0xb: {  	s3 =	sld [smem:$0x3FFC];
	_ =	sdelay $0x3  }
0xc: {  	_ =	strace s3  }
0xd: {  	s3 =	sld [smem:$0x3FFD];
	_ =	sdelay $0x3  }
0xe: {  	_ =	strace s3  }
0xf: {  	_ =	strace $0x8FFFFFFF  }
0x10: {  	s20 =	sld [smem:$0x3FDB];
	_ =	sdelay $0x1  }
0x11: {  	s4 =	simm.s32 $_scs_section_size  }
0x12: {  	s5 =	simm.s32 $_size__tile_overlayer_lowered;
	s6 =	simm.s32 $_tile_overlayer_lowered  }
0x13: {  	s23 =	simm.s32 $0x1BFF;
	s22 =	sshll.u32 s6, $0x1;
	s3 =	sadd.s32 s4, s20  }
0x14: {  	s7 =	simm.s32 $0x0;
	s21 =	sshll.u32 s5, $0x1;
	s5 =	sadd.s32 s22, s3  }
0x15: {  	[timem:s7], [sflag:s23] =	dma.local [hbm:s5], s21  }
0x16: {  	_ =	swait.ge [sflag:s23], s21  }
0x17: {  	s4 =	ssub.s32 $0x0, s21;
	[sflag:s23] =	ssyncset.done $0x0  }
0x18: {  	[sflag:s23] =	ssyncadd.s32 s4;
	_ =	sdelay $0x1  }
0x19: {  	s24 =	simm.s32 $0x1B8B  }
0x1a: {  	_ =	swait.ge [sflag:s24], $0x1  }
0x1b: {  	[sflag:s24] =	ssyncset.done $0x0  }
0x1c: {  	s26 =	simm.s32 $0x1B8E;
	s25 =	sld [smem:$0x3FFE];
	[sflag:s24] =	ssyncadd.s32 $0xFFFFFFFF  }
0x1d: {  	s27 =	simm.s32 $execute0_lowered;
	[smem:$0x3FD2] =	sst s26  }
0x1e: {  	s5 =	sshll.u32 s27, $0x1;
	_ =	strace $0x8000004C;
	[dreg:$0x1] =	wrdreg $0xFFFFFFFF  }
0x1f: {  	s28 =	simm.s32 $_size_execute0_lowered;
	s3 =	sadd.s32 s3, s5;
	[dreg:$0x0] =	wrdreg $0x0  }
0x20: {  	s5 =	sshll.u32 s28, $0x1;
	[dreg:$0x2] =	wrdreg s3  }
0x21: {  	[dreg:$0x3] =	wrdreg s5  }
0x22: {  	[dreg:$0x4] =	wrdreg $0xC0  }
0x23: {  	_ =	task [dreg:s7], $0x5FFFF  }
0x24: {  	[dreg:$0x1] =	wrdreg $0xFFFFFFFF  }
0x25: {  	[dreg:$0x0] =	wrdreg $0x60  }
0x26: {  	[dreg:$0x2] =	wrdreg s25  }
0x27: {  	[dreg:$0x3] =	wrdreg s2  }
0x28: {  	[dreg:$0x4] =	wrdreg $0x9  }
0x29: {  	_ =	task.clear_ibuf [dreg:s7], $0x5FFFF;
	_ =	strace $0x9000004C  }
0x2a: {  	s29 =	simm.s32 $0x9;
	_ =	strace $0x8000004E  }
0x2b: {  	_ =	swait.ge [sflag:s29], $0x1  }
0x2c: {  	[sflag:s29] =	ssyncadd.s32 $0xFFFFFFFF  }
0x2d: {  	_ =	strace $0x9000004E  }
0x2e: {  	_ =	sfence  }
0x2f: {  	s30 =	sld [smem:$0x0];
	_ =	sdelay $0x2  }
0x30: {  	s31 =	sshll.u32 s1, $0xD;
	s1 =	sshrl.u32 s1, $0x2  }
0x31: {  	s3 =	sand.u32 $0x4000, s31;
	s1 =	sadd.s32 s1, s30  }
0x32: {  	s0 =	sor.u32 s3, s0;
	s1 =	sshll.u32 s1, $0x11  }
0x33: {  	s0 =	sor.u32 s1, s0  }
0x34: {  	s0 =	sadd.s32 $0x8F2B, s0  }
0x35: {  	[sflag:s0] =	ssyncadd.remote.s32 $0x1  }
0x36: {  	_ =	sfence.sel $0xFFFF  }
0x37: {  	[dreg:$0x0] =	wrdreg $0xFFFFFFFF;
	(pc) =	sbr.abs _section_cstart, $3  }
0x38: {  	[dreg:$0x1] =	wrdreg $0xFFFFFFFF  }
0x39: {  	_ =	task.clear_ibuf [dreg:s7], $0x2FFFF;
	_ =	strace $0x9FFFFFFF  }
0x3a: {  	(tm) =	ssettm $0x7FFFFFFF  }
0x3b: {  	_ =	shalt  }
tec
execute0_lowered:
.L_overlay_start_1:
0x0: {  	(tag) =	ssettag $0x1  }
0x1: {  	s0 =	srdreg.scid  }
0x2: {  	s1 =	sshll.u32 s0, $0x4  }
0x3: {  	s0 =	stileid.u32;
	s1 =	sand.u32 $0x10, s1  }
0x4: {  	s1 =	sor.u32 s0, s1  }
0x5: {  	s6 =	rddreg [dreg:$0x0];
	s4 =	simm.s32 $0x1;
	s2 =	sshll.u32 s1, $0x7  }
0x6: {  	s7 =	simm.s32 $0x2;
	s12 =	simm.s32 $0x0;
	s1 =	ssub.s32 $0x1000, s2  }
0x7: {  	s8 =	simm.s32 $0x8000;
	s13 =	simm.s32 $0x0;
	s3 =	sand.u32 $0xF80, s1  }
0x8: {  	s9 =	simm.s32 $0x0;
	s5 =	sshrl.u32 s1, $0xC;
	p0 =	sne.s32 s3, $0x0  }
.Ltmp0:
0x9: {  	s1 =	rddreg [dreg:$0x2];
	s4 =	simm.s32 @!p0 $0x0;
	(pc) =	sbr.rel .LBB1_1-.Ltmp0, $4  }
0xa: {  	s11 =	simm.s32 $0x0;
	s3 =	rddreg [dreg:$0x1];
	s5 =	sadd.s32 s4, s5  }
0xb: {  	_ =	strace $0x8000004D;
	s4 =	simm.s32 $0x1;
	s5 =	smul.u32 $0xC8, s5  }
0xc: {  	s6 =	sadd.s32 $0xE00, s6;
	s10 =	smov.u32 s2;
	[sflag:s4] =	ssyncpa.u1 $0x0  }
0xd: {  	p0 =	por $0x0, $0x0;
	[sflag:s7] =	ssyncpa.u1 $0x0;
	s7 =	sor.u32 $0x1, s5  }
.LBB1_4:
0xe: {  	s16 =	sshll.u32 s13, $0x3;
	s17 =	sand.u32 $0x78, s13  }
0xf: {  	s30 =	sand.u32 $0x7E00, s13;
	s12 =	sshll.u32 s12, $0xF;
	s16 =	sand.u32 $0xC00, s16  }
0x10: {  	[tilespmem:s15+$0x810 ss:$0x81] =	vst.msk $0xffff, v2;
	s31 =	sand.u32 $0x7, s13;
	s16 =	sor.u32 s17, s16;
	s17 =	sadd.s32 s3, s30  }
0x11: {  	[tilespmem:s15+$0x1020 ss:$0x81] =	vst.msk $0xffff, v0;
	s13 =	sshll.u32 s31, $0x12;
	s12 =	sadd.s32 s12, s17;
	s16 =	sshrl.u32 s16, $0x3  }
0x12: {  	[tilespmem:s15+$0x0 ss:$0x81] =	vst.msk $0xffff, v1;
	s13 =	sor.u32 $0x400, s13;
	s12 =	sadd.s32 s16, s12  }
0x13: {  	[hbm4b:s12+s13] =	stream.strided.scatter [tilespmem:s14], [sflag:$0x2], $0x2000, s8, s13, $0x20;
	[tilespmem:$0x8080] =	vst v63  }
.LBB1_5:
0x14: {  	s14 =	sadd.s32 $0x1, s9  }
0x15: {  	s12 =	sadd.s32 $0x1000, s10;
	s16 =	smov.u32 s10;
	p2 =	sgt.s32 s14, $0xC7  }
0x16: {  	s16 =	smov.u32 @p2 s12  }
0x17: {  	s14 =	simm.s32 @p2 $0x0;
	p2 =	sgt.s32 s16, $0xFFF  }
0x18: {  	s16 =	smov.u32 @p2 s2;
	p2 =	sne.s32 s11, s7  }
.Ltmp1:
0x19: {  	p1 =	slt.u32 s11, $0x2;
	(pc) =	sbr.rel @!p2 .LBB1_6-.Ltmp1, $4  }
0x1a: {  	s15 =	simm.s32 @!p1 $0x2  }
0x1b: {  	s13 =	smov.u32 s10;
	p0 =	por !p0, !p0;
	_ =	swait.ge @!p1 [sflag:s15], $0x2000  }
0x1c: {  	s12 =	smov.u32 s9;
	[sflag:s15] =	ssyncset.done @!p1 $0x0;
	s9 =	smov.u32 s14  }
0x1d: {  	s11 =	sadd.s32 $0x1, s11;
	[sflag:s15] =	ssyncadd.s32 @!p1 $0xFFFFE000;
	s10 =	smov.u32 s16  }
.LBB1_1:
0x1e: {  	p1 =	sge.u32 s11, s5  }
0x1f: {  	s14 =	sand.u32 @!p1 $0x1FFFFFF, s9  }
0x20: {  	s15 =	smulhi.u32 @!p1 $0x147AE15, s14;
	_ =	sdelay $0x1  }
0x21: {  	s15 =	smul.u32 @!p1 $0xC8, s15  }
0x22: {  	s16 =	sxor.u32 @!p1 $0xFFFFFFFF, s11;
	s17 =	smul.u32 @!p1 $0xC80, s10  }
0x23: {  	s31 =	sadd.s32 $0xFFFFFFFF, s11;
	s16 =	sshll.u32 @!p1 s16, $0xD;
	s14 =	ssub.s32 @!p1 s14, s15  }
0x24: {  	s15 =	sand.u32 @!p1 $0x2000, s16;
	s16 =	sadd.s32 @!p1 s6, s17;
	s14 =	sshll.u32 @!p1 s14, $0x4  }
0x25: {  	s17 =	simm.s32 @!p1 $0x6400;
	s14 =	sadd.s32 @!p1 s14, s16;
	s16 =	simm.s32 @!p1 $0x40  }
0x26: {  	[tilespmem:s15], [sflag:$0x1] =	stream.strided.gather @!p1 [hbm4b:s14+s16], $0x2000, s17, s16, $0x38;
	[tilespmem:$0x8080] =	vst v63  }
0x27: {  	p1 =	sge.u32 s31, s5  }
.Ltmp2:
0x28: {  	_ = 	snop;
	(pc) =	sbr.rel @p1 .LBB1_5-.Ltmp2, $1  }
0x29: {  	_ =	sdelay $0x3  }
0x2a: {  	s14 =	simm.s32 $0x1  }
0x2b: {  	_ =	swait.ge [sflag:s4], $0x2000;
	s14 =	simm.s32 @!p0 $0x0  }
0x2c: {  	[sflag:s4] =	ssyncset.done $0x0;
	s15 =	sshll.u32 s14, $0xD  }
0x2d: {  	[sflag:s4] =	ssyncadd.s32 $0xFFFFE000;
	s18 =	sor.u32 $0x20, s15  }
0x2e: {  	s14 =	smul.u32 $0x8100, s14;
	v3 =	vld [tilespmem:s18+$0x10]  }
0x2f: {  	s30 =	sand.u32 $0x1, s11;
	v2 =	vld [tilespmem:s18+$0xFFFFFFF0]  }
0x30: {  	s15 =	smul.u32 $0x8100, s30;
	s14 =	sshrl.u32 s14, $0x2;
	v0 =	vld [tilespmem:s18+$0x0]  }
0x31: {  	v1 =	vld [tilespmem:s18+$0xFFFFFFE0];
	s16 =	sor.u32 $0x4000, s14  }
0x32: {  	s31 =	sshrl.u32 s15, $0x2;
	s15 =	sadd.s32 $0x0, s16  }
0x33: {  	s17 =	simm.s32 $0x4;
	s18 =	sadd.s32 $0x40, s18;
	s14 =	sor.u32 $0x4000, s31;
	[tilespmem:s15+$0x1830 ss:$0x81] =	vst.msk $0xffff, v3  }
.LBB1_3:
0x34: {  	v3 =	vld [tilespmem:s18+$0x10];
	p1 =	sne.s32 s17, $0x1FC;
	[tilespmem:s15+$0x810 ss:$0x81] =	vst.msk $0xffff, v2;
	s19 =	smov.u32 s17;
	s17 =	sadd.s32 $0x4, s17  }
.Ltmp3:
0x35: {  	v2 =	vld [tilespmem:s18+$0xFFFFFFF0];
	[tilespmem:s15+$0x1020 ss:$0x81] =	vst.msk $0xffff, v0;
	(pc) =	sbr.rel @p1 .LBB1_3-.Ltmp3, $4  }
0x36: {  	v0 =	vld [tilespmem:s18+$0x0];
	[tilespmem:s15+$0x0 ss:$0x81] =	vst.msk $0xffff, v1  }
0x37: {  	s15 =	sshra.s32 s19, $0x2;
	v1 =	vld [tilespmem:s18+$0xFFFFFFE0]  }
0x38: {  	s15 =	sadd.s32 s15, s16  }
0x39: {  	s18 =	sadd.s32 $0x40, s18;
	[tilespmem:s15+$0x1830 ss:$0x81] =	vst.msk $0xffff, v3  }
.Ltmp4:
0x3a: {  	_ = 	snop;
	(pc) =	sbr.rel .LBB1_4-.Ltmp4, $1  }
0x3b: {  	_ =	sdelay $0x3  }
.LBB1_6:
0x3c: {  	_ =	sfence.sel $0x180000  }
0x3d: {  	s2 =	simm.s32 $0x1;
	[bflag:$0x0] =	sbarrier.arrive $0xFFFF  }
0x3e: {  	s31 =	simm.s32 $0x2;
	[sflag:s2] =	ssyncpa.u1 $0x1  }
0x3f: {  	[sflag:s31] =	ssyncpa.u1 $0x1  }
0x40: {  	p0 =	sne.s32 s0, $0x0;
	_ =	strace $0x9000004D  }
0x41: {  	s0 =	sadd.s32 @!p0 $0x100000, s1;
	[bflag:$0x2] =	sbarrier.arrive $0xFFFF  }
0x42: {  	[sflag:s0] =	ssyncadd.tile.s32 @!p0 $0x1;
	_ =	shalt  }
.Lfunc_end1:
_tile_overlayer_lowered:
.L_overlay_start_2:
0x43: {  	(tag) =	ssettag $0x2  }
0x44: {  	s0 =	rddreg [dreg:$0x0];
	s2 =	stileid.u32  }
0x45: {  	s1 =	rddreg [dreg:$0x1];
	p0 =	sne.s32 s2, $0x0  }
0x46: {  	s3 =	rddreg [dreg:$0x2];
	[bflag:$0x3] =	sbarrier.arrive $0xFFFF;
	s2 =	simm.s32 @!p0 $0x1C01  }
0x47: {  	[timem:s3], [sflag:s2] =	dma.local @!p0 [hbm:s0], s1  }
0x48: {  	s0 =	simm.s32 @!p0 $0x1  }
0x49: {  	_ =	swait.ge @!p0 [sflag:s0], s1  }
0x4a: {  	s1 =	ssub.s32 @!p0 $0x0, s1;
	[sflag:s0] =	ssyncset.done @!p0 $0x0  }
0x4b: {  	[sflag:s0] =	ssyncadd.s32 @!p0 s1  }
0x4c: {  	[bflag:$0x3] =	sbarrier.arrive $0xFFFF  }
0x4d: {  	_ =	shalt  }

</sc_bundles>
